<compile_context>
chip_gen: v7x
topology: tpu7x:2x2x1
jax: 0.10.2.dev20260603
libtpu: 0.0.44.dev20260713+nightly
codegen_flags: <defaults>
</compile_context>

<pallas_src>
import functools

import jax
import jax.numpy as jnp
from jax import lax
from jax.experimental import pallas as pl
from jax.experimental.pallas import tpu as pltpu
from jax.experimental.pallas import tpu_sc as plsc

NN = 10000
EE = 320000
DD = 128
HH = 16
BB = 64

NC, NS = 2, 16
NT = NC * NS
CHW = 128
KG = 16
NG = 5
CH = KG * NG
EPT = CH * CHW
EPAD = NT * EPT
NPAD = 10240
ROWS_PT = NPAD // NS
YB = NN * HH // 128
PB = NPAD * HH // 128


def _mm1_body(x8_ref, w1_ref, o_ref):
    for g in range(8):
        xg = x8_ref[:, DD * g:DD * (g + 1)]
        o_ref[:, HH * g:HH * (g + 1)] = jnp.dot(
            xg, w1_ref[...], preferred_element_type=jnp.float32)


def _final_body(p_ref, y_ref, b1_ref, w2_ref, b2_ref, bat8_ref, wc_ref,
                bc_ref, o_ref):
    seg = lax.broadcasted_iota(jnp.int32, (BB, YB), 0)
    sums = jnp.zeros((BB, HH), jnp.float32)
    counts = jnp.zeros((BB, 1), jnp.float32)
    for g in range(8):
        sl = slice(HH * g, HH * (g + 1))
        z_g = jnp.maximum(
            p_ref[0, :YB, sl] + p_ref[1, :YB, sl] + y_ref[:, sl] + b1_ref[...], 0.0)
        h2_g = jnp.maximum(
            jnp.dot(z_g, w2_ref[...], preferred_element_type=jnp.float32)
            + b2_ref[...], 0.0)
        m_g = (seg == bat8_ref[g]).astype(jnp.float32)
        sums = sums + jnp.dot(m_g, h2_g, preferred_element_type=jnp.float32)
        counts = counts + jnp.sum(m_g, axis=1, keepdims=True)
    pooled = sums / jnp.maximum(counts, 1.0)
    o_ref[...] = jnp.dot(pooled, wc_ref[...], preferred_element_type=jnp.float32) + bc_ref[...]


_SC_MESH = plsc.VectorSubcoreMesh(core_axis_name="c", subcore_axis_name="s")


@functools.partial(
    pl.kernel,
    mesh=_SC_MESH,
    compiler_params=pltpu.CompilerParams(use_tc_tiling_on_sc=False),
    out_type=jax.ShapeDtypeStruct((NC, NPAD, HH), jnp.float32),
    scratch_types=[
        pltpu.VMEM((2, CH, CHW), jnp.int32),
        pltpu.VMEM((KG, CHW, HH), jnp.float32),
        pltpu.VMEM_SHARED((NPAD, HH), jnp.float32),
        pltpu.VMEM_SHARED((NPAD, HH), jnp.float32),
        pltpu.SemaphoreType.DMA,
        pltpu.SemaphoreType.DMA,
    ],
)
def _sc_agg(y_hbm, src_hbm, dst_hbm, out_hbm, idx_v, rows_v, acc_sh, y_sh,
            sem_g, sem_s):
    c = lax.axis_index("c")
    s = lax.axis_index("s")
    wid = s * NC + c
    pltpu.sync_copy(src_hbm.at[wid], idx_v.at[0])
    pltpu.sync_copy(dst_hbm.at[wid], idx_v.at[1])
    for r in range(CHW):
        rows_v[0, r, :] = jnp.zeros((HH,), jnp.float32)
    for k in range(ROWS_PT // CHW):
        pltpu.sync_copy(rows_v.at[0], acc_sh.at[pl.ds(s * ROWS_PT + k * CHW, CHW)])
    yrow0 = s * (NN // NS)
    pltpu.sync_copy(y_hbm.at[pl.ds(yrow0, NN // NS)], y_sh.at[pl.ds(yrow0, NN // NS)])
    plsc.subcore_barrier()

    def body(g, carry):
        j0 = g * KG
        gathers = [
            pltpu.async_copy(y_sh.at[idx_v.at[0, j0 + i]], rows_v.at[i], sem_g)
            for i in range(KG)
        ]
        scatters = []
        for i in range(KG):
            gathers[i].wait()
            scatters.append(
                pltpu.async_copy(rows_v.at[i], acc_sh.at[idx_v.at[1, j0 + i]],
                                 sem_s, add=True))
        for d in scatters:
            d.wait()
        return carry

    lax.fori_loop(0, NG, body, 0)
    plsc.subcore_barrier()
    row0 = s * ROWS_PT
    pltpu.sync_copy(acc_sh.at[pl.ds(row0, ROWS_PT)],
                    out_hbm.at[c, pl.ds(row0, ROWS_PT)])


def kernel(x, edge_index, batch, W1, b1, W2, b2, Wc, bc):
    y_blk = pl.pallas_call(
        _mm1_body,
        out_shape=jax.ShapeDtypeStruct((YB, 128), jnp.float32),
    )(x.reshape(YB, 8 * DD), W1)
    y = y_blk.reshape(NN, HH)

    src_t = jnp.pad(edge_index[0], (0, EPAD - EE),
                    constant_values=NN).reshape(NT, CH, CHW)
    dst_t = jnp.pad(edge_index[1], (0, EPAD - EE),
                    constant_values=NN).reshape(NT, CH, CHW)

    partials = _sc_agg(y, src_t, dst_t)
    p_blk = partials.reshape(NC, PB, 128)

    out = pl.pallas_call(
        _final_body,
        out_shape=jax.ShapeDtypeStruct((BB, 2), jnp.float32),
    )(p_blk, y_blk, b1.reshape(1, HH), W2, b2.reshape(1, HH),
      batch.reshape(YB, 8).T, Wc, bc.reshape(1, 2))
    return out

# --- scband reference (transcript-rebuilt; emitter-appended) ---
"""Pipeline reference for scband-eeggnn-73967926772095 (READ-ONLY COPY).

The authoritative reference and input builder live on the scoring server;
editing this copy changes nothing except your own understanding.
"""

import jax, jax.numpy as jnp
import numpy as np

N = 10000
E = 320000
D = 128
H = 16
B = 64


def setup_inputs(seed: int = 0) -> dict:
    key = jax.random.key(seed)
    ks = jax.random.split(key, 10)
    x = jax.random.normal(ks[0], (N, D), dtype=jnp.float32)
    edge_index = jax.random.randint(ks[1], (2, E), 0, N, dtype=jnp.int32)
    batch = jnp.sort(jax.random.randint(ks[2], (N,), 0, B, dtype=jnp.int32))
    W1 = jax.random.normal(ks[3], (D, H), dtype=jnp.float32) * (1.0 / np.sqrt(D))
    b1 = jnp.zeros((H,), dtype=jnp.float32)
    W2 = jax.random.normal(ks[4], (H, H), dtype=jnp.float32) * (1.0 / np.sqrt(H))
    b2 = jnp.zeros((H,), dtype=jnp.float32)
    Wc = jax.random.normal(ks[5], (H, 2), dtype=jnp.float32) * (1.0 / np.sqrt(H))
    bc = jnp.zeros((2,), dtype=jnp.float32)
    return {"x": x, "edge_index": edge_index, "batch": batch,
            "W1": W1, "b1": b1, "W2": W2, "b2": b2, "Wc": Wc, "bc": bc}


def reference(x, edge_index, batch, W1, b1, W2, b2, Wc, bc):
    # GINConv (eps=0): h_i = MLP((1+eps)*x_i + sum_{j->i} x_j)
    src = edge_index[0]
    dst = edge_index[1]
    agg = jax.ops.segment_sum(x[src], dst, num_segments=N)
    h = x + agg
    h = jnp.maximum(h @ W1 + b1, 0.0)
    h = h @ W2 + b2
    # F.relu after conv
    h = jnp.maximum(h, 0.0)
    # global_mean_pool over batch segment ids
    sums = jax.ops.segment_sum(h, batch, num_segments=B)
    counts = jax.ops.segment_sum(jnp.ones((N,), dtype=jnp.float32), batch, num_segments=B)
    pooled = sums / jnp.maximum(counts, 1.0)[:, None]
    # classifier
    return pooled @ Wc + bc

if __name__ == "__main__":
    import jax
    _d = setup_inputs()
    print(jax.jit(kernel)(*tuple(_d.values())))

</pallas_src>

<mosaic_0001>
#map = affine_map<(d0, d1) -> (0, 0)>
#map1 = affine_map<(d0, d1) -> (0, 0, 0)>
module attributes {stable_mosaic.version = 14 : i64} {
  func.func @_sc_agg(%arg0: i32, %arg1: i32, %arg2: memref<10000x16xf32, #tpu.memory_space<hbm>>, %arg3: memref<32x80x128xi32, #tpu.memory_space<hbm>>, %arg4: memref<32x80x128xi32, #tpu.memory_space<hbm>>, %arg5: memref<2x10240x16xf32, #tpu.memory_space<hbm>>, %arg6: memref<2x80x128xi32, #tpu.memory_space<vmem>>, %arg7: memref<16x128x16xf32, #tpu.memory_space<vmem>>, %arg8: memref<10240x16xf32, #tpu.memory_space<vmem_shared>>, %arg9: memref<10240x16xf32, #tpu.memory_space<vmem_shared>>, %arg10: memref<!tpu.dma_semaphore, #tpu.memory_space<semaphore_mem>>, %arg11: memref<!tpu.dma_semaphore, #tpu.memory_space<semaphore_mem>>) attributes {dimension_semantics = [#tpu.dimension_semantics<core_parallel>, #tpu.dimension_semantics<subcore_parallel>], iteration_bounds = array<i64: 2, 16>, scalar_prefetch = 0 : i64, scratch_operands = 6 : i64, tpu.core_type = #tpu.core_type<sc_vector_subcore>, window_params = [{transform_indices = #map}, {transform_indices = #map1}, {transform_indices = #map1}, {transform_indices = #map1}]} {
    %mul3A = arith.constant 2 : i32
    %mul3A_0 = arith.muli %arg1, %mul3A : i32
    %add3A = arith.addi %mul3A_0, %arg0 : i32
    %run_scoped3A = arith.constant 0 : i32
    "tpu.region"() ({
      %run_scoped3A_1315 = tpu.sem_alloc : memref<!tpu.dma_semaphore, #tpu.memory_space<semaphore_mem>>
      %dma_start3A = arith.constant 0 : i32
      %dma_start3A_1316 = arith.constant 0 : i32
      %dma_start3A_1317 = tpu.memref_slice %arg6[%run_scoped3A, %dma_start3A, %dma_start3A_1316] : memref<2x80x128xi32, #tpu.memory_space<vmem>> -> memref<1x80x128xi32, #tpu.memory_space<vmem>>
      %dma_start3A_1318 = tpu.memref_squeeze %dma_start3A_1317 : memref<1x80x128xi32, #tpu.memory_space<vmem>> -> memref<80x128xi32, #tpu.memory_space<vmem>>
      %dma_start3A_1319 = arith.constant 0 : i32
      %dma_start3A_1320 = arith.constant 0 : i32
      %dma_start3A_1321 = tpu.memref_slice %arg3[%add3A, %dma_start3A_1319, %dma_start3A_1320] : memref<32x80x128xi32, #tpu.memory_space<hbm>> -> memref<1x80x128xi32, #tpu.memory_space<hbm>>
      %dma_start3A_1322 = tpu.memref_squeeze %dma_start3A_1321 : memref<1x80x128xi32, #tpu.memory_space<hbm>> -> memref<80x128xi32, #tpu.memory_space<hbm>>
      %dma_start3A_1323 = arith.constant 0 : i32
      %dma_start3A_1324 = arith.constant 0 : i32
      %dma_start3A_1325 = tpu.memref_slice %arg6[%run_scoped3A, %dma_start3A_1323, %dma_start3A_1324] : memref<2x80x128xi32, #tpu.memory_space<vmem>> -> memref<1x80x128xi32, #tpu.memory_space<vmem>>
      %dma_start3A_1326 = tpu.memref_squeeze %dma_start3A_1325 : memref<1x80x128xi32, #tpu.memory_space<vmem>> -> memref<80x128xi32, #tpu.memory_space<vmem>>
      %dma_start3A_1327 = arith.constant 0 : i32
      %dma_start3A_1328 = arith.constant 0 : i32
      %dma_start3A_1329 = tpu.memref_slice %arg3[%add3A, %dma_start3A_1327, %dma_start3A_1328] : memref<32x80x128xi32, #tpu.memory_space<hbm>> -> memref<1x80x128xi32, #tpu.memory_space<hbm>>
      %dma_start3A_1330 = tpu.memref_squeeze %dma_start3A_1329 : memref<1x80x128xi32, #tpu.memory_space<hbm>> -> memref<80x128xi32, #tpu.memory_space<hbm>>
      tpu.enqueue_dma source(%dma_start3A_1330 : memref<80x128xi32, #tpu.memory_space<hbm>>) target(%dma_start3A_1326 : memref<80x128xi32, #tpu.memory_space<vmem>>) target_semaphore(%run_scoped3A_1315 : memref<!tpu.dma_semaphore, #tpu.memory_space<semaphore_mem>>)
      %dma_wait3A = arith.constant 0 : i32
      %dma_wait3A_1331 = arith.constant 0 : i32
      %dma_wait3A_1332 = tpu.memref_slice %arg6[%run_scoped3A, %dma_wait3A, %dma_wait3A_1331] : memref<2x80x128xi32, #tpu.memory_space<vmem>> -> memref<1x80x128xi32, #tpu.memory_space<vmem>>
      %dma_wait3A_1333 = tpu.memref_squeeze %dma_wait3A_1332 : memref<1x80x128xi32, #tpu.memory_space<vmem>> -> memref<80x128xi32, #tpu.memory_space<vmem>>
      %dma_wait3A_1334 = arith.constant 0 : i32
      %dma_wait3A_1335 = arith.constant 0 : i32
      %dma_wait3A_1336 = tpu.memref_slice %arg3[%add3A, %dma_wait3A_1334, %dma_wait3A_1335] : memref<32x80x128xi32, #tpu.memory_space<hbm>> -> memref<1x80x128xi32, #tpu.memory_space<hbm>>
      %dma_wait3A_1337 = tpu.memref_squeeze %dma_wait3A_1336 : memref<1x80x128xi32, #tpu.memory_space<hbm>> -> memref<80x128xi32, #tpu.memory_space<hbm>>
      %dma_wait3A_1338 = arith.constant 0 : i32
      %dma_wait3A_1339 = arith.constant 0 : i32
      %dma_wait3A_1340 = tpu.memref_slice %arg6[%run_scoped3A, %dma_wait3A_1338, %dma_wait3A_1339] : memref<2x80x128xi32, #tpu.memory_space<vmem>> -> memref<1x80x128xi32, #tpu.memory_space<vmem>>
      %dma_wait3A_1341 = tpu.memref_squeeze %dma_wait3A_1340 : memref<1x80x128xi32, #tpu.memory_space<vmem>> -> memref<80x128xi32, #tpu.memory_space<vmem>>
      %dma_wait3A_1342 = arith.constant 0 : i32
      %dma_wait3A_1343 = arith.constant 0 : i32
      %dma_wait3A_1344 = tpu.memref_slice %arg3[%add3A, %dma_wait3A_1342, %dma_wait3A_1343] : memref<32x80x128xi32, #tpu.memory_space<hbm>> -> memref<1x80x128xi32, #tpu.memory_space<hbm>>
      %dma_wait3A_1345 = tpu.memref_squeeze %dma_wait3A_1344 : memref<1x80x128xi32, #tpu.memory_space<hbm>> -> memref<80x128xi32, #tpu.memory_space<hbm>>
      tpu.wait_dma2 semaphore(%run_scoped3A_1315 : memref<!tpu.dma_semaphore, #tpu.memory_space<semaphore_mem>>) src(%dma_wait3A_1345 : memref<80x128xi32, #tpu.memory_space<hbm>>) dst(%dma_wait3A_1341 : memref<80x128xi32, #tpu.memory_space<vmem>>)
      tpu.yield
    }) : () -> ()
    %run_scoped3A_1 = arith.constant 1 : i32
    "tpu.region"() ({
      %run_scoped3A_1315 = tpu.sem_alloc : memref<!tpu.dma_semaphore, #tpu.memory_space<semaphore_mem>>
      %dma_start3A = arith.constant 0 : i32
      %dma_start3A_1316 = arith.constant 0 : i32
      %dma_start3A_1317 = tpu.memref_slice %arg6[%run_scoped3A_1, %dma_start3A, %dma_start3A_1316] : memref<2x80x128xi32, #tpu.memory_space<vmem>> -> memref<1x80x128xi32, #tpu.memory_space<vmem>>
      %dma_start3A_1318 = tpu.memref_squeeze %dma_start3A_1317 : memref<1x80x128xi32, #tpu.memory_space<vmem>> -> memref<80x128xi32, #tpu.memory_space<vmem>>
      %dma_start3A_1319 = arith.constant 0 : i32
      %dma_start3A_1320 = arith.constant 0 : i32
      %dma_start3A_1321 = tpu.memref_slice %arg4[%add3A, %dma_start3A_1319, %dma_start3A_1320] : memref<32x80x128xi32, #tpu.memory_space<hbm>> -> memref<1x80x128xi32, #tpu.memory_space<hbm>>
      %dma_start3A_1322 = tpu.memref_squeeze %dma_start3A_1321 : memref<1x80x128xi32, #tpu.memory_space<hbm>> -> memref<80x128xi32, #tpu.memory_space<hbm>>
      %dma_start3A_1323 = arith.constant 0 : i32
      %dma_start3A_1324 = arith.constant 0 : i32
      %dma_start3A_1325 = tpu.memref_slice %arg6[%run_scoped3A_1, %dma_start3A_1323, %dma_start3A_1324] : memref<2x80x128xi32, #tpu.memory_space<vmem>> -> memref<1x80x128xi32, #tpu.memory_space<vmem>>
      %dma_start3A_1326 = tpu.memref_squeeze %dma_start3A_1325 : memref<1x80x128xi32, #tpu.memory_space<vmem>> -> memref<80x128xi32, #tpu.memory_space<vmem>>
      %dma_start3A_1327 = arith.constant 0 : i32
      %dma_start3A_1328 = arith.constant 0 : i32
      %dma_start3A_1329 = tpu.memref_slice %arg4[%add3A, %dma_start3A_1327, %dma_start3A_1328] : memref<32x80x128xi32, #tpu.memory_space<hbm>> -> memref<1x80x128xi32, #tpu.memory_space<hbm>>
      %dma_start3A_1330 = tpu.memref_squeeze %dma_start3A_1329 : memref<1x80x128xi32, #tpu.memory_space<hbm>> -> memref<80x128xi32, #tpu.memory_space<hbm>>
      tpu.enqueue_dma source(%dma_start3A_1330 : memref<80x128xi32, #tpu.memory_space<hbm>>) target(%dma_start3A_1326 : memref<80x128xi32, #tpu.memory_space<vmem>>) target_semaphore(%run_scoped3A_1315 : memref<!tpu.dma_semaphore, #tpu.memory_space<semaphore_mem>>)
      %dma_wait3A = arith.constant 0 : i32
      %dma_wait3A_1331 = arith.constant 0 : i32
      %dma_wait3A_1332 = tpu.memref_slice %arg6[%run_scoped3A_1, %dma_wait3A, %dma_wait3A_1331] : memref<2x80x128xi32, #tpu.memory_space<vmem>> -> memref<1x80x128xi32, #tpu.memory_space<vmem>>
      %dma_wait3A_1333 = tpu.memref_squeeze %dma_wait3A_1332 : memref<1x80x128xi32, #tpu.memory_space<vmem>> -> memref<80x128xi32, #tpu.memory_space<vmem>>
      %dma_wait3A_1334 = arith.constant 0 : i32
      %dma_wait3A_1335 = arith.constant 0 : i32
      %dma_wait3A_1336 = tpu.memref_slice %arg4[%add3A, %dma_wait3A_1334, %dma_wait3A_1335] : memref<32x80x128xi32, #tpu.memory_space<hbm>> -> memref<1x80x128xi32, #tpu.memory_space<hbm>>
      %dma_wait3A_1337 = tpu.memref_squeeze %dma_wait3A_1336 : memref<1x80x128xi32, #tpu.memory_space<hbm>> -> memref<80x128xi32, #tpu.memory_space<hbm>>
      %dma_wait3A_1338 = arith.constant 0 : i32
      %dma_wait3A_1339 = arith.constant 0 : i32
      %dma_wait3A_1340 = tpu.memref_slice %arg6[%run_scoped3A_1, %dma_wait3A_1338, %dma_wait3A_1339] : memref<2x80x128xi32, #tpu.memory_space<vmem>> -> memref<1x80x128xi32, #tpu.memory_space<vmem>>
      %dma_wait3A_1341 = tpu.memref_squeeze %dma_wait3A_1340 : memref<1x80x128xi32, #tpu.memory_space<vmem>> -> memref<80x128xi32, #tpu.memory_space<vmem>>
      %dma_wait3A_1342 = arith.constant 0 : i32
      %dma_wait3A_1343 = arith.constant 0 : i32
      %dma_wait3A_1344 = tpu.memref_slice %arg4[%add3A, %dma_wait3A_1342, %dma_wait3A_1343] : memref<32x80x128xi32, #tpu.memory_space<hbm>> -> memref<1x80x128xi32, #tpu.memory_space<hbm>>
      %dma_wait3A_1345 = tpu.memref_squeeze %dma_wait3A_1344 : memref<1x80x128xi32, #tpu.memory_space<hbm>> -> memref<80x128xi32, #tpu.memory_space<hbm>>
      tpu.wait_dma2 semaphore(%run_scoped3A_1315 : memref<!tpu.dma_semaphore, #tpu.memory_space<semaphore_mem>>) src(%dma_wait3A_1345 : memref<80x128xi32, #tpu.memory_space<hbm>>) dst(%dma_wait3A_1341 : memref<80x128xi32, #tpu.memory_space<vmem>>)
      tpu.yield
    }) : () -> ()
    %broadcast_in_dim3A = arith.constant 0.000000e+00 : f32
    %broadcast_in_dim3A_2 = vector.broadcast %broadcast_in_dim3A : f32 to vector<16xf32>
    %swap3A = arith.constant 0 : i32
    %swap3A_3 = arith.constant 0 : i32
    %swap3A_4 = arith.index_cast %swap3A : i32 to index
    %swap3A_5 = arith.index_cast %swap3A_3 : i32 to index
    %swap3A_6 = arith.constant 0 : index
    %swap3A_7 = tpu.vector_load %arg7[%swap3A_4, %swap3A_5, %swap3A_6] {strides = array<i32>} : memref<16x128x16xf32, #tpu.memory_space<vmem>>, vector<1x1x16xf32>,
    %swap3A_8 = vector.shape_cast %swap3A_7 : vector<1x1x16xf32> to vector<16xf32>
    %swap3A_9 = vector.shape_cast %broadcast_in_dim3A_2 : vector<16xf32> to vector<1x1x16xf32>
    tpu.vector_store %arg7[%swap3A_4, %swap3A_5, %swap3A_6], %swap3A_9 {strides = array<i32>} : memref<16x128x16xf32, #tpu.memory_space<vmem>>, vector<1x1x16xf32>,
    %broadcast_in_dim3A_10 = arith.constant 0.000000e+00 : f32
    %broadcast_in_dim3A_11 = vector.broadcast %broadcast_in_dim3A_10 : f32 to vector<16xf32>
    %swap3A_12 = arith.constant 0 : i32
    %swap3A_13 = arith.constant 1 : i32
    %swap3A_14 = arith.index_cast %swap3A_12 : i32 to index
    %swap3A_15 = arith.index_cast %swap3A_13 : i32 to index
    %swap3A_16 = arith.constant 0 : index
    %swap3A_17 = tpu.vector_load %arg7[%swap3A_14, %swap3A_15, %swap3A_16] {strides = array<i32>} : memref<16x128x16xf32, #tpu.memory_space<vmem>>, vector<1x1x16xf32>,
    %swap3A_18 = vector.shape_cast %swap3A_17 : vector<1x1x16xf32> to vector<16xf32>
    %swap3A_19 = vector.shape_cast %broadcast_in_dim3A_11 : vector<16xf32> to vector<1x1x16xf32>
    tpu.vector_store %arg7[%swap3A_14, %swap3A_15, %swap3A_16], %swap3A_19 {strides = array<i32>} : memref<16x128x16xf32, #tpu.memory_space<vmem>>, vector<1x1x16xf32>,
    %broadcast_in_dim3A_20 = arith.constant 0.000000e+00 : f32
    %broadcast_in_dim3A_21 = vector.broadcast %broadcast_in_dim3A_20 : f32 to vector<16xf32>
    %swap3A_22 = arith.constant 0 : i32
    %swap3A_23 = arith.constant 2 : i32
    %swap3A_24 = arith.index_cast %swap3A_22 : i32 to index
    %swap3A_25 = arith.index_cast %swap3A_23 : i32 to index
    %swap3A_26 = arith.constant 0 : index
    %swap3A_27 = tpu.vector_load %arg7[%swap3A_24, %swap3A_25, %swap3A_26] {strides = array<i32>} : memref<16x128x16xf32, #tpu.memory_space<vmem>>, vector<1x1x16xf32>,
    %swap3A_28 = vector.shape_cast %swap3A_27 : vector<1x1x16xf32> to vector<16xf32>
    %swap3A_29 = vector.shape_cast %broadcast_in_dim3A_21 : vector<16xf32> to vector<1x1x16xf32>
    tpu.vector_store %arg7[%swap3A_24, %swap3A_25, %swap3A_26], %swap3A_29 {strides = array<i32>} : memref<16x128x16xf32, #tpu.memory_space<vmem>>, vector<1x1x16xf32>,
    %broadcast_in_dim3A_30 = arith.constant 0.000000e+00 : f32
    %broadcast_in_dim3A_31 = vector.broadcast %broadcast_in_dim3A_30 : f32 to vector<16xf32>
    %swap3A_32 = arith.constant 0 : i32
    %swap3A_33 = arith.constant 3 : i32
    %swap3A_34 = arith.index_cast %swap3A_32 : i32 to index
    %swap3A_35 = arith.index_cast %swap3A_33 : i32 to index
    %swap3A_36 = arith.constant 0 : index
    %swap3A_37 = tpu.vector_load %arg7[%swap3A_34, %swap3A_35, %swap3A_36] {strides = array<i32>} : memref<16x128x16xf32, #tpu.memory_space<vmem>>, vector<1x1x16xf32>,
    %swap3A_38 = vector.shape_cast %swap3A_37 : vector<1x1x16xf32> to vector<16xf32>
    %swap3A_39 = vector.shape_cast %broadcast_in_dim3A_31 : vector<16xf32> to vector<1x1x16xf32>
    tpu.vector_store %arg7[%swap3A_34, %swap3A_35, %swap3A_36], %swap3A_39 {strides = array<i32>} : memref<16x128x16xf32, #tpu.memory_space<vmem>>, vector<1x1x16xf32>,
    %broadcast_in_dim3A_40 = arith.constant 0.000000e+00 : f32
    %broadcast_in_dim3A_41 = vector.broadcast %broadcast_in_dim3A_40 : f32 to vector<16xf32>
    %swap3A_42 = arith.constant 0 : i32
    %swap3A_43 = arith.constant 4 : i32
    %swap3A_44 = arith.index_cast %swap3A_42 : i32 to index
    %swap3A_45 = arith.index_cast %swap3A_43 : i32 to index
    %swap3A_46 = arith.constant 0 : index
    %swap3A_47 = tpu.vector_load %arg7[%swap3A_44, %swap3A_45, %swap3A_46] {strides = array<i32>} : memref<16x128x16xf32, #tpu.memory_space<vmem>>, vector<1x1x16xf32>,
    %swap3A_48 = vector.shape_cast %swap3A_47 : vector<1x1x16xf32> to vector<16xf32>
    %swap3A_49 = vector.shape_cast %broadcast_in_dim3A_41 : vector<16xf32> to vector<1x1x16xf32>
    tpu.vector_store %arg7[%swap3A_44, %swap3A_45, %swap3A_46], %swap3A_49 {strides = array<i32>} : memref<16x128x16xf32, #tpu.memory_space<vmem>>, vector<1x1x16xf32>,
    %broadcast_in_dim3A_50 = arith.constant 0.000000e+00 : f32
    %broadcast_in_dim3A_51 = vector.broadcast %broadcast_in_dim3A_50 : f32 to vector<16xf32>
    %swap3A_52 = arith.constant 0 : i32
    %swap3A_53 = arith.constant 5 : i32
    %swap3A_54 = arith.index_cast %swap3A_52 : i32 to index
    %swap3A_55 = arith.index_cast %swap3A_53 : i32 to index
    %swap3A_56 = arith.constant 0 : index
    %swap3A_57 = tpu.vector_load %arg7[%swap3A_54, %swap3A_55, %swap3A_56] {strides = array<i32>} : memref<16x128x16xf32, #tpu.memory_space<vmem>>, vector<1x1x16xf32>,
    %swap3A_58 = vector.shape_cast %swap3A_57 : vector<1x1x16xf32> to vector<16xf32>
    %swap3A_59 = vector.shape_cast %broadcast_in_dim3A_51 : vector<16xf32> to vector<1x1x16xf32>
    tpu.vector_store %arg7[%swap3A_54, %swap3A_55, %swap3A_56], %swap3A_59 {strides = array<i32>} : memref<16x128x16xf32, #tpu.memory_space<vmem>>, vector<1x1x16xf32>,
    %broadcast_in_dim3A_60 = arith.constant 0.000000e+00 : f32
    %broadcast_in_dim3A_61 = vector.broadcast %broadcast_in_dim3A_60 : f32 to vector<16xf32>
    %swap3A_62 = arith.constant 0 : i32
    %swap3A_63 = arith.constant 6 : i32
    %swap3A_64 = arith.index_cast %swap3A_62 : i32 to index
    %swap3A_65 = arith.index_cast %swap3A_63 : i32 to index
    %swap3A_66 = arith.constant 0 : index
    %swap3A_67 = tpu.vector_load %arg7[%swap3A_64, %swap3A_65, %swap3A_66] {strides = array<i32>} : memref<16x128x16xf32, #tpu.memory_space<vmem>>, vector<1x1x16xf32>,
    %swap3A_68 = vector.shape_cast %swap3A_67 : vector<1x1x16xf32> to vector<16xf32>
    %swap3A_69 = vector.shape_cast %broadcast_in_dim3A_61 : vector<16xf32> to vector<1x1x16xf32>
    tpu.vector_store %arg7[%swap3A_64, %swap3A_65, %swap3A_66], %swap3A_69 {strides = array<i32>} : memref<16x128x16xf32, #tpu.memory_space<vmem>>, vector<1x1x16xf32>,
    %broadcast_in_dim3A_70 = arith.constant 0.000000e+00 : f32
    %broadcast_in_dim3A_71 = vector.broadcast %broadcast_in_dim3A_70 : f32 to vector<16xf32>
    %swap3A_72 = arith.constant 0 : i32
    %swap3A_73 = arith.constant 7 : i32
    %swap3A_74 = arith.index_cast %swap3A_72 : i32 to index
    %swap3A_75 = arith.index_cast %swap3A_73 : i32 to index
    %swap3A_76 = arith.constant 0 : index
    %swap3A_77 = tpu.vector_load %arg7[%swap3A_74, %swap3A_75, %swap3A_76] {strides = array<i32>} : memref<16x128x16xf32, #tpu.memory_space<vmem>>, vector<1x1x16xf32>,
    %swap3A_78 = vector.shape_cast %swap3A_77 : vector<1x1x16xf32> to vector<16xf32>
    %swap3A_79 = vector.shape_cast %broadcast_in_dim3A_71 : vector<16xf32> to vector<1x1x16xf32>
    tpu.vector_store %arg7[%swap3A_74, %swap3A_75, %swap3A_76], %swap3A_79 {strides = array<i32>} : memref<16x128x16xf32, #tpu.memory_space<vmem>>, vector<1x1x16xf32>,
    %broadcast_in_dim3A_80 = arith.constant 0.000000e+00 : f32
    %broadcast_in_dim3A_81 = vector.broadcast %broadcast_in_dim3A_80 : f32 to vector<16xf32>
    %swap3A_82 = arith.constant 0 : i32
    %swap3A_83 = arith.constant 8 : i32
    %swap3A_84 = arith.index_cast %swap3A_82 : i32 to index
    %swap3A_85 = arith.index_cast %swap3A_83 : i32 to index
    %swap3A_86 = arith.constant 0 : index
    %swap3A_87 = tpu.vector_load %arg7[%swap3A_84, %swap3A_85, %swap3A_86] {strides = array<i32>} : memref<16x128x16xf32, #tpu.memory_space<vmem>>, vector<1x1x16xf32>,
    %swap3A_88 = vector.shape_cast %swap3A_87 : vector<1x1x16xf32> to vector<16xf32>
    %swap3A_89 = vector.shape_cast %broadcast_in_dim3A_81 : vector<16xf32> to vector<1x1x16xf32>
    tpu.vector_store %arg7[%swap3A_84, %swap3A_85, %swap3A_86], %swap3A_89 {strides = array<i32>} : memref<16x128x16xf32, #tpu.memory_space<vmem>>, vector<1x1x16xf32>,
    %broadcast_in_dim3A_90 = arith.constant 0.000000e+00 : f32
    %broadcast_in_dim3A_91 = vector.broadcast %broadcast_in_dim3A_90 : f32 to vector<16xf32>
    %swap3A_92 = arith.constant 0 : i32
    %swap3A_93 = arith.constant 9 : i32
    %swap3A_94 = arith.index_cast %swap3A_92 : i32 to index
    %swap3A_95 = arith.index_cast %swap3A_93 : i32 to index
    %swap3A_96 = arith.constant 0 : index
    %swap3A_97 = tpu.vector_load %arg7[%swap3A_94, %swap3A_95, %swap3A_96] {strides = array<i32>} : memref<16x128x16xf32, #tpu.memory_space<vmem>>, vector<1x1x16xf32>,
    %swap3A_98 = vector.shape_cast %swap3A_97 : vector<1x1x16xf32> to vector<16xf32>
    %swap3A_99 = vector.shape_cast %broadcast_in_dim3A_91 : vector<16xf32> to vector<1x1x16xf32>
    tpu.vector_store %arg7[%swap3A_94, %swap3A_95, %swap3A_96], %swap3A_99 {strides = array<i32>} : memref<16x128x16xf32, #tpu.memory_space<vmem>>, vector<1x1x16xf32>,
    %broadcast_in_dim3A_100 = arith.constant 0.000000e+00 : f32
    %broadcast_in_dim3A_101 = vector.broadcast %broadcast_in_dim3A_100 : f32 to vector<16xf32>
    %swap3A_102 = arith.constant 0 : i32
    %swap3A_103 = arith.constant 10 : i32
    %swap3A_104 = arith.index_cast %swap3A_102 : i32 to index
    %swap3A_105 = arith.index_cast %swap3A_103 : i32 to index
    %swap3A_106 = arith.constant 0 : index
    %swap3A_107 = tpu.vector_load %arg7[%swap3A_104, %swap3A_105, %swap3A_106] {strides = array<i32>} : memref<16x128x16xf32, #tpu.memory_space<vmem>>, vector<1x1x16xf32>,
    %swap3A_108 = vector.shape_cast %swap3A_107 : vector<1x1x16xf32> to vector<16xf32>
    %swap3A_109 = vector.shape_cast %broadcast_in_dim3A_101 : vector<16xf32> to vector<1x1x16xf32>
    tpu.vector_store %arg7[%swap3A_104, %swap3A_105, %swap3A_106], %swap3A_109 {strides = array<i32>} : memref<16x128x16xf32, #tpu.memory_space<vmem>>, vector<1x1x16xf32>,
    %broadcast_in_dim3A_110 = arith.constant 0.000000e+00 : f32
    %broadcast_in_dim3A_111 = vector.broadcast %broadcast_in_dim3A_110 : f32 to vector<16xf32>
    %swap3A_112 = arith.constant 0 : i32
    %swap3A_113 = arith.constant 11 : i32
    %swap3A_114 = arith.index_cast %swap3A_112 : i32 to index
    %swap3A_115 = arith.index_cast %swap3A_113 : i32 to index
    %swap3A_116 = arith.constant 0 : index
    %swap3A_117 = tpu.vector_load %arg7[%swap3A_114, %swap3A_115, %swap3A_116] {strides = array<i32>} : memref<16x128x16xf32, #tpu.memory_space<vmem>>, vector<1x1x16xf32>,
    %swap3A_118 = vector.shape_cast %swap3A_117 : vector<1x1x16xf32> to vector<16xf32>
    %swap3A_119 = vector.shape_cast %broadcast_in_dim3A_111 : vector<16xf32> to vector<1x1x16xf32>
    tpu.vector_store %arg7[%swap3A_114, %swap3A_115, %swap3A_116], %swap3A_119 {strides = array<i32>} : memref<16x128x16xf32, #tpu.memory_space<vmem>>, vector<1x1x16xf32>,
    %broadcast_in_dim3A_120 = arith.constant 0.000000e+00 : f32
    %broadcast_in_dim3A_121 = vector.broadcast %broadcast_in_dim3A_120 : f32 to vector<16xf32>
    %swap3A_122 = arith.constant 0 : i32
    %swap3A_123 = arith.constant 12 : i32
    %swap3A_124 = arith.index_cast %swap3A_122 : i32 to index
    %swap3A_125 = arith.index_cast %swap3A_123 : i32 to index
    %swap3A_126 = arith.constant 0 : index
    %swap3A_127 = tpu.vector_load %arg7[%swap3A_124, %swap3A_125, %swap3A_126] {strides = array<i32>} : memref<16x128x16xf32, #tpu.memory_space<vmem>>, vector<1x1x16xf32>,
    %swap3A_128 = vector.shape_cast %swap3A_127 : vector<1x1x16xf32> to vector<16xf32>
    %swap3A_129 = vector.shape_cast %broadcast_in_dim3A_121 : vector<16xf32> to vector<1x1x16xf32>
    tpu.vector_store %arg7[%swap3A_124, %swap3A_125, %swap3A_126], %swap3A_129 {strides = array<i32>} : memref<16x128x16xf32, #tpu.memory_space<vmem>>, vector<1x1x16xf32>,
    %broadcast_in_dim3A_130 = arith.constant 0.000000e+00 : f32
    %broadcast_in_dim3A_131 = vector.broadcast %broadcast_in_dim3A_130 : f32 to vector<16xf32>
    %swap3A_132 = arith.constant 0 : i32
    %swap3A_133 = arith.constant 13 : i32
    %swap3A_134 = arith.index_cast %swap3A_132 : i32 to index
    %swap3A_135 = arith.index_cast %swap3A_133 : i32 to index
    %swap3A_136 = arith.constant 0 : index
    %swap3A_137 = tpu.vector_load %arg7[%swap3A_134, %swap3A_135, %swap3A_136] {strides = array<i32>} : memref<16x128x16xf32, #tpu.memory_space<vmem>>, vector<1x1x16xf32>,
    %swap3A_138 = vector.shape_cast %swap3A_137 : vector<1x1x16xf32> to vector<16xf32>
    %swap3A_139 = vector.shape_cast %broadcast_in_dim3A_131 : vector<16xf32> to vector<1x1x16xf32>
    tpu.vector_store %arg7[%swap3A_134, %swap3A_135, %swap3A_136], %swap3A_139 {strides = array<i32>} : memref<16x128x16xf32, #tpu.memory_space<vmem>>, vector<1x1x16xf32>,
    %broadcast_in_dim3A_140 = arith.constant 0.000000e+00 : f32
    %broadcast_in_dim3A_141 = vector.broadcast %broadcast_in_dim3A_140 : f32 to vector<16xf32>
    %swap3A_142 = arith.constant 0 : i32
    %swap3A_143 = arith.constant 14 : i32
    %swap3A_144 = arith.index_cast %swap3A_142 : i32 to index
    %swap3A_145 = arith.index_cast %swap3A_143 : i32 to index
    %swap3A_146 = arith.constant 0 : index
    %swap3A_147 = tpu.vector_load %arg7[%swap3A_144, %swap3A_145, %swap3A_146] {strides = array<i32>} : memref<16x128x16xf32, #tpu.memory_space<vmem>>, vector<1x1x16xf32>,
    %swap3A_148 = vector.shape_cast %swap3A_147 : vector<1x1x16xf32> to vector<16xf32>
    %swap3A_149 = vector.shape_cast %broadcast_in_dim3A_141 : vector<16xf32> to vector<1x1x16xf32>
    tpu.vector_store %arg7[%swap3A_144, %swap3A_145, %swap3A_146], %swap3A_149 {strides = array<i32>} : memref<16x128x16xf32, #tpu.memory_space<vmem>>, vector<1x1x16xf32>,
    %broadcast_in_dim3A_150 = arith.constant 0.000000e+00 : f32
    %broadcast_in_dim3A_151 = vector.broadcast %broadcast_in_dim3A_150 : f32 to vector<16xf32>
    %swap3A_152 = arith.constant 0 : i32
    %swap3A_153 = arith.constant 15 : i32
    %swap3A_154 = arith.index_cast %swap3A_152 : i32 to index
    %swap3A_155 = arith.index_cast %swap3A_153 : i32 to index
    %swap3A_156 = arith.constant 0 : index
    %swap3A_157 = tpu.vector_load %arg7[%swap3A_154, %swap3A_155, %swap3A_156] {strides = array<i32>} : memref<16x128x16xf32, #tpu.memory_space<vmem>>, vector<1x1x16xf32>,
    %swap3A_158 = vector.shape_cast %swap3A_157 : vector<1x1x16xf32> to vector<16xf32>
    %swap3A_159 = vector.shape_cast %broadcast_in_dim3A_151 : vector<16xf32> to vector<1x1x16xf32>
    tpu.vector_store %arg7[%swap3A_154, %swap3A_155, %swap3A_156], %swap3A_159 {strides = array<i32>} : memref<16x128x16xf32, #tpu.memory_space<vmem>>, vector<1x1x16xf32>,
    %broadcast_in_dim3A_160 = arith.constant 0.000000e+00 : f32
    %broadcast_in_dim3A_161 = vector.broadcast %broadcast_in_dim3A_160 : f32 to vector<16xf32>
    %swap3A_162 = arith.constant 0 : i32
    %swap3A_163 = arith.constant 16 : i32
    %swap3A_164 = arith.index_cast %swap3A_162 : i32 to index
    %swap3A_165 = arith.index_cast %swap3A_163 : i32 to index
    %swap3A_166 = arith.constant 0 : index
    %swap3A_167 = tpu.vector_load %arg7[%swap3A_164, %swap3A_165, %swap3A_166] {strides = array<i32>} : memref<16x128x16xf32, #tpu.memory_space<vmem>>, vector<1x1x16xf32>,
    %swap3A_168 = vector.shape_cast %swap3A_167 : vector<1x1x16xf32> to vector<16xf32>
    %swap3A_169 = vector.shape_cast %broadcast_in_dim3A_161 : vector<16xf32> to vector<1x1x16xf32>
    tpu.vector_store %arg7[%swap3A_164, %swap3A_165, %swap3A_166], %swap3A_169 {strides = array<i32>} : memref<16x128x16xf32, #tpu.memory_space<vmem>>, vector<1x1x16xf32>,
    %broadcast_in_dim3A_170 = arith.constant 0.000000e+00 : f32
    %broadcast_in_dim3A_171 = vector.broadcast %broadcast_in_dim3A_170 : f32 to vector<16xf32>
    %swap3A_172 = arith.constant 0 : i32
    %swap3A_173 = arith.constant 17 : i32
    %swap3A_174 = arith.index_cast %swap3A_172 : i32 to index
    %swap3A_175 = arith.index_cast %swap3A_173 : i32 to index
    %swap3A_176 = arith.constant 0 : index
    %swap3A_177 = tpu.vector_load %arg7[%swap3A_174, %swap3A_175, %swap3A_176] {strides = array<i32>} : memref<16x128x16xf32, #tpu.memory_space<vmem>>, vector<1x1x16xf32>,
    %swap3A_178 = vector.shape_cast %swap3A_177 : vector<1x1x16xf32> to vector<16xf32>
    %swap3A_179 = vector.shape_cast %broadcast_in_dim3A_171 : vector<16xf32> to vector<1x1x16xf32>
    tpu.vector_store %arg7[%swap3A_174, %swap3A_175, %swap3A_176], %swap3A_179 {strides = array<i32>} : memref<16x128x16xf32, #tpu.memory_space<vmem>>, vector<1x1x16xf32>,
    %broadcast_in_dim3A_180 = arith.constant 0.000000e+00 : f32
    %broadcast_in_dim3A_181 = vector.broadcast %broadcast_in_dim3A_180 : f32 to vector<16xf32>
    %swap3A_182 = arith.constant 0 : i32
    %swap3A_183 = arith.constant 18 : i32
    %swap3A_184 = arith.index_cast %swap3A_182 : i32 to index
    %swap3A_185 = arith.index_cast %swap3A_183 : i32 to index
    %swap3A_186 = arith.constant 0 : index
    %swap3A_187 = tpu.vector_load %arg7[%swap3A_184, %swap3A_185, %swap3A_186] {strides = array<i32>} : memref<16x128x16xf32, #tpu.memory_space<vmem>>, vector<1x1x16xf32>,
    %swap3A_188 = vector.shape_cast %swap3A_187 : vector<1x1x16xf32> to vector<16xf32>
    %swap3A_189 = vector.shape_cast %broadcast_in_dim3A_181 : vector<16xf32> to vector<1x1x16xf32>
    tpu.vector_store %arg7[%swap3A_184, %swap3A_185, %swap3A_186], %swap3A_189 {strides = array<i32>} : memref<16x128x16xf32, #tpu.memory_space<vmem>>, vector<1x1x16xf32>,
    %broadcast_in_dim3A_190 = arith.constant 0.000000e+00 : f32
    %broadcast_in_dim3A_191 = vector.broadcast %broadcast_in_dim3A_190 : f32 to vector<16xf32>
    %swap3A_192 = arith.constant 0 : i32
    %swap3A_193 = arith.constant 19 : i32
    %swap3A_194 = arith.index_cast %swap3A_192 : i32 to index
    %swap3A_195 = arith.index_cast %swap3A_193 : i32 to index
    %swap3A_196 = arith.constant 0 : index
    %swap3A_197 = tpu.vector_load %arg7[%swap3A_194, %swap3A_195, %swap3A_196] {strides = array<i32>} : memref<16x128x16xf32, #tpu.memory_space<vmem>>, vector<1x1x16xf32>,
    %swap3A_198 = vector.shape_cast %swap3A_197 : vector<1x1x16xf32> to vector<16xf32>
    %swap3A_199 = vector.shape_cast %broadcast_in_dim3A_191 : vector<16xf32> to vector<1x1x16xf32>
    tpu.vector_store %arg7[%swap3A_194, %swap3A_195, %swap3A_196], %swap3A_199 {strides = array<i32>} : memref<16x128x16xf32, #tpu.memory_space<vmem>>, vector<1x1x16xf32>,
    %broadcast_in_dim3A_200 = arith.constant 0.000000e+00 : f32
    %broadcast_in_dim3A_201 = vector.broadcast %broadcast_in_dim3A_200 : f32 to vector<16xf32>
    %swap3A_202 = arith.constant 0 : i32
    %swap3A_203 = arith.constant 20 : i32
    %swap3A_204 = arith.index_cast %swap3A_202 : i32 to index
    %swap3A_205 = arith.index_cast %swap3A_203 : i32 to index
    %swap3A_206 = arith.constant 0 : index
    %swap3A_207 = tpu.vector_load %arg7[%swap3A_204, %swap3A_205, %swap3A_206] {strides = array<i32>} : memref<16x128x16xf32, #tpu.memory_space<vmem>>, vector<1x1x16xf32>,
    %swap3A_208 = vector.shape_cast %swap3A_207 : vector<1x1x16xf32> to vector<16xf32>
    %swap3A_209 = vector.shape_cast %broadcast_in_dim3A_201 : vector<16xf32> to vector<1x1x16xf32>
    tpu.vector_store %arg7[%swap3A_204, %swap3A_205, %swap3A_206], %swap3A_209 {strides = array<i32>} : memref<16x128x16xf32, #tpu.memory_space<vmem>>, vector<1x1x16xf32>,
    %broadcast_in_dim3A_210 = arith.constant 0.000000e+00 : f32
    %broadcast_in_dim3A_211 = vector.broadcast %broadcast_in_dim3A_210 : f32 to vector<16xf32>
    %swap3A_212 = arith.constant 0 : i32
    %swap3A_213 = arith.constant 21 : i32
    %swap3A_214 = arith.index_cast %swap3A_212 : i32 to index
    %swap3A_215 = arith.index_cast %swap3A_213 : i32 to index
    %swap3A_216 = arith.constant 0 : index
    %swap3A_217 = tpu.vector_load %arg7[%swap3A_214, %swap3A_215, %swap3A_216] {strides = array<i32>} : memref<16x128x16xf32, #tpu.memory_space<vmem>>, vector<1x1x16xf32>,
    %swap3A_218 = vector.shape_cast %swap3A_217 : vector<1x1x16xf32> to vector<16xf32>
    %swap3A_219 = vector.shape_cast %broadcast_in_dim3A_211 : vector<16xf32> to vector<1x1x16xf32>
    tpu.vector_store %arg7[%swap3A_214, %swap3A_215, %swap3A_216], %swap3A_219 {strides = array<i32>} : memref<16x128x16xf32, #tpu.memory_space<vmem>>, vector<1x1x16xf32>,
    %broadcast_in_dim3A_220 = arith.constant 0.000000e+00 : f32
    %broadcast_in_dim3A_221 = vector.broadcast %broadcast_in_dim3A_220 : f32 to vector<16xf32>
    %swap3A_222 = arith.constant 0 : i32
    %swap3A_223 = arith.constant 22 : i32
    %swap3A_224 = arith.index_cast %swap3A_222 : i32 to index
    %swap3A_225 = arith.index_cast %swap3A_223 : i32 to index
    %swap3A_226 = arith.constant 0 : index
    %swap3A_227 = tpu.vector_load %arg7[%swap3A_224, %swap3A_225, %swap3A_226] {strides = array<i32>} : memref<16x128x16xf32, #tpu.memory_space<vmem>>, vector<1x1x16xf32>,
    %swap3A_228 = vector.shape_cast %swap3A_227 : vector<1x1x16xf32> to vector<16xf32>
    %swap3A_229 = vector.shape_cast %broadcast_in_dim3A_221 : vector<16xf32> to vector<1x1x16xf32>
    tpu.vector_store %arg7[%swap3A_224, %swap3A_225, %swap3A_226], %swap3A_229 {strides = array<i32>} : memref<16x128x16xf32, #tpu.memory_space<vmem>>, vector<1x1x16xf32>,
    %broadcast_in_dim3A_230 = arith.constant 0.000000e+00 : f32
    %broadcast_in_dim3A_231 = vector.broadcast %broadcast_in_dim3A_230 : f32 to vector<16xf32>
    %swap3A_232 = arith.constant 0 : i32
    %swap3A_233 = arith.constant 23 : i32
    %swap3A_234 = arith.index_cast %swap3A_232 : i32 to index
    %swap3A_235 = arith.index_cast %swap3A_233 : i32 to index
    %swap3A_236 = arith.constant 0 : index
    %swap3A_237 = tpu.vector_load %arg7[%swap3A_234, %swap3A_235, %swap3A_236] {strides = array<i32>} : memref<16x128x16xf32, #tpu.memory_space<vmem>>, vector<1x1x16xf32>,
    %swap3A_238 = vector.shape_cast %swap3A_237 : vector<1x1x16xf32> to vector<16xf32>
    %swap3A_239 = vector.shape_cast %broadcast_in_dim3A_231 : vector<16xf32> to vector<1x1x16xf32>
    tpu.vector_store %arg7[%swap3A_234, %swap3A_235, %swap3A_236], %swap3A_239 {strides = array<i32>} : memref<16x128x16xf32, #tpu.memory_space<vmem>>, vector<1x1x16xf32>,
    %broadcast_in_dim3A_240 = arith.constant 0.000000e+00 : f32
    %broadcast_in_dim3A_241 = vector.broadcast %broadcast_in_dim3A_240 : f32 to vector<16xf32>
    %swap3A_242 = arith.constant 0 : i32
    %swap3A_243 = arith.constant 24 : i32
    %swap3A_244 = arith.index_cast %swap3A_242 : i32 to index
    %swap3A_245 = arith.index_cast %swap3A_243 : i32 to index
    %swap3A_246 = arith.constant 0 : index
    %swap3A_247 = tpu.vector_load %arg7[%swap3A_244, %swap3A_245, %swap3A_246] {strides = array<i32>} : memref<16x128x16xf32, #tpu.memory_space<vmem>>, vector<1x1x16xf32>,
    %swap3A_248 = vector.shape_cast %swap3A_247 : vector<1x1x16xf32> to vector<16xf32>
    %swap3A_249 = vector.shape_cast %broadcast_in_dim3A_241 : vector<16xf32> to vector<1x1x16xf32>
    tpu.vector_store %arg7[%swap3A_244, %swap3A_245, %swap3A_246], %swap3A_249 {strides = array<i32>} : memref<16x128x16xf32, #tpu.memory_space<vmem>>, vector<1x1x16xf32>,
    %broadcast_in_dim3A_250 = arith.constant 0.000000e+00 : f32
    %broadcast_in_dim3A_251 = vector.broadcast %broadcast_in_dim3A_250 : f32 to vector<16xf32>
    %swap3A_252 = arith.constant 0 : i32
    %swap3A_253 = arith.constant 25 : i32
    %swap3A_254 = arith.index_cast %swap3A_252 : i32 to index
    %swap3A_255 = arith.index_cast %swap3A_253 : i32 to index
    %swap3A_256 = arith.constant 0 : index
    %swap3A_257 = tpu.vector_load %arg7[%swap3A_254, %swap3A_255, %swap3A_256] {strides = array<i32>} : memref<16x128x16xf32, #tpu.memory_space<vmem>>, vector<1x1x16xf32>,
    %swap3A_258 = vector.shape_cast %swap3A_257 : vector<1x1x16xf32> to vector<16xf32>
    %swap3A_259 = vector.shape_cast %broadcast_in_dim3A_251 : vector<16xf32> to vector<1x1x16xf32>
    tpu.vector_store %arg7[%swap3A_254, %swap3A_255, %swap3A_256], %swap3A_259 {strides = array<i32>} : memref<16x128x16xf32, #tpu.memory_space<vmem>>, vector<1x1x16xf32>,
    %broadcast_in_dim3A_260 = arith.constant 0.000000e+00 : f32
    %broadcast_in_dim3A_261 = vector.broadcast %broadcast_in_dim3A_260 : f32 to vector<16xf32>
    %swap3A_262 = arith.constant 0 : i32
    %swap3A_263 = arith.constant 26 : i32
    %swap3A_264 = arith.index_cast %swap3A_262 : i32 to index
    %swap3A_265 = arith.index_cast %swap3A_263 : i32 to index
    %swap3A_266 = arith.constant 0 : index
    %swap3A_267 = tpu.vector_load %arg7[%swap3A_264, %swap3A_265, %swap3A_266] {strides = array<i32>} : memref<16x128x16xf32, #tpu.memory_space<vmem>>, vector<1x1x16xf32>,
    %swap3A_268 = vector.shape_cast %swap3A_267 : vector<1x1x16xf32> to vector<16xf32>
    %swap3A_269 = vector.shape_cast %broadcast_in_dim3A_261 : vector<16xf32> to vector<1x1x16xf32>
    tpu.vector_store %arg7[%swap3A_264, %swap3A_265, %swap3A_266], %swap3A_269 {strides = array<i32>} : memref<16x128x16xf32, #tpu.memory_space<vmem>>, vector<1x1x16xf32>,
    %broadcast_in_dim3A_270 = arith.constant 0.000000e+00 : f32
    %broadcast_in_dim3A_271 = vector.broadcast %broadcast_in_dim3A_270 : f32 to vector<16xf32>
    %swap3A_272 = arith.constant 0 : i32
    %swap3A_273 = arith.constant 27 : i32
    %swap3A_274 = arith.index_cast %swap3A_272 : i32 to index
    %swap3A_275 = arith.index_cast %swap3A_273 : i32 to index
    %swap3A_276 = arith.constant 0 : index
    %swap3A_277 = tpu.vector_load %arg7[%swap3A_274, %swap3A_275, %swap3A_276] {strides = array<i32>} : memref<16x128x16xf32, #tpu.memory_space<vmem>>, vector<1x1x16xf32>,
    %swap3A_278 = vector.shape_cast %swap3A_277 : vector<1x1x16xf32> to vector<16xf32>
    %swap3A_279 = vector.shape_cast %broadcast_in_dim3A_271 : vector<16xf32> to vector<1x1x16xf32>
    tpu.vector_store %arg7[%swap3A_274, %swap3A_275, %swap3A_276], %swap3A_279 {strides = array<i32>} : memref<16x128x16xf32, #tpu.memory_space<vmem>>, vector<1x1x16xf32>,
    %broadcast_in_dim3A_280 = arith.constant 0.000000e+00 : f32
    %broadcast_in_dim3A_281 = vector.broadcast %broadcast_in_dim3A_280 : f32 to vector<16xf32>
    %swap3A_282 = arith.constant 0 : i32
    %swap3A_283 = arith.constant 28 : i32
    %swap3A_284 = arith.index_cast %swap3A_282 : i32 to index
    %swap3A_285 = arith.index_cast %swap3A_283 : i32 to index
    %swap3A_286 = arith.constant 0 : index
    %swap3A_287 = tpu.vector_load %arg7[%swap3A_284, %swap3A_285, %swap3A_286] {strides = array<i32>} : memref<16x128x16xf32, #tpu.memory_space<vmem>>, vector<1x1x16xf32>,
    %swap3A_288 = vector.shape_cast %swap3A_287 : vector<1x1x16xf32> to vector<16xf32>
    %swap3A_289 = vector.shape_cast %broadcast_in_dim3A_281 : vector<16xf32> to vector<1x1x16xf32>
    tpu.vector_store %arg7[%swap3A_284, %swap3A_285, %swap3A_286], %swap3A_289 {strides = array<i32>} : memref<16x128x16xf32, #tpu.memory_space<vmem>>, vector<1x1x16xf32>,
    %broadcast_in_dim3A_290 = arith.constant 0.000000e+00 : f32
    %broadcast_in_dim3A_291 = vector.broadcast %broadcast_in_dim3A_290 : f32 to vector<16xf32>
    %swap3A_292 = arith.constant 0 : i32
    %swap3A_293 = arith.constant 29 : i32
    %swap3A_294 = arith.index_cast %swap3A_292 : i32 to index
    %swap3A_295 = arith.index_cast %swap3A_293 : i32 to index
    %swap3A_296 = arith.constant 0 : index
    %swap3A_297 = tpu.vector_load %arg7[%swap3A_294, %swap3A_295, %swap3A_296] {strides = array<i32>} : memref<16x128x16xf32, #tpu.memory_space<vmem>>, vector<1x1x16xf32>,
    %swap3A_298 = vector.shape_cast %swap3A_297 : vector<1x1x16xf32> to vector<16xf32>
    %swap3A_299 = vector.shape_cast %broadcast_in_dim3A_291 : vector<16xf32> to vector<1x1x16xf32>
    tpu.vector_store %arg7[%swap3A_294, %swap3A_295, %swap3A_296], %swap3A_299 {strides = array<i32>} : memref<16x128x16xf32, #tpu.memory_space<vmem>>, vector<1x1x16xf32>,
    %broadcast_in_dim3A_300 = arith.constant 0.000000e+00 : f32
    %broadcast_in_dim3A_301 = vector.broadcast %broadcast_in_dim3A_300 : f32 to vector<16xf32>
    %swap3A_302 = arith.constant 0 : i32
    %swap3A_303 = arith.constant 30 : i32
    %swap3A_304 = arith.index_cast %swap3A_302 : i32 to index
    %swap3A_305 = arith.index_cast %swap3A_303 : i32 to index
    %swap3A_306 = arith.constant 0 : index
    %swap3A_307 = tpu.vector_load %arg7[%swap3A_304, %swap3A_305, %swap3A_306] {strides = array<i32>} : memref<16x128x16xf32, #tpu.memory_space<vmem>>, vector<1x1x16xf32>,
    %swap3A_308 = vector.shape_cast %swap3A_307 : vector<1x1x16xf32> to vector<16xf32>
    %swap3A_309 = vector.shape_cast %broadcast_in_dim3A_301 : vector<16xf32> to vector<1x1x16xf32>
    tpu.vector_store %arg7[%swap3A_304, %swap3A_305, %swap3A_306], %swap3A_309 {strides = array<i32>} : memref<16x128x16xf32, #tpu.memory_space<vmem>>, vector<1x1x16xf32>,
    %broadcast_in_dim3A_310 = arith.constant 0.000000e+00 : f32
    %broadcast_in_dim3A_311 = vector.broadcast %broadcast_in_dim3A_310 : f32 to vector<16xf32>
    %swap3A_312 = arith.constant 0 : i32
    %swap3A_313 = arith.constant 31 : i32
    %swap3A_314 = arith.index_cast %swap3A_312 : i32 to index
    %swap3A_315 = arith.index_cast %swap3A_313 : i32 to index
    %swap3A_316 = arith.constant 0 : index
    %swap3A_317 = tpu.vector_load %arg7[%swap3A_314, %swap3A_315, %swap3A_316] {strides = array<i32>} : memref<16x128x16xf32, #tpu.memory_space<vmem>>, vector<1x1x16xf32>,
    %swap3A_318 = vector.shape_cast %swap3A_317 : vector<1x1x16xf32> to vector<16xf32>
    %swap3A_319 = vector.shape_cast %broadcast_in_dim3A_311 : vector<16xf32> to vector<1x1x16xf32>
    tpu.vector_store %arg7[%swap3A_314, %swap3A_315, %swap3A_316], %swap3A_319 {strides = array<i32>} : memref<16x128x16xf32, #tpu.memory_space<vmem>>, vector<1x1x16xf32>,
    %broadcast_in_dim3A_320 = arith.constant 0.000000e+00 : f32
    %broadcast_in_dim3A_321 = vector.broadcast %broadcast_in_dim3A_320 : f32 to vector<16xf32>
    %swap3A_322 = arith.constant 0 : i32
    %swap3A_323 = arith.constant 32 : i32
    %swap3A_324 = arith.index_cast %swap3A_322 : i32 to index
    %swap3A_325 = arith.index_cast %swap3A_323 : i32 to index
    %swap3A_326 = arith.constant 0 : index
    %swap3A_327 = tpu.vector_load %arg7[%swap3A_324, %swap3A_325, %swap3A_326] {strides = array<i32>} : memref<16x128x16xf32, #tpu.memory_space<vmem>>, vector<1x1x16xf32>,
    %swap3A_328 = vector.shape_cast %swap3A_327 : vector<1x1x16xf32> to vector<16xf32>
    %swap3A_329 = vector.shape_cast %broadcast_in_dim3A_321 : vector<16xf32> to vector<1x1x16xf32>
    tpu.vector_store %arg7[%swap3A_324, %swap3A_325, %swap3A_326], %swap3A_329 {strides = array<i32>} : memref<16x128x16xf32, #tpu.memory_space<vmem>>, vector<1x1x16xf32>,
    %broadcast_in_dim3A_330 = arith.constant 0.000000e+00 : f32
    %broadcast_in_dim3A_331 = vector.broadcast %broadcast_in_dim3A_330 : f32 to vector<16xf32>
    %swap3A_332 = arith.constant 0 : i32
    %swap3A_333 = arith.constant 33 : i32
    %swap3A_334 = arith.index_cast %swap3A_332 : i32 to index
    %swap3A_335 = arith.index_cast %swap3A_333 : i32 to index
    %swap3A_336 = arith.constant 0 : index
    %swap3A_337 = tpu.vector_load %arg7[%swap3A_334, %swap3A_335, %swap3A_336] {strides = array<i32>} : memref<16x128x16xf32, #tpu.memory_space<vmem>>, vector<1x1x16xf32>,
    %swap3A_338 = vector.shape_cast %swap3A_337 : vector<1x1x16xf32> to vector<16xf32>
    %swap3A_339 = vector.shape_cast %broadcast_in_dim3A_331 : vector<16xf32> to vector<1x1x16xf32>
    tpu.vector_store %arg7[%swap3A_334, %swap3A_335, %swap3A_336], %swap3A_339 {strides = array<i32>} : memref<16x128x16xf32, #tpu.memory_space<vmem>>, vector<1x1x16xf32>,
    %broadcast_in_dim3A_340 = arith.constant 0.000000e+00 : f32
    %broadcast_in_dim3A_341 = vector.broadcast %broadcast_in_dim3A_340 : f32 to vector<16xf32>
    %swap3A_342 = arith.constant 0 : i32
    %swap3A_343 = arith.constant 34 : i32
    %swap3A_344 = arith.index_cast %swap3A_342 : i32 to index
    %swap3A_345 = arith.index_cast %swap3A_343 : i32 to index
    %swap3A_346 = arith.constant 0 : index
    %swap3A_347 = tpu.vector_load %arg7[%swap3A_344, %swap3A_345, %swap3A_346] {strides = array<i32>} : memref<16x128x16xf32, #tpu.memory_space<vmem>>, vector<1x1x16xf32>,
    %swap3A_348 = vector.shape_cast %swap3A_347 : vector<1x1x16xf32> to vector<16xf32>
    %swap3A_349 = vector.shape_cast %broadcast_in_dim3A_341 : vector<16xf32> to vector<1x1x16xf32>
    tpu.vector_store %arg7[%swap3A_344, %swap3A_345, %swap3A_346], %swap3A_349 {strides = array<i32>} : memref<16x128x16xf32, #tpu.memory_space<vmem>>, vector<1x1x16xf32>,
    %broadcast_in_dim3A_350 = arith.constant 0.000000e+00 : f32
    %broadcast_in_dim3A_351 = vector.broadcast %broadcast_in_dim3A_350 : f32 to vector<16xf32>
    %swap3A_352 = arith.constant 0 : i32
    %swap3A_353 = arith.constant 35 : i32
    %swap3A_354 = arith.index_cast %swap3A_352 : i32 to index
    %swap3A_355 = arith.index_cast %swap3A_353 : i32 to index
    %swap3A_356 = arith.constant 0 : index
    %swap3A_357 = tpu.vector_load %arg7[%swap3A_354, %swap3A_355, %swap3A_356] {strides = array<i32>} : memref<16x128x16xf32, #tpu.memory_space<vmem>>, vector<1x1x16xf32>,
    %swap3A_358 = vector.shape_cast %swap3A_357 : vector<1x1x16xf32> to vector<16xf32>
    %swap3A_359 = vector.shape_cast %broadcast_in_dim3A_351 : vector<16xf32> to vector<1x1x16xf32>
    tpu.vector_store %arg7[%swap3A_354, %swap3A_355, %swap3A_356], %swap3A_359 {strides = array<i32>} : memref<16x128x16xf32, #tpu.memory_space<vmem>>, vector<1x1x16xf32>,
    %broadcast_in_dim3A_360 = arith.constant 0.000000e+00 : f32
    %broadcast_in_dim3A_361 = vector.broadcast %broadcast_in_dim3A_360 : f32 to vector<16xf32>
    %swap3A_362 = arith.constant 0 : i32
    %swap3A_363 = arith.constant 36 : i32
    %swap3A_364 = arith.index_cast %swap3A_362 : i32 to index
    %swap3A_365 = arith.index_cast %swap3A_363 : i32 to index
    %swap3A_366 = arith.constant 0 : index
    %swap3A_367 = tpu.vector_load %arg7[%swap3A_364, %swap3A_365, %swap3A_366] {strides = array<i32>} : memref<16x128x16xf32, #tpu.memory_space<vmem>>, vector<1x1x16xf32>,
    %swap3A_368 = vector.shape_cast %swap3A_367 : vector<1x1x16xf32> to vector<16xf32>
    %swap3A_369 = vector.shape_cast %broadcast_in_dim3A_361 : vector<16xf32> to vector<1x1x16xf32>
    tpu.vector_store %arg7[%swap3A_364, %swap3A_365, %swap3A_366], %swap3A_369 {strides = array<i32>} : memref<16x128x16xf32, #tpu.memory_space<vmem>>, vector<1x1x16xf32>,
    %broadcast_in_dim3A_370 = arith.constant 0.000000e+00 : f32
    %broadcast_in_dim3A_371 = vector.broadcast %broadcast_in_dim3A_370 : f32 to vector<16xf32>
    %swap3A_372 = arith.constant 0 : i32
    %swap3A_373 = arith.constant 37 : i32
    %swap3A_374 = arith.index_cast %swap3A_372 : i32 to index
    %swap3A_375 = arith.index_cast %swap3A_373 : i32 to index
    %swap3A_376 = arith.constant 0 : index
    %swap3A_377 = tpu.vector_load %arg7[%swap3A_374, %swap3A_375, %swap3A_376] {strides = array<i32>} : memref<16x128x16xf32, #tpu.memory_space<vmem>>, vector<1x1x16xf32>,
    %swap3A_378 = vector.shape_cast %swap3A_377 : vector<1x1x16xf32> to vector<16xf32>
    %swap3A_379 = vector.shape_cast %broadcast_in_dim3A_371 : vector<16xf32> to vector<1x1x16xf32>
    tpu.vector_store %arg7[%swap3A_374, %swap3A_375, %swap3A_376], %swap3A_379 {strides = array<i32>} : memref<16x128x16xf32, #tpu.memory_space<vmem>>, vector<1x1x16xf32>,
    %broadcast_in_dim3A_380 = arith.constant 0.000000e+00 : f32
    %broadcast_in_dim3A_381 = vector.broadcast %broadcast_in_dim3A_380 : f32 to vector<16xf32>
    %swap3A_382 = arith.constant 0 : i32
    %swap3A_383 = arith.constant 38 : i32
    %swap3A_384 = arith.index_cast %swap3A_382 : i32 to index
    %swap3A_385 = arith.index_cast %swap3A_383 : i32 to index
    %swap3A_386 = arith.constant 0 : index
    %swap3A_387 = tpu.vector_load %arg7[%swap3A_384, %swap3A_385, %swap3A_386] {strides = array<i32>} : memref<16x128x16xf32, #tpu.memory_space<vmem>>, vector<1x1x16xf32>,
    %swap3A_388 = vector.shape_cast %swap3A_387 : vector<1x1x16xf32> to vector<16xf32>
    %swap3A_389 = vector.shape_cast %broadcast_in_dim3A_381 : vector<16xf32> to vector<1x1x16xf32>
    tpu.vector_store %arg7[%swap3A_384, %swap3A_385, %swap3A_386], %swap3A_389 {strides = array<i32>} : memref<16x128x16xf32, #tpu.memory_space<vmem>>, vector<1x1x16xf32>,
    %broadcast_in_dim3A_390 = arith.constant 0.000000e+00 : f32
    %broadcast_in_dim3A_391 = vector.broadcast %broadcast_in_dim3A_390 : f32 to vector<16xf32>
    %swap3A_392 = arith.constant 0 : i32
    %swap3A_393 = arith.constant 39 : i32
    %swap3A_394 = arith.index_cast %swap3A_392 : i32 to index
    %swap3A_395 = arith.index_cast %swap3A_393 : i32 to index
    %swap3A_396 = arith.constant 0 : index
    %swap3A_397 = tpu.vector_load %arg7[%swap3A_394, %swap3A_395, %swap3A_396] {strides = array<i32>} : memref<16x128x16xf32, #tpu.memory_space<vmem>>, vector<1x1x16xf32>,
    %swap3A_398 = vector.shape_cast %swap3A_397 : vector<1x1x16xf32> to vector<16xf32>
    %swap3A_399 = vector.shape_cast %broadcast_in_dim3A_391 : vector<16xf32> to vector<1x1x16xf32>
    tpu.vector_store %arg7[%swap3A_394, %swap3A_395, %swap3A_396], %swap3A_399 {strides = array<i32>} : memref<16x128x16xf32, #tpu.memory_space<vmem>>, vector<1x1x16xf32>,
    %broadcast_in_dim3A_400 = arith.constant 0.000000e+00 : f32
    %broadcast_in_dim3A_401 = vector.broadcast %broadcast_in_dim3A_400 : f32 to vector<16xf32>
    %swap3A_402 = arith.constant 0 : i32
    %swap3A_403 = arith.constant 40 : i32
    %swap3A_404 = arith.index_cast %swap3A_402 : i32 to index
    %swap3A_405 = arith.index_cast %swap3A_403 : i32 to index
    %swap3A_406 = arith.constant 0 : index
    %swap3A_407 = tpu.vector_load %arg7[%swap3A_404, %swap3A_405, %swap3A_406] {strides = array<i32>} : memref<16x128x16xf32, #tpu.memory_space<vmem>>, vector<1x1x16xf32>,
    %swap3A_408 = vector.shape_cast %swap3A_407 : vector<1x1x16xf32> to vector<16xf32>
    %swap3A_409 = vector.shape_cast %broadcast_in_dim3A_401 : vector<16xf32> to vector<1x1x16xf32>
    tpu.vector_store %arg7[%swap3A_404, %swap3A_405, %swap3A_406], %swap3A_409 {strides = array<i32>} : memref<16x128x16xf32, #tpu.memory_space<vmem>>, vector<1x1x16xf32>,
    %broadcast_in_dim3A_410 = arith.constant 0.000000e+00 : f32
    %broadcast_in_dim3A_411 = vector.broadcast %broadcast_in_dim3A_410 : f32 to vector<16xf32>
    %swap3A_412 = arith.constant 0 : i32
    %swap3A_413 = arith.constant 41 : i32
    %swap3A_414 = arith.index_cast %swap3A_412 : i32 to index
    %swap3A_415 = arith.index_cast %swap3A_413 : i32 to index
    %swap3A_416 = arith.constant 0 : index
    %swap3A_417 = tpu.vector_load %arg7[%swap3A_414, %swap3A_415, %swap3A_416] {strides = array<i32>} : memref<16x128x16xf32, #tpu.memory_space<vmem>>, vector<1x1x16xf32>,
    %swap3A_418 = vector.shape_cast %swap3A_417 : vector<1x1x16xf32> to vector<16xf32>
    %swap3A_419 = vector.shape_cast %broadcast_in_dim3A_411 : vector<16xf32> to vector<1x1x16xf32>
    tpu.vector_store %arg7[%swap3A_414, %swap3A_415, %swap3A_416], %swap3A_419 {strides = array<i32>} : memref<16x128x16xf32, #tpu.memory_space<vmem>>, vector<1x1x16xf32>,
    %broadcast_in_dim3A_420 = arith.constant 0.000000e+00 : f32
    %broadcast_in_dim3A_421 = vector.broadcast %broadcast_in_dim3A_420 : f32 to vector<16xf32>
    %swap3A_422 = arith.constant 0 : i32
    %swap3A_423 = arith.constant 42 : i32
    %swap3A_424 = arith.index_cast %swap3A_422 : i32 to index
    %swap3A_425 = arith.index_cast %swap3A_423 : i32 to index
    %swap3A_426 = arith.constant 0 : index
    %swap3A_427 = tpu.vector_load %arg7[%swap3A_424, %swap3A_425, %swap3A_426] {strides = array<i32>} : memref<16x128x16xf32, #tpu.memory_space<vmem>>, vector<1x1x16xf32>,
    %swap3A_428 = vector.shape_cast %swap3A_427 : vector<1x1x16xf32> to vector<16xf32>
    %swap3A_429 = vector.shape_cast %broadcast_in_dim3A_421 : vector<16xf32> to vector<1x1x16xf32>
    tpu.vector_store %arg7[%swap3A_424, %swap3A_425, %swap3A_426], %swap3A_429 {strides = array<i32>} : memref<16x128x16xf32, #tpu.memory_space<vmem>>, vector<1x1x16xf32>,
    %broadcast_in_dim3A_430 = arith.constant 0.000000e+00 : f32
    %broadcast_in_dim3A_431 = vector.broadcast %broadcast_in_dim3A_430 : f32 to vector<16xf32>
    %swap3A_432 = arith.constant 0 : i32
    %swap3A_433 = arith.constant 43 : i32
    %swap3A_434 = arith.index_cast %swap3A_432 : i32 to index
    %swap3A_435 = arith.index_cast %swap3A_433 : i32 to index
    %swap3A_436 = arith.constant 0 : index
    %swap3A_437 = tpu.vector_load %arg7[%swap3A_434, %swap3A_435, %swap3A_436] {strides = array<i32>} : memref<16x128x16xf32, #tpu.memory_space<vmem>>, vector<1x1x16xf32>,
    %swap3A_438 = vector.shape_cast %swap3A_437 : vector<1x1x16xf32> to vector<16xf32>
    %swap3A_439 = vector.shape_cast %broadcast_in_dim3A_431 : vector<16xf32> to vector<1x1x16xf32>
    tpu.vector_store %arg7[%swap3A_434, %swap3A_435, %swap3A_436], %swap3A_439 {strides = array<i32>} : memref<16x128x16xf32, #tpu.memory_space<vmem>>, vector<1x1x16xf32>,
    %broadcast_in_dim3A_440 = arith.constant 0.000000e+00 : f32
    %broadcast_in_dim3A_441 = vector.broadcast %broadcast_in_dim3A_440 : f32 to vector<16xf32>
    %swap3A_442 = arith.constant 0 : i32
    %swap3A_443 = arith.constant 44 : i32
    %swap3A_444 = arith.index_cast %swap3A_442 : i32 to index
    %swap3A_445 = arith.index_cast %swap3A_443 : i32 to index
    %swap3A_446 = arith.constant 0 : index
    %swap3A_447 = tpu.vector_load %arg7[%swap3A_444, %swap3A_445, %swap3A_446] {strides = array<i32>} : memref<16x128x16xf32, #tpu.memory_space<vmem>>, vector<1x1x16xf32>,
    %swap3A_448 = vector.shape_cast %swap3A_447 : vector<1x1x16xf32> to vector<16xf32>
    %swap3A_449 = vector.shape_cast %broadcast_in_dim3A_441 : vector<16xf32> to vector<1x1x16xf32>
    tpu.vector_store %arg7[%swap3A_444, %swap3A_445, %swap3A_446], %swap3A_449 {strides = array<i32>} : memref<16x128x16xf32, #tpu.memory_space<vmem>>, vector<1x1x16xf32>,
    %broadcast_in_dim3A_450 = arith.constant 0.000000e+00 : f32
    %broadcast_in_dim3A_451 = vector.broadcast %broadcast_in_dim3A_450 : f32 to vector<16xf32>
    %swap3A_452 = arith.constant 0 : i32
    %swap3A_453 = arith.constant 45 : i32
    %swap3A_454 = arith.index_cast %swap3A_452 : i32 to index
    %swap3A_455 = arith.index_cast %swap3A_453 : i32 to index
    %swap3A_456 = arith.constant 0 : index
    %swap3A_457 = tpu.vector_load %arg7[%swap3A_454, %swap3A_455, %swap3A_456] {strides = array<i32>} : memref<16x128x16xf32, #tpu.memory_space<vmem>>, vector<1x1x16xf32>,
    %swap3A_458 = vector.shape_cast %swap3A_457 : vector<1x1x16xf32> to vector<16xf32>
    %swap3A_459 = vector.shape_cast %broadcast_in_dim3A_451 : vector<16xf32> to vector<1x1x16xf32>
    tpu.vector_store %arg7[%swap3A_454, %swap3A_455, %swap3A_456], %swap3A_459 {strides = array<i32>} : memref<16x128x16xf32, #tpu.memory_space<vmem>>, vector<1x1x16xf32>,
    %broadcast_in_dim3A_460 = arith.constant 0.000000e+00 : f32
    %broadcast_in_dim3A_461 = vector.broadcast %broadcast_in_dim3A_460 : f32 to vector<16xf32>
    %swap3A_462 = arith.constant 0 : i32
    %swap3A_463 = arith.constant 46 : i32
    %swap3A_464 = arith.index_cast %swap3A_462 : i32 to index
    %swap3A_465 = arith.index_cast %swap3A_463 : i32 to index
    %swap3A_466 = arith.constant 0 : index
    %swap3A_467 = tpu.vector_load %arg7[%swap3A_464, %swap3A_465, %swap3A_466] {strides = array<i32>} : memref<16x128x16xf32, #tpu.memory_space<vmem>>, vector<1x1x16xf32>,
    %swap3A_468 = vector.shape_cast %swap3A_467 : vector<1x1x16xf32> to vector<16xf32>
    %swap3A_469 = vector.shape_cast %broadcast_in_dim3A_461 : vector<16xf32> to vector<1x1x16xf32>
    tpu.vector_store %arg7[%swap3A_464, %swap3A_465, %swap3A_466], %swap3A_469 {strides = array<i32>} : memref<16x128x16xf32, #tpu.memory_space<vmem>>, vector<1x1x16xf32>,
    %broadcast_in_dim3A_470 = arith.constant 0.000000e+00 : f32
    %broadcast_in_dim3A_471 = vector.broadcast %broadcast_in_dim3A_470 : f32 to vector<16xf32>
    %swap3A_472 = arith.constant 0 : i32
    %swap3A_473 = arith.constant 47 : i32
    %swap3A_474 = arith.index_cast %swap3A_472 : i32 to index
    %swap3A_475 = arith.index_cast %swap3A_473 : i32 to index
    %swap3A_476 = arith.constant 0 : index
    %swap3A_477 = tpu.vector_load %arg7[%swap3A_474, %swap3A_475, %swap3A_476] {strides = array<i32>} : memref<16x128x16xf32, #tpu.memory_space<vmem>>, vector<1x1x16xf32>,
    %swap3A_478 = vector.shape_cast %swap3A_477 : vector<1x1x16xf32> to vector<16xf32>
    %swap3A_479 = vector.shape_cast %broadcast_in_dim3A_471 : vector<16xf32> to vector<1x1x16xf32>
    tpu.vector_store %arg7[%swap3A_474, %swap3A_475, %swap3A_476], %swap3A_479 {strides = array<i32>} : memref<16x128x16xf32, #tpu.memory_space<vmem>>, vector<1x1x16xf32>,
    %broadcast_in_dim3A_480 = arith.constant 0.000000e+00 : f32
    %broadcast_in_dim3A_481 = vector.broadcast %broadcast_in_dim3A_480 : f32 to vector<16xf32>
    %swap3A_482 = arith.constant 0 : i32
    %swap3A_483 = arith.constant 48 : i32
    %swap3A_484 = arith.index_cast %swap3A_482 : i32 to index
    %swap3A_485 = arith.index_cast %swap3A_483 : i32 to index
    %swap3A_486 = arith.constant 0 : index
    %swap3A_487 = tpu.vector_load %arg7[%swap3A_484, %swap3A_485, %swap3A_486] {strides = array<i32>} : memref<16x128x16xf32, #tpu.memory_space<vmem>>, vector<1x1x16xf32>,
    %swap3A_488 = vector.shape_cast %swap3A_487 : vector<1x1x16xf32> to vector<16xf32>
    %swap3A_489 = vector.shape_cast %broadcast_in_dim3A_481 : vector<16xf32> to vector<1x1x16xf32>
    tpu.vector_store %arg7[%swap3A_484, %swap3A_485, %swap3A_486], %swap3A_489 {strides = array<i32>} : memref<16x128x16xf32, #tpu.memory_space<vmem>>, vector<1x1x16xf32>,
    %broadcast_in_dim3A_490 = arith.constant 0.000000e+00 : f32
    %broadcast_in_dim3A_491 = vector.broadcast %broadcast_in_dim3A_490 : f32 to vector<16xf32>
    %swap3A_492 = arith.constant 0 : i32
    %swap3A_493 = arith.constant 49 : i32
    %swap3A_494 = arith.index_cast %swap3A_492 : i32 to index
    %swap3A_495 = arith.index_cast %swap3A_493 : i32 to index
    %swap3A_496 = arith.constant 0 : index
    %swap3A_497 = tpu.vector_load %arg7[%swap3A_494, %swap3A_495, %swap3A_496] {strides = array<i32>} : memref<16x128x16xf32, #tpu.memory_space<vmem>>, vector<1x1x16xf32>,
    %swap3A_498 = vector.shape_cast %swap3A_497 : vector<1x1x16xf32> to vector<16xf32>
    %swap3A_499 = vector.shape_cast %broadcast_in_dim3A_491 : vector<16xf32> to vector<1x1x16xf32>
    tpu.vector_store %arg7[%swap3A_494, %swap3A_495, %swap3A_496], %swap3A_499 {strides = array<i32>} : memref<16x128x16xf32, #tpu.memory_space<vmem>>, vector<1x1x16xf32>,
    %broadcast_in_dim3A_500 = arith.constant 0.000000e+00 : f32
    %broadcast_in_dim3A_501 = vector.broadcast %broadcast_in_dim3A_500 : f32 to vector<16xf32>
    %swap3A_502 = arith.constant 0 : i32
    %swap3A_503 = arith.constant 50 : i32
    %swap3A_504 = arith.index_cast %swap3A_502 : i32 to index
    %swap3A_505 = arith.index_cast %swap3A_503 : i32 to index
    %swap3A_506 = arith.constant 0 : index
    %swap3A_507 = tpu.vector_load %arg7[%swap3A_504, %swap3A_505, %swap3A_506] {strides = array<i32>} : memref<16x128x16xf32, #tpu.memory_space<vmem>>, vector<1x1x16xf32>,
    %swap3A_508 = vector.shape_cast %swap3A_507 : vector<1x1x16xf32> to vector<16xf32>
    %swap3A_509 = vector.shape_cast %broadcast_in_dim3A_501 : vector<16xf32> to vector<1x1x16xf32>
    tpu.vector_store %arg7[%swap3A_504, %swap3A_505, %swap3A_506], %swap3A_509 {strides = array<i32>} : memref<16x128x16xf32, #tpu.memory_space<vmem>>, vector<1x1x16xf32>,
    %broadcast_in_dim3A_510 = arith.constant 0.000000e+00 : f32
    %broadcast_in_dim3A_511 = vector.broadcast %broadcast_in_dim3A_510 : f32 to vector<16xf32>
    %swap3A_512 = arith.constant 0 : i32
    %swap3A_513 = arith.constant 51 : i32
    %swap3A_514 = arith.index_cast %swap3A_512 : i32 to index
    %swap3A_515 = arith.index_cast %swap3A_513 : i32 to index
    %swap3A_516 = arith.constant 0 : index
    %swap3A_517 = tpu.vector_load %arg7[%swap3A_514, %swap3A_515, %swap3A_516] {strides = array<i32>} : memref<16x128x16xf32, #tpu.memory_space<vmem>>, vector<1x1x16xf32>,
    %swap3A_518 = vector.shape_cast %swap3A_517 : vector<1x1x16xf32> to vector<16xf32>
    %swap3A_519 = vector.shape_cast %broadcast_in_dim3A_511 : vector<16xf32> to vector<1x1x16xf32>
    tpu.vector_store %arg7[%swap3A_514, %swap3A_515, %swap3A_516], %swap3A_519 {strides = array<i32>} : memref<16x128x16xf32, #tpu.memory_space<vmem>>, vector<1x1x16xf32>,
    %broadcast_in_dim3A_520 = arith.constant 0.000000e+00 : f32
    %broadcast_in_dim3A_521 = vector.broadcast %broadcast_in_dim3A_520 : f32 to vector<16xf32>
    %swap3A_522 = arith.constant 0 : i32
    %swap3A_523 = arith.constant 52 : i32
    %swap3A_524 = arith.index_cast %swap3A_522 : i32 to index
    %swap3A_525 = arith.index_cast %swap3A_523 : i32 to index
    %swap3A_526 = arith.constant 0 : index
    %swap3A_527 = tpu.vector_load %arg7[%swap3A_524, %swap3A_525, %swap3A_526] {strides = array<i32>} : memref<16x128x16xf32, #tpu.memory_space<vmem>>, vector<1x1x16xf32>,
    %swap3A_528 = vector.shape_cast %swap3A_527 : vector<1x1x16xf32> to vector<16xf32>
    %swap3A_529 = vector.shape_cast %broadcast_in_dim3A_521 : vector<16xf32> to vector<1x1x16xf32>
    tpu.vector_store %arg7[%swap3A_524, %swap3A_525, %swap3A_526], %swap3A_529 {strides = array<i32>} : memref<16x128x16xf32, #tpu.memory_space<vmem>>, vector<1x1x16xf32>,
    %broadcast_in_dim3A_530 = arith.constant 0.000000e+00 : f32
    %broadcast_in_dim3A_531 = vector.broadcast %broadcast_in_dim3A_530 : f32 to vector<16xf32>
    %swap3A_532 = arith.constant 0 : i32
    %swap3A_533 = arith.constant 53 : i32
    %swap3A_534 = arith.index_cast %swap3A_532 : i32 to index
    %swap3A_535 = arith.index_cast %swap3A_533 : i32 to index
    %swap3A_536 = arith.constant 0 : index
    %swap3A_537 = tpu.vector_load %arg7[%swap3A_534, %swap3A_535, %swap3A_536] {strides = array<i32>} : memref<16x128x16xf32, #tpu.memory_space<vmem>>, vector<1x1x16xf32>,
    %swap3A_538 = vector.shape_cast %swap3A_537 : vector<1x1x16xf32> to vector<16xf32>
    %swap3A_539 = vector.shape_cast %broadcast_in_dim3A_531 : vector<16xf32> to vector<1x1x16xf32>
    tpu.vector_store %arg7[%swap3A_534, %swap3A_535, %swap3A_536], %swap3A_539 {strides = array<i32>} : memref<16x128x16xf32, #tpu.memory_space<vmem>>, vector<1x1x16xf32>,
    %broadcast_in_dim3A_540 = arith.constant 0.000000e+00 : f32
    %broadcast_in_dim3A_541 = vector.broadcast %broadcast_in_dim3A_540 : f32 to vector<16xf32>
    %swap3A_542 = arith.constant 0 : i32
    %swap3A_543 = arith.constant 54 : i32
    %swap3A_544 = arith.index_cast %swap3A_542 : i32 to index
    %swap3A_545 = arith.index_cast %swap3A_543 : i32 to index
    %swap3A_546 = arith.constant 0 : index
    %swap3A_547 = tpu.vector_load %arg7[%swap3A_544, %swap3A_545, %swap3A_546] {strides = array<i32>} : memref<16x128x16xf32, #tpu.memory_space<vmem>>, vector<1x1x16xf32>,
    %swap3A_548 = vector.shape_cast %swap3A_547 : vector<1x1x16xf32> to vector<16xf32>
    %swap3A_549 = vector.shape_cast %broadcast_in_dim3A_541 : vector<16xf32> to vector<1x1x16xf32>
    tpu.vector_store %arg7[%swap3A_544, %swap3A_545, %swap3A_546], %swap3A_549 {strides = array<i32>} : memref<16x128x16xf32, #tpu.memory_space<vmem>>, vector<1x1x16xf32>,
    %broadcast_in_dim3A_550 = arith.constant 0.000000e+00 : f32
    %broadcast_in_dim3A_551 = vector.broadcast %broadcast_in_dim3A_550 : f32 to vector<16xf32>
    %swap3A_552 = arith.constant 0 : i32
    %swap3A_553 = arith.constant 55 : i32
    %swap3A_554 = arith.index_cast %swap3A_552 : i32 to index
    %swap3A_555 = arith.index_cast %swap3A_553 : i32 to index
    %swap3A_556 = arith.constant 0 : index
    %swap3A_557 = tpu.vector_load %arg7[%swap3A_554, %swap3A_555, %swap3A_556] {strides = array<i32>} : memref<16x128x16xf32, #tpu.memory_space<vmem>>, vector<1x1x16xf32>,
    %swap3A_558 = vector.shape_cast %swap3A_557 : vector<1x1x16xf32> to vector<16xf32>
    %swap3A_559 = vector.shape_cast %broadcast_in_dim3A_551 : vector<16xf32> to vector<1x1x16xf32>
    tpu.vector_store %arg7[%swap3A_554, %swap3A_555, %swap3A_556], %swap3A_559 {strides = array<i32>} : memref<16x128x16xf32, #tpu.memory_space<vmem>>, vector<1x1x16xf32>,
    %broadcast_in_dim3A_560 = arith.constant 0.000000e+00 : f32
    %broadcast_in_dim3A_561 = vector.broadcast %broadcast_in_dim3A_560 : f32 to vector<16xf32>
    %swap3A_562 = arith.constant 0 : i32
    %swap3A_563 = arith.constant 56 : i32
    %swap3A_564 = arith.index_cast %swap3A_562 : i32 to index
    %swap3A_565 = arith.index_cast %swap3A_563 : i32 to index
    %swap3A_566 = arith.constant 0 : index
    %swap3A_567 = tpu.vector_load %arg7[%swap3A_564, %swap3A_565, %swap3A_566] {strides = array<i32>} : memref<16x128x16xf32, #tpu.memory_space<vmem>>, vector<1x1x16xf32>,
    %swap3A_568 = vector.shape_cast %swap3A_567 : vector<1x1x16xf32> to vector<16xf32>
    %swap3A_569 = vector.shape_cast %broadcast_in_dim3A_561 : vector<16xf32> to vector<1x1x16xf32>
    tpu.vector_store %arg7[%swap3A_564, %swap3A_565, %swap3A_566], %swap3A_569 {strides = array<i32>} : memref<16x128x16xf32, #tpu.memory_space<vmem>>, vector<1x1x16xf32>,
    %broadcast_in_dim3A_570 = arith.constant 0.000000e+00 : f32
    %broadcast_in_dim3A_571 = vector.broadcast %broadcast_in_dim3A_570 : f32 to vector<16xf32>
    %swap3A_572 = arith.constant 0 : i32
    %swap3A_573 = arith.constant 57 : i32
    %swap3A_574 = arith.index_cast %swap3A_572 : i32 to index
    %swap3A_575 = arith.index_cast %swap3A_573 : i32 to index
    %swap3A_576 = arith.constant 0 : index
    %swap3A_577 = tpu.vector_load %arg7[%swap3A_574, %swap3A_575, %swap3A_576] {strides = array<i32>} : memref<16x128x16xf32, #tpu.memory_space<vmem>>, vector<1x1x16xf32>,
    %swap3A_578 = vector.shape_cast %swap3A_577 : vector<1x1x16xf32> to vector<16xf32>
    %swap3A_579 = vector.shape_cast %broadcast_in_dim3A_571 : vector<16xf32> to vector<1x1x16xf32>
    tpu.vector_store %arg7[%swap3A_574, %swap3A_575, %swap3A_576], %swap3A_579 {strides = array<i32>} : memref<16x128x16xf32, #tpu.memory_space<vmem>>, vector<1x1x16xf32>,
    %broadcast_in_dim3A_580 = arith.constant 0.000000e+00 : f32
    %broadcast_in_dim3A_581 = vector.broadcast %broadcast_in_dim3A_580 : f32 to vector<16xf32>
    %swap3A_582 = arith.constant 0 : i32
    %swap3A_583 = arith.constant 58 : i32
    %swap3A_584 = arith.index_cast %swap3A_582 : i32 to index
    %swap3A_585 = arith.index_cast %swap3A_583 : i32 to index
    %swap3A_586 = arith.constant 0 : index
    %swap3A_587 = tpu.vector_load %arg7[%swap3A_584, %swap3A_585, %swap3A_586] {strides = array<i32>} : memref<16x128x16xf32, #tpu.memory_space<vmem>>, vector<1x1x16xf32>,
    %swap3A_588 = vector.shape_cast %swap3A_587 : vector<1x1x16xf32> to vector<16xf32>
    %swap3A_589 = vector.shape_cast %broadcast_in_dim3A_581 : vector<16xf32> to vector<1x1x16xf32>
    tpu.vector_store %arg7[%swap3A_584, %swap3A_585, %swap3A_586], %swap3A_589 {strides = array<i32>} : memref<16x128x16xf32, #tpu.memory_space<vmem>>, vector<1x1x16xf32>,
    %broadcast_in_dim3A_590 = arith.constant 0.000000e+00 : f32
    %broadcast_in_dim3A_591 = vector.broadcast %broadcast_in_dim3A_590 : f32 to vector<16xf32>
    %swap3A_592 = arith.constant 0 : i32
    %swap3A_593 = arith.constant 59 : i32
    %swap3A_594 = arith.index_cast %swap3A_592 : i32 to index
    %swap3A_595 = arith.index_cast %swap3A_593 : i32 to index
    %swap3A_596 = arith.constant 0 : index
    %swap3A_597 = tpu.vector_load %arg7[%swap3A_594, %swap3A_595, %swap3A_596] {strides = array<i32>} : memref<16x128x16xf32, #tpu.memory_space<vmem>>, vector<1x1x16xf32>,
    %swap3A_598 = vector.shape_cast %swap3A_597 : vector<1x1x16xf32> to vector<16xf32>
    %swap3A_599 = vector.shape_cast %broadcast_in_dim3A_591 : vector<16xf32> to vector<1x1x16xf32>
    tpu.vector_store %arg7[%swap3A_594, %swap3A_595, %swap3A_596], %swap3A_599 {strides = array<i32>} : memref<16x128x16xf32, #tpu.memory_space<vmem>>, vector<1x1x16xf32>,
    %broadcast_in_dim3A_600 = arith.constant 0.000000e+00 : f32
    %broadcast_in_dim3A_601 = vector.broadcast %broadcast_in_dim3A_600 : f32 to vector<16xf32>
    %swap3A_602 = arith.constant 0 : i32
    %swap3A_603 = arith.constant 60 : i32
    %swap3A_604 = arith.index_cast %swap3A_602 : i32 to index
    %swap3A_605 = arith.index_cast %swap3A_603 : i32 to index
    %swap3A_606 = arith.constant 0 : index
    %swap3A_607 = tpu.vector_load %arg7[%swap3A_604, %swap3A_605, %swap3A_606] {strides = array<i32>} : memref<16x128x16xf32, #tpu.memory_space<vmem>>, vector<1x1x16xf32>,
    %swap3A_608 = vector.shape_cast %swap3A_607 : vector<1x1x16xf32> to vector<16xf32>
    %swap3A_609 = vector.shape_cast %broadcast_in_dim3A_601 : vector<16xf32> to vector<1x1x16xf32>
    tpu.vector_store %arg7[%swap3A_604, %swap3A_605, %swap3A_606], %swap3A_609 {strides = array<i32>} : memref<16x128x16xf32, #tpu.memory_space<vmem>>, vector<1x1x16xf32>,
    %broadcast_in_dim3A_610 = arith.constant 0.000000e+00 : f32
    %broadcast_in_dim3A_611 = vector.broadcast %broadcast_in_dim3A_610 : f32 to vector<16xf32>
    %swap3A_612 = arith.constant 0 : i32
    %swap3A_613 = arith.constant 61 : i32
    %swap3A_614 = arith.index_cast %swap3A_612 : i32 to index
    %swap3A_615 = arith.index_cast %swap3A_613 : i32 to index
    %swap3A_616 = arith.constant 0 : index
    %swap3A_617 = tpu.vector_load %arg7[%swap3A_614, %swap3A_615, %swap3A_616] {strides = array<i32>} : memref<16x128x16xf32, #tpu.memory_space<vmem>>, vector<1x1x16xf32>,
    %swap3A_618 = vector.shape_cast %swap3A_617 : vector<1x1x16xf32> to vector<16xf32>
    %swap3A_619 = vector.shape_cast %broadcast_in_dim3A_611 : vector<16xf32> to vector<1x1x16xf32>
    tpu.vector_store %arg7[%swap3A_614, %swap3A_615, %swap3A_616], %swap3A_619 {strides = array<i32>} : memref<16x128x16xf32, #tpu.memory_space<vmem>>, vector<1x1x16xf32>,
    %broadcast_in_dim3A_620 = arith.constant 0.000000e+00 : f32
    %broadcast_in_dim3A_621 = vector.broadcast %broadcast_in_dim3A_620 : f32 to vector<16xf32>
    %swap3A_622 = arith.constant 0 : i32
    %swap3A_623 = arith.constant 62 : i32
    %swap3A_624 = arith.index_cast %swap3A_622 : i32 to index
    %swap3A_625 = arith.index_cast %swap3A_623 : i32 to index
    %swap3A_626 = arith.constant 0 : index
    %swap3A_627 = tpu.vector_load %arg7[%swap3A_624, %swap3A_625, %swap3A_626] {strides = array<i32>} : memref<16x128x16xf32, #tpu.memory_space<vmem>>, vector<1x1x16xf32>,
    %swap3A_628 = vector.shape_cast %swap3A_627 : vector<1x1x16xf32> to vector<16xf32>
    %swap3A_629 = vector.shape_cast %broadcast_in_dim3A_621 : vector<16xf32> to vector<1x1x16xf32>
    tpu.vector_store %arg7[%swap3A_624, %swap3A_625, %swap3A_626], %swap3A_629 {strides = array<i32>} : memref<16x128x16xf32, #tpu.memory_space<vmem>>, vector<1x1x16xf32>,
    %broadcast_in_dim3A_630 = arith.constant 0.000000e+00 : f32
    %broadcast_in_dim3A_631 = vector.broadcast %broadcast_in_dim3A_630 : f32 to vector<16xf32>
    %swap3A_632 = arith.constant 0 : i32
    %swap3A_633 = arith.constant 63 : i32
    %swap3A_634 = arith.index_cast %swap3A_632 : i32 to index
    %swap3A_635 = arith.index_cast %swap3A_633 : i32 to index
    %swap3A_636 = arith.constant 0 : index
    %swap3A_637 = tpu.vector_load %arg7[%swap3A_634, %swap3A_635, %swap3A_636] {strides = array<i32>} : memref<16x128x16xf32, #tpu.memory_space<vmem>>, vector<1x1x16xf32>,
    %swap3A_638 = vector.shape_cast %swap3A_637 : vector<1x1x16xf32> to vector<16xf32>
    %swap3A_639 = vector.shape_cast %broadcast_in_dim3A_631 : vector<16xf32> to vector<1x1x16xf32>
    tpu.vector_store %arg7[%swap3A_634, %swap3A_635, %swap3A_636], %swap3A_639 {strides = array<i32>} : memref<16x128x16xf32, #tpu.memory_space<vmem>>, vector<1x1x16xf32>,
    %broadcast_in_dim3A_640 = arith.constant 0.000000e+00 : f32
    %broadcast_in_dim3A_641 = vector.broadcast %broadcast_in_dim3A_640 : f32 to vector<16xf32>
    %swap3A_642 = arith.constant 0 : i32
    %swap3A_643 = arith.constant 64 : i32
    %swap3A_644 = arith.index_cast %swap3A_642 : i32 to index
    %swap3A_645 = arith.index_cast %swap3A_643 : i32 to index
    %swap3A_646 = arith.constant 0 : index
    %swap3A_647 = tpu.vector_load %arg7[%swap3A_644, %swap3A_645, %swap3A_646] {strides = array<i32>} : memref<16x128x16xf32, #tpu.memory_space<vmem>>, vector<1x1x16xf32>,
    %swap3A_648 = vector.shape_cast %swap3A_647 : vector<1x1x16xf32> to vector<16xf32>
    %swap3A_649 = vector.shape_cast %broadcast_in_dim3A_641 : vector<16xf32> to vector<1x1x16xf32>
    tpu.vector_store %arg7[%swap3A_644, %swap3A_645, %swap3A_646], %swap3A_649 {strides = array<i32>} : memref<16x128x16xf32, #tpu.memory_space<vmem>>, vector<1x1x16xf32>,
    %broadcast_in_dim3A_650 = arith.constant 0.000000e+00 : f32
    %broadcast_in_dim3A_651 = vector.broadcast %broadcast_in_dim3A_650 : f32 to vector<16xf32>
    %swap3A_652 = arith.constant 0 : i32
    %swap3A_653 = arith.constant 65 : i32
    %swap3A_654 = arith.index_cast %swap3A_652 : i32 to index
    %swap3A_655 = arith.index_cast %swap3A_653 : i32 to index
    %swap3A_656 = arith.constant 0 : index
    %swap3A_657 = tpu.vector_load %arg7[%swap3A_654, %swap3A_655, %swap3A_656] {strides = array<i32>} : memref<16x128x16xf32, #tpu.memory_space<vmem>>, vector<1x1x16xf32>,
    %swap3A_658 = vector.shape_cast %swap3A_657 : vector<1x1x16xf32> to vector<16xf32>
    %swap3A_659 = vector.shape_cast %broadcast_in_dim3A_651 : vector<16xf32> to vector<1x1x16xf32>
    tpu.vector_store %arg7[%swap3A_654, %swap3A_655, %swap3A_656], %swap3A_659 {strides = array<i32>} : memref<16x128x16xf32, #tpu.memory_space<vmem>>, vector<1x1x16xf32>,
    %broadcast_in_dim3A_660 = arith.constant 0.000000e+00 : f32
    %broadcast_in_dim3A_661 = vector.broadcast %broadcast_in_dim3A_660 : f32 to vector<16xf32>
    %swap3A_662 = arith.constant 0 : i32
    %swap3A_663 = arith.constant 66 : i32
    %swap3A_664 = arith.index_cast %swap3A_662 : i32 to index
    %swap3A_665 = arith.index_cast %swap3A_663 : i32 to index
    %swap3A_666 = arith.constant 0 : index
    %swap3A_667 = tpu.vector_load %arg7[%swap3A_664, %swap3A_665, %swap3A_666] {strides = array<i32>} : memref<16x128x16xf32, #tpu.memory_space<vmem>>, vector<1x1x16xf32>,
    %swap3A_668 = vector.shape_cast %swap3A_667 : vector<1x1x16xf32> to vector<16xf32>
    %swap3A_669 = vector.shape_cast %broadcast_in_dim3A_661 : vector<16xf32> to vector<1x1x16xf32>
    tpu.vector_store %arg7[%swap3A_664, %swap3A_665, %swap3A_666], %swap3A_669 {strides = array<i32>} : memref<16x128x16xf32, #tpu.memory_space<vmem>>, vector<1x1x16xf32>,
    %broadcast_in_dim3A_670 = arith.constant 0.000000e+00 : f32
    %broadcast_in_dim3A_671 = vector.broadcast %broadcast_in_dim3A_670 : f32 to vector<16xf32>
    %swap3A_672 = arith.constant 0 : i32
    %swap3A_673 = arith.constant 67 : i32
    %swap3A_674 = arith.index_cast %swap3A_672 : i32 to index
    %swap3A_675 = arith.index_cast %swap3A_673 : i32 to index
    %swap3A_676 = arith.constant 0 : index
    %swap3A_677 = tpu.vector_load %arg7[%swap3A_674, %swap3A_675, %swap3A_676] {strides = array<i32>} : memref<16x128x16xf32, #tpu.memory_space<vmem>>, vector<1x1x16xf32>,
    %swap3A_678 = vector.shape_cast %swap3A_677 : vector<1x1x16xf32> to vector<16xf32>
    %swap3A_679 = vector.shape_cast %broadcast_in_dim3A_671 : vector<16xf32> to vector<1x1x16xf32>
    tpu.vector_store %arg7[%swap3A_674, %swap3A_675, %swap3A_676], %swap3A_679 {strides = array<i32>} : memref<16x128x16xf32, #tpu.memory_space<vmem>>, vector<1x1x16xf32>,
    %broadcast_in_dim3A_680 = arith.constant 0.000000e+00 : f32
    %broadcast_in_dim3A_681 = vector.broadcast %broadcast_in_dim3A_680 : f32 to vector<16xf32>
    %swap3A_682 = arith.constant 0 : i32
    %swap3A_683 = arith.constant 68 : i32
    %swap3A_684 = arith.index_cast %swap3A_682 : i32 to index
    %swap3A_685 = arith.index_cast %swap3A_683 : i32 to index
    %swap3A_686 = arith.constant 0 : index
    %swap3A_687 = tpu.vector_load %arg7[%swap3A_684, %swap3A_685, %swap3A_686] {strides = array<i32>} : memref<16x128x16xf32, #tpu.memory_space<vmem>>, vector<1x1x16xf32>,
    %swap3A_688 = vector.shape_cast %swap3A_687 : vector<1x1x16xf32> to vector<16xf32>
    %swap3A_689 = vector.shape_cast %broadcast_in_dim3A_681 : vector<16xf32> to vector<1x1x16xf32>
    tpu.vector_store %arg7[%swap3A_684, %swap3A_685, %swap3A_686], %swap3A_689 {strides = array<i32>} : memref<16x128x16xf32, #tpu.memory_space<vmem>>, vector<1x1x16xf32>,
    %broadcast_in_dim3A_690 = arith.constant 0.000000e+00 : f32
    %broadcast_in_dim3A_691 = vector.broadcast %broadcast_in_dim3A_690 : f32 to vector<16xf32>
    %swap3A_692 = arith.constant 0 : i32
    %swap3A_693 = arith.constant 69 : i32
    %swap3A_694 = arith.index_cast %swap3A_692 : i32 to index
    %swap3A_695 = arith.index_cast %swap3A_693 : i32 to index
    %swap3A_696 = arith.constant 0 : index
    %swap3A_697 = tpu.vector_load %arg7[%swap3A_694, %swap3A_695, %swap3A_696] {strides = array<i32>} : memref<16x128x16xf32, #tpu.memory_space<vmem>>, vector<1x1x16xf32>,
    %swap3A_698 = vector.shape_cast %swap3A_697 : vector<1x1x16xf32> to vector<16xf32>
    %swap3A_699 = vector.shape_cast %broadcast_in_dim3A_691 : vector<16xf32> to vector<1x1x16xf32>
    tpu.vector_store %arg7[%swap3A_694, %swap3A_695, %swap3A_696], %swap3A_699 {strides = array<i32>} : memref<16x128x16xf32, #tpu.memory_space<vmem>>, vector<1x1x16xf32>,
    %broadcast_in_dim3A_700 = arith.constant 0.000000e+00 : f32
    %broadcast_in_dim3A_701 = vector.broadcast %broadcast_in_dim3A_700 : f32 to vector<16xf32>
    %swap3A_702 = arith.constant 0 : i32
    %swap3A_703 = arith.constant 70 : i32
    %swap3A_704 = arith.index_cast %swap3A_702 : i32 to index
    %swap3A_705 = arith.index_cast %swap3A_703 : i32 to index
    %swap3A_706 = arith.constant 0 : index
    %swap3A_707 = tpu.vector_load %arg7[%swap3A_704, %swap3A_705, %swap3A_706] {strides = array<i32>} : memref<16x128x16xf32, #tpu.memory_space<vmem>>, vector<1x1x16xf32>,
    %swap3A_708 = vector.shape_cast %swap3A_707 : vector<1x1x16xf32> to vector<16xf32>
    %swap3A_709 = vector.shape_cast %broadcast_in_dim3A_701 : vector<16xf32> to vector<1x1x16xf32>
    tpu.vector_store %arg7[%swap3A_704, %swap3A_705, %swap3A_706], %swap3A_709 {strides = array<i32>} : memref<16x128x16xf32, #tpu.memory_space<vmem>>, vector<1x1x16xf32>,
    %broadcast_in_dim3A_710 = arith.constant 0.000000e+00 : f32
    %broadcast_in_dim3A_711 = vector.broadcast %broadcast_in_dim3A_710 : f32 to vector<16xf32>
    %swap3A_712 = arith.constant 0 : i32
    %swap3A_713 = arith.constant 71 : i32
    %swap3A_714 = arith.index_cast %swap3A_712 : i32 to index
    %swap3A_715 = arith.index_cast %swap3A_713 : i32 to index
    %swap3A_716 = arith.constant 0 : index
    %swap3A_717 = tpu.vector_load %arg7[%swap3A_714, %swap3A_715, %swap3A_716] {strides = array<i32>} : memref<16x128x16xf32, #tpu.memory_space<vmem>>, vector<1x1x16xf32>,
    %swap3A_718 = vector.shape_cast %swap3A_717 : vector<1x1x16xf32> to vector<16xf32>
    %swap3A_719 = vector.shape_cast %broadcast_in_dim3A_711 : vector<16xf32> to vector<1x1x16xf32>
    tpu.vector_store %arg7[%swap3A_714, %swap3A_715, %swap3A_716], %swap3A_719 {strides = array<i32>} : memref<16x128x16xf32, #tpu.memory_space<vmem>>, vector<1x1x16xf32>,
    %broadcast_in_dim3A_720 = arith.constant 0.000000e+00 : f32
    %broadcast_in_dim3A_721 = vector.broadcast %broadcast_in_dim3A_720 : f32 to vector<16xf32>
    %swap3A_722 = arith.constant 0 : i32
    %swap3A_723 = arith.constant 72 : i32
    %swap3A_724 = arith.index_cast %swap3A_722 : i32 to index
    %swap3A_725 = arith.index_cast %swap3A_723 : i32 to index
    %swap3A_726 = arith.constant 0 : index
    %swap3A_727 = tpu.vector_load %arg7[%swap3A_724, %swap3A_725, %swap3A_726] {strides = array<i32>} : memref<16x128x16xf32, #tpu.memory_space<vmem>>, vector<1x1x16xf32>,
    %swap3A_728 = vector.shape_cast %swap3A_727 : vector<1x1x16xf32> to vector<16xf32>
    %swap3A_729 = vector.shape_cast %broadcast_in_dim3A_721 : vector<16xf32> to vector<1x1x16xf32>
    tpu.vector_store %arg7[%swap3A_724, %swap3A_725, %swap3A_726], %swap3A_729 {strides = array<i32>} : memref<16x128x16xf32, #tpu.memory_space<vmem>>, vector<1x1x16xf32>,
    %broadcast_in_dim3A_730 = arith.constant 0.000000e+00 : f32
    %broadcast_in_dim3A_731 = vector.broadcast %broadcast_in_dim3A_730 : f32 to vector<16xf32>
    %swap3A_732 = arith.constant 0 : i32
    %swap3A_733 = arith.constant 73 : i32
    %swap3A_734 = arith.index_cast %swap3A_732 : i32 to index
    %swap3A_735 = arith.index_cast %swap3A_733 : i32 to index
    %swap3A_736 = arith.constant 0 : index
    %swap3A_737 = tpu.vector_load %arg7[%swap3A_734, %swap3A_735, %swap3A_736] {strides = array<i32>} : memref<16x128x16xf32, #tpu.memory_space<vmem>>, vector<1x1x16xf32>,
    %swap3A_738 = vector.shape_cast %swap3A_737 : vector<1x1x16xf32> to vector<16xf32>
    %swap3A_739 = vector.shape_cast %broadcast_in_dim3A_731 : vector<16xf32> to vector<1x1x16xf32>
    tpu.vector_store %arg7[%swap3A_734, %swap3A_735, %swap3A_736], %swap3A_739 {strides = array<i32>} : memref<16x128x16xf32, #tpu.memory_space<vmem>>, vector<1x1x16xf32>,
    %broadcast_in_dim3A_740 = arith.constant 0.000000e+00 : f32
    %broadcast_in_dim3A_741 = vector.broadcast %broadcast_in_dim3A_740 : f32 to vector<16xf32>
    %swap3A_742 = arith.constant 0 : i32
    %swap3A_743 = arith.constant 74 : i32
    %swap3A_744 = arith.index_cast %swap3A_742 : i32 to index
    %swap3A_745 = arith.index_cast %swap3A_743 : i32 to index
    %swap3A_746 = arith.constant 0 : index
    %swap3A_747 = tpu.vector_load %arg7[%swap3A_744, %swap3A_745, %swap3A_746] {strides = array<i32>} : memref<16x128x16xf32, #tpu.memory_space<vmem>>, vector<1x1x16xf32>,
    %swap3A_748 = vector.shape_cast %swap3A_747 : vector<1x1x16xf32> to vector<16xf32>
    %swap3A_749 = vector.shape_cast %broadcast_in_dim3A_741 : vector<16xf32> to vector<1x1x16xf32>
    tpu.vector_store %arg7[%swap3A_744, %swap3A_745, %swap3A_746], %swap3A_749 {strides = array<i32>} : memref<16x128x16xf32, #tpu.memory_space<vmem>>, vector<1x1x16xf32>,
    %broadcast_in_dim3A_750 = arith.constant 0.000000e+00 : f32
    %broadcast_in_dim3A_751 = vector.broadcast %broadcast_in_dim3A_750 : f32 to vector<16xf32>
    %swap3A_752 = arith.constant 0 : i32
    %swap3A_753 = arith.constant 75 : i32
    %swap3A_754 = arith.index_cast %swap3A_752 : i32 to index
    %swap3A_755 = arith.index_cast %swap3A_753 : i32 to index
    %swap3A_756 = arith.constant 0 : index
    %swap3A_757 = tpu.vector_load %arg7[%swap3A_754, %swap3A_755, %swap3A_756] {strides = array<i32>} : memref<16x128x16xf32, #tpu.memory_space<vmem>>, vector<1x1x16xf32>,
    %swap3A_758 = vector.shape_cast %swap3A_757 : vector<1x1x16xf32> to vector<16xf32>
    %swap3A_759 = vector.shape_cast %broadcast_in_dim3A_751 : vector<16xf32> to vector<1x1x16xf32>
    tpu.vector_store %arg7[%swap3A_754, %swap3A_755, %swap3A_756], %swap3A_759 {strides = array<i32>} : memref<16x128x16xf32, #tpu.memory_space<vmem>>, vector<1x1x16xf32>,
    %broadcast_in_dim3A_760 = arith.constant 0.000000e+00 : f32
    %broadcast_in_dim3A_761 = vector.broadcast %broadcast_in_dim3A_760 : f32 to vector<16xf32>
    %swap3A_762 = arith.constant 0 : i32
    %swap3A_763 = arith.constant 76 : i32
    %swap3A_764 = arith.index_cast %swap3A_762 : i32 to index
    %swap3A_765 = arith.index_cast %swap3A_763 : i32 to index
    %swap3A_766 = arith.constant 0 : index
    %swap3A_767 = tpu.vector_load %arg7[%swap3A_764, %swap3A_765, %swap3A_766] {strides = array<i32>} : memref<16x128x16xf32, #tpu.memory_space<vmem>>, vector<1x1x16xf32>,
    %swap3A_768 = vector.shape_cast %swap3A_767 : vector<1x1x16xf32> to vector<16xf32>
    %swap3A_769 = vector.shape_cast %broadcast_in_dim3A_761 : vector<16xf32> to vector<1x1x16xf32>
    tpu.vector_store %arg7[%swap3A_764, %swap3A_765, %swap3A_766], %swap3A_769 {strides = array<i32>} : memref<16x128x16xf32, #tpu.memory_space<vmem>>, vector<1x1x16xf32>,
    %broadcast_in_dim3A_770 = arith.constant 0.000000e+00 : f32
    %broadcast_in_dim3A_771 = vector.broadcast %broadcast_in_dim3A_770 : f32 to vector<16xf32>
    %swap3A_772 = arith.constant 0 : i32
    %swap3A_773 = arith.constant 77 : i32
    %swap3A_774 = arith.index_cast %swap3A_772 : i32 to index
    %swap3A_775 = arith.index_cast %swap3A_773 : i32 to index
    %swap3A_776 = arith.constant 0 : index
    %swap3A_777 = tpu.vector_load %arg7[%swap3A_774, %swap3A_775, %swap3A_776] {strides = array<i32>} : memref<16x128x16xf32, #tpu.memory_space<vmem>>, vector<1x1x16xf32>,
    %swap3A_778 = vector.shape_cast %swap3A_777 : vector<1x1x16xf32> to vector<16xf32>
    %swap3A_779 = vector.shape_cast %broadcast_in_dim3A_771 : vector<16xf32> to vector<1x1x16xf32>
    tpu.vector_store %arg7[%swap3A_774, %swap3A_775, %swap3A_776], %swap3A_779 {strides = array<i32>} : memref<16x128x16xf32, #tpu.memory_space<vmem>>, vector<1x1x16xf32>,
    %broadcast_in_dim3A_780 = arith.constant 0.000000e+00 : f32
    %broadcast_in_dim3A_781 = vector.broadcast %broadcast_in_dim3A_780 : f32 to vector<16xf32>
    %swap3A_782 = arith.constant 0 : i32
    %swap3A_783 = arith.constant 78 : i32
    %swap3A_784 = arith.index_cast %swap3A_782 : i32 to index
    %swap3A_785 = arith.index_cast %swap3A_783 : i32 to index
    %swap3A_786 = arith.constant 0 : index
    %swap3A_787 = tpu.vector_load %arg7[%swap3A_784, %swap3A_785, %swap3A_786] {strides = array<i32>} : memref<16x128x16xf32, #tpu.memory_space<vmem>>, vector<1x1x16xf32>,
    %swap3A_788 = vector.shape_cast %swap3A_787 : vector<1x1x16xf32> to vector<16xf32>
    %swap3A_789 = vector.shape_cast %broadcast_in_dim3A_781 : vector<16xf32> to vector<1x1x16xf32>
    tpu.vector_store %arg7[%swap3A_784, %swap3A_785, %swap3A_786], %swap3A_789 {strides = array<i32>} : memref<16x128x16xf32, #tpu.memory_space<vmem>>, vector<1x1x16xf32>,
    %broadcast_in_dim3A_790 = arith.constant 0.000000e+00 : f32
    %broadcast_in_dim3A_791 = vector.broadcast %broadcast_in_dim3A_790 : f32 to vector<16xf32>
    %swap3A_792 = arith.constant 0 : i32
    %swap3A_793 = arith.constant 79 : i32
    %swap3A_794 = arith.index_cast %swap3A_792 : i32 to index
    %swap3A_795 = arith.index_cast %swap3A_793 : i32 to index
    %swap3A_796 = arith.constant 0 : index
    %swap3A_797 = tpu.vector_load %arg7[%swap3A_794, %swap3A_795, %swap3A_796] {strides = array<i32>} : memref<16x128x16xf32, #tpu.memory_space<vmem>>, vector<1x1x16xf32>,
    %swap3A_798 = vector.shape_cast %swap3A_797 : vector<1x1x16xf32> to vector<16xf32>
    %swap3A_799 = vector.shape_cast %broadcast_in_dim3A_791 : vector<16xf32> to vector<1x1x16xf32>
    tpu.vector_store %arg7[%swap3A_794, %swap3A_795, %swap3A_796], %swap3A_799 {strides = array<i32>} : memref<16x128x16xf32, #tpu.memory_space<vmem>>, vector<1x1x16xf32>,
    %broadcast_in_dim3A_800 = arith.constant 0.000000e+00 : f32
    %broadcast_in_dim3A_801 = vector.broadcast %broadcast_in_dim3A_800 : f32 to vector<16xf32>
    %swap3A_802 = arith.constant 0 : i32
    %swap3A_803 = arith.constant 80 : i32
    %swap3A_804 = arith.index_cast %swap3A_802 : i32 to index
    %swap3A_805 = arith.index_cast %swap3A_803 : i32 to index
    %swap3A_806 = arith.constant 0 : index
    %swap3A_807 = tpu.vector_load %arg7[%swap3A_804, %swap3A_805, %swap3A_806] {strides = array<i32>} : memref<16x128x16xf32, #tpu.memory_space<vmem>>, vector<1x1x16xf32>,
    %swap3A_808 = vector.shape_cast %swap3A_807 : vector<1x1x16xf32> to vector<16xf32>
    %swap3A_809 = vector.shape_cast %broadcast_in_dim3A_801 : vector<16xf32> to vector<1x1x16xf32>
    tpu.vector_store %arg7[%swap3A_804, %swap3A_805, %swap3A_806], %swap3A_809 {strides = array<i32>} : memref<16x128x16xf32, #tpu.memory_space<vmem>>, vector<1x1x16xf32>,
    %broadcast_in_dim3A_810 = arith.constant 0.000000e+00 : f32
    %broadcast_in_dim3A_811 = vector.broadcast %broadcast_in_dim3A_810 : f32 to vector<16xf32>
    %swap3A_812 = arith.constant 0 : i32
    %swap3A_813 = arith.constant 81 : i32
    %swap3A_814 = arith.index_cast %swap3A_812 : i32 to index
    %swap3A_815 = arith.index_cast %swap3A_813 : i32 to index
    %swap3A_816 = arith.constant 0 : index
    %swap3A_817 = tpu.vector_load %arg7[%swap3A_814, %swap3A_815, %swap3A_816] {strides = array<i32>} : memref<16x128x16xf32, #tpu.memory_space<vmem>>, vector<1x1x16xf32>,
    %swap3A_818 = vector.shape_cast %swap3A_817 : vector<1x1x16xf32> to vector<16xf32>
    %swap3A_819 = vector.shape_cast %broadcast_in_dim3A_811 : vector<16xf32> to vector<1x1x16xf32>
    tpu.vector_store %arg7[%swap3A_814, %swap3A_815, %swap3A_816], %swap3A_819 {strides = array<i32>} : memref<16x128x16xf32, #tpu.memory_space<vmem>>, vector<1x1x16xf32>,
    %broadcast_in_dim3A_820 = arith.constant 0.000000e+00 : f32
    %broadcast_in_dim3A_821 = vector.broadcast %broadcast_in_dim3A_820 : f32 to vector<16xf32>
    %swap3A_822 = arith.constant 0 : i32
    %swap3A_823 = arith.constant 82 : i32
    %swap3A_824 = arith.index_cast %swap3A_822 : i32 to index
    %swap3A_825 = arith.index_cast %swap3A_823 : i32 to index
    %swap3A_826 = arith.constant 0 : index
    %swap3A_827 = tpu.vector_load %arg7[%swap3A_824, %swap3A_825, %swap3A_826] {strides = array<i32>} : memref<16x128x16xf32, #tpu.memory_space<vmem>>, vector<1x1x16xf32>,
    %swap3A_828 = vector.shape_cast %swap3A_827 : vector<1x1x16xf32> to vector<16xf32>
    %swap3A_829 = vector.shape_cast %broadcast_in_dim3A_821 : vector<16xf32> to vector<1x1x16xf32>
    tpu.vector_store %arg7[%swap3A_824, %swap3A_825, %swap3A_826], %swap3A_829 {strides = array<i32>} : memref<16x128x16xf32, #tpu.memory_space<vmem>>, vector<1x1x16xf32>,
    %broadcast_in_dim3A_830 = arith.constant 0.000000e+00 : f32
    %broadcast_in_dim3A_831 = vector.broadcast %broadcast_in_dim3A_830 : f32 to vector<16xf32>
    %swap3A_832 = arith.constant 0 : i32
    %swap3A_833 = arith.constant 83 : i32
    %swap3A_834 = arith.index_cast %swap3A_832 : i32 to index
    %swap3A_835 = arith.index_cast %swap3A_833 : i32 to index
    %swap3A_836 = arith.constant 0 : index
    %swap3A_837 = tpu.vector_load %arg7[%swap3A_834, %swap3A_835, %swap3A_836] {strides = array<i32>} : memref<16x128x16xf32, #tpu.memory_space<vmem>>, vector<1x1x16xf32>,
    %swap3A_838 = vector.shape_cast %swap3A_837 : vector<1x1x16xf32> to vector<16xf32>
    %swap3A_839 = vector.shape_cast %broadcast_in_dim3A_831 : vector<16xf32> to vector<1x1x16xf32>
    tpu.vector_store %arg7[%swap3A_834, %swap3A_835, %swap3A_836], %swap3A_839 {strides = array<i32>} : memref<16x128x16xf32, #tpu.memory_space<vmem>>, vector<1x1x16xf32>,
    %broadcast_in_dim3A_840 = arith.constant 0.000000e+00 : f32
    %broadcast_in_dim3A_841 = vector.broadcast %broadcast_in_dim3A_840 : f32 to vector<16xf32>
    %swap3A_842 = arith.constant 0 : i32
    %swap3A_843 = arith.constant 84 : i32
    %swap3A_844 = arith.index_cast %swap3A_842 : i32 to index
    %swap3A_845 = arith.index_cast %swap3A_843 : i32 to index
    %swap3A_846 = arith.constant 0 : index
    %swap3A_847 = tpu.vector_load %arg7[%swap3A_844, %swap3A_845, %swap3A_846] {strides = array<i32>} : memref<16x128x16xf32, #tpu.memory_space<vmem>>, vector<1x1x16xf32>,
    %swap3A_848 = vector.shape_cast %swap3A_847 : vector<1x1x16xf32> to vector<16xf32>
    %swap3A_849 = vector.shape_cast %broadcast_in_dim3A_841 : vector<16xf32> to vector<1x1x16xf32>
    tpu.vector_store %arg7[%swap3A_844, %swap3A_845, %swap3A_846], %swap3A_849 {strides = array<i32>} : memref<16x128x16xf32, #tpu.memory_space<vmem>>, vector<1x1x16xf32>,
    %broadcast_in_dim3A_850 = arith.constant 0.000000e+00 : f32
    %broadcast_in_dim3A_851 = vector.broadcast %broadcast_in_dim3A_850 : f32 to vector<16xf32>
    %swap3A_852 = arith.constant 0 : i32
    %swap3A_853 = arith.constant 85 : i32
    %swap3A_854 = arith.index_cast %swap3A_852 : i32 to index
    %swap3A_855 = arith.index_cast %swap3A_853 : i32 to index
    %swap3A_856 = arith.constant 0 : index
    %swap3A_857 = tpu.vector_load %arg7[%swap3A_854, %swap3A_855, %swap3A_856] {strides = array<i32>} : memref<16x128x16xf32, #tpu.memory_space<vmem>>, vector<1x1x16xf32>,
    %swap3A_858 = vector.shape_cast %swap3A_857 : vector<1x1x16xf32> to vector<16xf32>
    %swap3A_859 = vector.shape_cast %broadcast_in_dim3A_851 : vector<16xf32> to vector<1x1x16xf32>
    tpu.vector_store %arg7[%swap3A_854, %swap3A_855, %swap3A_856], %swap3A_859 {strides = array<i32>} : memref<16x128x16xf32, #tpu.memory_space<vmem>>, vector<1x1x16xf32>,
    %broadcast_in_dim3A_860 = arith.constant 0.000000e+00 : f32
    %broadcast_in_dim3A_861 = vector.broadcast %broadcast_in_dim3A_860 : f32 to vector<16xf32>
    %swap3A_862 = arith.constant 0 : i32
    %swap3A_863 = arith.constant 86 : i32
    %swap3A_864 = arith.index_cast %swap3A_862 : i32 to index
    %swap3A_865 = arith.index_cast %swap3A_863 : i32 to index
    %swap3A_866 = arith.constant 0 : index
    %swap3A_867 = tpu.vector_load %arg7[%swap3A_864, %swap3A_865, %swap3A_866] {strides = array<i32>} : memref<16x128x16xf32, #tpu.memory_space<vmem>>, vector<1x1x16xf32>,
    %swap3A_868 = vector.shape_cast %swap3A_867 : vector<1x1x16xf32> to vector<16xf32>
    %swap3A_869 = vector.shape_cast %broadcast_in_dim3A_861 : vector<16xf32> to vector<1x1x16xf32>
    tpu.vector_store %arg7[%swap3A_864, %swap3A_865, %swap3A_866], %swap3A_869 {strides = array<i32>} : memref<16x128x16xf32, #tpu.memory_space<vmem>>, vector<1x1x16xf32>,
    %broadcast_in_dim3A_870 = arith.constant 0.000000e+00 : f32
    %broadcast_in_dim3A_871 = vector.broadcast %broadcast_in_dim3A_870 : f32 to vector<16xf32>
    %swap3A_872 = arith.constant 0 : i32
    %swap3A_873 = arith.constant 87 : i32
    %swap3A_874 = arith.index_cast %swap3A_872 : i32 to index
    %swap3A_875 = arith.index_cast %swap3A_873 : i32 to index
    %swap3A_876 = arith.constant 0 : index
    %swap3A_877 = tpu.vector_load %arg7[%swap3A_874, %swap3A_875, %swap3A_876] {strides = array<i32>} : memref<16x128x16xf32, #tpu.memory_space<vmem>>, vector<1x1x16xf32>,
    %swap3A_878 = vector.shape_cast %swap3A_877 : vector<1x1x16xf32> to vector<16xf32>
    %swap3A_879 = vector.shape_cast %broadcast_in_dim3A_871 : vector<16xf32> to vector<1x1x16xf32>
    tpu.vector_store %arg7[%swap3A_874, %swap3A_875, %swap3A_876], %swap3A_879 {strides = array<i32>} : memref<16x128x16xf32, #tpu.memory_space<vmem>>, vector<1x1x16xf32>,
    %broadcast_in_dim3A_880 = arith.constant 0.000000e+00 : f32
    %broadcast_in_dim3A_881 = vector.broadcast %broadcast_in_dim3A_880 : f32 to vector<16xf32>
    %swap3A_882 = arith.constant 0 : i32
    %swap3A_883 = arith.constant 88 : i32
    %swap3A_884 = arith.index_cast %swap3A_882 : i32 to index
    %swap3A_885 = arith.index_cast %swap3A_883 : i32 to index
    %swap3A_886 = arith.constant 0 : index
    %swap3A_887 = tpu.vector_load %arg7[%swap3A_884, %swap3A_885, %swap3A_886] {strides = array<i32>} : memref<16x128x16xf32, #tpu.memory_space<vmem>>, vector<1x1x16xf32>,
    %swap3A_888 = vector.shape_cast %swap3A_887 : vector<1x1x16xf32> to vector<16xf32>
    %swap3A_889 = vector.shape_cast %broadcast_in_dim3A_881 : vector<16xf32> to vector<1x1x16xf32>
    tpu.vector_store %arg7[%swap3A_884, %swap3A_885, %swap3A_886], %swap3A_889 {strides = array<i32>} : memref<16x128x16xf32, #tpu.memory_space<vmem>>, vector<1x1x16xf32>,
    %broadcast_in_dim3A_890 = arith.constant 0.000000e+00 : f32
    %broadcast_in_dim3A_891 = vector.broadcast %broadcast_in_dim3A_890 : f32 to vector<16xf32>
    %swap3A_892 = arith.constant 0 : i32
    %swap3A_893 = arith.constant 89 : i32
    %swap3A_894 = arith.index_cast %swap3A_892 : i32 to index
    %swap3A_895 = arith.index_cast %swap3A_893 : i32 to index
    %swap3A_896 = arith.constant 0 : index
    %swap3A_897 = tpu.vector_load %arg7[%swap3A_894, %swap3A_895, %swap3A_896] {strides = array<i32>} : memref<16x128x16xf32, #tpu.memory_space<vmem>>, vector<1x1x16xf32>,
    %swap3A_898 = vector.shape_cast %swap3A_897 : vector<1x1x16xf32> to vector<16xf32>
    %swap3A_899 = vector.shape_cast %broadcast_in_dim3A_891 : vector<16xf32> to vector<1x1x16xf32>
    tpu.vector_store %arg7[%swap3A_894, %swap3A_895, %swap3A_896], %swap3A_899 {strides = array<i32>} : memref<16x128x16xf32, #tpu.memory_space<vmem>>, vector<1x1x16xf32>,
    %broadcast_in_dim3A_900 = arith.constant 0.000000e+00 : f32
    %broadcast_in_dim3A_901 = vector.broadcast %broadcast_in_dim3A_900 : f32 to vector<16xf32>
    %swap3A_902 = arith.constant 0 : i32
    %swap3A_903 = arith.constant 90 : i32
    %swap3A_904 = arith.index_cast %swap3A_902 : i32 to index
    %swap3A_905 = arith.index_cast %swap3A_903 : i32 to index
    %swap3A_906 = arith.constant 0 : index
    %swap3A_907 = tpu.vector_load %arg7[%swap3A_904, %swap3A_905, %swap3A_906] {strides = array<i32>} : memref<16x128x16xf32, #tpu.memory_space<vmem>>, vector<1x1x16xf32>,
    %swap3A_908 = vector.shape_cast %swap3A_907 : vector<1x1x16xf32> to vector<16xf32>
    %swap3A_909 = vector.shape_cast %broadcast_in_dim3A_901 : vector<16xf32> to vector<1x1x16xf32>
    tpu.vector_store %arg7[%swap3A_904, %swap3A_905, %swap3A_906], %swap3A_909 {strides = array<i32>} : memref<16x128x16xf32, #tpu.memory_space<vmem>>, vector<1x1x16xf32>,
    %broadcast_in_dim3A_910 = arith.constant 0.000000e+00 : f32
    %broadcast_in_dim3A_911 = vector.broadcast %broadcast_in_dim3A_910 : f32 to vector<16xf32>
    %swap3A_912 = arith.constant 0 : i32
    %swap3A_913 = arith.constant 91 : i32
    %swap3A_914 = arith.index_cast %swap3A_912 : i32 to index
    %swap3A_915 = arith.index_cast %swap3A_913 : i32 to index
    %swap3A_916 = arith.constant 0 : index
    %swap3A_917 = tpu.vector_load %arg7[%swap3A_914, %swap3A_915, %swap3A_916] {strides = array<i32>} : memref<16x128x16xf32, #tpu.memory_space<vmem>>, vector<1x1x16xf32>,
    %swap3A_918 = vector.shape_cast %swap3A_917 : vector<1x1x16xf32> to vector<16xf32>
    %swap3A_919 = vector.shape_cast %broadcast_in_dim3A_911 : vector<16xf32> to vector<1x1x16xf32>
    tpu.vector_store %arg7[%swap3A_914, %swap3A_915, %swap3A_916], %swap3A_919 {strides = array<i32>} : memref<16x128x16xf32, #tpu.memory_space<vmem>>, vector<1x1x16xf32>,
    %broadcast_in_dim3A_920 = arith.constant 0.000000e+00 : f32
    %broadcast_in_dim3A_921 = vector.broadcast %broadcast_in_dim3A_920 : f32 to vector<16xf32>
    %swap3A_922 = arith.constant 0 : i32
    %swap3A_923 = arith.constant 92 : i32
    %swap3A_924 = arith.index_cast %swap3A_922 : i32 to index
    %swap3A_925 = arith.index_cast %swap3A_923 : i32 to index
    %swap3A_926 = arith.constant 0 : index
    %swap3A_927 = tpu.vector_load %arg7[%swap3A_924, %swap3A_925, %swap3A_926] {strides = array<i32>} : memref<16x128x16xf32, #tpu.memory_space<vmem>>, vector<1x1x16xf32>,
    %swap3A_928 = vector.shape_cast %swap3A_927 : vector<1x1x16xf32> to vector<16xf32>
    %swap3A_929 = vector.shape_cast %broadcast_in_dim3A_921 : vector<16xf32> to vector<1x1x16xf32>
    tpu.vector_store %arg7[%swap3A_924, %swap3A_925, %swap3A_926], %swap3A_929 {strides = array<i32>} : memref<16x128x16xf32, #tpu.memory_space<vmem>>, vector<1x1x16xf32>,
    %broadcast_in_dim3A_930 = arith.constant 0.000000e+00 : f32
    %broadcast_in_dim3A_931 = vector.broadcast %broadcast_in_dim3A_930 : f32 to vector<16xf32>
    %swap3A_932 = arith.constant 0 : i32
    %swap3A_933 = arith.constant 93 : i32
    %swap3A_934 = arith.index_cast %swap3A_932 : i32 to index
    %swap3A_935 = arith.index_cast %swap3A_933 : i32 to index
    %swap3A_936 = arith.constant 0 : index
    %swap3A_937 = tpu.vector_load %arg7[%swap3A_934, %swap3A_935, %swap3A_936] {strides = array<i32>} : memref<16x128x16xf32, #tpu.memory_space<vmem>>, vector<1x1x16xf32>,
    %swap3A_938 = vector.shape_cast %swap3A_937 : vector<1x1x16xf32> to vector<16xf32>
    %swap3A_939 = vector.shape_cast %broadcast_in_dim3A_931 : vector<16xf32> to vector<1x1x16xf32>
    tpu.vector_store %arg7[%swap3A_934, %swap3A_935, %swap3A_936], %swap3A_939 {strides = array<i32>} : memref<16x128x16xf32, #tpu.memory_space<vmem>>, vector<1x1x16xf32>,
    %broadcast_in_dim3A_940 = arith.constant 0.000000e+00 : f32
    %broadcast_in_dim3A_941 = vector.broadcast %broadcast_in_dim3A_940 : f32 to vector<16xf32>
    %swap3A_942 = arith.constant 0 : i32
    %swap3A_943 = arith.constant 94 : i32
    %swap3A_944 = arith.index_cast %swap3A_942 : i32 to index
    %swap3A_945 = arith.index_cast %swap3A_943 : i32 to index
    %swap3A_946 = arith.constant 0 : index
    %swap3A_947 = tpu.vector_load %arg7[%swap3A_944, %swap3A_945, %swap3A_946] {strides = array<i32>} : memref<16x128x16xf32, #tpu.memory_space<vmem>>, vector<1x1x16xf32>,
    %swap3A_948 = vector.shape_cast %swap3A_947 : vector<1x1x16xf32> to vector<16xf32>
    %swap3A_949 = vector.shape_cast %broadcast_in_dim3A_941 : vector<16xf32> to vector<1x1x16xf32>
    tpu.vector_store %arg7[%swap3A_944, %swap3A_945, %swap3A_946], %swap3A_949 {strides = array<i32>} : memref<16x128x16xf32, #tpu.memory_space<vmem>>, vector<1x1x16xf32>,
    %broadcast_in_dim3A_950 = arith.constant 0.000000e+00 : f32
    %broadcast_in_dim3A_951 = vector.broadcast %broadcast_in_dim3A_950 : f32 to vector<16xf32>
    %swap3A_952 = arith.constant 0 : i32
    %swap3A_953 = arith.constant 95 : i32
    %swap3A_954 = arith.index_cast %swap3A_952 : i32 to index
    %swap3A_955 = arith.index_cast %swap3A_953 : i32 to index
    %swap3A_956 = arith.constant 0 : index
    %swap3A_957 = tpu.vector_load %arg7[%swap3A_954, %swap3A_955, %swap3A_956] {strides = array<i32>} : memref<16x128x16xf32, #tpu.memory_space<vmem>>, vector<1x1x16xf32>,
    %swap3A_958 = vector.shape_cast %swap3A_957 : vector<1x1x16xf32> to vector<16xf32>
    %swap3A_959 = vector.shape_cast %broadcast_in_dim3A_951 : vector<16xf32> to vector<1x1x16xf32>
    tpu.vector_store %arg7[%swap3A_954, %swap3A_955, %swap3A_956], %swap3A_959 {strides = array<i32>} : memref<16x128x16xf32, #tpu.memory_space<vmem>>, vector<1x1x16xf32>,
    %broadcast_in_dim3A_960 = arith.constant 0.000000e+00 : f32
    %broadcast_in_dim3A_961 = vector.broadcast %broadcast_in_dim3A_960 : f32 to vector<16xf32>
    %swap3A_962 = arith.constant 0 : i32
    %swap3A_963 = arith.constant 96 : i32
    %swap3A_964 = arith.index_cast %swap3A_962 : i32 to index
    %swap3A_965 = arith.index_cast %swap3A_963 : i32 to index
    %swap3A_966 = arith.constant 0 : index
    %swap3A_967 = tpu.vector_load %arg7[%swap3A_964, %swap3A_965, %swap3A_966] {strides = array<i32>} : memref<16x128x16xf32, #tpu.memory_space<vmem>>, vector<1x1x16xf32>,
    %swap3A_968 = vector.shape_cast %swap3A_967 : vector<1x1x16xf32> to vector<16xf32>
    %swap3A_969 = vector.shape_cast %broadcast_in_dim3A_961 : vector<16xf32> to vector<1x1x16xf32>
    tpu.vector_store %arg7[%swap3A_964, %swap3A_965, %swap3A_966], %swap3A_969 {strides = array<i32>} : memref<16x128x16xf32, #tpu.memory_space<vmem>>, vector<1x1x16xf32>,
    %broadcast_in_dim3A_970 = arith.constant 0.000000e+00 : f32
    %broadcast_in_dim3A_971 = vector.broadcast %broadcast_in_dim3A_970 : f32 to vector<16xf32>
    %swap3A_972 = arith.constant 0 : i32
    %swap3A_973 = arith.constant 97 : i32
    %swap3A_974 = arith.index_cast %swap3A_972 : i32 to index
    %swap3A_975 = arith.index_cast %swap3A_973 : i32 to index
    %swap3A_976 = arith.constant 0 : index
    %swap3A_977 = tpu.vector_load %arg7[%swap3A_974, %swap3A_975, %swap3A_976] {strides = array<i32>} : memref<16x128x16xf32, #tpu.memory_space<vmem>>, vector<1x1x16xf32>,
    %swap3A_978 = vector.shape_cast %swap3A_977 : vector<1x1x16xf32> to vector<16xf32>
    %swap3A_979 = vector.shape_cast %broadcast_in_dim3A_971 : vector<16xf32> to vector<1x1x16xf32>
    tpu.vector_store %arg7[%swap3A_974, %swap3A_975, %swap3A_976], %swap3A_979 {strides = array<i32>} : memref<16x128x16xf32, #tpu.memory_space<vmem>>, vector<1x1x16xf32>,
    %broadcast_in_dim3A_980 = arith.constant 0.000000e+00 : f32
    %broadcast_in_dim3A_981 = vector.broadcast %broadcast_in_dim3A_980 : f32 to vector<16xf32>
    %swap3A_982 = arith.constant 0 : i32
    %swap3A_983 = arith.constant 98 : i32
    %swap3A_984 = arith.index_cast %swap3A_982 : i32 to index
    %swap3A_985 = arith.index_cast %swap3A_983 : i32 to index
    %swap3A_986 = arith.constant 0 : index
    %swap3A_987 = tpu.vector_load %arg7[%swap3A_984, %swap3A_985, %swap3A_986] {strides = array<i32>} : memref<16x128x16xf32, #tpu.memory_space<vmem>>, vector<1x1x16xf32>,
    %swap3A_988 = vector.shape_cast %swap3A_987 : vector<1x1x16xf32> to vector<16xf32>
    %swap3A_989 = vector.shape_cast %broadcast_in_dim3A_981 : vector<16xf32> to vector<1x1x16xf32>
    tpu.vector_store %arg7[%swap3A_984, %swap3A_985, %swap3A_986], %swap3A_989 {strides = array<i32>} : memref<16x128x16xf32, #tpu.memory_space<vmem>>, vector<1x1x16xf32>,
    %broadcast_in_dim3A_990 = arith.constant 0.000000e+00 : f32
    %broadcast_in_dim3A_991 = vector.broadcast %broadcast_in_dim3A_990 : f32 to vector<16xf32>
    %swap3A_992 = arith.constant 0 : i32
    %swap3A_993 = arith.constant 99 : i32
    %swap3A_994 = arith.index_cast %swap3A_992 : i32 to index
    %swap3A_995 = arith.index_cast %swap3A_993 : i32 to index
    %swap3A_996 = arith.constant 0 : index
    %swap3A_997 = tpu.vector_load %arg7[%swap3A_994, %swap3A_995, %swap3A_996] {strides = array<i32>} : memref<16x128x16xf32, #tpu.memory_space<vmem>>, vector<1x1x16xf32>,
    %swap3A_998 = vector.shape_cast %swap3A_997 : vector<1x1x16xf32> to vector<16xf32>
    %swap3A_999 = vector.shape_cast %broadcast_in_dim3A_991 : vector<16xf32> to vector<1x1x16xf32>
    tpu.vector_store %arg7[%swap3A_994, %swap3A_995, %swap3A_996], %swap3A_999 {strides = array<i32>} : memref<16x128x16xf32, #tpu.memory_space<vmem>>, vector<1x1x16xf32>,
    %broadcast_in_dim3A_1000 = arith.constant 0.000000e+00 : f32
    %broadcast_in_dim3A_1001 = vector.broadcast %broadcast_in_dim3A_1000 : f32 to vector<16xf32>
    %swap3A_1002 = arith.constant 0 : i32
    %swap3A_1003 = arith.constant 100 : i32
    %swap3A_1004 = arith.index_cast %swap3A_1002 : i32 to index
    %swap3A_1005 = arith.index_cast %swap3A_1003 : i32 to index
    %swap3A_1006 = arith.constant 0 : index
    %swap3A_1007 = tpu.vector_load %arg7[%swap3A_1004, %swap3A_1005, %swap3A_1006] {strides = array<i32>} : memref<16x128x16xf32, #tpu.memory_space<vmem>>, vector<1x1x16xf32>,
    %swap3A_1008 = vector.shape_cast %swap3A_1007 : vector<1x1x16xf32> to vector<16xf32>
    %swap3A_1009 = vector.shape_cast %broadcast_in_dim3A_1001 : vector<16xf32> to vector<1x1x16xf32>
    tpu.vector_store %arg7[%swap3A_1004, %swap3A_1005, %swap3A_1006], %swap3A_1009 {strides = array<i32>} : memref<16x128x16xf32, #tpu.memory_space<vmem>>, vector<1x1x16xf32>,
    %broadcast_in_dim3A_1010 = arith.constant 0.000000e+00 : f32
    %broadcast_in_dim3A_1011 = vector.broadcast %broadcast_in_dim3A_1010 : f32 to vector<16xf32>
    %swap3A_1012 = arith.constant 0 : i32
    %swap3A_1013 = arith.constant 101 : i32
    %swap3A_1014 = arith.index_cast %swap3A_1012 : i32 to index
    %swap3A_1015 = arith.index_cast %swap3A_1013 : i32 to index
    %swap3A_1016 = arith.constant 0 : index
    %swap3A_1017 = tpu.vector_load %arg7[%swap3A_1014, %swap3A_1015, %swap3A_1016] {strides = array<i32>} : memref<16x128x16xf32, #tpu.memory_space<vmem>>, vector<1x1x16xf32>,
    %swap3A_1018 = vector.shape_cast %swap3A_1017 : vector<1x1x16xf32> to vector<16xf32>
    %swap3A_1019 = vector.shape_cast %broadcast_in_dim3A_1011 : vector<16xf32> to vector<1x1x16xf32>
    tpu.vector_store %arg7[%swap3A_1014, %swap3A_1015, %swap3A_1016], %swap3A_1019 {strides = array<i32>} : memref<16x128x16xf32, #tpu.memory_space<vmem>>, vector<1x1x16xf32>,
    %broadcast_in_dim3A_1020 = arith.constant 0.000000e+00 : f32
    %broadcast_in_dim3A_1021 = vector.broadcast %broadcast_in_dim3A_1020 : f32 to vector<16xf32>
    %swap3A_1022 = arith.constant 0 : i32
    %swap3A_1023 = arith.constant 102 : i32
    %swap3A_1024 = arith.index_cast %swap3A_1022 : i32 to index
    %swap3A_1025 = arith.index_cast %swap3A_1023 : i32 to index
    %swap3A_1026 = arith.constant 0 : index
    %swap3A_1027 = tpu.vector_load %arg7[%swap3A_1024, %swap3A_1025, %swap3A_1026] {strides = array<i32>} : memref<16x128x16xf32, #tpu.memory_space<vmem>>, vector<1x1x16xf32>,
    %swap3A_1028 = vector.shape_cast %swap3A_1027 : vector<1x1x16xf32> to vector<16xf32>
    %swap3A_1029 = vector.shape_cast %broadcast_in_dim3A_1021 : vector<16xf32> to vector<1x1x16xf32>
    tpu.vector_store %arg7[%swap3A_1024, %swap3A_1025, %swap3A_1026], %swap3A_1029 {strides = array<i32>} : memref<16x128x16xf32, #tpu.memory_space<vmem>>, vector<1x1x16xf32>,
    %broadcast_in_dim3A_1030 = arith.constant 0.000000e+00 : f32
    %broadcast_in_dim3A_1031 = vector.broadcast %broadcast_in_dim3A_1030 : f32 to vector<16xf32>
    %swap3A_1032 = arith.constant 0 : i32
    %swap3A_1033 = arith.constant 103 : i32
    %swap3A_1034 = arith.index_cast %swap3A_1032 : i32 to index
    %swap3A_1035 = arith.index_cast %swap3A_1033 : i32 to index
    %swap3A_1036 = arith.constant 0 : index
    %swap3A_1037 = tpu.vector_load %arg7[%swap3A_1034, %swap3A_1035, %swap3A_1036] {strides = array<i32>} : memref<16x128x16xf32, #tpu.memory_space<vmem>>, vector<1x1x16xf32>,
    %swap3A_1038 = vector.shape_cast %swap3A_1037 : vector<1x1x16xf32> to vector<16xf32>
    %swap3A_1039 = vector.shape_cast %broadcast_in_dim3A_1031 : vector<16xf32> to vector<1x1x16xf32>
    tpu.vector_store %arg7[%swap3A_1034, %swap3A_1035, %swap3A_1036], %swap3A_1039 {strides = array<i32>} : memref<16x128x16xf32, #tpu.memory_space<vmem>>, vector<1x1x16xf32>,
    %broadcast_in_dim3A_1040 = arith.constant 0.000000e+00 : f32
    %broadcast_in_dim3A_1041 = vector.broadcast %broadcast_in_dim3A_1040 : f32 to vector<16xf32>
    %swap3A_1042 = arith.constant 0 : i32
    %swap3A_1043 = arith.constant 104 : i32
    %swap3A_1044 = arith.index_cast %swap3A_1042 : i32 to index
    %swap3A_1045 = arith.index_cast %swap3A_1043 : i32 to index
    %swap3A_1046 = arith.constant 0 : index
    %swap3A_1047 = tpu.vector_load %arg7[%swap3A_1044, %swap3A_1045, %swap3A_1046] {strides = array<i32>} : memref<16x128x16xf32, #tpu.memory_space<vmem>>, vector<1x1x16xf32>,
    %swap3A_1048 = vector.shape_cast %swap3A_1047 : vector<1x1x16xf32> to vector<16xf32>
    %swap3A_1049 = vector.shape_cast %broadcast_in_dim3A_1041 : vector<16xf32> to vector<1x1x16xf32>
    tpu.vector_store %arg7[%swap3A_1044, %swap3A_1045, %swap3A_1046], %swap3A_1049 {strides = array<i32>} : memref<16x128x16xf32, #tpu.memory_space<vmem>>, vector<1x1x16xf32>,
    %broadcast_in_dim3A_1050 = arith.constant 0.000000e+00 : f32
    %broadcast_in_dim3A_1051 = vector.broadcast %broadcast_in_dim3A_1050 : f32 to vector<16xf32>
    %swap3A_1052 = arith.constant 0 : i32
    %swap3A_1053 = arith.constant 105 : i32
    %swap3A_1054 = arith.index_cast %swap3A_1052 : i32 to index
    %swap3A_1055 = arith.index_cast %swap3A_1053 : i32 to index
    %swap3A_1056 = arith.constant 0 : index
    %swap3A_1057 = tpu.vector_load %arg7[%swap3A_1054, %swap3A_1055, %swap3A_1056] {strides = array<i32>} : memref<16x128x16xf32, #tpu.memory_space<vmem>>, vector<1x1x16xf32>,
    %swap3A_1058 = vector.shape_cast %swap3A_1057 : vector<1x1x16xf32> to vector<16xf32>
    %swap3A_1059 = vector.shape_cast %broadcast_in_dim3A_1051 : vector<16xf32> to vector<1x1x16xf32>
    tpu.vector_store %arg7[%swap3A_1054, %swap3A_1055, %swap3A_1056], %swap3A_1059 {strides = array<i32>} : memref<16x128x16xf32, #tpu.memory_space<vmem>>, vector<1x1x16xf32>,
    %broadcast_in_dim3A_1060 = arith.constant 0.000000e+00 : f32
    %broadcast_in_dim3A_1061 = vector.broadcast %broadcast_in_dim3A_1060 : f32 to vector<16xf32>
    %swap3A_1062 = arith.constant 0 : i32
    %swap3A_1063 = arith.constant 106 : i32
    %swap3A_1064 = arith.index_cast %swap3A_1062 : i32 to index
    %swap3A_1065 = arith.index_cast %swap3A_1063 : i32 to index
    %swap3A_1066 = arith.constant 0 : index
    %swap3A_1067 = tpu.vector_load %arg7[%swap3A_1064, %swap3A_1065, %swap3A_1066] {strides = array<i32>} : memref<16x128x16xf32, #tpu.memory_space<vmem>>, vector<1x1x16xf32>,
    %swap3A_1068 = vector.shape_cast %swap3A_1067 : vector<1x1x16xf32> to vector<16xf32>
    %swap3A_1069 = vector.shape_cast %broadcast_in_dim3A_1061 : vector<16xf32> to vector<1x1x16xf32>
    tpu.vector_store %arg7[%swap3A_1064, %swap3A_1065, %swap3A_1066], %swap3A_1069 {strides = array<i32>} : memref<16x128x16xf32, #tpu.memory_space<vmem>>, vector<1x1x16xf32>,
    %broadcast_in_dim3A_1070 = arith.constant 0.000000e+00 : f32
    %broadcast_in_dim3A_1071 = vector.broadcast %broadcast_in_dim3A_1070 : f32 to vector<16xf32>
    %swap3A_1072 = arith.constant 0 : i32
    %swap3A_1073 = arith.constant 107 : i32
    %swap3A_1074 = arith.index_cast %swap3A_1072 : i32 to index
    %swap3A_1075 = arith.index_cast %swap3A_1073 : i32 to index
    %swap3A_1076 = arith.constant 0 : index
    %swap3A_1077 = tpu.vector_load %arg7[%swap3A_1074, %swap3A_1075, %swap3A_1076] {strides = array<i32>} : memref<16x128x16xf32, #tpu.memory_space<vmem>>, vector<1x1x16xf32>,
    %swap3A_1078 = vector.shape_cast %swap3A_1077 : vector<1x1x16xf32> to vector<16xf32>
    %swap3A_1079 = vector.shape_cast %broadcast_in_dim3A_1071 : vector<16xf32> to vector<1x1x16xf32>
    tpu.vector_store %arg7[%swap3A_1074, %swap3A_1075, %swap3A_1076], %swap3A_1079 {strides = array<i32>} : memref<16x128x16xf32, #tpu.memory_space<vmem>>, vector<1x1x16xf32>,
    %broadcast_in_dim3A_1080 = arith.constant 0.000000e+00 : f32
    %broadcast_in_dim3A_1081 = vector.broadcast %broadcast_in_dim3A_1080 : f32 to vector<16xf32>
    %swap3A_1082 = arith.constant 0 : i32
    %swap3A_1083 = arith.constant 108 : i32
    %swap3A_1084 = arith.index_cast %swap3A_1082 : i32 to index
    %swap3A_1085 = arith.index_cast %swap3A_1083 : i32 to index
    %swap3A_1086 = arith.constant 0 : index
    %swap3A_1087 = tpu.vector_load %arg7[%swap3A_1084, %swap3A_1085, %swap3A_1086] {strides = array<i32>} : memref<16x128x16xf32, #tpu.memory_space<vmem>>, vector<1x1x16xf32>,
    %swap3A_1088 = vector.shape_cast %swap3A_1087 : vector<1x1x16xf32> to vector<16xf32>
    %swap3A_1089 = vector.shape_cast %broadcast_in_dim3A_1081 : vector<16xf32> to vector<1x1x16xf32>
    tpu.vector_store %arg7[%swap3A_1084, %swap3A_1085, %swap3A_1086], %swap3A_1089 {strides = array<i32>} : memref<16x128x16xf32, #tpu.memory_space<vmem>>, vector<1x1x16xf32>,
    %broadcast_in_dim3A_1090 = arith.constant 0.000000e+00 : f32
    %broadcast_in_dim3A_1091 = vector.broadcast %broadcast_in_dim3A_1090 : f32 to vector<16xf32>
    %swap3A_1092 = arith.constant 0 : i32
    %swap3A_1093 = arith.constant 109 : i32
    %swap3A_1094 = arith.index_cast %swap3A_1092 : i32 to index
    %swap3A_1095 = arith.index_cast %swap3A_1093 : i32 to index
    %swap3A_1096 = arith.constant 0 : index
    %swap3A_1097 = tpu.vector_load %arg7[%swap3A_1094, %swap3A_1095, %swap3A_1096] {strides = array<i32>} : memref<16x128x16xf32, #tpu.memory_space<vmem>>, vector<1x1x16xf32>,
    %swap3A_1098 = vector.shape_cast %swap3A_1097 : vector<1x1x16xf32> to vector<16xf32>
    %swap3A_1099 = vector.shape_cast %broadcast_in_dim3A_1091 : vector<16xf32> to vector<1x1x16xf32>
    tpu.vector_store %arg7[%swap3A_1094, %swap3A_1095, %swap3A_1096], %swap3A_1099 {strides = array<i32>} : memref<16x128x16xf32, #tpu.memory_space<vmem>>, vector<1x1x16xf32>,
    %broadcast_in_dim3A_1100 = arith.constant 0.000000e+00 : f32
    %broadcast_in_dim3A_1101 = vector.broadcast %broadcast_in_dim3A_1100 : f32 to vector<16xf32>
    %swap3A_1102 = arith.constant 0 : i32
    %swap3A_1103 = arith.constant 110 : i32
    %swap3A_1104 = arith.index_cast %swap3A_1102 : i32 to index
    %swap3A_1105 = arith.index_cast %swap3A_1103 : i32 to index
    %swap3A_1106 = arith.constant 0 : index
    %swap3A_1107 = tpu.vector_load %arg7[%swap3A_1104, %swap3A_1105, %swap3A_1106] {strides = array<i32>} : memref<16x128x16xf32, #tpu.memory_space<vmem>>, vector<1x1x16xf32>,
    %swap3A_1108 = vector.shape_cast %swap3A_1107 : vector<1x1x16xf32> to vector<16xf32>
    %swap3A_1109 = vector.shape_cast %broadcast_in_dim3A_1101 : vector<16xf32> to vector<1x1x16xf32>
    tpu.vector_store %arg7[%swap3A_1104, %swap3A_1105, %swap3A_1106], %swap3A_1109 {strides = array<i32>} : memref<16x128x16xf32, #tpu.memory_space<vmem>>, vector<1x1x16xf32>,
    %broadcast_in_dim3A_1110 = arith.constant 0.000000e+00 : f32
    %broadcast_in_dim3A_1111 = vector.broadcast %broadcast_in_dim3A_1110 : f32 to vector<16xf32>
    %swap3A_1112 = arith.constant 0 : i32
    %swap3A_1113 = arith.constant 111 : i32
    %swap3A_1114 = arith.index_cast %swap3A_1112 : i32 to index
    %swap3A_1115 = arith.index_cast %swap3A_1113 : i32 to index
    %swap3A_1116 = arith.constant 0 : index
    %swap3A_1117 = tpu.vector_load %arg7[%swap3A_1114, %swap3A_1115, %swap3A_1116] {strides = array<i32>} : memref<16x128x16xf32, #tpu.memory_space<vmem>>, vector<1x1x16xf32>,
    %swap3A_1118 = vector.shape_cast %swap3A_1117 : vector<1x1x16xf32> to vector<16xf32>
    %swap3A_1119 = vector.shape_cast %broadcast_in_dim3A_1111 : vector<16xf32> to vector<1x1x16xf32>
    tpu.vector_store %arg7[%swap3A_1114, %swap3A_1115, %swap3A_1116], %swap3A_1119 {strides = array<i32>} : memref<16x128x16xf32, #tpu.memory_space<vmem>>, vector<1x1x16xf32>,
    %broadcast_in_dim3A_1120 = arith.constant 0.000000e+00 : f32
    %broadcast_in_dim3A_1121 = vector.broadcast %broadcast_in_dim3A_1120 : f32 to vector<16xf32>
    %swap3A_1122 = arith.constant 0 : i32
    %swap3A_1123 = arith.constant 112 : i32
    %swap3A_1124 = arith.index_cast %swap3A_1122 : i32 to index
    %swap3A_1125 = arith.index_cast %swap3A_1123 : i32 to index
    %swap3A_1126 = arith.constant 0 : index
    %swap3A_1127 = tpu.vector_load %arg7[%swap3A_1124, %swap3A_1125, %swap3A_1126] {strides = array<i32>} : memref<16x128x16xf32, #tpu.memory_space<vmem>>, vector<1x1x16xf32>,
    %swap3A_1128 = vector.shape_cast %swap3A_1127 : vector<1x1x16xf32> to vector<16xf32>
    %swap3A_1129 = vector.shape_cast %broadcast_in_dim3A_1121 : vector<16xf32> to vector<1x1x16xf32>
    tpu.vector_store %arg7[%swap3A_1124, %swap3A_1125, %swap3A_1126], %swap3A_1129 {strides = array<i32>} : memref<16x128x16xf32, #tpu.memory_space<vmem>>, vector<1x1x16xf32>,
    %broadcast_in_dim3A_1130 = arith.constant 0.000000e+00 : f32
    %broadcast_in_dim3A_1131 = vector.broadcast %broadcast_in_dim3A_1130 : f32 to vector<16xf32>
    %swap3A_1132 = arith.constant 0 : i32
    %swap3A_1133 = arith.constant 113 : i32
    %swap3A_1134 = arith.index_cast %swap3A_1132 : i32 to index
    %swap3A_1135 = arith.index_cast %swap3A_1133 : i32 to index
    %swap3A_1136 = arith.constant 0 : index
    %swap3A_1137 = tpu.vector_load %arg7[%swap3A_1134, %swap3A_1135, %swap3A_1136] {strides = array<i32>} : memref<16x128x16xf32, #tpu.memory_space<vmem>>, vector<1x1x16xf32>,
    %swap3A_1138 = vector.shape_cast %swap3A_1137 : vector<1x1x16xf32> to vector<16xf32>
    %swap3A_1139 = vector.shape_cast %broadcast_in_dim3A_1131 : vector<16xf32> to vector<1x1x16xf32>
    tpu.vector_store %arg7[%swap3A_1134, %swap3A_1135, %swap3A_1136], %swap3A_1139 {strides = array<i32>} : memref<16x128x16xf32, #tpu.memory_space<vmem>>, vector<1x1x16xf32>,
    %broadcast_in_dim3A_1140 = arith.constant 0.000000e+00 : f32
    %broadcast_in_dim3A_1141 = vector.broadcast %broadcast_in_dim3A_1140 : f32 to vector<16xf32>
    %swap3A_1142 = arith.constant 0 : i32
    %swap3A_1143 = arith.constant 114 : i32
    %swap3A_1144 = arith.index_cast %swap3A_1142 : i32 to index
    %swap3A_1145 = arith.index_cast %swap3A_1143 : i32 to index
    %swap3A_1146 = arith.constant 0 : index
    %swap3A_1147 = tpu.vector_load %arg7[%swap3A_1144, %swap3A_1145, %swap3A_1146] {strides = array<i32>} : memref<16x128x16xf32, #tpu.memory_space<vmem>>, vector<1x1x16xf32>,
    %swap3A_1148 = vector.shape_cast %swap3A_1147 : vector<1x1x16xf32> to vector<16xf32>
    %swap3A_1149 = vector.shape_cast %broadcast_in_dim3A_1141 : vector<16xf32> to vector<1x1x16xf32>
    tpu.vector_store %arg7[%swap3A_1144, %swap3A_1145, %swap3A_1146], %swap3A_1149 {strides = array<i32>} : memref<16x128x16xf32, #tpu.memory_space<vmem>>, vector<1x1x16xf32>,
    %broadcast_in_dim3A_1150 = arith.constant 0.000000e+00 : f32
    %broadcast_in_dim3A_1151 = vector.broadcast %broadcast_in_dim3A_1150 : f32 to vector<16xf32>
    %swap3A_1152 = arith.constant 0 : i32
    %swap3A_1153 = arith.constant 115 : i32
    %swap3A_1154 = arith.index_cast %swap3A_1152 : i32 to index
    %swap3A_1155 = arith.index_cast %swap3A_1153 : i32 to index
    %swap3A_1156 = arith.constant 0 : index
    %swap3A_1157 = tpu.vector_load %arg7[%swap3A_1154, %swap3A_1155, %swap3A_1156] {strides = array<i32>} : memref<16x128x16xf32, #tpu.memory_space<vmem>>, vector<1x1x16xf32>,
    %swap3A_1158 = vector.shape_cast %swap3A_1157 : vector<1x1x16xf32> to vector<16xf32>
    %swap3A_1159 = vector.shape_cast %broadcast_in_dim3A_1151 : vector<16xf32> to vector<1x1x16xf32>
    tpu.vector_store %arg7[%swap3A_1154, %swap3A_1155, %swap3A_1156], %swap3A_1159 {strides = array<i32>} : memref<16x128x16xf32, #tpu.memory_space<vmem>>, vector<1x1x16xf32>,
    %broadcast_in_dim3A_1160 = arith.constant 0.000000e+00 : f32
    %broadcast_in_dim3A_1161 = vector.broadcast %broadcast_in_dim3A_1160 : f32 to vector<16xf32>
    %swap3A_1162 = arith.constant 0 : i32
    %swap3A_1163 = arith.constant 116 : i32
    %swap3A_1164 = arith.index_cast %swap3A_1162 : i32 to index
    %swap3A_1165 = arith.index_cast %swap3A_1163 : i32 to index
    %swap3A_1166 = arith.constant 0 : index
    %swap3A_1167 = tpu.vector_load %arg7[%swap3A_1164, %swap3A_1165, %swap3A_1166] {strides = array<i32>} : memref<16x128x16xf32, #tpu.memory_space<vmem>>, vector<1x1x16xf32>,
    %swap3A_1168 = vector.shape_cast %swap3A_1167 : vector<1x1x16xf32> to vector<16xf32>
    %swap3A_1169 = vector.shape_cast %broadcast_in_dim3A_1161 : vector<16xf32> to vector<1x1x16xf32>
    tpu.vector_store %arg7[%swap3A_1164, %swap3A_1165, %swap3A_1166], %swap3A_1169 {strides = array<i32>} : memref<16x128x16xf32, #tpu.memory_space<vmem>>, vector<1x1x16xf32>,
    %broadcast_in_dim3A_1170 = arith.constant 0.000000e+00 : f32
    %broadcast_in_dim3A_1171 = vector.broadcast %broadcast_in_dim3A_1170 : f32 to vector<16xf32>
    %swap3A_1172 = arith.constant 0 : i32
    %swap3A_1173 = arith.constant 117 : i32
    %swap3A_1174 = arith.index_cast %swap3A_1172 : i32 to index
    %swap3A_1175 = arith.index_cast %swap3A_1173 : i32 to index
    %swap3A_1176 = arith.constant 0 : index
    %swap3A_1177 = tpu.vector_load %arg7[%swap3A_1174, %swap3A_1175, %swap3A_1176] {strides = array<i32>} : memref<16x128x16xf32, #tpu.memory_space<vmem>>, vector<1x1x16xf32>,
    %swap3A_1178 = vector.shape_cast %swap3A_1177 : vector<1x1x16xf32> to vector<16xf32>
    %swap3A_1179 = vector.shape_cast %broadcast_in_dim3A_1171 : vector<16xf32> to vector<1x1x16xf32>
    tpu.vector_store %arg7[%swap3A_1174, %swap3A_1175, %swap3A_1176], %swap3A_1179 {strides = array<i32>} : memref<16x128x16xf32, #tpu.memory_space<vmem>>, vector<1x1x16xf32>,
    %broadcast_in_dim3A_1180 = arith.constant 0.000000e+00 : f32
    %broadcast_in_dim3A_1181 = vector.broadcast %broadcast_in_dim3A_1180 : f32 to vector<16xf32>
    %swap3A_1182 = arith.constant 0 : i32
    %swap3A_1183 = arith.constant 118 : i32
    %swap3A_1184 = arith.index_cast %swap3A_1182 : i32 to index
    %swap3A_1185 = arith.index_cast %swap3A_1183 : i32 to index
    %swap3A_1186 = arith.constant 0 : index
    %swap3A_1187 = tpu.vector_load %arg7[%swap3A_1184, %swap3A_1185, %swap3A_1186] {strides = array<i32>} : memref<16x128x16xf32, #tpu.memory_space<vmem>>, vector<1x1x16xf32>,
    %swap3A_1188 = vector.shape_cast %swap3A_1187 : vector<1x1x16xf32> to vector<16xf32>
    %swap3A_1189 = vector.shape_cast %broadcast_in_dim3A_1181 : vector<16xf32> to vector<1x1x16xf32>
    tpu.vector_store %arg7[%swap3A_1184, %swap3A_1185, %swap3A_1186], %swap3A_1189 {strides = array<i32>} : memref<16x128x16xf32, #tpu.memory_space<vmem>>, vector<1x1x16xf32>,
    %broadcast_in_dim3A_1190 = arith.constant 0.000000e+00 : f32
    %broadcast_in_dim3A_1191 = vector.broadcast %broadcast_in_dim3A_1190 : f32 to vector<16xf32>
    %swap3A_1192 = arith.constant 0 : i32
    %swap3A_1193 = arith.constant 119 : i32
    %swap3A_1194 = arith.index_cast %swap3A_1192 : i32 to index
    %swap3A_1195 = arith.index_cast %swap3A_1193 : i32 to index
    %swap3A_1196 = arith.constant 0 : index
    %swap3A_1197 = tpu.vector_load %arg7[%swap3A_1194, %swap3A_1195, %swap3A_1196] {strides = array<i32>} : memref<16x128x16xf32, #tpu.memory_space<vmem>>, vector<1x1x16xf32>,
    %swap3A_1198 = vector.shape_cast %swap3A_1197 : vector<1x1x16xf32> to vector<16xf32>
    %swap3A_1199 = vector.shape_cast %broadcast_in_dim3A_1191 : vector<16xf32> to vector<1x1x16xf32>
    tpu.vector_store %arg7[%swap3A_1194, %swap3A_1195, %swap3A_1196], %swap3A_1199 {strides = array<i32>} : memref<16x128x16xf32, #tpu.memory_space<vmem>>, vector<1x1x16xf32>,
    %broadcast_in_dim3A_1200 = arith.constant 0.000000e+00 : f32
    %broadcast_in_dim3A_1201 = vector.broadcast %broadcast_in_dim3A_1200 : f32 to vector<16xf32>
    %swap3A_1202 = arith.constant 0 : i32
    %swap3A_1203 = arith.constant 120 : i32
    %swap3A_1204 = arith.index_cast %swap3A_1202 : i32 to index
    %swap3A_1205 = arith.index_cast %swap3A_1203 : i32 to index
    %swap3A_1206 = arith.constant 0 : index
    %swap3A_1207 = tpu.vector_load %arg7[%swap3A_1204, %swap3A_1205, %swap3A_1206] {strides = array<i32>} : memref<16x128x16xf32, #tpu.memory_space<vmem>>, vector<1x1x16xf32>,
    %swap3A_1208 = vector.shape_cast %swap3A_1207 : vector<1x1x16xf32> to vector<16xf32>
    %swap3A_1209 = vector.shape_cast %broadcast_in_dim3A_1201 : vector<16xf32> to vector<1x1x16xf32>
    tpu.vector_store %arg7[%swap3A_1204, %swap3A_1205, %swap3A_1206], %swap3A_1209 {strides = array<i32>} : memref<16x128x16xf32, #tpu.memory_space<vmem>>, vector<1x1x16xf32>,
    %broadcast_in_dim3A_1210 = arith.constant 0.000000e+00 : f32
    %broadcast_in_dim3A_1211 = vector.broadcast %broadcast_in_dim3A_1210 : f32 to vector<16xf32>
    %swap3A_1212 = arith.constant 0 : i32
    %swap3A_1213 = arith.constant 121 : i32
    %swap3A_1214 = arith.index_cast %swap3A_1212 : i32 to index
    %swap3A_1215 = arith.index_cast %swap3A_1213 : i32 to index
    %swap3A_1216 = arith.constant 0 : index
    %swap3A_1217 = tpu.vector_load %arg7[%swap3A_1214, %swap3A_1215, %swap3A_1216] {strides = array<i32>} : memref<16x128x16xf32, #tpu.memory_space<vmem>>, vector<1x1x16xf32>,
    %swap3A_1218 = vector.shape_cast %swap3A_1217 : vector<1x1x16xf32> to vector<16xf32>
    %swap3A_1219 = vector.shape_cast %broadcast_in_dim3A_1211 : vector<16xf32> to vector<1x1x16xf32>
    tpu.vector_store %arg7[%swap3A_1214, %swap3A_1215, %swap3A_1216], %swap3A_1219 {strides = array<i32>} : memref<16x128x16xf32, #tpu.memory_space<vmem>>, vector<1x1x16xf32>,
    %broadcast_in_dim3A_1220 = arith.constant 0.000000e+00 : f32
    %broadcast_in_dim3A_1221 = vector.broadcast %broadcast_in_dim3A_1220 : f32 to vector<16xf32>
    %swap3A_1222 = arith.constant 0 : i32
    %swap3A_1223 = arith.constant 122 : i32
    %swap3A_1224 = arith.index_cast %swap3A_1222 : i32 to index
    %swap3A_1225 = arith.index_cast %swap3A_1223 : i32 to index
    %swap3A_1226 = arith.constant 0 : index
    %swap3A_1227 = tpu.vector_load %arg7[%swap3A_1224, %swap3A_1225, %swap3A_1226] {strides = array<i32>} : memref<16x128x16xf32, #tpu.memory_space<vmem>>, vector<1x1x16xf32>,
    %swap3A_1228 = vector.shape_cast %swap3A_1227 : vector<1x1x16xf32> to vector<16xf32>
    %swap3A_1229 = vector.shape_cast %broadcast_in_dim3A_1221 : vector<16xf32> to vector<1x1x16xf32>
    tpu.vector_store %arg7[%swap3A_1224, %swap3A_1225, %swap3A_1226], %swap3A_1229 {strides = array<i32>} : memref<16x128x16xf32, #tpu.memory_space<vmem>>, vector<1x1x16xf32>,
    %broadcast_in_dim3A_1230 = arith.constant 0.000000e+00 : f32
    %broadcast_in_dim3A_1231 = vector.broadcast %broadcast_in_dim3A_1230 : f32 to vector<16xf32>
    %swap3A_1232 = arith.constant 0 : i32
    %swap3A_1233 = arith.constant 123 : i32
    %swap3A_1234 = arith.index_cast %swap3A_1232 : i32 to index
    %swap3A_1235 = arith.index_cast %swap3A_1233 : i32 to index
    %swap3A_1236 = arith.constant 0 : index
    %swap3A_1237 = tpu.vector_load %arg7[%swap3A_1234, %swap3A_1235, %swap3A_1236] {strides = array<i32>} : memref<16x128x16xf32, #tpu.memory_space<vmem>>, vector<1x1x16xf32>,
    %swap3A_1238 = vector.shape_cast %swap3A_1237 : vector<1x1x16xf32> to vector<16xf32>
    %swap3A_1239 = vector.shape_cast %broadcast_in_dim3A_1231 : vector<16xf32> to vector<1x1x16xf32>
    tpu.vector_store %arg7[%swap3A_1234, %swap3A_1235, %swap3A_1236], %swap3A_1239 {strides = array<i32>} : memref<16x128x16xf32, #tpu.memory_space<vmem>>, vector<1x1x16xf32>,
    %broadcast_in_dim3A_1240 = arith.constant 0.000000e+00 : f32
    %broadcast_in_dim3A_1241 = vector.broadcast %broadcast_in_dim3A_1240 : f32 to vector<16xf32>
    %swap3A_1242 = arith.constant 0 : i32
    %swap3A_1243 = arith.constant 124 : i32
    %swap3A_1244 = arith.index_cast %swap3A_1242 : i32 to index
    %swap3A_1245 = arith.index_cast %swap3A_1243 : i32 to index
    %swap3A_1246 = arith.constant 0 : index
    %swap3A_1247 = tpu.vector_load %arg7[%swap3A_1244, %swap3A_1245, %swap3A_1246] {strides = array<i32>} : memref<16x128x16xf32, #tpu.memory_space<vmem>>, vector<1x1x16xf32>,
    %swap3A_1248 = vector.shape_cast %swap3A_1247 : vector<1x1x16xf32> to vector<16xf32>
    %swap3A_1249 = vector.shape_cast %broadcast_in_dim3A_1241 : vector<16xf32> to vector<1x1x16xf32>
    tpu.vector_store %arg7[%swap3A_1244, %swap3A_1245, %swap3A_1246], %swap3A_1249 {strides = array<i32>} : memref<16x128x16xf32, #tpu.memory_space<vmem>>, vector<1x1x16xf32>,
    %broadcast_in_dim3A_1250 = arith.constant 0.000000e+00 : f32
    %broadcast_in_dim3A_1251 = vector.broadcast %broadcast_in_dim3A_1250 : f32 to vector<16xf32>
    %swap3A_1252 = arith.constant 0 : i32
    %swap3A_1253 = arith.constant 125 : i32
    %swap3A_1254 = arith.index_cast %swap3A_1252 : i32 to index
    %swap3A_1255 = arith.index_cast %swap3A_1253 : i32 to index
    %swap3A_1256 = arith.constant 0 : index
    %swap3A_1257 = tpu.vector_load %arg7[%swap3A_1254, %swap3A_1255, %swap3A_1256] {strides = array<i32>} : memref<16x128x16xf32, #tpu.memory_space<vmem>>, vector<1x1x16xf32>,
    %swap3A_1258 = vector.shape_cast %swap3A_1257 : vector<1x1x16xf32> to vector<16xf32>
    %swap3A_1259 = vector.shape_cast %broadcast_in_dim3A_1251 : vector<16xf32> to vector<1x1x16xf32>
    tpu.vector_store %arg7[%swap3A_1254, %swap3A_1255, %swap3A_1256], %swap3A_1259 {strides = array<i32>} : memref<16x128x16xf32, #tpu.memory_space<vmem>>, vector<1x1x16xf32>,
    %broadcast_in_dim3A_1260 = arith.constant 0.000000e+00 : f32
    %broadcast_in_dim3A_1261 = vector.broadcast %broadcast_in_dim3A_1260 : f32 to vector<16xf32>
    %swap3A_1262 = arith.constant 0 : i32
    %swap3A_1263 = arith.constant 126 : i32
    %swap3A_1264 = arith.index_cast %swap3A_1262 : i32 to index
    %swap3A_1265 = arith.index_cast %swap3A_1263 : i32 to index
    %swap3A_1266 = arith.constant 0 : index
    %swap3A_1267 = tpu.vector_load %arg7[%swap3A_1264, %swap3A_1265, %swap3A_1266] {strides = array<i32>} : memref<16x128x16xf32, #tpu.memory_space<vmem>>, vector<1x1x16xf32>,
    %swap3A_1268 = vector.shape_cast %swap3A_1267 : vector<1x1x16xf32> to vector<16xf32>
    %swap3A_1269 = vector.shape_cast %broadcast_in_dim3A_1261 : vector<16xf32> to vector<1x1x16xf32>
    tpu.vector_store %arg7[%swap3A_1264, %swap3A_1265, %swap3A_1266], %swap3A_1269 {strides = array<i32>} : memref<16x128x16xf32, #tpu.memory_space<vmem>>, vector<1x1x16xf32>,
    %broadcast_in_dim3A_1270 = arith.constant 0.000000e+00 : f32
    %broadcast_in_dim3A_1271 = vector.broadcast %broadcast_in_dim3A_1270 : f32 to vector<16xf32>
    %swap3A_1272 = arith.constant 0 : i32
    %swap3A_1273 = arith.constant 127 : i32
    %swap3A_1274 = arith.index_cast %swap3A_1272 : i32 to index
    %swap3A_1275 = arith.index_cast %swap3A_1273 : i32 to index
    %swap3A_1276 = arith.constant 0 : index
    %swap3A_1277 = tpu.vector_load %arg7[%swap3A_1274, %swap3A_1275, %swap3A_1276] {strides = array<i32>} : memref<16x128x16xf32, #tpu.memory_space<vmem>>, vector<1x1x16xf32>,
    %swap3A_1278 = vector.shape_cast %swap3A_1277 : vector<1x1x16xf32> to vector<16xf32>
    %swap3A_1279 = vector.shape_cast %broadcast_in_dim3A_1271 : vector<16xf32> to vector<1x1x16xf32>
    tpu.vector_store %arg7[%swap3A_1274, %swap3A_1275, %swap3A_1276], %swap3A_1279 {strides = array<i32>} : memref<16x128x16xf32, #tpu.memory_space<vmem>>, vector<1x1x16xf32>,
    %mul3A_1280 = arith.constant 640 : i32
    %mul3A_1281 = arith.muli %arg1, %mul3A_1280 : i32
    %add3A_1282 = arith.constant 0 : i32
    %add3A_1283 = arith.addi %mul3A_1281, %add3A_1282 : i32
    %run_scoped3A_1284 = arith.constant 0 : i32
    "tpu.region"() ({
      %run_scoped3A_1315 = tpu.sem_alloc : memref<!tpu.dma_semaphore, #tpu.memory_space<semaphore_mem>>
      %dma_start3A = arith.constant 0 : i32
      %dma_start3A_1316 = arith.constant 0 : i32
      %dma_start3A_1317 = tpu.memref_slice %arg7[%run_scoped3A_1284, %dma_start3A, %dma_start3A_1316] : memref<16x128x16xf32, #tpu.memory_space<vmem>> -> memref<1x128x16xf32, #tpu.memory_space<vmem>>
      %dma_start3A_1318 = tpu.memref_squeeze %dma_start3A_1317 : memref<1x128x16xf32, #tpu.memory_space<vmem>> -> memref<128x16xf32, #tpu.memory_space<vmem>>
      %dma_start3A_1319 = arith.constant 0 : i32
      %dma_start3A_1320 = tpu.memref_slice %arg8[%add3A_1283, %dma_start3A_1319] : memref<10240x16xf32, #tpu.memory_space<vmem_shared>> -> memref<128x16xf32, #tpu.memory_space<vmem_shared>>
      %dma_start3A_1321 = arith.constant 0 : i32
      %dma_start3A_1322 = tpu.memref_slice %arg8[%add3A_1283, %dma_start3A_1321] : memref<10240x16xf32, #tpu.memory_space<vmem_shared>> -> memref<128x16xf32, #tpu.memory_space<vmem_shared>>
      %dma_start3A_1323 = arith.constant 0 : i32
      %dma_start3A_1324 = arith.constant 0 : i32
      %dma_start3A_1325 = tpu.memref_slice %arg7[%run_scoped3A_1284, %dma_start3A_1323, %dma_start3A_1324] : memref<16x128x16xf32, #tpu.memory_space<vmem>> -> memref<1x128x16xf32, #tpu.memory_space<vmem>>
      %dma_start3A_1326 = tpu.memref_squeeze %dma_start3A_1325 : memref<1x128x16xf32, #tpu.memory_space<vmem>> -> memref<128x16xf32, #tpu.memory_space<vmem>>
      tpu.enqueue_dma source(%dma_start3A_1326 : memref<128x16xf32, #tpu.memory_space<vmem>>) target(%dma_start3A_1322 : memref<128x16xf32, #tpu.memory_space<vmem_shared>>) target_semaphore(%run_scoped3A_1315 : memref<!tpu.dma_semaphore, #tpu.memory_space<semaphore_mem>>)
      %dma_wait3A = arith.constant 0 : i32
      %dma_wait3A_1327 = arith.constant 0 : i32
      %dma_wait3A_1328 = tpu.memref_slice %arg7[%run_scoped3A_1284, %dma_wait3A, %dma_wait3A_1327] : memref<16x128x16xf32, #tpu.memory_space<vmem>> -> memref<1x128x16xf32, #tpu.memory_space<vmem>>
      %dma_wait3A_1329 = tpu.memref_squeeze %dma_wait3A_1328 : memref<1x128x16xf32, #tpu.memory_space<vmem>> -> memref<128x16xf32, #tpu.memory_space<vmem>>
      %dma_wait3A_1330 = arith.constant 0 : i32
      %dma_wait3A_1331 = tpu.memref_slice %arg8[%add3A_1283, %dma_wait3A_1330] : memref<10240x16xf32, #tpu.memory_space<vmem_shared>> -> memref<128x16xf32, #tpu.memory_space<vmem_shared>>
      %dma_wait3A_1332 = arith.constant 0 : i32
      %dma_wait3A_1333 = tpu.memref_slice %arg8[%add3A_1283, %dma_wait3A_1332] : memref<10240x16xf32, #tpu.memory_space<vmem_shared>> -> memref<128x16xf32, #tpu.memory_space<vmem_shared>>
      %dma_wait3A_1334 = arith.constant 0 : i32
      %dma_wait3A_1335 = arith.constant 0 : i32
      %dma_wait3A_1336 = tpu.memref_slice %arg7[%run_scoped3A_1284, %dma_wait3A_1334, %dma_wait3A_1335] : memref<16x128x16xf32, #tpu.memory_space<vmem>> -> memref<1x128x16xf32, #tpu.memory_space<vmem>>
      %dma_wait3A_1337 = tpu.memref_squeeze %dma_wait3A_1336 : memref<1x128x16xf32, #tpu.memory_space<vmem>> -> memref<128x16xf32, #tpu.memory_space<vmem>>
      tpu.wait_dma2 semaphore(%run_scoped3A_1315 : memref<!tpu.dma_semaphore, #tpu.memory_space<semaphore_mem>>) src(%dma_wait3A_1337 : memref<128x16xf32, #tpu.memory_space<vmem>>) dst(%dma_wait3A_1333 : memref<128x16xf32, #tpu.memory_space<vmem_shared>>)
      tpu.yield
    }) : () -> ()
    %mul3A_1285 = arith.constant 640 : i32
    %mul3A_1286 = arith.muli %arg1, %mul3A_1285 : i32
    %add3A_1287 = arith.constant 128 : i32
    %add3A_1288 = arith.addi %mul3A_1286, %add3A_1287 : i32
    %run_scoped3A_1289 = arith.constant 0 : i32
    "tpu.region"() ({
      %run_scoped3A_1315 = tpu.sem_alloc : memref<!tpu.dma_semaphore, #tpu.memory_space<semaphore_mem>>
      %dma_start3A = arith.constant 0 : i32
      %dma_start3A_1316 = arith.constant 0 : i32
      %dma_start3A_1317 = tpu.memref_slice %arg7[%run_scoped3A_1289, %dma_start3A, %dma_start3A_1316] : memref<16x128x16xf32, #tpu.memory_space<vmem>> -> memref<1x128x16xf32, #tpu.memory_space<vmem>>
      %dma_start3A_1318 = tpu.memref_squeeze %dma_start3A_1317 : memref<1x128x16xf32, #tpu.memory_space<vmem>> -> memref<128x16xf32, #tpu.memory_space<vmem>>
      %dma_start3A_1319 = arith.constant 0 : i32
      %dma_start3A_1320 = tpu.memref_slice %arg8[%add3A_1288, %dma_start3A_1319] : memref<10240x16xf32, #tpu.memory_space<vmem_shared>> -> memref<128x16xf32, #tpu.memory_space<vmem_shared>>
      %dma_start3A_1321 = arith.constant 0 : i32
      %dma_start3A_1322 = tpu.memref_slice %arg8[%add3A_1288, %dma_start3A_1321] : memref<10240x16xf32, #tpu.memory_space<vmem_shared>> -> memref<128x16xf32, #tpu.memory_space<vmem_shared>>
      %dma_start3A_1323 = arith.constant 0 : i32
      %dma_start3A_1324 = arith.constant 0 : i32
      %dma_start3A_1325 = tpu.memref_slice %arg7[%run_scoped3A_1289, %dma_start3A_1323, %dma_start3A_1324] : memref<16x128x16xf32, #tpu.memory_space<vmem>> -> memref<1x128x16xf32, #tpu.memory_space<vmem>>
      %dma_start3A_1326 = tpu.memref_squeeze %dma_start3A_1325 : memref<1x128x16xf32, #tpu.memory_space<vmem>> -> memref<128x16xf32, #tpu.memory_space<vmem>>
      tpu.enqueue_dma source(%dma_start3A_1326 : memref<128x16xf32, #tpu.memory_space<vmem>>) target(%dma_start3A_1322 : memref<128x16xf32, #tpu.memory_space<vmem_shared>>) target_semaphore(%run_scoped3A_1315 : memref<!tpu.dma_semaphore, #tpu.memory_space<semaphore_mem>>)
      %dma_wait3A = arith.constant 0 : i32
      %dma_wait3A_1327 = arith.constant 0 : i32
      %dma_wait3A_1328 = tpu.memref_slice %arg7[%run_scoped3A_1289, %dma_wait3A, %dma_wait3A_1327] : memref<16x128x16xf32, #tpu.memory_space<vmem>> -> memref<1x128x16xf32, #tpu.memory_space<vmem>>
      %dma_wait3A_1329 = tpu.memref_squeeze %dma_wait3A_1328 : memref<1x128x16xf32, #tpu.memory_space<vmem>> -> memref<128x16xf32, #tpu.memory_space<vmem>>
      %dma_wait3A_1330 = arith.constant 0 : i32
      %dma_wait3A_1331 = tpu.memref_slice %arg8[%add3A_1288, %dma_wait3A_1330] : memref<10240x16xf32, #tpu.memory_space<vmem_shared>> -> memref<128x16xf32, #tpu.memory_space<vmem_shared>>
      %dma_wait3A_1332 = arith.constant 0 : i32
      %dma_wait3A_1333 = tpu.memref_slice %arg8[%add3A_1288, %dma_wait3A_1332] : memref<10240x16xf32, #tpu.memory_space<vmem_shared>> -> memref<128x16xf32, #tpu.memory_space<vmem_shared>>
      %dma_wait3A_1334 = arith.constant 0 : i32
      %dma_wait3A_1335 = arith.constant 0 : i32
      %dma_wait3A_1336 = tpu.memref_slice %arg7[%run_scoped3A_1289, %dma_wait3A_1334, %dma_wait3A_1335] : memref<16x128x16xf32, #tpu.memory_space<vmem>> -> memref<1x128x16xf32, #tpu.memory_space<vmem>>
      %dma_wait3A_1337 = tpu.memref_squeeze %dma_wait3A_1336 : memref<1x128x16xf32, #tpu.memory_space<vmem>> -> memref<128x16xf32, #tpu.memory_space<vmem>>
      tpu.wait_dma2 semaphore(%run_scoped3A_1315 : memref<!tpu.dma_semaphore, #tpu.memory_space<semaphore_mem>>) src(%dma_wait3A_1337 : memref<128x16xf32, #tpu.memory_space<vmem>>) dst(%dma_wait3A_1333 : memref<128x16xf32, #tpu.memory_space<vmem_shared>>)
      tpu.yield
    }) : () -> ()
    %mul3A_1290 = arith.constant 640 : i32
    %mul3A_1291 = arith.muli %arg1, %mul3A_1290 : i32
    %add3A_1292 = arith.constant 256 : i32
    %add3A_1293 = arith.addi %mul3A_1291, %add3A_1292 : i32
    %run_scoped3A_1294 = arith.constant 0 : i32
    "tpu.region"() ({
      %run_scoped3A_1315 = tpu.sem_alloc : memref<!tpu.dma_semaphore, #tpu.memory_space<semaphore_mem>>
      %dma_start3A = arith.constant 0 : i32
      %dma_start3A_1316 = arith.constant 0 : i32
      %dma_start3A_1317 = tpu.memref_slice %arg7[%run_scoped3A_1294, %dma_start3A, %dma_start3A_1316] : memref<16x128x16xf32, #tpu.memory_space<vmem>> -> memref<1x128x16xf32, #tpu.memory_space<vmem>>
      %dma_start3A_1318 = tpu.memref_squeeze %dma_start3A_1317 : memref<1x128x16xf32, #tpu.memory_space<vmem>> -> memref<128x16xf32, #tpu.memory_space<vmem>>
      %dma_start3A_1319 = arith.constant 0 : i32
      %dma_start3A_1320 = tpu.memref_slice %arg8[%add3A_1293, %dma_start3A_1319] : memref<10240x16xf32, #tpu.memory_space<vmem_shared>> -> memref<128x16xf32, #tpu.memory_space<vmem_shared>>
      %dma_start3A_1321 = arith.constant 0 : i32
      %dma_start3A_1322 = tpu.memref_slice %arg8[%add3A_1293, %dma_start3A_1321] : memref<10240x16xf32, #tpu.memory_space<vmem_shared>> -> memref<128x16xf32, #tpu.memory_space<vmem_shared>>
      %dma_start3A_1323 = arith.constant 0 : i32
      %dma_start3A_1324 = arith.constant 0 : i32
      %dma_start3A_1325 = tpu.memref_slice %arg7[%run_scoped3A_1294, %dma_start3A_1323, %dma_start3A_1324] : memref<16x128x16xf32, #tpu.memory_space<vmem>> -> memref<1x128x16xf32, #tpu.memory_space<vmem>>
      %dma_start3A_1326 = tpu.memref_squeeze %dma_start3A_1325 : memref<1x128x16xf32, #tpu.memory_space<vmem>> -> memref<128x16xf32, #tpu.memory_space<vmem>>
      tpu.enqueue_dma source(%dma_start3A_1326 : memref<128x16xf32, #tpu.memory_space<vmem>>) target(%dma_start3A_1322 : memref<128x16xf32, #tpu.memory_space<vmem_shared>>) target_semaphore(%run_scoped3A_1315 : memref<!tpu.dma_semaphore, #tpu.memory_space<semaphore_mem>>)
      %dma_wait3A = arith.constant 0 : i32
      %dma_wait3A_1327 = arith.constant 0 : i32
      %dma_wait3A_1328 = tpu.memref_slice %arg7[%run_scoped3A_1294, %dma_wait3A, %dma_wait3A_1327] : memref<16x128x16xf32, #tpu.memory_space<vmem>> -> memref<1x128x16xf32, #tpu.memory_space<vmem>>
      %dma_wait3A_1329 = tpu.memref_squeeze %dma_wait3A_1328 : memref<1x128x16xf32, #tpu.memory_space<vmem>> -> memref<128x16xf32, #tpu.memory_space<vmem>>
      %dma_wait3A_1330 = arith.constant 0 : i32
      %dma_wait3A_1331 = tpu.memref_slice %arg8[%add3A_1293, %dma_wait3A_1330] : memref<10240x16xf32, #tpu.memory_space<vmem_shared>> -> memref<128x16xf32, #tpu.memory_space<vmem_shared>>
      %dma_wait3A_1332 = arith.constant 0 : i32
      %dma_wait3A_1333 = tpu.memref_slice %arg8[%add3A_1293, %dma_wait3A_1332] : memref<10240x16xf32, #tpu.memory_space<vmem_shared>> -> memref<128x16xf32, #tpu.memory_space<vmem_shared>>
      %dma_wait3A_1334 = arith.constant 0 : i32
      %dma_wait3A_1335 = arith.constant 0 : i32
      %dma_wait3A_1336 = tpu.memref_slice %arg7[%run_scoped3A_1294, %dma_wait3A_1334, %dma_wait3A_1335] : memref<16x128x16xf32, #tpu.memory_space<vmem>> -> memref<1x128x16xf32, #tpu.memory_space<vmem>>
      %dma_wait3A_1337 = tpu.memref_squeeze %dma_wait3A_1336 : memref<1x128x16xf32, #tpu.memory_space<vmem>> -> memref<128x16xf32, #tpu.memory_space<vmem>>
      tpu.wait_dma2 semaphore(%run_scoped3A_1315 : memref<!tpu.dma_semaphore, #tpu.memory_space<semaphore_mem>>) src(%dma_wait3A_1337 : memref<128x16xf32, #tpu.memory_space<vmem>>) dst(%dma_wait3A_1333 : memref<128x16xf32, #tpu.memory_space<vmem_shared>>)
      tpu.yield
    }) : () -> ()
    %mul3A_1295 = arith.constant 640 : i32
    %mul3A_1296 = arith.muli %arg1, %mul3A_1295 : i32
    %add3A_1297 = arith.constant 384 : i32
    %add3A_1298 = arith.addi %mul3A_1296, %add3A_1297 : i32
    %run_scoped3A_1299 = arith.constant 0 : i32
    "tpu.region"() ({
      %run_scoped3A_1315 = tpu.sem_alloc : memref<!tpu.dma_semaphore, #tpu.memory_space<semaphore_mem>>
      %dma_start3A = arith.constant 0 : i32
      %dma_start3A_1316 = arith.constant 0 : i32
      %dma_start3A_1317 = tpu.memref_slice %arg7[%run_scoped3A_1299, %dma_start3A, %dma_start3A_1316] : memref<16x128x16xf32, #tpu.memory_space<vmem>> -> memref<1x128x16xf32, #tpu.memory_space<vmem>>
      %dma_start3A_1318 = tpu.memref_squeeze %dma_start3A_1317 : memref<1x128x16xf32, #tpu.memory_space<vmem>> -> memref<128x16xf32, #tpu.memory_space<vmem>>
      %dma_start3A_1319 = arith.constant 0 : i32
      %dma_start3A_1320 = tpu.memref_slice %arg8[%add3A_1298, %dma_start3A_1319] : memref<10240x16xf32, #tpu.memory_space<vmem_shared>> -> memref<128x16xf32, #tpu.memory_space<vmem_shared>>
      %dma_start3A_1321 = arith.constant 0 : i32
      %dma_start3A_1322 = tpu.memref_slice %arg8[%add3A_1298, %dma_start3A_1321] : memref<10240x16xf32, #tpu.memory_space<vmem_shared>> -> memref<128x16xf32, #tpu.memory_space<vmem_shared>>
      %dma_start3A_1323 = arith.constant 0 : i32
      %dma_start3A_1324 = arith.constant 0 : i32
      %dma_start3A_1325 = tpu.memref_slice %arg7[%run_scoped3A_1299, %dma_start3A_1323, %dma_start3A_1324] : memref<16x128x16xf32, #tpu.memory_space<vmem>> -> memref<1x128x16xf32, #tpu.memory_space<vmem>>
      %dma_start3A_1326 = tpu.memref_squeeze %dma_start3A_1325 : memref<1x128x16xf32, #tpu.memory_space<vmem>> -> memref<128x16xf32, #tpu.memory_space<vmem>>
      tpu.enqueue_dma source(%dma_start3A_1326 : memref<128x16xf32, #tpu.memory_space<vmem>>) target(%dma_start3A_1322 : memref<128x16xf32, #tpu.memory_space<vmem_shared>>) target_semaphore(%run_scoped3A_1315 : memref<!tpu.dma_semaphore, #tpu.memory_space<semaphore_mem>>)
      %dma_wait3A = arith.constant 0 : i32
      %dma_wait3A_1327 = arith.constant 0 : i32
      %dma_wait3A_1328 = tpu.memref_slice %arg7[%run_scoped3A_1299, %dma_wait3A, %dma_wait3A_1327] : memref<16x128x16xf32, #tpu.memory_space<vmem>> -> memref<1x128x16xf32, #tpu.memory_space<vmem>>
      %dma_wait3A_1329 = tpu.memref_squeeze %dma_wait3A_1328 : memref<1x128x16xf32, #tpu.memory_space<vmem>> -> memref<128x16xf32, #tpu.memory_space<vmem>>
      %dma_wait3A_1330 = arith.constant 0 : i32
      %dma_wait3A_1331 = tpu.memref_slice %arg8[%add3A_1298, %dma_wait3A_1330] : memref<10240x16xf32, #tpu.memory_space<vmem_shared>> -> memref<128x16xf32, #tpu.memory_space<vmem_shared>>
      %dma_wait3A_1332 = arith.constant 0 : i32
      %dma_wait3A_1333 = tpu.memref_slice %arg8[%add3A_1298, %dma_wait3A_1332] : memref<10240x16xf32, #tpu.memory_space<vmem_shared>> -> memref<128x16xf32, #tpu.memory_space<vmem_shared>>
      %dma_wait3A_1334 = arith.constant 0 : i32
      %dma_wait3A_1335 = arith.constant 0 : i32
      %dma_wait3A_1336 = tpu.memref_slice %arg7[%run_scoped3A_1299, %dma_wait3A_1334, %dma_wait3A_1335] : memref<16x128x16xf32, #tpu.memory_space<vmem>> -> memref<1x128x16xf32, #tpu.memory_space<vmem>>
      %dma_wait3A_1337 = tpu.memref_squeeze %dma_wait3A_1336 : memref<1x128x16xf32, #tpu.memory_space<vmem>> -> memref<128x16xf32, #tpu.memory_space<vmem>>
      tpu.wait_dma2 semaphore(%run_scoped3A_1315 : memref<!tpu.dma_semaphore, #tpu.memory_space<semaphore_mem>>) src(%dma_wait3A_1337 : memref<128x16xf32, #tpu.memory_space<vmem>>) dst(%dma_wait3A_1333 : memref<128x16xf32, #tpu.memory_space<vmem_shared>>)
      tpu.yield
    }) : () -> ()
    %mul3A_1300 = arith.constant 640 : i32
    %mul3A_1301 = arith.muli %arg1, %mul3A_1300 : i32
    %add3A_1302 = arith.constant 512 : i32
    %add3A_1303 = arith.addi %mul3A_1301, %add3A_1302 : i32
    %run_scoped3A_1304 = arith.constant 0 : i32
    "tpu.region"() ({
      %run_scoped3A_1315 = tpu.sem_alloc : memref<!tpu.dma_semaphore, #tpu.memory_space<semaphore_mem>>
      %dma_start3A = arith.constant 0 : i32
      %dma_start3A_1316 = arith.constant 0 : i32
      %dma_start3A_1317 = tpu.memref_slice %arg7[%run_scoped3A_1304, %dma_start3A, %dma_start3A_1316] : memref<16x128x16xf32, #tpu.memory_space<vmem>> -> memref<1x128x16xf32, #tpu.memory_space<vmem>>
      %dma_start3A_1318 = tpu.memref_squeeze %dma_start3A_1317 : memref<1x128x16xf32, #tpu.memory_space<vmem>> -> memref<128x16xf32, #tpu.memory_space<vmem>>
      %dma_start3A_1319 = arith.constant 0 : i32
      %dma_start3A_1320 = tpu.memref_slice %arg8[%add3A_1303, %dma_start3A_1319] : memref<10240x16xf32, #tpu.memory_space<vmem_shared>> -> memref<128x16xf32, #tpu.memory_space<vmem_shared>>
      %dma_start3A_1321 = arith.constant 0 : i32
      %dma_start3A_1322 = tpu.memref_slice %arg8[%add3A_1303, %dma_start3A_1321] : memref<10240x16xf32, #tpu.memory_space<vmem_shared>> -> memref<128x16xf32, #tpu.memory_space<vmem_shared>>
      %dma_start3A_1323 = arith.constant 0 : i32
      %dma_start3A_1324 = arith.constant 0 : i32
      %dma_start3A_1325 = tpu.memref_slice %arg7[%run_scoped3A_1304, %dma_start3A_1323, %dma_start3A_1324] : memref<16x128x16xf32, #tpu.memory_space<vmem>> -> memref<1x128x16xf32, #tpu.memory_space<vmem>>
      %dma_start3A_1326 = tpu.memref_squeeze %dma_start3A_1325 : memref<1x128x16xf32, #tpu.memory_space<vmem>> -> memref<128x16xf32, #tpu.memory_space<vmem>>
      tpu.enqueue_dma source(%dma_start3A_1326 : memref<128x16xf32, #tpu.memory_space<vmem>>) target(%dma_start3A_1322 : memref<128x16xf32, #tpu.memory_space<vmem_shared>>) target_semaphore(%run_scoped3A_1315 : memref<!tpu.dma_semaphore, #tpu.memory_space<semaphore_mem>>)
      %dma_wait3A = arith.constant 0 : i32
      %dma_wait3A_1327 = arith.constant 0 : i32
      %dma_wait3A_1328 = tpu.memref_slice %arg7[%run_scoped3A_1304, %dma_wait3A, %dma_wait3A_1327] : memref<16x128x16xf32, #tpu.memory_space<vmem>> -> memref<1x128x16xf32, #tpu.memory_space<vmem>>
      %dma_wait3A_1329 = tpu.memref_squeeze %dma_wait3A_1328 : memref<1x128x16xf32, #tpu.memory_space<vmem>> -> memref<128x16xf32, #tpu.memory_space<vmem>>
      %dma_wait3A_1330 = arith.constant 0 : i32
      %dma_wait3A_1331 = tpu.memref_slice %arg8[%add3A_1303, %dma_wait3A_1330] : memref<10240x16xf32, #tpu.memory_space<vmem_shared>> -> memref<128x16xf32, #tpu.memory_space<vmem_shared>>
      %dma_wait3A_1332 = arith.constant 0 : i32
      %dma_wait3A_1333 = tpu.memref_slice %arg8[%add3A_1303, %dma_wait3A_1332] : memref<10240x16xf32, #tpu.memory_space<vmem_shared>> -> memref<128x16xf32, #tpu.memory_space<vmem_shared>>
      %dma_wait3A_1334 = arith.constant 0 : i32
      %dma_wait3A_1335 = arith.constant 0 : i32
      %dma_wait3A_1336 = tpu.memref_slice %arg7[%run_scoped3A_1304, %dma_wait3A_1334, %dma_wait3A_1335] : memref<16x128x16xf32, #tpu.memory_space<vmem>> -> memref<1x128x16xf32, #tpu.memory_space<vmem>>
      %dma_wait3A_1337 = tpu.memref_squeeze %dma_wait3A_1336 : memref<1x128x16xf32, #tpu.memory_space<vmem>> -> memref<128x16xf32, #tpu.memory_space<vmem>>
      tpu.wait_dma2 semaphore(%run_scoped3A_1315 : memref<!tpu.dma_semaphore, #tpu.memory_space<semaphore_mem>>) src(%dma_wait3A_1337 : memref<128x16xf32, #tpu.memory_space<vmem>>) dst(%dma_wait3A_1333 : memref<128x16xf32, #tpu.memory_space<vmem_shared>>)
      tpu.yield
    }) : () -> ()
    %mul3A_1305 = arith.constant 625 : i32
    %mul3A_1306 = arith.muli %arg1, %mul3A_1305 : i32
    "tpu.region"() ({
      %run_scoped3A_1315 = tpu.sem_alloc : memref<!tpu.dma_semaphore, #tpu.memory_space<semaphore_mem>>
      %dma_start3A = arith.constant 0 : i32
      %dma_start3A_1316 = tpu.memref_slice %arg9[%mul3A_1306, %dma_start3A] : memref<10240x16xf32, #tpu.memory_space<vmem_shared>> -> memref<625x16xf32, #tpu.memory_space<vmem_shared>>
      %dma_start3A_1317 = arith.constant 0 : i32
      %dma_start3A_1318 = tpu.memref_slice %arg2[%mul3A_1306, %dma_start3A_1317] : memref<10000x16xf32, #tpu.memory_space<hbm>> -> memref<625x16xf32, #tpu.memory_space<hbm>>
      tpu.enqueue_dma source(%dma_start3A_1318 : memref<625x16xf32, #tpu.memory_space<hbm>>) target(%dma_start3A_1316 : memref<625x16xf32, #tpu.memory_space<vmem_shared>>) target_semaphore(%run_scoped3A_1315 : memref<!tpu.dma_semaphore, #tpu.memory_space<semaphore_mem>>)
      %dma_wait3A = arith.constant 0 : i32
      %dma_wait3A_1319 = tpu.memref_slice %arg9[%mul3A_1306, %dma_wait3A] : memref<10240x16xf32, #tpu.memory_space<vmem_shared>> -> memref<625x16xf32, #tpu.memory_space<vmem_shared>>
      %dma_wait3A_1320 = arith.constant 0 : i32
      %dma_wait3A_1321 = tpu.memref_slice %arg2[%mul3A_1306, %dma_wait3A_1320] : memref<10000x16xf32, #tpu.memory_space<hbm>> -> memref<625x16xf32, #tpu.memory_space<hbm>>
      tpu.wait_dma2 semaphore(%run_scoped3A_1315 : memref<!tpu.dma_semaphore, #tpu.memory_space<semaphore_mem>>) src(%dma_wait3A_1321 : memref<625x16xf32, #tpu.memory_space<hbm>>) dst(%dma_wait3A_1319 : memref<625x16xf32, #tpu.memory_space<vmem_shared>>)
      tpu.yield
    }) : () -> ()
    %barrier3A = arith.constant 0 : index
    tpu.barrier barrier_id(%barrier3A)
    %scan3A = arith.constant 0 : i32
    %scan3A_1307 = arith.constant 0 : i32
    %scan3A_1308 = arith.constant 5 : i32
    %scan3A_1309 = arith.addi %scan3A_1307, %scan3A_1308 : i32
    %scan3A_1310 = arith.constant 1 : i32
    scf.for %scan3A_1315 = %scan3A_1307 to %scan3A_1309 step %scan3A_1310  : i32 {
      %mul3A_1316 = arith.constant 16 : i32
      %mul3A_1317 = arith.muli %scan3A_1315, %mul3A_1316 : i32
      %add3A_1318 = arith.constant 0 : i32
      %add3A_1319 = arith.addi %mul3A_1317, %add3A_1318 : i32
      %dma_start3A = arith.constant 0 : i32
      %dma_start3A_1320 = arith.constant 0 : i32
      %dma_start3A_1321 = arith.constant 0 : i32
      %dma_start3A_1322 = arith.constant 0 : i32
      %dma_start3A_1323 = tpu.memref_slice %arg7[%dma_start3A_1320, %dma_start3A_1321, %dma_start3A_1322] : memref<16x128x16xf32, #tpu.memory_space<vmem>> -> memref<1x128x16xf32, #tpu.memory_space<vmem>>
      %dma_start3A_1324 = tpu.memref_squeeze %dma_start3A_1323 : memref<1x128x16xf32, #tpu.memory_space<vmem>> -> memref<128x16xf32, #tpu.memory_space<vmem>>
      %dma_start3A_1325 = arith.constant 0 : i32
      %dma_start3A_1326 = tpu.memref_slice %arg6[%dma_start3A, %add3A_1319, %dma_start3A_1325] : memref<2x80x128xi32, #tpu.memory_space<vmem>> -> memref<1x1x128xi32, #tpu.memory_space<vmem>>
      %dma_start3A_1327 = tpu.memref_squeeze %dma_start3A_1326 : memref<1x1x128xi32, #tpu.memory_space<vmem>> -> memref<128xi32, #tpu.memory_space<vmem>>
      %dma_start3A_1328 = arith.constant 0 : i32
      %dma_start3A_1329 = arith.constant 0 : i32
      %dma_start3A_1330 = tpu.memref_slice %arg9[%dma_start3A_1328, %dma_start3A_1329] : memref<10240x16xf32, #tpu.memory_space<vmem_shared>> -> memref<10240x16xf32, #tpu.memory_space<vmem_shared>>
      tpu.enqueue_indirect_dma source(%dma_start3A_1330 : memref<10240x16xf32, #tpu.memory_space<vmem_shared>>) target(%dma_start3A_1324 : memref<128x16xf32, #tpu.memory_space<vmem>>) offsets(%dma_start3A_1327 : memref<128xi32, #tpu.memory_space<vmem>>) semaphore(%arg10 : memref<!tpu.dma_semaphore, #tpu.memory_space<semaphore_mem>>)
      %add3A_1331 = arith.constant 1 : i32
      %add3A_1332 = arith.addi %mul3A_1317, %add3A_1331 : i32
      %dma_start3A_1333 = arith.constant 0 : i32
      %dma_start3A_1334 = arith.constant 1 : i32
      %dma_start3A_1335 = arith.constant 0 : i32
      %dma_start3A_1336 = arith.constant 0 : i32
      %dma_start3A_1337 = tpu.memref_slice %arg7[%dma_start3A_1334, %dma_start3A_1335, %dma_start3A_1336] : memref<16x128x16xf32, #tpu.memory_space<vmem>> -> memref<1x128x16xf32, #tpu.memory_space<vmem>>
      %dma_start3A_1338 = tpu.memref_squeeze %dma_start3A_1337 : memref<1x128x16xf32, #tpu.memory_space<vmem>> -> memref<128x16xf32, #tpu.memory_space<vmem>>
      %dma_start3A_1339 = arith.constant 0 : i32
      %dma_start3A_1340 = tpu.memref_slice %arg6[%dma_start3A_1333, %add3A_1332, %dma_start3A_1339] : memref<2x80x128xi32, #tpu.memory_space<vmem>> -> memref<1x1x128xi32, #tpu.memory_space<vmem>>
      %dma_start3A_1341 = tpu.memref_squeeze %dma_start3A_1340 : memref<1x1x128xi32, #tpu.memory_space<vmem>> -> memref<128xi32, #tpu.memory_space<vmem>>
      %dma_start3A_1342 = arith.constant 0 : i32
      %dma_start3A_1343 = arith.constant 0 : i32
      %dma_start3A_1344 = tpu.memref_slice %arg9[%dma_start3A_1342, %dma_start3A_1343] : memref<10240x16xf32, #tpu.memory_space<vmem_shared>> -> memref<10240x16xf32, #tpu.memory_space<vmem_shared>>
      tpu.enqueue_indirect_dma source(%dma_start3A_1344 : memref<10240x16xf32, #tpu.memory_space<vmem_shared>>) target(%dma_start3A_1338 : memref<128x16xf32, #tpu.memory_space<vmem>>) offsets(%dma_start3A_1341 : memref<128xi32, #tpu.memory_space<vmem>>) semaphore(%arg10 : memref<!tpu.dma_semaphore, #tpu.memory_space<semaphore_mem>>)
      %add3A_1345 = arith.constant 2 : i32
      %add3A_1346 = arith.addi %mul3A_1317, %add3A_1345 : i32
      %dma_start3A_1347 = arith.constant 0 : i32
      %dma_start3A_1348 = arith.constant 2 : i32
      %dma_start3A_1349 = arith.constant 0 : i32
      %dma_start3A_1350 = arith.constant 0 : i32
      %dma_start3A_1351 = tpu.memref_slice %arg7[%dma_start3A_1348, %dma_start3A_1349, %dma_start3A_1350] : memref<16x128x16xf32, #tpu.memory_space<vmem>> -> memref<1x128x16xf32, #tpu.memory_space<vmem>>
      %dma_start3A_1352 = tpu.memref_squeeze %dma_start3A_1351 : memref<1x128x16xf32, #tpu.memory_space<vmem>> -> memref<128x16xf32, #tpu.memory_space<vmem>>
      %dma_start3A_1353 = arith.constant 0 : i32
      %dma_start3A_1354 = tpu.memref_slice %arg6[%dma_start3A_1347, %add3A_1346, %dma_start3A_1353] : memref<2x80x128xi32, #tpu.memory_space<vmem>> -> memref<1x1x128xi32, #tpu.memory_space<vmem>>
      %dma_start3A_1355 = tpu.memref_squeeze %dma_start3A_1354 : memref<1x1x128xi32, #tpu.memory_space<vmem>> -> memref<128xi32, #tpu.memory_space<vmem>>
      %dma_start3A_1356 = arith.constant 0 : i32
      %dma_start3A_1357 = arith.constant 0 : i32
      %dma_start3A_1358 = tpu.memref_slice %arg9[%dma_start3A_1356, %dma_start3A_1357] : memref<10240x16xf32, #tpu.memory_space<vmem_shared>> -> memref<10240x16xf32, #tpu.memory_space<vmem_shared>>
      tpu.enqueue_indirect_dma source(%dma_start3A_1358 : memref<10240x16xf32, #tpu.memory_space<vmem_shared>>) target(%dma_start3A_1352 : memref<128x16xf32, #tpu.memory_space<vmem>>) offsets(%dma_start3A_1355 : memref<128xi32, #tpu.memory_space<vmem>>) semaphore(%arg10 : memref<!tpu.dma_semaphore, #tpu.memory_space<semaphore_mem>>)
      %add3A_1359 = arith.constant 3 : i32
      %add3A_1360 = arith.addi %mul3A_1317, %add3A_1359 : i32
      %dma_start3A_1361 = arith.constant 0 : i32
      %dma_start3A_1362 = arith.constant 3 : i32
      %dma_start3A_1363 = arith.constant 0 : i32
      %dma_start3A_1364 = arith.constant 0 : i32
      %dma_start3A_1365 = tpu.memref_slice %arg7[%dma_start3A_1362, %dma_start3A_1363, %dma_start3A_1364] : memref<16x128x16xf32, #tpu.memory_space<vmem>> -> memref<1x128x16xf32, #tpu.memory_space<vmem>>
      %dma_start3A_1366 = tpu.memref_squeeze %dma_start3A_1365 : memref<1x128x16xf32, #tpu.memory_space<vmem>> -> memref<128x16xf32, #tpu.memory_space<vmem>>
      %dma_start3A_1367 = arith.constant 0 : i32
      %dma_start3A_1368 = tpu.memref_slice %arg6[%dma_start3A_1361, %add3A_1360, %dma_start3A_1367] : memref<2x80x128xi32, #tpu.memory_space<vmem>> -> memref<1x1x128xi32, #tpu.memory_space<vmem>>
      %dma_start3A_1369 = tpu.memref_squeeze %dma_start3A_1368 : memref<1x1x128xi32, #tpu.memory_space<vmem>> -> memref<128xi32, #tpu.memory_space<vmem>>
      %dma_start3A_1370 = arith.constant 0 : i32
      %dma_start3A_1371 = arith.constant 0 : i32
      %dma_start3A_1372 = tpu.memref_slice %arg9[%dma_start3A_1370, %dma_start3A_1371] : memref<10240x16xf32, #tpu.memory_space<vmem_shared>> -> memref<10240x16xf32, #tpu.memory_space<vmem_shared>>
      tpu.enqueue_indirect_dma source(%dma_start3A_1372 : memref<10240x16xf32, #tpu.memory_space<vmem_shared>>) target(%dma_start3A_1366 : memref<128x16xf32, #tpu.memory_space<vmem>>) offsets(%dma_start3A_1369 : memref<128xi32, #tpu.memory_space<vmem>>) semaphore(%arg10 : memref<!tpu.dma_semaphore, #tpu.memory_space<semaphore_mem>>)
      %add3A_1373 = arith.constant 4 : i32
      %add3A_1374 = arith.addi %mul3A_1317, %add3A_1373 : i32
      %dma_start3A_1375 = arith.constant 0 : i32
      %dma_start3A_1376 = arith.constant 4 : i32
      %dma_start3A_1377 = arith.constant 0 : i32
      %dma_start3A_1378 = arith.constant 0 : i32
      %dma_start3A_1379 = tpu.memref_slice %arg7[%dma_start3A_1376, %dma_start3A_1377, %dma_start3A_1378] : memref<16x128x16xf32, #tpu.memory_space<vmem>> -> memref<1x128x16xf32, #tpu.memory_space<vmem>>
      %dma_start3A_1380 = tpu.memref_squeeze %dma_start3A_1379 : memref<1x128x16xf32, #tpu.memory_space<vmem>> -> memref<128x16xf32, #tpu.memory_space<vmem>>
      %dma_start3A_1381 = arith.constant 0 : i32
      %dma_start3A_1382 = tpu.memref_slice %arg6[%dma_start3A_1375, %add3A_1374, %dma_start3A_1381] : memref<2x80x128xi32, #tpu.memory_space<vmem>> -> memref<1x1x128xi32, #tpu.memory_space<vmem>>
      %dma_start3A_1383 = tpu.memref_squeeze %dma_start3A_1382 : memref<1x1x128xi32, #tpu.memory_space<vmem>> -> memref<128xi32, #tpu.memory_space<vmem>>
      %dma_start3A_1384 = arith.constant 0 : i32
      %dma_start3A_1385 = arith.constant 0 : i32
      %dma_start3A_1386 = tpu.memref_slice %arg9[%dma_start3A_1384, %dma_start3A_1385] : memref<10240x16xf32, #tpu.memory_space<vmem_shared>> -> memref<10240x16xf32, #tpu.memory_space<vmem_shared>>
      tpu.enqueue_indirect_dma source(%dma_start3A_1386 : memref<10240x16xf32, #tpu.memory_space<vmem_shared>>) target(%dma_start3A_1380 : memref<128x16xf32, #tpu.memory_space<vmem>>) offsets(%dma_start3A_1383 : memref<128xi32, #tpu.memory_space<vmem>>) semaphore(%arg10 : memref<!tpu.dma_semaphore, #tpu.memory_space<semaphore_mem>>)
      %add3A_1387 = arith.constant 5 : i32
      %add3A_1388 = arith.addi %mul3A_1317, %add3A_1387 : i32
      %dma_start3A_1389 = arith.constant 0 : i32
      %dma_start3A_1390 = arith.constant 5 : i32
      %dma_start3A_1391 = arith.constant 0 : i32
      %dma_start3A_1392 = arith.constant 0 : i32
      %dma_start3A_1393 = tpu.memref_slice %arg7[%dma_start3A_1390, %dma_start3A_1391, %dma_start3A_1392] : memref<16x128x16xf32, #tpu.memory_space<vmem>> -> memref<1x128x16xf32, #tpu.memory_space<vmem>>
      %dma_start3A_1394 = tpu.memref_squeeze %dma_start3A_1393 : memref<1x128x16xf32, #tpu.memory_space<vmem>> -> memref<128x16xf32, #tpu.memory_space<vmem>>
      %dma_start3A_1395 = arith.constant 0 : i32
      %dma_start3A_1396 = tpu.memref_slice %arg6[%dma_start3A_1389, %add3A_1388, %dma_start3A_1395] : memref<2x80x128xi32, #tpu.memory_space<vmem>> -> memref<1x1x128xi32, #tpu.memory_space<vmem>>
      %dma_start3A_1397 = tpu.memref_squeeze %dma_start3A_1396 : memref<1x1x128xi32, #tpu.memory_space<vmem>> -> memref<128xi32, #tpu.memory_space<vmem>>
      %dma_start3A_1398 = arith.constant 0 : i32
      %dma_start3A_1399 = arith.constant 0 : i32
      %dma_start3A_1400 = tpu.memref_slice %arg9[%dma_start3A_1398, %dma_start3A_1399] : memref<10240x16xf32, #tpu.memory_space<vmem_shared>> -> memref<10240x16xf32, #tpu.memory_space<vmem_shared>>
      tpu.enqueue_indirect_dma source(%dma_start3A_1400 : memref<10240x16xf32, #tpu.memory_space<vmem_shared>>) target(%dma_start3A_1394 : memref<128x16xf32, #tpu.memory_space<vmem>>) offsets(%dma_start3A_1397 : memref<128xi32, #tpu.memory_space<vmem>>) semaphore(%arg10 : memref<!tpu.dma_semaphore, #tpu.memory_space<semaphore_mem>>)
      %add3A_1401 = arith.constant 6 : i32
      %add3A_1402 = arith.addi %mul3A_1317, %add3A_1401 : i32
      %dma_start3A_1403 = arith.constant 0 : i32
      %dma_start3A_1404 = arith.constant 6 : i32
      %dma_start3A_1405 = arith.constant 0 : i32
      %dma_start3A_1406 = arith.constant 0 : i32
      %dma_start3A_1407 = tpu.memref_slice %arg7[%dma_start3A_1404, %dma_start3A_1405, %dma_start3A_1406] : memref<16x128x16xf32, #tpu.memory_space<vmem>> -> memref<1x128x16xf32, #tpu.memory_space<vmem>>
      %dma_start3A_1408 = tpu.memref_squeeze %dma_start3A_1407 : memref<1x128x16xf32, #tpu.memory_space<vmem>> -> memref<128x16xf32, #tpu.memory_space<vmem>>
      %dma_start3A_1409 = arith.constant 0 : i32
      %dma_start3A_1410 = tpu.memref_slice %arg6[%dma_start3A_1403, %add3A_1402, %dma_start3A_1409] : memref<2x80x128xi32, #tpu.memory_space<vmem>> -> memref<1x1x128xi32, #tpu.memory_space<vmem>>
      %dma_start3A_1411 = tpu.memref_squeeze %dma_start3A_1410 : memref<1x1x128xi32, #tpu.memory_space<vmem>> -> memref<128xi32, #tpu.memory_space<vmem>>
      %dma_start3A_1412 = arith.constant 0 : i32
      %dma_start3A_1413 = arith.constant 0 : i32
      %dma_start3A_1414 = tpu.memref_slice %arg9[%dma_start3A_1412, %dma_start3A_1413] : memref<10240x16xf32, #tpu.memory_space<vmem_shared>> -> memref<10240x16xf32, #tpu.memory_space<vmem_shared>>
      tpu.enqueue_indirect_dma source(%dma_start3A_1414 : memref<10240x16xf32, #tpu.memory_space<vmem_shared>>) target(%dma_start3A_1408 : memref<128x16xf32, #tpu.memory_space<vmem>>) offsets(%dma_start3A_1411 : memref<128xi32, #tpu.memory_space<vmem>>) semaphore(%arg10 : memref<!tpu.dma_semaphore, #tpu.memory_space<semaphore_mem>>)
      %add3A_1415 = arith.constant 7 : i32
      %add3A_1416 = arith.addi %mul3A_1317, %add3A_1415 : i32
      %dma_start3A_1417 = arith.constant 0 : i32
      %dma_start3A_1418 = arith.constant 7 : i32
      %dma_start3A_1419 = arith.constant 0 : i32
      %dma_start3A_1420 = arith.constant 0 : i32
      %dma_start3A_1421 = tpu.memref_slice %arg7[%dma_start3A_1418, %dma_start3A_1419, %dma_start3A_1420] : memref<16x128x16xf32, #tpu.memory_space<vmem>> -> memref<1x128x16xf32, #tpu.memory_space<vmem>>
      %dma_start3A_1422 = tpu.memref_squeeze %dma_start3A_1421 : memref<1x128x16xf32, #tpu.memory_space<vmem>> -> memref<128x16xf32, #tpu.memory_space<vmem>>
      %dma_start3A_1423 = arith.constant 0 : i32
      %dma_start3A_1424 = tpu.memref_slice %arg6[%dma_start3A_1417, %add3A_1416, %dma_start3A_1423] : memref<2x80x128xi32, #tpu.memory_space<vmem>> -> memref<1x1x128xi32, #tpu.memory_space<vmem>>
      %dma_start3A_1425 = tpu.memref_squeeze %dma_start3A_1424 : memref<1x1x128xi32, #tpu.memory_space<vmem>> -> memref<128xi32, #tpu.memory_space<vmem>>
      %dma_start3A_1426 = arith.constant 0 : i32
      %dma_start3A_1427 = arith.constant 0 : i32
      %dma_start3A_1428 = tpu.memref_slice %arg9[%dma_start3A_1426, %dma_start3A_1427] : memref<10240x16xf32, #tpu.memory_space<vmem_shared>> -> memref<10240x16xf32, #tpu.memory_space<vmem_shared>>
      tpu.enqueue_indirect_dma source(%dma_start3A_1428 : memref<10240x16xf32, #tpu.memory_space<vmem_shared>>) target(%dma_start3A_1422 : memref<128x16xf32, #tpu.memory_space<vmem>>) offsets(%dma_start3A_1425 : memref<128xi32, #tpu.memory_space<vmem>>) semaphore(%arg10 : memref<!tpu.dma_semaphore, #tpu.memory_space<semaphore_mem>>)
      %add3A_1429 = arith.constant 8 : i32
      %add3A_1430 = arith.addi %mul3A_1317, %add3A_1429 : i32
      %dma_start3A_1431 = arith.constant 0 : i32
      %dma_start3A_1432 = arith.constant 8 : i32
      %dma_start3A_1433 = arith.constant 0 : i32
      %dma_start3A_1434 = arith.constant 0 : i32
      %dma_start3A_1435 = tpu.memref_slice %arg7[%dma_start3A_1432, %dma_start3A_1433, %dma_start3A_1434] : memref<16x128x16xf32, #tpu.memory_space<vmem>> -> memref<1x128x16xf32, #tpu.memory_space<vmem>>
      %dma_start3A_1436 = tpu.memref_squeeze %dma_start3A_1435 : memref<1x128x16xf32, #tpu.memory_space<vmem>> -> memref<128x16xf32, #tpu.memory_space<vmem>>
      %dma_start3A_1437 = arith.constant 0 : i32
      %dma_start3A_1438 = tpu.memref_slice %arg6[%dma_start3A_1431, %add3A_1430, %dma_start3A_1437] : memref<2x80x128xi32, #tpu.memory_space<vmem>> -> memref<1x1x128xi32, #tpu.memory_space<vmem>>
      %dma_start3A_1439 = tpu.memref_squeeze %dma_start3A_1438 : memref<1x1x128xi32, #tpu.memory_space<vmem>> -> memref<128xi32, #tpu.memory_space<vmem>>
      %dma_start3A_1440 = arith.constant 0 : i32
      %dma_start3A_1441 = arith.constant 0 : i32
      %dma_start3A_1442 = tpu.memref_slice %arg9[%dma_start3A_1440, %dma_start3A_1441] : memref<10240x16xf32, #tpu.memory_space<vmem_shared>> -> memref<10240x16xf32, #tpu.memory_space<vmem_shared>>
      tpu.enqueue_indirect_dma source(%dma_start3A_1442 : memref<10240x16xf32, #tpu.memory_space<vmem_shared>>) target(%dma_start3A_1436 : memref<128x16xf32, #tpu.memory_space<vmem>>) offsets(%dma_start3A_1439 : memref<128xi32, #tpu.memory_space<vmem>>) semaphore(%arg10 : memref<!tpu.dma_semaphore, #tpu.memory_space<semaphore_mem>>)
      %add3A_1443 = arith.constant 9 : i32
      %add3A_1444 = arith.addi %mul3A_1317, %add3A_1443 : i32
      %dma_start3A_1445 = arith.constant 0 : i32
      %dma_start3A_1446 = arith.constant 9 : i32
      %dma_start3A_1447 = arith.constant 0 : i32
      %dma_start3A_1448 = arith.constant 0 : i32
      %dma_start3A_1449 = tpu.memref_slice %arg7[%dma_start3A_1446, %dma_start3A_1447, %dma_start3A_1448] : memref<16x128x16xf32, #tpu.memory_space<vmem>> -> memref<1x128x16xf32, #tpu.memory_space<vmem>>
      %dma_start3A_1450 = tpu.memref_squeeze %dma_start3A_1449 : memref<1x128x16xf32, #tpu.memory_space<vmem>> -> memref<128x16xf32, #tpu.memory_space<vmem>>
      %dma_start3A_1451 = arith.constant 0 : i32
      %dma_start3A_1452 = tpu.memref_slice %arg6[%dma_start3A_1445, %add3A_1444, %dma_start3A_1451] : memref<2x80x128xi32, #tpu.memory_space<vmem>> -> memref<1x1x128xi32, #tpu.memory_space<vmem>>
      %dma_start3A_1453 = tpu.memref_squeeze %dma_start3A_1452 : memref<1x1x128xi32, #tpu.memory_space<vmem>> -> memref<128xi32, #tpu.memory_space<vmem>>
      %dma_start3A_1454 = arith.constant 0 : i32
      %dma_start3A_1455 = arith.constant 0 : i32
      %dma_start3A_1456 = tpu.memref_slice %arg9[%dma_start3A_1454, %dma_start3A_1455] : memref<10240x16xf32, #tpu.memory_space<vmem_shared>> -> memref<10240x16xf32, #tpu.memory_space<vmem_shared>>
      tpu.enqueue_indirect_dma source(%dma_start3A_1456 : memref<10240x16xf32, #tpu.memory_space<vmem_shared>>) target(%dma_start3A_1450 : memref<128x16xf32, #tpu.memory_space<vmem>>) offsets(%dma_start3A_1453 : memref<128xi32, #tpu.memory_space<vmem>>) semaphore(%arg10 : memref<!tpu.dma_semaphore, #tpu.memory_space<semaphore_mem>>)
      %add3A_1457 = arith.constant 10 : i32
      %add3A_1458 = arith.addi %mul3A_1317, %add3A_1457 : i32
      %dma_start3A_1459 = arith.constant 0 : i32
      %dma_start3A_1460 = arith.constant 10 : i32
      %dma_start3A_1461 = arith.constant 0 : i32
      %dma_start3A_1462 = arith.constant 0 : i32
      %dma_start3A_1463 = tpu.memref_slice %arg7[%dma_start3A_1460, %dma_start3A_1461, %dma_start3A_1462] : memref<16x128x16xf32, #tpu.memory_space<vmem>> -> memref<1x128x16xf32, #tpu.memory_space<vmem>>
      %dma_start3A_1464 = tpu.memref_squeeze %dma_start3A_1463 : memref<1x128x16xf32, #tpu.memory_space<vmem>> -> memref<128x16xf32, #tpu.memory_space<vmem>>
      %dma_start3A_1465 = arith.constant 0 : i32
      %dma_start3A_1466 = tpu.memref_slice %arg6[%dma_start3A_1459, %add3A_1458, %dma_start3A_1465] : memref<2x80x128xi32, #tpu.memory_space<vmem>> -> memref<1x1x128xi32, #tpu.memory_space<vmem>>
      %dma_start3A_1467 = tpu.memref_squeeze %dma_start3A_1466 : memref<1x1x128xi32, #tpu.memory_space<vmem>> -> memref<128xi32, #tpu.memory_space<vmem>>
      %dma_start3A_1468 = arith.constant 0 : i32
      %dma_start3A_1469 = arith.constant 0 : i32
      %dma_start3A_1470 = tpu.memref_slice %arg9[%dma_start3A_1468, %dma_start3A_1469] : memref<10240x16xf32, #tpu.memory_space<vmem_shared>> -> memref<10240x16xf32, #tpu.memory_space<vmem_shared>>
      tpu.enqueue_indirect_dma source(%dma_start3A_1470 : memref<10240x16xf32, #tpu.memory_space<vmem_shared>>) target(%dma_start3A_1464 : memref<128x16xf32, #tpu.memory_space<vmem>>) offsets(%dma_start3A_1467 : memref<128xi32, #tpu.memory_space<vmem>>) semaphore(%arg10 : memref<!tpu.dma_semaphore, #tpu.memory_space<semaphore_mem>>)
      %add3A_1471 = arith.constant 11 : i32
      %add3A_1472 = arith.addi %mul3A_1317, %add3A_1471 : i32
      %dma_start3A_1473 = arith.constant 0 : i32
      %dma_start3A_1474 = arith.constant 11 : i32
      %dma_start3A_1475 = arith.constant 0 : i32
      %dma_start3A_1476 = arith.constant 0 : i32
      %dma_start3A_1477 = tpu.memref_slice %arg7[%dma_start3A_1474, %dma_start3A_1475, %dma_start3A_1476] : memref<16x128x16xf32, #tpu.memory_space<vmem>> -> memref<1x128x16xf32, #tpu.memory_space<vmem>>
      %dma_start3A_1478 = tpu.memref_squeeze %dma_start3A_1477 : memref<1x128x16xf32, #tpu.memory_space<vmem>> -> memref<128x16xf32, #tpu.memory_space<vmem>>
      %dma_start3A_1479 = arith.constant 0 : i32
      %dma_start3A_1480 = tpu.memref_slice %arg6[%dma_start3A_1473, %add3A_1472, %dma_start3A_1479] : memref<2x80x128xi32, #tpu.memory_space<vmem>> -> memref<1x1x128xi32, #tpu.memory_space<vmem>>
      %dma_start3A_1481 = tpu.memref_squeeze %dma_start3A_1480 : memref<1x1x128xi32, #tpu.memory_space<vmem>> -> memref<128xi32, #tpu.memory_space<vmem>>
      %dma_start3A_1482 = arith.constant 0 : i32
      %dma_start3A_1483 = arith.constant 0 : i32
      %dma_start3A_1484 = tpu.memref_slice %arg9[%dma_start3A_1482, %dma_start3A_1483] : memref<10240x16xf32, #tpu.memory_space<vmem_shared>> -> memref<10240x16xf32, #tpu.memory_space<vmem_shared>>
      tpu.enqueue_indirect_dma source(%dma_start3A_1484 : memref<10240x16xf32, #tpu.memory_space<vmem_shared>>) target(%dma_start3A_1478 : memref<128x16xf32, #tpu.memory_space<vmem>>) offsets(%dma_start3A_1481 : memref<128xi32, #tpu.memory_space<vmem>>) semaphore(%arg10 : memref<!tpu.dma_semaphore, #tpu.memory_space<semaphore_mem>>)
      %add3A_1485 = arith.constant 12 : i32
      %add3A_1486 = arith.addi %mul3A_1317, %add3A_1485 : i32
      %dma_start3A_1487 = arith.constant 0 : i32
      %dma_start3A_1488 = arith.constant 12 : i32
      %dma_start3A_1489 = arith.constant 0 : i32
      %dma_start3A_1490 = arith.constant 0 : i32
      %dma_start3A_1491 = tpu.memref_slice %arg7[%dma_start3A_1488, %dma_start3A_1489, %dma_start3A_1490] : memref<16x128x16xf32, #tpu.memory_space<vmem>> -> memref<1x128x16xf32, #tpu.memory_space<vmem>>
      %dma_start3A_1492 = tpu.memref_squeeze %dma_start3A_1491 : memref<1x128x16xf32, #tpu.memory_space<vmem>> -> memref<128x16xf32, #tpu.memory_space<vmem>>
      %dma_start3A_1493 = arith.constant 0 : i32
      %dma_start3A_1494 = tpu.memref_slice %arg6[%dma_start3A_1487, %add3A_1486, %dma_start3A_1493] : memref<2x80x128xi32, #tpu.memory_space<vmem>> -> memref<1x1x128xi32, #tpu.memory_space<vmem>>
      %dma_start3A_1495 = tpu.memref_squeeze %dma_start3A_1494 : memref<1x1x128xi32, #tpu.memory_space<vmem>> -> memref<128xi32, #tpu.memory_space<vmem>>
      %dma_start3A_1496 = arith.constant 0 : i32
      %dma_start3A_1497 = arith.constant 0 : i32
      %dma_start3A_1498 = tpu.memref_slice %arg9[%dma_start3A_1496, %dma_start3A_1497] : memref<10240x16xf32, #tpu.memory_space<vmem_shared>> -> memref<10240x16xf32, #tpu.memory_space<vmem_shared>>
      tpu.enqueue_indirect_dma source(%dma_start3A_1498 : memref<10240x16xf32, #tpu.memory_space<vmem_shared>>) target(%dma_start3A_1492 : memref<128x16xf32, #tpu.memory_space<vmem>>) offsets(%dma_start3A_1495 : memref<128xi32, #tpu.memory_space<vmem>>) semaphore(%arg10 : memref<!tpu.dma_semaphore, #tpu.memory_space<semaphore_mem>>)
      %add3A_1499 = arith.constant 13 : i32
      %add3A_1500 = arith.addi %mul3A_1317, %add3A_1499 : i32
      %dma_start3A_1501 = arith.constant 0 : i32
      %dma_start3A_1502 = arith.constant 13 : i32
      %dma_start3A_1503 = arith.constant 0 : i32
      %dma_start3A_1504 = arith.constant 0 : i32
      %dma_start3A_1505 = tpu.memref_slice %arg7[%dma_start3A_1502, %dma_start3A_1503, %dma_start3A_1504] : memref<16x128x16xf32, #tpu.memory_space<vmem>> -> memref<1x128x16xf32, #tpu.memory_space<vmem>>
      %dma_start3A_1506 = tpu.memref_squeeze %dma_start3A_1505 : memref<1x128x16xf32, #tpu.memory_space<vmem>> -> memref<128x16xf32, #tpu.memory_space<vmem>>
      %dma_start3A_1507 = arith.constant 0 : i32
      %dma_start3A_1508 = tpu.memref_slice %arg6[%dma_start3A_1501, %add3A_1500, %dma_start3A_1507] : memref<2x80x128xi32, #tpu.memory_space<vmem>> -> memref<1x1x128xi32, #tpu.memory_space<vmem>>
      %dma_start3A_1509 = tpu.memref_squeeze %dma_start3A_1508 : memref<1x1x128xi32, #tpu.memory_space<vmem>> -> memref<128xi32, #tpu.memory_space<vmem>>
      %dma_start3A_1510 = arith.constant 0 : i32
      %dma_start3A_1511 = arith.constant 0 : i32
      %dma_start3A_1512 = tpu.memref_slice %arg9[%dma_start3A_1510, %dma_start3A_1511] : memref<10240x16xf32, #tpu.memory_space<vmem_shared>> -> memref<10240x16xf32, #tpu.memory_space<vmem_shared>>
      tpu.enqueue_indirect_dma source(%dma_start3A_1512 : memref<10240x16xf32, #tpu.memory_space<vmem_shared>>) target(%dma_start3A_1506 : memref<128x16xf32, #tpu.memory_space<vmem>>) offsets(%dma_start3A_1509 : memref<128xi32, #tpu.memory_space<vmem>>) semaphore(%arg10 : memref<!tpu.dma_semaphore, #tpu.memory_space<semaphore_mem>>)
      %add3A_1513 = arith.constant 14 : i32
      %add3A_1514 = arith.addi %mul3A_1317, %add3A_1513 : i32
      %dma_start3A_1515 = arith.constant 0 : i32
      %dma_start3A_1516 = arith.constant 14 : i32
      %dma_start3A_1517 = arith.constant 0 : i32
      %dma_start3A_1518 = arith.constant 0 : i32
      %dma_start3A_1519 = tpu.memref_slice %arg7[%dma_start3A_1516, %dma_start3A_1517, %dma_start3A_1518] : memref<16x128x16xf32, #tpu.memory_space<vmem>> -> memref<1x128x16xf32, #tpu.memory_space<vmem>>
      %dma_start3A_1520 = tpu.memref_squeeze %dma_start3A_1519 : memref<1x128x16xf32, #tpu.memory_space<vmem>> -> memref<128x16xf32, #tpu.memory_space<vmem>>
      %dma_start3A_1521 = arith.constant 0 : i32
      %dma_start3A_1522 = tpu.memref_slice %arg6[%dma_start3A_1515, %add3A_1514, %dma_start3A_1521] : memref<2x80x128xi32, #tpu.memory_space<vmem>> -> memref<1x1x128xi32, #tpu.memory_space<vmem>>
      %dma_start3A_1523 = tpu.memref_squeeze %dma_start3A_1522 : memref<1x1x128xi32, #tpu.memory_space<vmem>> -> memref<128xi32, #tpu.memory_space<vmem>>
      %dma_start3A_1524 = arith.constant 0 : i32
      %dma_start3A_1525 = arith.constant 0 : i32
      %dma_start3A_1526 = tpu.memref_slice %arg9[%dma_start3A_1524, %dma_start3A_1525] : memref<10240x16xf32, #tpu.memory_space<vmem_shared>> -> memref<10240x16xf32, #tpu.memory_space<vmem_shared>>
      tpu.enqueue_indirect_dma source(%dma_start3A_1526 : memref<10240x16xf32, #tpu.memory_space<vmem_shared>>) target(%dma_start3A_1520 : memref<128x16xf32, #tpu.memory_space<vmem>>) offsets(%dma_start3A_1523 : memref<128xi32, #tpu.memory_space<vmem>>) semaphore(%arg10 : memref<!tpu.dma_semaphore, #tpu.memory_space<semaphore_mem>>)
      %add3A_1527 = arith.constant 15 : i32
      %add3A_1528 = arith.addi %mul3A_1317, %add3A_1527 : i32
      %dma_start3A_1529 = arith.constant 0 : i32
      %dma_start3A_1530 = arith.constant 15 : i32
      %dma_start3A_1531 = arith.constant 0 : i32
      %dma_start3A_1532 = arith.constant 0 : i32
      %dma_start3A_1533 = tpu.memref_slice %arg7[%dma_start3A_1530, %dma_start3A_1531, %dma_start3A_1532] : memref<16x128x16xf32, #tpu.memory_space<vmem>> -> memref<1x128x16xf32, #tpu.memory_space<vmem>>
      %dma_start3A_1534 = tpu.memref_squeeze %dma_start3A_1533 : memref<1x128x16xf32, #tpu.memory_space<vmem>> -> memref<128x16xf32, #tpu.memory_space<vmem>>
      %dma_start3A_1535 = arith.constant 0 : i32
      %dma_start3A_1536 = tpu.memref_slice %arg6[%dma_start3A_1529, %add3A_1528, %dma_start3A_1535] : memref<2x80x128xi32, #tpu.memory_space<vmem>> -> memref<1x1x128xi32, #tpu.memory_space<vmem>>
      %dma_start3A_1537 = tpu.memref_squeeze %dma_start3A_1536 : memref<1x1x128xi32, #tpu.memory_space<vmem>> -> memref<128xi32, #tpu.memory_space<vmem>>
      %dma_start3A_1538 = arith.constant 0 : i32
      %dma_start3A_1539 = arith.constant 0 : i32
      %dma_start3A_1540 = tpu.memref_slice %arg9[%dma_start3A_1538, %dma_start3A_1539] : memref<10240x16xf32, #tpu.memory_space<vmem_shared>> -> memref<10240x16xf32, #tpu.memory_space<vmem_shared>>
      tpu.enqueue_indirect_dma source(%dma_start3A_1540 : memref<10240x16xf32, #tpu.memory_space<vmem_shared>>) target(%dma_start3A_1534 : memref<128x16xf32, #tpu.memory_space<vmem>>) offsets(%dma_start3A_1537 : memref<128xi32, #tpu.memory_space<vmem>>) semaphore(%arg10 : memref<!tpu.dma_semaphore, #tpu.memory_space<semaphore_mem>>)
      %dma_wait3A = arith.constant 0 : i32
      %dma_wait3A_1541 = arith.constant 0 : i32
      %dma_wait3A_1542 = arith.constant 0 : i32
      %dma_wait3A_1543 = arith.constant 0 : i32
      %dma_wait3A_1544 = tpu.memref_slice %arg7[%dma_wait3A_1541, %dma_wait3A_1542, %dma_wait3A_1543] : memref<16x128x16xf32, #tpu.memory_space<vmem>> -> memref<1x128x16xf32, #tpu.memory_space<vmem>>
      %dma_wait3A_1545 = tpu.memref_squeeze %dma_wait3A_1544 : memref<1x128x16xf32, #tpu.memory_space<vmem>> -> memref<128x16xf32, #tpu.memory_space<vmem>>
      %dma_wait3A_1546 = arith.constant 0 : i32
      %dma_wait3A_1547 = tpu.memref_slice %arg6[%dma_wait3A, %add3A_1319, %dma_wait3A_1546] : memref<2x80x128xi32, #tpu.memory_space<vmem>> -> memref<1x1x128xi32, #tpu.memory_space<vmem>>
      %dma_wait3A_1548 = tpu.memref_squeeze %dma_wait3A_1547 : memref<1x1x128xi32, #tpu.memory_space<vmem>> -> memref<128xi32, #tpu.memory_space<vmem>>
      %dma_wait3A_1549 = arith.constant 0 : i32
      %dma_wait3A_1550 = arith.constant 0 : i32
      %dma_wait3A_1551 = tpu.memref_slice %arg9[%dma_wait3A_1549, %dma_wait3A_1550] : memref<10240x16xf32, #tpu.memory_space<vmem_shared>> -> memref<10240x16xf32, #tpu.memory_space<vmem_shared>>
      tpu.wait_indirect_dma semaphore(%arg10 : memref<!tpu.dma_semaphore, #tpu.memory_space<semaphore_mem>>) src(%dma_wait3A_1551 : memref<10240x16xf32, #tpu.memory_space<vmem_shared>>) dst(%dma_wait3A_1545 : memref<128x16xf32, #tpu.memory_space<vmem>>)
      %add3A_1552 = arith.constant 0 : i32
      %add3A_1553 = arith.addi %mul3A_1317, %add3A_1552 : i32
      %dma_start3A_1554 = arith.constant 0 : i32
      %dma_start3A_1555 = arith.constant 1 : i32
      %dma_start3A_1556 = arith.constant 0 : i32
      %dma_start3A_1557 = arith.constant 0 : i32
      %dma_start3A_1558 = tpu.memref_slice %arg7[%dma_start3A_1554, %dma_start3A_1556, %dma_start3A_1557] : memref<16x128x16xf32, #tpu.memory_space<vmem>> -> memref<1x128x16xf32, #tpu.memory_space<vmem>>
      %dma_start3A_1559 = tpu.memref_squeeze %dma_start3A_1558 : memref<1x128x16xf32, #tpu.memory_space<vmem>> -> memref<128x16xf32, #tpu.memory_space<vmem>>
      %dma_start3A_1560 = arith.constant 0 : i32
      %dma_start3A_1561 = tpu.memref_slice %arg6[%dma_start3A_1555, %add3A_1553, %dma_start3A_1560] : memref<2x80x128xi32, #tpu.memory_space<vmem>> -> memref<1x1x128xi32, #tpu.memory_space<vmem>>
      %dma_start3A_1562 = tpu.memref_squeeze %dma_start3A_1561 : memref<1x1x128xi32, #tpu.memory_space<vmem>> -> memref<128xi32, #tpu.memory_space<vmem>>
      %dma_start3A_1563 = arith.constant 0 : i32
      %dma_start3A_1564 = arith.constant 0 : i32
      %dma_start3A_1565 = tpu.memref_slice %arg8[%dma_start3A_1563, %dma_start3A_1564] : memref<10240x16xf32, #tpu.memory_space<vmem_shared>> -> memref<10240x16xf32, #tpu.memory_space<vmem_shared>>
      tpu.enqueue_indirect_dma source(%dma_start3A_1559 : memref<128x16xf32, #tpu.memory_space<vmem>>) target(%dma_start3A_1565 : memref<10240x16xf32, #tpu.memory_space<vmem_shared>>) offsets(%dma_start3A_1562 : memref<128xi32, #tpu.memory_space<vmem>>) semaphore(%arg11 : memref<!tpu.dma_semaphore, #tpu.memory_space<semaphore_mem>>) {add = true}
      %dma_wait3A_1566 = arith.constant 0 : i32
      %dma_wait3A_1567 = arith.constant 1 : i32
      %dma_wait3A_1568 = arith.constant 0 : i32
      %dma_wait3A_1569 = arith.constant 0 : i32
      %dma_wait3A_1570 = tpu.memref_slice %arg7[%dma_wait3A_1567, %dma_wait3A_1568, %dma_wait3A_1569] : memref<16x128x16xf32, #tpu.memory_space<vmem>> -> memref<1x128x16xf32, #tpu.memory_space<vmem>>
      %dma_wait3A_1571 = tpu.memref_squeeze %dma_wait3A_1570 : memref<1x128x16xf32, #tpu.memory_space<vmem>> -> memref<128x16xf32, #tpu.memory_space<vmem>>
      %dma_wait3A_1572 = arith.constant 0 : i32
      %dma_wait3A_1573 = tpu.memref_slice %arg6[%dma_wait3A_1566, %add3A_1332, %dma_wait3A_1572] : memref<2x80x128xi32, #tpu.memory_space<vmem>> -> memref<1x1x128xi32, #tpu.memory_space<vmem>>
      %dma_wait3A_1574 = tpu.memref_squeeze %dma_wait3A_1573 : memref<1x1x128xi32, #tpu.memory_space<vmem>> -> memref<128xi32, #tpu.memory_space<vmem>>
      %dma_wait3A_1575 = arith.constant 0 : i32
      %dma_wait3A_1576 = arith.constant 0 : i32
      %dma_wait3A_1577 = tpu.memref_slice %arg9[%dma_wait3A_1575, %dma_wait3A_1576] : memref<10240x16xf32, #tpu.memory_space<vmem_shared>> -> memref<10240x16xf32, #tpu.memory_space<vmem_shared>>
      tpu.wait_indirect_dma semaphore(%arg10 : memref<!tpu.dma_semaphore, #tpu.memory_space<semaphore_mem>>) src(%dma_wait3A_1577 : memref<10240x16xf32, #tpu.memory_space<vmem_shared>>) dst(%dma_wait3A_1571 : memref<128x16xf32, #tpu.memory_space<vmem>>)
      %add3A_1578 = arith.constant 1 : i32
      %add3A_1579 = arith.addi %mul3A_1317, %add3A_1578 : i32
      %dma_start3A_1580 = arith.constant 1 : i32
      %dma_start3A_1581 = arith.constant 1 : i32
      %dma_start3A_1582 = arith.constant 0 : i32
      %dma_start3A_1583 = arith.constant 0 : i32
      %dma_start3A_1584 = tpu.memref_slice %arg7[%dma_start3A_1580, %dma_start3A_1582, %dma_start3A_1583] : memref<16x128x16xf32, #tpu.memory_space<vmem>> -> memref<1x128x16xf32, #tpu.memory_space<vmem>>
      %dma_start3A_1585 = tpu.memref_squeeze %dma_start3A_1584 : memref<1x128x16xf32, #tpu.memory_space<vmem>> -> memref<128x16xf32, #tpu.memory_space<vmem>>
      %dma_start3A_1586 = arith.constant 0 : i32
      %dma_start3A_1587 = tpu.memref_slice %arg6[%dma_start3A_1581, %add3A_1579, %dma_start3A_1586] : memref<2x80x128xi32, #tpu.memory_space<vmem>> -> memref<1x1x128xi32, #tpu.memory_space<vmem>>
      %dma_start3A_1588 = tpu.memref_squeeze %dma_start3A_1587 : memref<1x1x128xi32, #tpu.memory_space<vmem>> -> memref<128xi32, #tpu.memory_space<vmem>>
      %dma_start3A_1589 = arith.constant 0 : i32
      %dma_start3A_1590 = arith.constant 0 : i32
      %dma_start3A_1591 = tpu.memref_slice %arg8[%dma_start3A_1589, %dma_start3A_1590] : memref<10240x16xf32, #tpu.memory_space<vmem_shared>> -> memref<10240x16xf32, #tpu.memory_space<vmem_shared>>
      tpu.enqueue_indirect_dma source(%dma_start3A_1585 : memref<128x16xf32, #tpu.memory_space<vmem>>) target(%dma_start3A_1591 : memref<10240x16xf32, #tpu.memory_space<vmem_shared>>) offsets(%dma_start3A_1588 : memref<128xi32, #tpu.memory_space<vmem>>) semaphore(%arg11 : memref<!tpu.dma_semaphore, #tpu.memory_space<semaphore_mem>>) {add = true}
      %dma_wait3A_1592 = arith.constant 0 : i32
      %dma_wait3A_1593 = arith.constant 2 : i32
      %dma_wait3A_1594 = arith.constant 0 : i32
      %dma_wait3A_1595 = arith.constant 0 : i32
      %dma_wait3A_1596 = tpu.memref_slice %arg7[%dma_wait3A_1593, %dma_wait3A_1594, %dma_wait3A_1595] : memref<16x128x16xf32, #tpu.memory_space<vmem>> -> memref<1x128x16xf32, #tpu.memory_space<vmem>>
      %dma_wait3A_1597 = tpu.memref_squeeze %dma_wait3A_1596 : memref<1x128x16xf32, #tpu.memory_space<vmem>> -> memref<128x16xf32, #tpu.memory_space<vmem>>
      %dma_wait3A_1598 = arith.constant 0 : i32
      %dma_wait3A_1599 = tpu.memref_slice %arg6[%dma_wait3A_1592, %add3A_1346, %dma_wait3A_1598] : memref<2x80x128xi32, #tpu.memory_space<vmem>> -> memref<1x1x128xi32, #tpu.memory_space<vmem>>
      %dma_wait3A_1600 = tpu.memref_squeeze %dma_wait3A_1599 : memref<1x1x128xi32, #tpu.memory_space<vmem>> -> memref<128xi32, #tpu.memory_space<vmem>>
      %dma_wait3A_1601 = arith.constant 0 : i32
      %dma_wait3A_1602 = arith.constant 0 : i32
      %dma_wait3A_1603 = tpu.memref_slice %arg9[%dma_wait3A_1601, %dma_wait3A_1602] : memref<10240x16xf32, #tpu.memory_space<vmem_shared>> -> memref<10240x16xf32, #tpu.memory_space<vmem_shared>>
      tpu.wait_indirect_dma semaphore(%arg10 : memref<!tpu.dma_semaphore, #tpu.memory_space<semaphore_mem>>) src(%dma_wait3A_1603 : memref<10240x16xf32, #tpu.memory_space<vmem_shared>>) dst(%dma_wait3A_1597 : memref<128x16xf32, #tpu.memory_space<vmem>>)
      %add3A_1604 = arith.constant 2 : i32
      %add3A_1605 = arith.addi %mul3A_1317, %add3A_1604 : i32
      %dma_start3A_1606 = arith.constant 2 : i32
      %dma_start3A_1607 = arith.constant 1 : i32
      %dma_start3A_1608 = arith.constant 0 : i32
      %dma_start3A_1609 = arith.constant 0 : i32
      %dma_start3A_1610 = tpu.memref_slice %arg7[%dma_start3A_1606, %dma_start3A_1608, %dma_start3A_1609] : memref<16x128x16xf32, #tpu.memory_space<vmem>> -> memref<1x128x16xf32, #tpu.memory_space<vmem>>
      %dma_start3A_1611 = tpu.memref_squeeze %dma_start3A_1610 : memref<1x128x16xf32, #tpu.memory_space<vmem>> -> memref<128x16xf32, #tpu.memory_space<vmem>>
      %dma_start3A_1612 = arith.constant 0 : i32
      %dma_start3A_1613 = tpu.memref_slice %arg6[%dma_start3A_1607, %add3A_1605, %dma_start3A_1612] : memref<2x80x128xi32, #tpu.memory_space<vmem>> -> memref<1x1x128xi32, #tpu.memory_space<vmem>>
      %dma_start3A_1614 = tpu.memref_squeeze %dma_start3A_1613 : memref<1x1x128xi32, #tpu.memory_space<vmem>> -> memref<128xi32, #tpu.memory_space<vmem>>
      %dma_start3A_1615 = arith.constant 0 : i32
      %dma_start3A_1616 = arith.constant 0 : i32
      %dma_start3A_1617 = tpu.memref_slice %arg8[%dma_start3A_1615, %dma_start3A_1616] : memref<10240x16xf32, #tpu.memory_space<vmem_shared>> -> memref<10240x16xf32, #tpu.memory_space<vmem_shared>>
      tpu.enqueue_indirect_dma source(%dma_start3A_1611 : memref<128x16xf32, #tpu.memory_space<vmem>>) target(%dma_start3A_1617 : memref<10240x16xf32, #tpu.memory_space<vmem_shared>>) offsets(%dma_start3A_1614 : memref<128xi32, #tpu.memory_space<vmem>>) semaphore(%arg11 : memref<!tpu.dma_semaphore, #tpu.memory_space<semaphore_mem>>) {add = true}
      %dma_wait3A_1618 = arith.constant 0 : i32
      %dma_wait3A_1619 = arith.constant 3 : i32
      %dma_wait3A_1620 = arith.constant 0 : i32
      %dma_wait3A_1621 = arith.constant 0 : i32
      %dma_wait3A_1622 = tpu.memref_slice %arg7[%dma_wait3A_1619, %dma_wait3A_1620, %dma_wait3A_1621] : memref<16x128x16xf32, #tpu.memory_space<vmem>> -> memref<1x128x16xf32, #tpu.memory_space<vmem>>
      %dma_wait3A_1623 = tpu.memref_squeeze %dma_wait3A_1622 : memref<1x128x16xf32, #tpu.memory_space<vmem>> -> memref<128x16xf32, #tpu.memory_space<vmem>>
      %dma_wait3A_1624 = arith.constant 0 : i32
      %dma_wait3A_1625 = tpu.memref_slice %arg6[%dma_wait3A_1618, %add3A_1360, %dma_wait3A_1624] : memref<2x80x128xi32, #tpu.memory_space<vmem>> -> memref<1x1x128xi32, #tpu.memory_space<vmem>>
      %dma_wait3A_1626 = tpu.memref_squeeze %dma_wait3A_1625 : memref<1x1x128xi32, #tpu.memory_space<vmem>> -> memref<128xi32, #tpu.memory_space<vmem>>
      %dma_wait3A_1627 = arith.constant 0 : i32
      %dma_wait3A_1628 = arith.constant 0 : i32
      %dma_wait3A_1629 = tpu.memref_slice %arg9[%dma_wait3A_1627, %dma_wait3A_1628] : memref<10240x16xf32, #tpu.memory_space<vmem_shared>> -> memref<10240x16xf32, #tpu.memory_space<vmem_shared>>
      tpu.wait_indirect_dma semaphore(%arg10 : memref<!tpu.dma_semaphore, #tpu.memory_space<semaphore_mem>>) src(%dma_wait3A_1629 : memref<10240x16xf32, #tpu.memory_space<vmem_shared>>) dst(%dma_wait3A_1623 : memref<128x16xf32, #tpu.memory_space<vmem>>)
      %add3A_1630 = arith.constant 3 : i32
      %add3A_1631 = arith.addi %mul3A_1317, %add3A_1630 : i32
      %dma_start3A_1632 = arith.constant 3 : i32
      %dma_start3A_1633 = arith.constant 1 : i32
      %dma_start3A_1634 = arith.constant 0 : i32
      %dma_start3A_1635 = arith.constant 0 : i32
      %dma_start3A_1636 = tpu.memref_slice %arg7[%dma_start3A_1632, %dma_start3A_1634, %dma_start3A_1635] : memref<16x128x16xf32, #tpu.memory_space<vmem>> -> memref<1x128x16xf32, #tpu.memory_space<vmem>>
      %dma_start3A_1637 = tpu.memref_squeeze %dma_start3A_1636 : memref<1x128x16xf32, #tpu.memory_space<vmem>> -> memref<128x16xf32, #tpu.memory_space<vmem>>
      %dma_start3A_1638 = arith.constant 0 : i32
      %dma_start3A_1639 = tpu.memref_slice %arg6[%dma_start3A_1633, %add3A_1631, %dma_start3A_1638] : memref<2x80x128xi32, #tpu.memory_space<vmem>> -> memref<1x1x128xi32, #tpu.memory_space<vmem>>
      %dma_start3A_1640 = tpu.memref_squeeze %dma_start3A_1639 : memref<1x1x128xi32, #tpu.memory_space<vmem>> -> memref<128xi32, #tpu.memory_space<vmem>>
      %dma_start3A_1641 = arith.constant 0 : i32
      %dma_start3A_1642 = arith.constant 0 : i32
      %dma_start3A_1643 = tpu.memref_slice %arg8[%dma_start3A_1641, %dma_start3A_1642] : memref<10240x16xf32, #tpu.memory_space<vmem_shared>> -> memref<10240x16xf32, #tpu.memory_space<vmem_shared>>
      tpu.enqueue_indirect_dma source(%dma_start3A_1637 : memref<128x16xf32, #tpu.memory_space<vmem>>) target(%dma_start3A_1643 : memref<10240x16xf32, #tpu.memory_space<vmem_shared>>) offsets(%dma_start3A_1640 : memref<128xi32, #tpu.memory_space<vmem>>) semaphore(%arg11 : memref<!tpu.dma_semaphore, #tpu.memory_space<semaphore_mem>>) {add = true}
      %dma_wait3A_1644 = arith.constant 0 : i32
      %dma_wait3A_1645 = arith.constant 4 : i32
      %dma_wait3A_1646 = arith.constant 0 : i32
      %dma_wait3A_1647 = arith.constant 0 : i32
      %dma_wait3A_1648 = tpu.memref_slice %arg7[%dma_wait3A_1645, %dma_wait3A_1646, %dma_wait3A_1647] : memref<16x128x16xf32, #tpu.memory_space<vmem>> -> memref<1x128x16xf32, #tpu.memory_space<vmem>>
      %dma_wait3A_1649 = tpu.memref_squeeze %dma_wait3A_1648 : memref<1x128x16xf32, #tpu.memory_space<vmem>> -> memref<128x16xf32, #tpu.memory_space<vmem>>
      %dma_wait3A_1650 = arith.constant 0 : i32
      %dma_wait3A_1651 = tpu.memref_slice %arg6[%dma_wait3A_1644, %add3A_1374, %dma_wait3A_1650] : memref<2x80x128xi32, #tpu.memory_space<vmem>> -> memref<1x1x128xi32, #tpu.memory_space<vmem>>
      %dma_wait3A_1652 = tpu.memref_squeeze %dma_wait3A_1651 : memref<1x1x128xi32, #tpu.memory_space<vmem>> -> memref<128xi32, #tpu.memory_space<vmem>>
      %dma_wait3A_1653 = arith.constant 0 : i32
      %dma_wait3A_1654 = arith.constant 0 : i32
      %dma_wait3A_1655 = tpu.memref_slice %arg9[%dma_wait3A_1653, %dma_wait3A_1654] : memref<10240x16xf32, #tpu.memory_space<vmem_shared>> -> memref<10240x16xf32, #tpu.memory_space<vmem_shared>>
      tpu.wait_indirect_dma semaphore(%arg10 : memref<!tpu.dma_semaphore, #tpu.memory_space<semaphore_mem>>) src(%dma_wait3A_1655 : memref<10240x16xf32, #tpu.memory_space<vmem_shared>>) dst(%dma_wait3A_1649 : memref<128x16xf32, #tpu.memory_space<vmem>>)
      %add3A_1656 = arith.constant 4 : i32
      %add3A_1657 = arith.addi %mul3A_1317, %add3A_1656 : i32
      %dma_start3A_1658 = arith.constant 4 : i32
      %dma_start3A_1659 = arith.constant 1 : i32
      %dma_start3A_1660 = arith.constant 0 : i32
      %dma_start3A_1661 = arith.constant 0 : i32
      %dma_start3A_1662 = tpu.memref_slice %arg7[%dma_start3A_1658, %dma_start3A_1660, %dma_start3A_1661] : memref<16x128x16xf32, #tpu.memory_space<vmem>> -> memref<1x128x16xf32, #tpu.memory_space<vmem>>
      %dma_start3A_1663 = tpu.memref_squeeze %dma_start3A_1662 : memref<1x128x16xf32, #tpu.memory_space<vmem>> -> memref<128x16xf32, #tpu.memory_space<vmem>>
      %dma_start3A_1664 = arith.constant 0 : i32
      %dma_start3A_1665 = tpu.memref_slice %arg6[%dma_start3A_1659, %add3A_1657, %dma_start3A_1664] : memref<2x80x128xi32, #tpu.memory_space<vmem>> -> memref<1x1x128xi32, #tpu.memory_space<vmem>>
      %dma_start3A_1666 = tpu.memref_squeeze %dma_start3A_1665 : memref<1x1x128xi32, #tpu.memory_space<vmem>> -> memref<128xi32, #tpu.memory_space<vmem>>
      %dma_start3A_1667 = arith.constant 0 : i32
      %dma_start3A_1668 = arith.constant 0 : i32
      %dma_start3A_1669 = tpu.memref_slice %arg8[%dma_start3A_1667, %dma_start3A_1668] : memref<10240x16xf32, #tpu.memory_space<vmem_shared>> -> memref<10240x16xf32, #tpu.memory_space<vmem_shared>>
      tpu.enqueue_indirect_dma source(%dma_start3A_1663 : memref<128x16xf32, #tpu.memory_space<vmem>>) target(%dma_start3A_1669 : memref<10240x16xf32, #tpu.memory_space<vmem_shared>>) offsets(%dma_start3A_1666 : memref<128xi32, #tpu.memory_space<vmem>>) semaphore(%arg11 : memref<!tpu.dma_semaphore, #tpu.memory_space<semaphore_mem>>) {add = true}
      %dma_wait3A_1670 = arith.constant 0 : i32
      %dma_wait3A_1671 = arith.constant 5 : i32
      %dma_wait3A_1672 = arith.constant 0 : i32
      %dma_wait3A_1673 = arith.constant 0 : i32
      %dma_wait3A_1674 = tpu.memref_slice %arg7[%dma_wait3A_1671, %dma_wait3A_1672, %dma_wait3A_1673] : memref<16x128x16xf32, #tpu.memory_space<vmem>> -> memref<1x128x16xf32, #tpu.memory_space<vmem>>
      %dma_wait3A_1675 = tpu.memref_squeeze %dma_wait3A_1674 : memref<1x128x16xf32, #tpu.memory_space<vmem>> -> memref<128x16xf32, #tpu.memory_space<vmem>>
      %dma_wait3A_1676 = arith.constant 0 : i32
      %dma_wait3A_1677 = tpu.memref_slice %arg6[%dma_wait3A_1670, %add3A_1388, %dma_wait3A_1676] : memref<2x80x128xi32, #tpu.memory_space<vmem>> -> memref<1x1x128xi32, #tpu.memory_space<vmem>>
      %dma_wait3A_1678 = tpu.memref_squeeze %dma_wait3A_1677 : memref<1x1x128xi32, #tpu.memory_space<vmem>> -> memref<128xi32, #tpu.memory_space<vmem>>
      %dma_wait3A_1679 = arith.constant 0 : i32
      %dma_wait3A_1680 = arith.constant 0 : i32
      %dma_wait3A_1681 = tpu.memref_slice %arg9[%dma_wait3A_1679, %dma_wait3A_1680] : memref<10240x16xf32, #tpu.memory_space<vmem_shared>> -> memref<10240x16xf32, #tpu.memory_space<vmem_shared>>
      tpu.wait_indirect_dma semaphore(%arg10 : memref<!tpu.dma_semaphore, #tpu.memory_space<semaphore_mem>>) src(%dma_wait3A_1681 : memref<10240x16xf32, #tpu.memory_space<vmem_shared>>) dst(%dma_wait3A_1675 : memref<128x16xf32, #tpu.memory_space<vmem>>)
      %add3A_1682 = arith.constant 5 : i32
      %add3A_1683 = arith.addi %mul3A_1317, %add3A_1682 : i32
      %dma_start3A_1684 = arith.constant 5 : i32
      %dma_start3A_1685 = arith.constant 1 : i32
      %dma_start3A_1686 = arith.constant 0 : i32
      %dma_start3A_1687 = arith.constant 0 : i32
      %dma_start3A_1688 = tpu.memref_slice %arg7[%dma_start3A_1684, %dma_start3A_1686, %dma_start3A_1687] : memref<16x128x16xf32, #tpu.memory_space<vmem>> -> memref<1x128x16xf32, #tpu.memory_space<vmem>>
      %dma_start3A_1689 = tpu.memref_squeeze %dma_start3A_1688 : memref<1x128x16xf32, #tpu.memory_space<vmem>> -> memref<128x16xf32, #tpu.memory_space<vmem>>
      %dma_start3A_1690 = arith.constant 0 : i32
      %dma_start3A_1691 = tpu.memref_slice %arg6[%dma_start3A_1685, %add3A_1683, %dma_start3A_1690] : memref<2x80x128xi32, #tpu.memory_space<vmem>> -> memref<1x1x128xi32, #tpu.memory_space<vmem>>
      %dma_start3A_1692 = tpu.memref_squeeze %dma_start3A_1691 : memref<1x1x128xi32, #tpu.memory_space<vmem>> -> memref<128xi32, #tpu.memory_space<vmem>>
      %dma_start3A_1693 = arith.constant 0 : i32
      %dma_start3A_1694 = arith.constant 0 : i32
      %dma_start3A_1695 = tpu.memref_slice %arg8[%dma_start3A_1693, %dma_start3A_1694] : memref<10240x16xf32, #tpu.memory_space<vmem_shared>> -> memref<10240x16xf32, #tpu.memory_space<vmem_shared>>
      tpu.enqueue_indirect_dma source(%dma_start3A_1689 : memref<128x16xf32, #tpu.memory_space<vmem>>) target(%dma_start3A_1695 : memref<10240x16xf32, #tpu.memory_space<vmem_shared>>) offsets(%dma_start3A_1692 : memref<128xi32, #tpu.memory_space<vmem>>) semaphore(%arg11 : memref<!tpu.dma_semaphore, #tpu.memory_space<semaphore_mem>>) {add = true}
      %dma_wait3A_1696 = arith.constant 0 : i32
      %dma_wait3A_1697 = arith.constant 6 : i32
      %dma_wait3A_1698 = arith.constant 0 : i32
      %dma_wait3A_1699 = arith.constant 0 : i32
      %dma_wait3A_1700 = tpu.memref_slice %arg7[%dma_wait3A_1697, %dma_wait3A_1698, %dma_wait3A_1699] : memref<16x128x16xf32, #tpu.memory_space<vmem>> -> memref<1x128x16xf32, #tpu.memory_space<vmem>>
      %dma_wait3A_1701 = tpu.memref_squeeze %dma_wait3A_1700 : memref<1x128x16xf32, #tpu.memory_space<vmem>> -> memref<128x16xf32, #tpu.memory_space<vmem>>
      %dma_wait3A_1702 = arith.constant 0 : i32
      %dma_wait3A_1703 = tpu.memref_slice %arg6[%dma_wait3A_1696, %add3A_1402, %dma_wait3A_1702] : memref<2x80x128xi32, #tpu.memory_space<vmem>> -> memref<1x1x128xi32, #tpu.memory_space<vmem>>
      %dma_wait3A_1704 = tpu.memref_squeeze %dma_wait3A_1703 : memref<1x1x128xi32, #tpu.memory_space<vmem>> -> memref<128xi32, #tpu.memory_space<vmem>>
      %dma_wait3A_1705 = arith.constant 0 : i32
      %dma_wait3A_1706 = arith.constant 0 : i32
      %dma_wait3A_1707 = tpu.memref_slice %arg9[%dma_wait3A_1705, %dma_wait3A_1706] : memref<10240x16xf32, #tpu.memory_space<vmem_shared>> -> memref<10240x16xf32, #tpu.memory_space<vmem_shared>>
      tpu.wait_indirect_dma semaphore(%arg10 : memref<!tpu.dma_semaphore, #tpu.memory_space<semaphore_mem>>) src(%dma_wait3A_1707 : memref<10240x16xf32, #tpu.memory_space<vmem_shared>>) dst(%dma_wait3A_1701 : memref<128x16xf32, #tpu.memory_space<vmem>>)
      %add3A_1708 = arith.constant 6 : i32
      %add3A_1709 = arith.addi %mul3A_1317, %add3A_1708 : i32
      %dma_start3A_1710 = arith.constant 6 : i32
      %dma_start3A_1711 = arith.constant 1 : i32
      %dma_start3A_1712 = arith.constant 0 : i32
      %dma_start3A_1713 = arith.constant 0 : i32
      %dma_start3A_1714 = tpu.memref_slice %arg7[%dma_start3A_1710, %dma_start3A_1712, %dma_start3A_1713] : memref<16x128x16xf32, #tpu.memory_space<vmem>> -> memref<1x128x16xf32, #tpu.memory_space<vmem>>
      %dma_start3A_1715 = tpu.memref_squeeze %dma_start3A_1714 : memref<1x128x16xf32, #tpu.memory_space<vmem>> -> memref<128x16xf32, #tpu.memory_space<vmem>>
      %dma_start3A_1716 = arith.constant 0 : i32
      %dma_start3A_1717 = tpu.memref_slice %arg6[%dma_start3A_1711, %add3A_1709, %dma_start3A_1716] : memref<2x80x128xi32, #tpu.memory_space<vmem>> -> memref<1x1x128xi32, #tpu.memory_space<vmem>>
      %dma_start3A_1718 = tpu.memref_squeeze %dma_start3A_1717 : memref<1x1x128xi32, #tpu.memory_space<vmem>> -> memref<128xi32, #tpu.memory_space<vmem>>
      %dma_start3A_1719 = arith.constant 0 : i32
      %dma_start3A_1720 = arith.constant 0 : i32
      %dma_start3A_1721 = tpu.memref_slice %arg8[%dma_start3A_1719, %dma_start3A_1720] : memref<10240x16xf32, #tpu.memory_space<vmem_shared>> -> memref<10240x16xf32, #tpu.memory_space<vmem_shared>>
      tpu.enqueue_indirect_dma source(%dma_start3A_1715 : memref<128x16xf32, #tpu.memory_space<vmem>>) target(%dma_start3A_1721 : memref<10240x16xf32, #tpu.memory_space<vmem_shared>>) offsets(%dma_start3A_1718 : memref<128xi32, #tpu.memory_space<vmem>>) semaphore(%arg11 : memref<!tpu.dma_semaphore, #tpu.memory_space<semaphore_mem>>) {add = true}
      %dma_wait3A_1722 = arith.constant 0 : i32
      %dma_wait3A_1723 = arith.constant 7 : i32
      %dma_wait3A_1724 = arith.constant 0 : i32
      %dma_wait3A_1725 = arith.constant 0 : i32
      %dma_wait3A_1726 = tpu.memref_slice %arg7[%dma_wait3A_1723, %dma_wait3A_1724, %dma_wait3A_1725] : memref<16x128x16xf32, #tpu.memory_space<vmem>> -> memref<1x128x16xf32, #tpu.memory_space<vmem>>
      %dma_wait3A_1727 = tpu.memref_squeeze %dma_wait3A_1726 : memref<1x128x16xf32, #tpu.memory_space<vmem>> -> memref<128x16xf32, #tpu.memory_space<vmem>>
      %dma_wait3A_1728 = arith.constant 0 : i32
      %dma_wait3A_1729 = tpu.memref_slice %arg6[%dma_wait3A_1722, %add3A_1416, %dma_wait3A_1728] : memref<2x80x128xi32, #tpu.memory_space<vmem>> -> memref<1x1x128xi32, #tpu.memory_space<vmem>>
      %dma_wait3A_1730 = tpu.memref_squeeze %dma_wait3A_1729 : memref<1x1x128xi32, #tpu.memory_space<vmem>> -> memref<128xi32, #tpu.memory_space<vmem>>
      %dma_wait3A_1731 = arith.constant 0 : i32
      %dma_wait3A_1732 = arith.constant 0 : i32
      %dma_wait3A_1733 = tpu.memref_slice %arg9[%dma_wait3A_1731, %dma_wait3A_1732] : memref<10240x16xf32, #tpu.memory_space<vmem_shared>> -> memref<10240x16xf32, #tpu.memory_space<vmem_shared>>
      tpu.wait_indirect_dma semaphore(%arg10 : memref<!tpu.dma_semaphore, #tpu.memory_space<semaphore_mem>>) src(%dma_wait3A_1733 : memref<10240x16xf32, #tpu.memory_space<vmem_shared>>) dst(%dma_wait3A_1727 : memref<128x16xf32, #tpu.memory_space<vmem>>)
      %add3A_1734 = arith.constant 7 : i32
      %add3A_1735 = arith.addi %mul3A_1317, %add3A_1734 : i32
      %dma_start3A_1736 = arith.constant 7 : i32
      %dma_start3A_1737 = arith.constant 1 : i32
      %dma_start3A_1738 = arith.constant 0 : i32
      %dma_start3A_1739 = arith.constant 0 : i32
      %dma_start3A_1740 = tpu.memref_slice %arg7[%dma_start3A_1736, %dma_start3A_1738, %dma_start3A_1739] : memref<16x128x16xf32, #tpu.memory_space<vmem>> -> memref<1x128x16xf32, #tpu.memory_space<vmem>>
      %dma_start3A_1741 = tpu.memref_squeeze %dma_start3A_1740 : memref<1x128x16xf32, #tpu.memory_space<vmem>> -> memref<128x16xf32, #tpu.memory_space<vmem>>
      %dma_start3A_1742 = arith.constant 0 : i32
      %dma_start3A_1743 = tpu.memref_slice %arg6[%dma_start3A_1737, %add3A_1735, %dma_start3A_1742] : memref<2x80x128xi32, #tpu.memory_space<vmem>> -> memref<1x1x128xi32, #tpu.memory_space<vmem>>
      %dma_start3A_1744 = tpu.memref_squeeze %dma_start3A_1743 : memref<1x1x128xi32, #tpu.memory_space<vmem>> -> memref<128xi32, #tpu.memory_space<vmem>>
      %dma_start3A_1745 = arith.constant 0 : i32
      %dma_start3A_1746 = arith.constant 0 : i32
      %dma_start3A_1747 = tpu.memref_slice %arg8[%dma_start3A_1745, %dma_start3A_1746] : memref<10240x16xf32, #tpu.memory_space<vmem_shared>> -> memref<10240x16xf32, #tpu.memory_space<vmem_shared>>
      tpu.enqueue_indirect_dma source(%dma_start3A_1741 : memref<128x16xf32, #tpu.memory_space<vmem>>) target(%dma_start3A_1747 : memref<10240x16xf32, #tpu.memory_space<vmem_shared>>) offsets(%dma_start3A_1744 : memref<128xi32, #tpu.memory_space<vmem>>) semaphore(%arg11 : memref<!tpu.dma_semaphore, #tpu.memory_space<semaphore_mem>>) {add = true}
      %dma_wait3A_1748 = arith.constant 0 : i32
      %dma_wait3A_1749 = arith.constant 8 : i32
      %dma_wait3A_1750 = arith.constant 0 : i32
      %dma_wait3A_1751 = arith.constant 0 : i32
      %dma_wait3A_1752 = tpu.memref_slice %arg7[%dma_wait3A_1749, %dma_wait3A_1750, %dma_wait3A_1751] : memref<16x128x16xf32, #tpu.memory_space<vmem>> -> memref<1x128x16xf32, #tpu.memory_space<vmem>>
      %dma_wait3A_1753 = tpu.memref_squeeze %dma_wait3A_1752 : memref<1x128x16xf32, #tpu.memory_space<vmem>> -> memref<128x16xf32, #tpu.memory_space<vmem>>
      %dma_wait3A_1754 = arith.constant 0 : i32
      %dma_wait3A_1755 = tpu.memref_slice %arg6[%dma_wait3A_1748, %add3A_1430, %dma_wait3A_1754] : memref<2x80x128xi32, #tpu.memory_space<vmem>> -> memref<1x1x128xi32, #tpu.memory_space<vmem>>
      %dma_wait3A_1756 = tpu.memref_squeeze %dma_wait3A_1755 : memref<1x1x128xi32, #tpu.memory_space<vmem>> -> memref<128xi32, #tpu.memory_space<vmem>>
      %dma_wait3A_1757 = arith.constant 0 : i32
      %dma_wait3A_1758 = arith.constant 0 : i32
      %dma_wait3A_1759 = tpu.memref_slice %arg9[%dma_wait3A_1757, %dma_wait3A_1758] : memref<10240x16xf32, #tpu.memory_space<vmem_shared>> -> memref<10240x16xf32, #tpu.memory_space<vmem_shared>>
      tpu.wait_indirect_dma semaphore(%arg10 : memref<!tpu.dma_semaphore, #tpu.memory_space<semaphore_mem>>) src(%dma_wait3A_1759 : memref<10240x16xf32, #tpu.memory_space<vmem_shared>>) dst(%dma_wait3A_1753 : memref<128x16xf32, #tpu.memory_space<vmem>>)
      %add3A_1760 = arith.constant 8 : i32
      %add3A_1761 = arith.addi %mul3A_1317, %add3A_1760 : i32
      %dma_start3A_1762 = arith.constant 8 : i32
      %dma_start3A_1763 = arith.constant 1 : i32
      %dma_start3A_1764 = arith.constant 0 : i32
      %dma_start3A_1765 = arith.constant 0 : i32
      %dma_start3A_1766 = tpu.memref_slice %arg7[%dma_start3A_1762, %dma_start3A_1764, %dma_start3A_1765] : memref<16x128x16xf32, #tpu.memory_space<vmem>> -> memref<1x128x16xf32, #tpu.memory_space<vmem>>
      %dma_start3A_1767 = tpu.memref_squeeze %dma_start3A_1766 : memref<1x128x16xf32, #tpu.memory_space<vmem>> -> memref<128x16xf32, #tpu.memory_space<vmem>>
      %dma_start3A_1768 = arith.constant 0 : i32
      %dma_start3A_1769 = tpu.memref_slice %arg6[%dma_start3A_1763, %add3A_1761, %dma_start3A_1768] : memref<2x80x128xi32, #tpu.memory_space<vmem>> -> memref<1x1x128xi32, #tpu.memory_space<vmem>>
      %dma_start3A_1770 = tpu.memref_squeeze %dma_start3A_1769 : memref<1x1x128xi32, #tpu.memory_space<vmem>> -> memref<128xi32, #tpu.memory_space<vmem>>
      %dma_start3A_1771 = arith.constant 0 : i32
      %dma_start3A_1772 = arith.constant 0 : i32
      %dma_start3A_1773 = tpu.memref_slice %arg8[%dma_start3A_1771, %dma_start3A_1772] : memref<10240x16xf32, #tpu.memory_space<vmem_shared>> -> memref<10240x16xf32, #tpu.memory_space<vmem_shared>>
      tpu.enqueue_indirect_dma source(%dma_start3A_1767 : memref<128x16xf32, #tpu.memory_space<vmem>>) target(%dma_start3A_1773 : memref<10240x16xf32, #tpu.memory_space<vmem_shared>>) offsets(%dma_start3A_1770 : memref<128xi32, #tpu.memory_space<vmem>>) semaphore(%arg11 : memref<!tpu.dma_semaphore, #tpu.memory_space<semaphore_mem>>) {add = true}
      %dma_wait3A_1774 = arith.constant 0 : i32
      %dma_wait3A_1775 = arith.constant 9 : i32
      %dma_wait3A_1776 = arith.constant 0 : i32
      %dma_wait3A_1777 = arith.constant 0 : i32
      %dma_wait3A_1778 = tpu.memref_slice %arg7[%dma_wait3A_1775, %dma_wait3A_1776, %dma_wait3A_1777] : memref<16x128x16xf32, #tpu.memory_space<vmem>> -> memref<1x128x16xf32, #tpu.memory_space<vmem>>
      %dma_wait3A_1779 = tpu.memref_squeeze %dma_wait3A_1778 : memref<1x128x16xf32, #tpu.memory_space<vmem>> -> memref<128x16xf32, #tpu.memory_space<vmem>>
      %dma_wait3A_1780 = arith.constant 0 : i32
      %dma_wait3A_1781 = tpu.memref_slice %arg6[%dma_wait3A_1774, %add3A_1444, %dma_wait3A_1780] : memref<2x80x128xi32, #tpu.memory_space<vmem>> -> memref<1x1x128xi32, #tpu.memory_space<vmem>>
      %dma_wait3A_1782 = tpu.memref_squeeze %dma_wait3A_1781 : memref<1x1x128xi32, #tpu.memory_space<vmem>> -> memref<128xi32, #tpu.memory_space<vmem>>
      %dma_wait3A_1783 = arith.constant 0 : i32
      %dma_wait3A_1784 = arith.constant 0 : i32
      %dma_wait3A_1785 = tpu.memref_slice %arg9[%dma_wait3A_1783, %dma_wait3A_1784] : memref<10240x16xf32, #tpu.memory_space<vmem_shared>> -> memref<10240x16xf32, #tpu.memory_space<vmem_shared>>
      tpu.wait_indirect_dma semaphore(%arg10 : memref<!tpu.dma_semaphore, #tpu.memory_space<semaphore_mem>>) src(%dma_wait3A_1785 : memref<10240x16xf32, #tpu.memory_space<vmem_shared>>) dst(%dma_wait3A_1779 : memref<128x16xf32, #tpu.memory_space<vmem>>)
      %add3A_1786 = arith.constant 9 : i32
      %add3A_1787 = arith.addi %mul3A_1317, %add3A_1786 : i32
      %dma_start3A_1788 = arith.constant 9 : i32
      %dma_start3A_1789 = arith.constant 1 : i32
      %dma_start3A_1790 = arith.constant 0 : i32
      %dma_start3A_1791 = arith.constant 0 : i32
      %dma_start3A_1792 = tpu.memref_slice %arg7[%dma_start3A_1788, %dma_start3A_1790, %dma_start3A_1791] : memref<16x128x16xf32, #tpu.memory_space<vmem>> -> memref<1x128x16xf32, #tpu.memory_space<vmem>>
      %dma_start3A_1793 = tpu.memref_squeeze %dma_start3A_1792 : memref<1x128x16xf32, #tpu.memory_space<vmem>> -> memref<128x16xf32, #tpu.memory_space<vmem>>
      %dma_start3A_1794 = arith.constant 0 : i32
      %dma_start3A_1795 = tpu.memref_slice %arg6[%dma_start3A_1789, %add3A_1787, %dma_start3A_1794] : memref<2x80x128xi32, #tpu.memory_space<vmem>> -> memref<1x1x128xi32, #tpu.memory_space<vmem>>
      %dma_start3A_1796 = tpu.memref_squeeze %dma_start3A_1795 : memref<1x1x128xi32, #tpu.memory_space<vmem>> -> memref<128xi32, #tpu.memory_space<vmem>>
      %dma_start3A_1797 = arith.constant 0 : i32
      %dma_start3A_1798 = arith.constant 0 : i32
      %dma_start3A_1799 = tpu.memref_slice %arg8[%dma_start3A_1797, %dma_start3A_1798] : memref<10240x16xf32, #tpu.memory_space<vmem_shared>> -> memref<10240x16xf32, #tpu.memory_space<vmem_shared>>
      tpu.enqueue_indirect_dma source(%dma_start3A_1793 : memref<128x16xf32, #tpu.memory_space<vmem>>) target(%dma_start3A_1799 : memref<10240x16xf32, #tpu.memory_space<vmem_shared>>) offsets(%dma_start3A_1796 : memref<128xi32, #tpu.memory_space<vmem>>) semaphore(%arg11 : memref<!tpu.dma_semaphore, #tpu.memory_space<semaphore_mem>>) {add = true}
      %dma_wait3A_1800 = arith.constant 0 : i32
      %dma_wait3A_1801 = arith.constant 10 : i32
      %dma_wait3A_1802 = arith.constant 0 : i32
      %dma_wait3A_1803 = arith.constant 0 : i32
      %dma_wait3A_1804 = tpu.memref_slice %arg7[%dma_wait3A_1801, %dma_wait3A_1802, %dma_wait3A_1803] : memref<16x128x16xf32, #tpu.memory_space<vmem>> -> memref<1x128x16xf32, #tpu.memory_space<vmem>>
      %dma_wait3A_1805 = tpu.memref_squeeze %dma_wait3A_1804 : memref<1x128x16xf32, #tpu.memory_space<vmem>> -> memref<128x16xf32, #tpu.memory_space<vmem>>
      %dma_wait3A_1806 = arith.constant 0 : i32
      %dma_wait3A_1807 = tpu.memref_slice %arg6[%dma_wait3A_1800, %add3A_1458, %dma_wait3A_1806] : memref<2x80x128xi32, #tpu.memory_space<vmem>> -> memref<1x1x128xi32, #tpu.memory_space<vmem>>
      %dma_wait3A_1808 = tpu.memref_squeeze %dma_wait3A_1807 : memref<1x1x128xi32, #tpu.memory_space<vmem>> -> memref<128xi32, #tpu.memory_space<vmem>>
      %dma_wait3A_1809 = arith.constant 0 : i32
      %dma_wait3A_1810 = arith.constant 0 : i32
      %dma_wait3A_1811 = tpu.memref_slice %arg9[%dma_wait3A_1809, %dma_wait3A_1810] : memref<10240x16xf32, #tpu.memory_space<vmem_shared>> -> memref<10240x16xf32, #tpu.memory_space<vmem_shared>>
      tpu.wait_indirect_dma semaphore(%arg10 : memref<!tpu.dma_semaphore, #tpu.memory_space<semaphore_mem>>) src(%dma_wait3A_1811 : memref<10240x16xf32, #tpu.memory_space<vmem_shared>>) dst(%dma_wait3A_1805 : memref<128x16xf32, #tpu.memory_space<vmem>>)
      %add3A_1812 = arith.constant 10 : i32
      %add3A_1813 = arith.addi %mul3A_1317, %add3A_1812 : i32
      %dma_start3A_1814 = arith.constant 10 : i32
      %dma_start3A_1815 = arith.constant 1 : i32
      %dma_start3A_1816 = arith.constant 0 : i32
      %dma_start3A_1817 = arith.constant 0 : i32
      %dma_start3A_1818 = tpu.memref_slice %arg7[%dma_start3A_1814, %dma_start3A_1816, %dma_start3A_1817] : memref<16x128x16xf32, #tpu.memory_space<vmem>> -> memref<1x128x16xf32, #tpu.memory_space<vmem>>
      %dma_start3A_1819 = tpu.memref_squeeze %dma_start3A_1818 : memref<1x128x16xf32, #tpu.memory_space<vmem>> -> memref<128x16xf32, #tpu.memory_space<vmem>>
      %dma_start3A_1820 = arith.constant 0 : i32
      %dma_start3A_1821 = tpu.memref_slice %arg6[%dma_start3A_1815, %add3A_1813, %dma_start3A_1820] : memref<2x80x128xi32, #tpu.memory_space<vmem>> -> memref<1x1x128xi32, #tpu.memory_space<vmem>>
      %dma_start3A_1822 = tpu.memref_squeeze %dma_start3A_1821 : memref<1x1x128xi32, #tpu.memory_space<vmem>> -> memref<128xi32, #tpu.memory_space<vmem>>
      %dma_start3A_1823 = arith.constant 0 : i32
      %dma_start3A_1824 = arith.constant 0 : i32
      %dma_start3A_1825 = tpu.memref_slice %arg8[%dma_start3A_1823, %dma_start3A_1824] : memref<10240x16xf32, #tpu.memory_space<vmem_shared>> -> memref<10240x16xf32, #tpu.memory_space<vmem_shared>>
      tpu.enqueue_indirect_dma source(%dma_start3A_1819 : memref<128x16xf32, #tpu.memory_space<vmem>>) target(%dma_start3A_1825 : memref<10240x16xf32, #tpu.memory_space<vmem_shared>>) offsets(%dma_start3A_1822 : memref<128xi32, #tpu.memory_space<vmem>>) semaphore(%arg11 : memref<!tpu.dma_semaphore, #tpu.memory_space<semaphore_mem>>) {add = true}
      %dma_wait3A_1826 = arith.constant 0 : i32
      %dma_wait3A_1827 = arith.constant 11 : i32
      %dma_wait3A_1828 = arith.constant 0 : i32
      %dma_wait3A_1829 = arith.constant 0 : i32
      %dma_wait3A_1830 = tpu.memref_slice %arg7[%dma_wait3A_1827, %dma_wait3A_1828, %dma_wait3A_1829] : memref<16x128x16xf32, #tpu.memory_space<vmem>> -> memref<1x128x16xf32, #tpu.memory_space<vmem>>
      %dma_wait3A_1831 = tpu.memref_squeeze %dma_wait3A_1830 : memref<1x128x16xf32, #tpu.memory_space<vmem>> -> memref<128x16xf32, #tpu.memory_space<vmem>>
      %dma_wait3A_1832 = arith.constant 0 : i32
      %dma_wait3A_1833 = tpu.memref_slice %arg6[%dma_wait3A_1826, %add3A_1472, %dma_wait3A_1832] : memref<2x80x128xi32, #tpu.memory_space<vmem>> -> memref<1x1x128xi32, #tpu.memory_space<vmem>>
      %dma_wait3A_1834 = tpu.memref_squeeze %dma_wait3A_1833 : memref<1x1x128xi32, #tpu.memory_space<vmem>> -> memref<128xi32, #tpu.memory_space<vmem>>
      %dma_wait3A_1835 = arith.constant 0 : i32
      %dma_wait3A_1836 = arith.constant 0 : i32
      %dma_wait3A_1837 = tpu.memref_slice %arg9[%dma_wait3A_1835, %dma_wait3A_1836] : memref<10240x16xf32, #tpu.memory_space<vmem_shared>> -> memref<10240x16xf32, #tpu.memory_space<vmem_shared>>
      tpu.wait_indirect_dma semaphore(%arg10 : memref<!tpu.dma_semaphore, #tpu.memory_space<semaphore_mem>>) src(%dma_wait3A_1837 : memref<10240x16xf32, #tpu.memory_space<vmem_shared>>) dst(%dma_wait3A_1831 : memref<128x16xf32, #tpu.memory_space<vmem>>)
      %add3A_1838 = arith.constant 11 : i32
      %add3A_1839 = arith.addi %mul3A_1317, %add3A_1838 : i32
      %dma_start3A_1840 = arith.constant 11 : i32
      %dma_start3A_1841 = arith.constant 1 : i32
      %dma_start3A_1842 = arith.constant 0 : i32
      %dma_start3A_1843 = arith.constant 0 : i32
      %dma_start3A_1844 = tpu.memref_slice %arg7[%dma_start3A_1840, %dma_start3A_1842, %dma_start3A_1843] : memref<16x128x16xf32, #tpu.memory_space<vmem>> -> memref<1x128x16xf32, #tpu.memory_space<vmem>>
      %dma_start3A_1845 = tpu.memref_squeeze %dma_start3A_1844 : memref<1x128x16xf32, #tpu.memory_space<vmem>> -> memref<128x16xf32, #tpu.memory_space<vmem>>
      %dma_start3A_1846 = arith.constant 0 : i32
      %dma_start3A_1847 = tpu.memref_slice %arg6[%dma_start3A_1841, %add3A_1839, %dma_start3A_1846] : memref<2x80x128xi32, #tpu.memory_space<vmem>> -> memref<1x1x128xi32, #tpu.memory_space<vmem>>
      %dma_start3A_1848 = tpu.memref_squeeze %dma_start3A_1847 : memref<1x1x128xi32, #tpu.memory_space<vmem>> -> memref<128xi32, #tpu.memory_space<vmem>>
      %dma_start3A_1849 = arith.constant 0 : i32
      %dma_start3A_1850 = arith.constant 0 : i32
      %dma_start3A_1851 = tpu.memref_slice %arg8[%dma_start3A_1849, %dma_start3A_1850] : memref<10240x16xf32, #tpu.memory_space<vmem_shared>> -> memref<10240x16xf32, #tpu.memory_space<vmem_shared>>
      tpu.enqueue_indirect_dma source(%dma_start3A_1845 : memref<128x16xf32, #tpu.memory_space<vmem>>) target(%dma_start3A_1851 : memref<10240x16xf32, #tpu.memory_space<vmem_shared>>) offsets(%dma_start3A_1848 : memref<128xi32, #tpu.memory_space<vmem>>) semaphore(%arg11 : memref<!tpu.dma_semaphore, #tpu.memory_space<semaphore_mem>>) {add = true}
      %dma_wait3A_1852 = arith.constant 0 : i32
      %dma_wait3A_1853 = arith.constant 12 : i32
      %dma_wait3A_1854 = arith.constant 0 : i32
      %dma_wait3A_1855 = arith.constant 0 : i32
      %dma_wait3A_1856 = tpu.memref_slice %arg7[%dma_wait3A_1853, %dma_wait3A_1854, %dma_wait3A_1855] : memref<16x128x16xf32, #tpu.memory_space<vmem>> -> memref<1x128x16xf32, #tpu.memory_space<vmem>>
      %dma_wait3A_1857 = tpu.memref_squeeze %dma_wait3A_1856 : memref<1x128x16xf32, #tpu.memory_space<vmem>> -> memref<128x16xf32, #tpu.memory_space<vmem>>
      %dma_wait3A_1858 = arith.constant 0 : i32
      %dma_wait3A_1859 = tpu.memref_slice %arg6[%dma_wait3A_1852, %add3A_1486, %dma_wait3A_1858] : memref<2x80x128xi32, #tpu.memory_space<vmem>> -> memref<1x1x128xi32, #tpu.memory_space<vmem>>
      %dma_wait3A_1860 = tpu.memref_squeeze %dma_wait3A_1859 : memref<1x1x128xi32, #tpu.memory_space<vmem>> -> memref<128xi32, #tpu.memory_space<vmem>>
      %dma_wait3A_1861 = arith.constant 0 : i32
      %dma_wait3A_1862 = arith.constant 0 : i32
      %dma_wait3A_1863 = tpu.memref_slice %arg9[%dma_wait3A_1861, %dma_wait3A_1862] : memref<10240x16xf32, #tpu.memory_space<vmem_shared>> -> memref<10240x16xf32, #tpu.memory_space<vmem_shared>>
      tpu.wait_indirect_dma semaphore(%arg10 : memref<!tpu.dma_semaphore, #tpu.memory_space<semaphore_mem>>) src(%dma_wait3A_1863 : memref<10240x16xf32, #tpu.memory_space<vmem_shared>>) dst(%dma_wait3A_1857 : memref<128x16xf32, #tpu.memory_space<vmem>>)
      %add3A_1864 = arith.constant 12 : i32
      %add3A_1865 = arith.addi %mul3A_1317, %add3A_1864 : i32
      %dma_start3A_1866 = arith.constant 12 : i32
      %dma_start3A_1867 = arith.constant 1 : i32
      %dma_start3A_1868 = arith.constant 0 : i32
      %dma_start3A_1869 = arith.constant 0 : i32
      %dma_start3A_1870 = tpu.memref_slice %arg7[%dma_start3A_1866, %dma_start3A_1868, %dma_start3A_1869] : memref<16x128x16xf32, #tpu.memory_space<vmem>> -> memref<1x128x16xf32, #tpu.memory_space<vmem>>
      %dma_start3A_1871 = tpu.memref_squeeze %dma_start3A_1870 : memref<1x128x16xf32, #tpu.memory_space<vmem>> -> memref<128x16xf32, #tpu.memory_space<vmem>>
      %dma_start3A_1872 = arith.constant 0 : i32
      %dma_start3A_1873 = tpu.memref_slice %arg6[%dma_start3A_1867, %add3A_1865, %dma_start3A_1872] : memref<2x80x128xi32, #tpu.memory_space<vmem>> -> memref<1x1x128xi32, #tpu.memory_space<vmem>>
      %dma_start3A_1874 = tpu.memref_squeeze %dma_start3A_1873 : memref<1x1x128xi32, #tpu.memory_space<vmem>> -> memref<128xi32, #tpu.memory_space<vmem>>
      %dma_start3A_1875 = arith.constant 0 : i32
      %dma_start3A_1876 = arith.constant 0 : i32
      %dma_start3A_1877 = tpu.memref_slice %arg8[%dma_start3A_1875, %dma_start3A_1876] : memref<10240x16xf32, #tpu.memory_space<vmem_shared>> -> memref<10240x16xf32, #tpu.memory_space<vmem_shared>>
      tpu.enqueue_indirect_dma source(%dma_start3A_1871 : memref<128x16xf32, #tpu.memory_space<vmem>>) target(%dma_start3A_1877 : memref<10240x16xf32, #tpu.memory_space<vmem_shared>>) offsets(%dma_start3A_1874 : memref<128xi32, #tpu.memory_space<vmem>>) semaphore(%arg11 : memref<!tpu.dma_semaphore, #tpu.memory_space<semaphore_mem>>) {add = true}
      %dma_wait3A_1878 = arith.constant 0 : i32
      %dma_wait3A_1879 = arith.constant 13 : i32
      %dma_wait3A_1880 = arith.constant 0 : i32
      %dma_wait3A_1881 = arith.constant 0 : i32
      %dma_wait3A_1882 = tpu.memref_slice %arg7[%dma_wait3A_1879, %dma_wait3A_1880, %dma_wait3A_1881] : memref<16x128x16xf32, #tpu.memory_space<vmem>> -> memref<1x128x16xf32, #tpu.memory_space<vmem>>
      %dma_wait3A_1883 = tpu.memref_squeeze %dma_wait3A_1882 : memref<1x128x16xf32, #tpu.memory_space<vmem>> -> memref<128x16xf32, #tpu.memory_space<vmem>>
      %dma_wait3A_1884 = arith.constant 0 : i32
      %dma_wait3A_1885 = tpu.memref_slice %arg6[%dma_wait3A_1878, %add3A_1500, %dma_wait3A_1884] : memref<2x80x128xi32, #tpu.memory_space<vmem>> -> memref<1x1x128xi32, #tpu.memory_space<vmem>>
      %dma_wait3A_1886 = tpu.memref_squeeze %dma_wait3A_1885 : memref<1x1x128xi32, #tpu.memory_space<vmem>> -> memref<128xi32, #tpu.memory_space<vmem>>
      %dma_wait3A_1887 = arith.constant 0 : i32
      %dma_wait3A_1888 = arith.constant 0 : i32
      %dma_wait3A_1889 = tpu.memref_slice %arg9[%dma_wait3A_1887, %dma_wait3A_1888] : memref<10240x16xf32, #tpu.memory_space<vmem_shared>> -> memref<10240x16xf32, #tpu.memory_space<vmem_shared>>
      tpu.wait_indirect_dma semaphore(%arg10 : memref<!tpu.dma_semaphore, #tpu.memory_space<semaphore_mem>>) src(%dma_wait3A_1889 : memref<10240x16xf32, #tpu.memory_space<vmem_shared>>) dst(%dma_wait3A_1883 : memref<128x16xf32, #tpu.memory_space<vmem>>)
      %add3A_1890 = arith.constant 13 : i32
      %add3A_1891 = arith.addi %mul3A_1317, %add3A_1890 : i32
      %dma_start3A_1892 = arith.constant 13 : i32
      %dma_start3A_1893 = arith.constant 1 : i32
      %dma_start3A_1894 = arith.constant 0 : i32
      %dma_start3A_1895 = arith.constant 0 : i32
      %dma_start3A_1896 = tpu.memref_slice %arg7[%dma_start3A_1892, %dma_start3A_1894, %dma_start3A_1895] : memref<16x128x16xf32, #tpu.memory_space<vmem>> -> memref<1x128x16xf32, #tpu.memory_space<vmem>>
      %dma_start3A_1897 = tpu.memref_squeeze %dma_start3A_1896 : memref<1x128x16xf32, #tpu.memory_space<vmem>> -> memref<128x16xf32, #tpu.memory_space<vmem>>
      %dma_start3A_1898 = arith.constant 0 : i32
      %dma_start3A_1899 = tpu.memref_slice %arg6[%dma_start3A_1893, %add3A_1891, %dma_start3A_1898] : memref<2x80x128xi32, #tpu.memory_space<vmem>> -> memref<1x1x128xi32, #tpu.memory_space<vmem>>
      %dma_start3A_1900 = tpu.memref_squeeze %dma_start3A_1899 : memref<1x1x128xi32, #tpu.memory_space<vmem>> -> memref<128xi32, #tpu.memory_space<vmem>>
      %dma_start3A_1901 = arith.constant 0 : i32
      %dma_start3A_1902 = arith.constant 0 : i32
      %dma_start3A_1903 = tpu.memref_slice %arg8[%dma_start3A_1901, %dma_start3A_1902] : memref<10240x16xf32, #tpu.memory_space<vmem_shared>> -> memref<10240x16xf32, #tpu.memory_space<vmem_shared>>
      tpu.enqueue_indirect_dma source(%dma_start3A_1897 : memref<128x16xf32, #tpu.memory_space<vmem>>) target(%dma_start3A_1903 : memref<10240x16xf32, #tpu.memory_space<vmem_shared>>) offsets(%dma_start3A_1900 : memref<128xi32, #tpu.memory_space<vmem>>) semaphore(%arg11 : memref<!tpu.dma_semaphore, #tpu.memory_space<semaphore_mem>>) {add = true}
      %dma_wait3A_1904 = arith.constant 0 : i32
      %dma_wait3A_1905 = arith.constant 14 : i32
      %dma_wait3A_1906 = arith.constant 0 : i32
      %dma_wait3A_1907 = arith.constant 0 : i32
      %dma_wait3A_1908 = tpu.memref_slice %arg7[%dma_wait3A_1905, %dma_wait3A_1906, %dma_wait3A_1907] : memref<16x128x16xf32, #tpu.memory_space<vmem>> -> memref<1x128x16xf32, #tpu.memory_space<vmem>>
      %dma_wait3A_1909 = tpu.memref_squeeze %dma_wait3A_1908 : memref<1x128x16xf32, #tpu.memory_space<vmem>> -> memref<128x16xf32, #tpu.memory_space<vmem>>
      %dma_wait3A_1910 = arith.constant 0 : i32
      %dma_wait3A_1911 = tpu.memref_slice %arg6[%dma_wait3A_1904, %add3A_1514, %dma_wait3A_1910] : memref<2x80x128xi32, #tpu.memory_space<vmem>> -> memref<1x1x128xi32, #tpu.memory_space<vmem>>
      %dma_wait3A_1912 = tpu.memref_squeeze %dma_wait3A_1911 : memref<1x1x128xi32, #tpu.memory_space<vmem>> -> memref<128xi32, #tpu.memory_space<vmem>>
      %dma_wait3A_1913 = arith.constant 0 : i32
      %dma_wait3A_1914 = arith.constant 0 : i32
      %dma_wait3A_1915 = tpu.memref_slice %arg9[%dma_wait3A_1913, %dma_wait3A_1914] : memref<10240x16xf32, #tpu.memory_space<vmem_shared>> -> memref<10240x16xf32, #tpu.memory_space<vmem_shared>>
      tpu.wait_indirect_dma semaphore(%arg10 : memref<!tpu.dma_semaphore, #tpu.memory_space<semaphore_mem>>) src(%dma_wait3A_1915 : memref<10240x16xf32, #tpu.memory_space<vmem_shared>>) dst(%dma_wait3A_1909 : memref<128x16xf32, #tpu.memory_space<vmem>>)
      %add3A_1916 = arith.constant 14 : i32
      %add3A_1917 = arith.addi %mul3A_1317, %add3A_1916 : i32
      %dma_start3A_1918 = arith.constant 14 : i32
      %dma_start3A_1919 = arith.constant 1 : i32
      %dma_start3A_1920 = arith.constant 0 : i32
      %dma_start3A_1921 = arith.constant 0 : i32
      %dma_start3A_1922 = tpu.memref_slice %arg7[%dma_start3A_1918, %dma_start3A_1920, %dma_start3A_1921] : memref<16x128x16xf32, #tpu.memory_space<vmem>> -> memref<1x128x16xf32, #tpu.memory_space<vmem>>
      %dma_start3A_1923 = tpu.memref_squeeze %dma_start3A_1922 : memref<1x128x16xf32, #tpu.memory_space<vmem>> -> memref<128x16xf32, #tpu.memory_space<vmem>>
      %dma_start3A_1924 = arith.constant 0 : i32
      %dma_start3A_1925 = tpu.memref_slice %arg6[%dma_start3A_1919, %add3A_1917, %dma_start3A_1924] : memref<2x80x128xi32, #tpu.memory_space<vmem>> -> memref<1x1x128xi32, #tpu.memory_space<vmem>>
      %dma_start3A_1926 = tpu.memref_squeeze %dma_start3A_1925 : memref<1x1x128xi32, #tpu.memory_space<vmem>> -> memref<128xi32, #tpu.memory_space<vmem>>
      %dma_start3A_1927 = arith.constant 0 : i32
      %dma_start3A_1928 = arith.constant 0 : i32
      %dma_start3A_1929 = tpu.memref_slice %arg8[%dma_start3A_1927, %dma_start3A_1928] : memref<10240x16xf32, #tpu.memory_space<vmem_shared>> -> memref<10240x16xf32, #tpu.memory_space<vmem_shared>>
      tpu.enqueue_indirect_dma source(%dma_start3A_1923 : memref<128x16xf32, #tpu.memory_space<vmem>>) target(%dma_start3A_1929 : memref<10240x16xf32, #tpu.memory_space<vmem_shared>>) offsets(%dma_start3A_1926 : memref<128xi32, #tpu.memory_space<vmem>>) semaphore(%arg11 : memref<!tpu.dma_semaphore, #tpu.memory_space<semaphore_mem>>) {add = true}
      %dma_wait3A_1930 = arith.constant 0 : i32
      %dma_wait3A_1931 = arith.constant 15 : i32
      %dma_wait3A_1932 = arith.constant 0 : i32
      %dma_wait3A_1933 = arith.constant 0 : i32
      %dma_wait3A_1934 = tpu.memref_slice %arg7[%dma_wait3A_1931, %dma_wait3A_1932, %dma_wait3A_1933] : memref<16x128x16xf32, #tpu.memory_space<vmem>> -> memref<1x128x16xf32, #tpu.memory_space<vmem>>
      %dma_wait3A_1935 = tpu.memref_squeeze %dma_wait3A_1934 : memref<1x128x16xf32, #tpu.memory_space<vmem>> -> memref<128x16xf32, #tpu.memory_space<vmem>>
      %dma_wait3A_1936 = arith.constant 0 : i32
      %dma_wait3A_1937 = tpu.memref_slice %arg6[%dma_wait3A_1930, %add3A_1528, %dma_wait3A_1936] : memref<2x80x128xi32, #tpu.memory_space<vmem>> -> memref<1x1x128xi32, #tpu.memory_space<vmem>>
      %dma_wait3A_1938 = tpu.memref_squeeze %dma_wait3A_1937 : memref<1x1x128xi32, #tpu.memory_space<vmem>> -> memref<128xi32, #tpu.memory_space<vmem>>
      %dma_wait3A_1939 = arith.constant 0 : i32
      %dma_wait3A_1940 = arith.constant 0 : i32
      %dma_wait3A_1941 = tpu.memref_slice %arg9[%dma_wait3A_1939, %dma_wait3A_1940] : memref<10240x16xf32, #tpu.memory_space<vmem_shared>> -> memref<10240x16xf32, #tpu.memory_space<vmem_shared>>
      tpu.wait_indirect_dma semaphore(%arg10 : memref<!tpu.dma_semaphore, #tpu.memory_space<semaphore_mem>>) src(%dma_wait3A_1941 : memref<10240x16xf32, #tpu.memory_space<vmem_shared>>) dst(%dma_wait3A_1935 : memref<128x16xf32, #tpu.memory_space<vmem>>)
      %add3A_1942 = arith.constant 15 : i32
      %add3A_1943 = arith.addi %mul3A_1317, %add3A_1942 : i32
      %dma_start3A_1944 = arith.constant 15 : i32
      %dma_start3A_1945 = arith.constant 1 : i32
      %dma_start3A_1946 = arith.constant 0 : i32
      %dma_start3A_1947 = arith.constant 0 : i32
      %dma_start3A_1948 = tpu.memref_slice %arg7[%dma_start3A_1944, %dma_start3A_1946, %dma_start3A_1947] : memref<16x128x16xf32, #tpu.memory_space<vmem>> -> memref<1x128x16xf32, #tpu.memory_space<vmem>>
      %dma_start3A_1949 = tpu.memref_squeeze %dma_start3A_1948 : memref<1x128x16xf32, #tpu.memory_space<vmem>> -> memref<128x16xf32, #tpu.memory_space<vmem>>
      %dma_start3A_1950 = arith.constant 0 : i32
      %dma_start3A_1951 = tpu.memref_slice %arg6[%dma_start3A_1945, %add3A_1943, %dma_start3A_1950] : memref<2x80x128xi32, #tpu.memory_space<vmem>> -> memref<1x1x128xi32, #tpu.memory_space<vmem>>
      %dma_start3A_1952 = tpu.memref_squeeze %dma_start3A_1951 : memref<1x1x128xi32, #tpu.memory_space<vmem>> -> memref<128xi32, #tpu.memory_space<vmem>>
      %dma_start3A_1953 = arith.constant 0 : i32
      %dma_start3A_1954 = arith.constant 0 : i32
      %dma_start3A_1955 = tpu.memref_slice %arg8[%dma_start3A_1953, %dma_start3A_1954] : memref<10240x16xf32, #tpu.memory_space<vmem_shared>> -> memref<10240x16xf32, #tpu.memory_space<vmem_shared>>
      tpu.enqueue_indirect_dma source(%dma_start3A_1949 : memref<128x16xf32, #tpu.memory_space<vmem>>) target(%dma_start3A_1955 : memref<10240x16xf32, #tpu.memory_space<vmem_shared>>) offsets(%dma_start3A_1952 : memref<128xi32, #tpu.memory_space<vmem>>) semaphore(%arg11 : memref<!tpu.dma_semaphore, #tpu.memory_space<semaphore_mem>>) {add = true}
      %dma_wait3A_1956 = arith.constant 0 : i32
      %dma_wait3A_1957 = arith.constant 1 : i32
      %dma_wait3A_1958 = arith.constant 0 : i32
      %dma_wait3A_1959 = arith.constant 0 : i32
      %dma_wait3A_1960 = tpu.memref_slice %arg7[%dma_wait3A_1956, %dma_wait3A_1958, %dma_wait3A_1959] : memref<16x128x16xf32, #tpu.memory_space<vmem>> -> memref<1x128x16xf32, #tpu.memory_space<vmem>>
      %dma_wait3A_1961 = tpu.memref_squeeze %dma_wait3A_1960 : memref<1x128x16xf32, #tpu.memory_space<vmem>> -> memref<128x16xf32, #tpu.memory_space<vmem>>
      %dma_wait3A_1962 = arith.constant 0 : i32
      %dma_wait3A_1963 = tpu.memref_slice %arg6[%dma_wait3A_1957, %add3A_1553, %dma_wait3A_1962] : memref<2x80x128xi32, #tpu.memory_space<vmem>> -> memref<1x1x128xi32, #tpu.memory_space<vmem>>
      %dma_wait3A_1964 = tpu.memref_squeeze %dma_wait3A_1963 : memref<1x1x128xi32, #tpu.memory_space<vmem>> -> memref<128xi32, #tpu.memory_space<vmem>>
      %dma_wait3A_1965 = arith.constant 0 : i32
      %dma_wait3A_1966 = arith.constant 0 : i32
      %dma_wait3A_1967 = tpu.memref_slice %arg8[%dma_wait3A_1965, %dma_wait3A_1966] : memref<10240x16xf32, #tpu.memory_space<vmem_shared>> -> memref<10240x16xf32, #tpu.memory_space<vmem_shared>>
      tpu.wait_indirect_dma semaphore(%arg11 : memref<!tpu.dma_semaphore, #tpu.memory_space<semaphore_mem>>) src(%dma_wait3A_1961 : memref<128x16xf32, #tpu.memory_space<vmem>>) dst(%dma_wait3A_1967 : memref<10240x16xf32, #tpu.memory_space<vmem_shared>>)
      %dma_wait3A_1968 = arith.constant 1 : i32
      %dma_wait3A_1969 = arith.constant 1 : i32
      %dma_wait3A_1970 = arith.constant 0 : i32
      %dma_wait3A_1971 = arith.constant 0 : i32
      %dma_wait3A_1972 = tpu.memref_slice %arg7[%dma_wait3A_1968, %dma_wait3A_1970, %dma_wait3A_1971] : memref<16x128x16xf32, #tpu.memory_space<vmem>> -> memref<1x128x16xf32, #tpu.memory_space<vmem>>
      %dma_wait3A_1973 = tpu.memref_squeeze %dma_wait3A_1972 : memref<1x128x16xf32, #tpu.memory_space<vmem>> -> memref<128x16xf32, #tpu.memory_space<vmem>>
      %dma_wait3A_1974 = arith.constant 0 : i32
      %dma_wait3A_1975 = tpu.memref_slice %arg6[%dma_wait3A_1969, %add3A_1579, %dma_wait3A_1974] : memref<2x80x128xi32, #tpu.memory_space<vmem>> -> memref<1x1x128xi32, #tpu.memory_space<vmem>>
      %dma_wait3A_1976 = tpu.memref_squeeze %dma_wait3A_1975 : memref<1x1x128xi32, #tpu.memory_space<vmem>> -> memref<128xi32, #tpu.memory_space<vmem>>
      %dma_wait3A_1977 = arith.constant 0 : i32
      %dma_wait3A_1978 = arith.constant 0 : i32
      %dma_wait3A_1979 = tpu.memref_slice %arg8[%dma_wait3A_1977, %dma_wait3A_1978] : memref<10240x16xf32, #tpu.memory_space<vmem_shared>> -> memref<10240x16xf32, #tpu.memory_space<vmem_shared>>
      tpu.wait_indirect_dma semaphore(%arg11 : memref<!tpu.dma_semaphore, #tpu.memory_space<semaphore_mem>>) src(%dma_wait3A_1973 : memref<128x16xf32, #tpu.memory_space<vmem>>) dst(%dma_wait3A_1979 : memref<10240x16xf32, #tpu.memory_space<vmem_shared>>)
      %dma_wait3A_1980 = arith.constant 2 : i32
      %dma_wait3A_1981 = arith.constant 1 : i32
      %dma_wait3A_1982 = arith.constant 0 : i32
      %dma_wait3A_1983 = arith.constant 0 : i32
      %dma_wait3A_1984 = tpu.memref_slice %arg7[%dma_wait3A_1980, %dma_wait3A_1982, %dma_wait3A_1983] : memref<16x128x16xf32, #tpu.memory_space<vmem>> -> memref<1x128x16xf32, #tpu.memory_space<vmem>>
      %dma_wait3A_1985 = tpu.memref_squeeze %dma_wait3A_1984 : memref<1x128x16xf32, #tpu.memory_space<vmem>> -> memref<128x16xf32, #tpu.memory_space<vmem>>
      %dma_wait3A_1986 = arith.constant 0 : i32
      %dma_wait3A_1987 = tpu.memref_slice %arg6[%dma_wait3A_1981, %add3A_1605, %dma_wait3A_1986] : memref<2x80x128xi32, #tpu.memory_space<vmem>> -> memref<1x1x128xi32, #tpu.memory_space<vmem>>
      %dma_wait3A_1988 = tpu.memref_squeeze %dma_wait3A_1987 : memref<1x1x128xi32, #tpu.memory_space<vmem>> -> memref<128xi32, #tpu.memory_space<vmem>>
      %dma_wait3A_1989 = arith.constant 0 : i32
      %dma_wait3A_1990 = arith.constant 0 : i32
      %dma_wait3A_1991 = tpu.memref_slice %arg8[%dma_wait3A_1989, %dma_wait3A_1990] : memref<10240x16xf32, #tpu.memory_space<vmem_shared>> -> memref<10240x16xf32, #tpu.memory_space<vmem_shared>>
      tpu.wait_indirect_dma semaphore(%arg11 : memref<!tpu.dma_semaphore, #tpu.memory_space<semaphore_mem>>) src(%dma_wait3A_1985 : memref<128x16xf32, #tpu.memory_space<vmem>>) dst(%dma_wait3A_1991 : memref<10240x16xf32, #tpu.memory_space<vmem_shared>>)
      %dma_wait3A_1992 = arith.constant 3 : i32
      %dma_wait3A_1993 = arith.constant 1 : i32
      %dma_wait3A_1994 = arith.constant 0 : i32
      %dma_wait3A_1995 = arith.constant 0 : i32
      %dma_wait3A_1996 = tpu.memref_slice %arg7[%dma_wait3A_1992, %dma_wait3A_1994, %dma_wait3A_1995] : memref<16x128x16xf32, #tpu.memory_space<vmem>> -> memref<1x128x16xf32, #tpu.memory_space<vmem>>
      %dma_wait3A_1997 = tpu.memref_squeeze %dma_wait3A_1996 : memref<1x128x16xf32, #tpu.memory_space<vmem>> -> memref<128x16xf32, #tpu.memory_space<vmem>>
      %dma_wait3A_1998 = arith.constant 0 : i32
      %dma_wait3A_1999 = tpu.memref_slice %arg6[%dma_wait3A_1993, %add3A_1631, %dma_wait3A_1998] : memref<2x80x128xi32, #tpu.memory_space<vmem>> -> memref<1x1x128xi32, #tpu.memory_space<vmem>>
      %dma_wait3A_2000 = tpu.memref_squeeze %dma_wait3A_1999 : memref<1x1x128xi32, #tpu.memory_space<vmem>> -> memref<128xi32, #tpu.memory_space<vmem>>
      %dma_wait3A_2001 = arith.constant 0 : i32
      %dma_wait3A_2002 = arith.constant 0 : i32
      %dma_wait3A_2003 = tpu.memref_slice %arg8[%dma_wait3A_2001, %dma_wait3A_2002] : memref<10240x16xf32, #tpu.memory_space<vmem_shared>> -> memref<10240x16xf32, #tpu.memory_space<vmem_shared>>
      tpu.wait_indirect_dma semaphore(%arg11 : memref<!tpu.dma_semaphore, #tpu.memory_space<semaphore_mem>>) src(%dma_wait3A_1997 : memref<128x16xf32, #tpu.memory_space<vmem>>) dst(%dma_wait3A_2003 : memref<10240x16xf32, #tpu.memory_space<vmem_shared>>)
      %dma_wait3A_2004 = arith.constant 4 : i32
      %dma_wait3A_2005 = arith.constant 1 : i32
      %dma_wait3A_2006 = arith.constant 0 : i32
      %dma_wait3A_2007 = arith.constant 0 : i32
      %dma_wait3A_2008 = tpu.memref_slice %arg7[%dma_wait3A_2004, %dma_wait3A_2006, %dma_wait3A_2007] : memref<16x128x16xf32, #tpu.memory_space<vmem>> -> memref<1x128x16xf32, #tpu.memory_space<vmem>>
      %dma_wait3A_2009 = tpu.memref_squeeze %dma_wait3A_2008 : memref<1x128x16xf32, #tpu.memory_space<vmem>> -> memref<128x16xf32, #tpu.memory_space<vmem>>
      %dma_wait3A_2010 = arith.constant 0 : i32
      %dma_wait3A_2011 = tpu.memref_slice %arg6[%dma_wait3A_2005, %add3A_1657, %dma_wait3A_2010] : memref<2x80x128xi32, #tpu.memory_space<vmem>> -> memref<1x1x128xi32, #tpu.memory_space<vmem>>
      %dma_wait3A_2012 = tpu.memref_squeeze %dma_wait3A_2011 : memref<1x1x128xi32, #tpu.memory_space<vmem>> -> memref<128xi32, #tpu.memory_space<vmem>>
      %dma_wait3A_2013 = arith.constant 0 : i32
      %dma_wait3A_2014 = arith.constant 0 : i32
      %dma_wait3A_2015 = tpu.memref_slice %arg8[%dma_wait3A_2013, %dma_wait3A_2014] : memref<10240x16xf32, #tpu.memory_space<vmem_shared>> -> memref<10240x16xf32, #tpu.memory_space<vmem_shared>>
      tpu.wait_indirect_dma semaphore(%arg11 : memref<!tpu.dma_semaphore, #tpu.memory_space<semaphore_mem>>) src(%dma_wait3A_2009 : memref<128x16xf32, #tpu.memory_space<vmem>>) dst(%dma_wait3A_2015 : memref<10240x16xf32, #tpu.memory_space<vmem_shared>>)
      %dma_wait3A_2016 = arith.constant 5 : i32
      %dma_wait3A_2017 = arith.constant 1 : i32
      %dma_wait3A_2018 = arith.constant 0 : i32
      %dma_wait3A_2019 = arith.constant 0 : i32
      %dma_wait3A_2020 = tpu.memref_slice %arg7[%dma_wait3A_2016, %dma_wait3A_2018, %dma_wait3A_2019] : memref<16x128x16xf32, #tpu.memory_space<vmem>> -> memref<1x128x16xf32, #tpu.memory_space<vmem>>
      %dma_wait3A_2021 = tpu.memref_squeeze %dma_wait3A_2020 : memref<1x128x16xf32, #tpu.memory_space<vmem>> -> memref<128x16xf32, #tpu.memory_space<vmem>>
      %dma_wait3A_2022 = arith.constant 0 : i32
      %dma_wait3A_2023 = tpu.memref_slice %arg6[%dma_wait3A_2017, %add3A_1683, %dma_wait3A_2022] : memref<2x80x128xi32, #tpu.memory_space<vmem>> -> memref<1x1x128xi32, #tpu.memory_space<vmem>>
      %dma_wait3A_2024 = tpu.memref_squeeze %dma_wait3A_2023 : memref<1x1x128xi32, #tpu.memory_space<vmem>> -> memref<128xi32, #tpu.memory_space<vmem>>
      %dma_wait3A_2025 = arith.constant 0 : i32
      %dma_wait3A_2026 = arith.constant 0 : i32
      %dma_wait3A_2027 = tpu.memref_slice %arg8[%dma_wait3A_2025, %dma_wait3A_2026] : memref<10240x16xf32, #tpu.memory_space<vmem_shared>> -> memref<10240x16xf32, #tpu.memory_space<vmem_shared>>
      tpu.wait_indirect_dma semaphore(%arg11 : memref<!tpu.dma_semaphore, #tpu.memory_space<semaphore_mem>>) src(%dma_wait3A_2021 : memref<128x16xf32, #tpu.memory_space<vmem>>) dst(%dma_wait3A_2027 : memref<10240x16xf32, #tpu.memory_space<vmem_shared>>)
      %dma_wait3A_2028 = arith.constant 6 : i32
      %dma_wait3A_2029 = arith.constant 1 : i32
      %dma_wait3A_2030 = arith.constant 0 : i32
      %dma_wait3A_2031 = arith.constant 0 : i32
      %dma_wait3A_2032 = tpu.memref_slice %arg7[%dma_wait3A_2028, %dma_wait3A_2030, %dma_wait3A_2031] : memref<16x128x16xf32, #tpu.memory_space<vmem>> -> memref<1x128x16xf32, #tpu.memory_space<vmem>>
      %dma_wait3A_2033 = tpu.memref_squeeze %dma_wait3A_2032 : memref<1x128x16xf32, #tpu.memory_space<vmem>> -> memref<128x16xf32, #tpu.memory_space<vmem>>
      %dma_wait3A_2034 = arith.constant 0 : i32
      %dma_wait3A_2035 = tpu.memref_slice %arg6[%dma_wait3A_2029, %add3A_1709, %dma_wait3A_2034] : memref<2x80x128xi32, #tpu.memory_space<vmem>> -> memref<1x1x128xi32, #tpu.memory_space<vmem>>
      %dma_wait3A_2036 = tpu.memref_squeeze %dma_wait3A_2035 : memref<1x1x128xi32, #tpu.memory_space<vmem>> -> memref<128xi32, #tpu.memory_space<vmem>>
      %dma_wait3A_2037 = arith.constant 0 : i32
      %dma_wait3A_2038 = arith.constant 0 : i32
      %dma_wait3A_2039 = tpu.memref_slice %arg8[%dma_wait3A_2037, %dma_wait3A_2038] : memref<10240x16xf32, #tpu.memory_space<vmem_shared>> -> memref<10240x16xf32, #tpu.memory_space<vmem_shared>>
      tpu.wait_indirect_dma semaphore(%arg11 : memref<!tpu.dma_semaphore, #tpu.memory_space<semaphore_mem>>) src(%dma_wait3A_2033 : memref<128x16xf32, #tpu.memory_space<vmem>>) dst(%dma_wait3A_2039 : memref<10240x16xf32, #tpu.memory_space<vmem_shared>>)
      %dma_wait3A_2040 = arith.constant 7 : i32
      %dma_wait3A_2041 = arith.constant 1 : i32
      %dma_wait3A_2042 = arith.constant 0 : i32
      %dma_wait3A_2043 = arith.constant 0 : i32
      %dma_wait3A_2044 = tpu.memref_slice %arg7[%dma_wait3A_2040, %dma_wait3A_2042, %dma_wait3A_2043] : memref<16x128x16xf32, #tpu.memory_space<vmem>> -> memref<1x128x16xf32, #tpu.memory_space<vmem>>
      %dma_wait3A_2045 = tpu.memref_squeeze %dma_wait3A_2044 : memref<1x128x16xf32, #tpu.memory_space<vmem>> -> memref<128x16xf32, #tpu.memory_space<vmem>>
      %dma_wait3A_2046 = arith.constant 0 : i32
      %dma_wait3A_2047 = tpu.memref_slice %arg6[%dma_wait3A_2041, %add3A_1735, %dma_wait3A_2046] : memref<2x80x128xi32, #tpu.memory_space<vmem>> -> memref<1x1x128xi32, #tpu.memory_space<vmem>>
      %dma_wait3A_2048 = tpu.memref_squeeze %dma_wait3A_2047 : memref<1x1x128xi32, #tpu.memory_space<vmem>> -> memref<128xi32, #tpu.memory_space<vmem>>
      %dma_wait3A_2049 = arith.constant 0 : i32
      %dma_wait3A_2050 = arith.constant 0 : i32
      %dma_wait3A_2051 = tpu.memref_slice %arg8[%dma_wait3A_2049, %dma_wait3A_2050] : memref<10240x16xf32, #tpu.memory_space<vmem_shared>> -> memref<10240x16xf32, #tpu.memory_space<vmem_shared>>
      tpu.wait_indirect_dma semaphore(%arg11 : memref<!tpu.dma_semaphore, #tpu.memory_space<semaphore_mem>>) src(%dma_wait3A_2045 : memref<128x16xf32, #tpu.memory_space<vmem>>) dst(%dma_wait3A_2051 : memref<10240x16xf32, #tpu.memory_space<vmem_shared>>)
      %dma_wait3A_2052 = arith.constant 8 : i32
      %dma_wait3A_2053 = arith.constant 1 : i32
      %dma_wait3A_2054 = arith.constant 0 : i32
      %dma_wait3A_2055 = arith.constant 0 : i32
      %dma_wait3A_2056 = tpu.memref_slice %arg7[%dma_wait3A_2052, %dma_wait3A_2054, %dma_wait3A_2055] : memref<16x128x16xf32, #tpu.memory_space<vmem>> -> memref<1x128x16xf32, #tpu.memory_space<vmem>>
      %dma_wait3A_2057 = tpu.memref_squeeze %dma_wait3A_2056 : memref<1x128x16xf32, #tpu.memory_space<vmem>> -> memref<128x16xf32, #tpu.memory_space<vmem>>
      %dma_wait3A_2058 = arith.constant 0 : i32
      %dma_wait3A_2059 = tpu.memref_slice %arg6[%dma_wait3A_2053, %add3A_1761, %dma_wait3A_2058] : memref<2x80x128xi32, #tpu.memory_space<vmem>> -> memref<1x1x128xi32, #tpu.memory_space<vmem>>
      %dma_wait3A_2060 = tpu.memref_squeeze %dma_wait3A_2059 : memref<1x1x128xi32, #tpu.memory_space<vmem>> -> memref<128xi32, #tpu.memory_space<vmem>>
      %dma_wait3A_2061 = arith.constant 0 : i32
      %dma_wait3A_2062 = arith.constant 0 : i32
      %dma_wait3A_2063 = tpu.memref_slice %arg8[%dma_wait3A_2061, %dma_wait3A_2062] : memref<10240x16xf32, #tpu.memory_space<vmem_shared>> -> memref<10240x16xf32, #tpu.memory_space<vmem_shared>>
      tpu.wait_indirect_dma semaphore(%arg11 : memref<!tpu.dma_semaphore, #tpu.memory_space<semaphore_mem>>) src(%dma_wait3A_2057 : memref<128x16xf32, #tpu.memory_space<vmem>>) dst(%dma_wait3A_2063 : memref<10240x16xf32, #tpu.memory_space<vmem_shared>>)
      %dma_wait3A_2064 = arith.constant 9 : i32
      %dma_wait3A_2065 = arith.constant 1 : i32
      %dma_wait3A_2066 = arith.constant 0 : i32
      %dma_wait3A_2067 = arith.constant 0 : i32
      %dma_wait3A_2068 = tpu.memref_slice %arg7[%dma_wait3A_2064, %dma_wait3A_2066, %dma_wait3A_2067] : memref<16x128x16xf32, #tpu.memory_space<vmem>> -> memref<1x128x16xf32, #tpu.memory_space<vmem>>
      %dma_wait3A_2069 = tpu.memref_squeeze %dma_wait3A_2068 : memref<1x128x16xf32, #tpu.memory_space<vmem>> -> memref<128x16xf32, #tpu.memory_space<vmem>>
      %dma_wait3A_2070 = arith.constant 0 : i32
      %dma_wait3A_2071 = tpu.memref_slice %arg6[%dma_wait3A_2065, %add3A_1787, %dma_wait3A_2070] : memref<2x80x128xi32, #tpu.memory_space<vmem>> -> memref<1x1x128xi32, #tpu.memory_space<vmem>>
      %dma_wait3A_2072 = tpu.memref_squeeze %dma_wait3A_2071 : memref<1x1x128xi32, #tpu.memory_space<vmem>> -> memref<128xi32, #tpu.memory_space<vmem>>
      %dma_wait3A_2073 = arith.constant 0 : i32
      %dma_wait3A_2074 = arith.constant 0 : i32
      %dma_wait3A_2075 = tpu.memref_slice %arg8[%dma_wait3A_2073, %dma_wait3A_2074] : memref<10240x16xf32, #tpu.memory_space<vmem_shared>> -> memref<10240x16xf32, #tpu.memory_space<vmem_shared>>
      tpu.wait_indirect_dma semaphore(%arg11 : memref<!tpu.dma_semaphore, #tpu.memory_space<semaphore_mem>>) src(%dma_wait3A_2069 : memref<128x16xf32, #tpu.memory_space<vmem>>) dst(%dma_wait3A_2075 : memref<10240x16xf32, #tpu.memory_space<vmem_shared>>)
      %dma_wait3A_2076 = arith.constant 10 : i32
      %dma_wait3A_2077 = arith.constant 1 : i32
      %dma_wait3A_2078 = arith.constant 0 : i32
      %dma_wait3A_2079 = arith.constant 0 : i32
      %dma_wait3A_2080 = tpu.memref_slice %arg7[%dma_wait3A_2076, %dma_wait3A_2078, %dma_wait3A_2079] : memref<16x128x16xf32, #tpu.memory_space<vmem>> -> memref<1x128x16xf32, #tpu.memory_space<vmem>>
      %dma_wait3A_2081 = tpu.memref_squeeze %dma_wait3A_2080 : memref<1x128x16xf32, #tpu.memory_space<vmem>> -> memref<128x16xf32, #tpu.memory_space<vmem>>
      %dma_wait3A_2082 = arith.constant 0 : i32
      %dma_wait3A_2083 = tpu.memref_slice %arg6[%dma_wait3A_2077, %add3A_1813, %dma_wait3A_2082] : memref<2x80x128xi32, #tpu.memory_space<vmem>> -> memref<1x1x128xi32, #tpu.memory_space<vmem>>
      %dma_wait3A_2084 = tpu.memref_squeeze %dma_wait3A_2083 : memref<1x1x128xi32, #tpu.memory_space<vmem>> -> memref<128xi32, #tpu.memory_space<vmem>>
      %dma_wait3A_2085 = arith.constant 0 : i32
      %dma_wait3A_2086 = arith.constant 0 : i32
      %dma_wait3A_2087 = tpu.memref_slice %arg8[%dma_wait3A_2085, %dma_wait3A_2086] : memref<10240x16xf32, #tpu.memory_space<vmem_shared>> -> memref<10240x16xf32, #tpu.memory_space<vmem_shared>>
      tpu.wait_indirect_dma semaphore(%arg11 : memref<!tpu.dma_semaphore, #tpu.memory_space<semaphore_mem>>) src(%dma_wait3A_2081 : memref<128x16xf32, #tpu.memory_space<vmem>>) dst(%dma_wait3A_2087 : memref<10240x16xf32, #tpu.memory_space<vmem_shared>>)
      %dma_wait3A_2088 = arith.constant 11 : i32
      %dma_wait3A_2089 = arith.constant 1 : i32
      %dma_wait3A_2090 = arith.constant 0 : i32
      %dma_wait3A_2091 = arith.constant 0 : i32
      %dma_wait3A_2092 = tpu.memref_slice %arg7[%dma_wait3A_2088, %dma_wait3A_2090, %dma_wait3A_2091] : memref<16x128x16xf32, #tpu.memory_space<vmem>> -> memref<1x128x16xf32, #tpu.memory_space<vmem>>
      %dma_wait3A_2093 = tpu.memref_squeeze %dma_wait3A_2092 : memref<1x128x16xf32, #tpu.memory_space<vmem>> -> memref<128x16xf32, #tpu.memory_space<vmem>>
      %dma_wait3A_2094 = arith.constant 0 : i32
      %dma_wait3A_2095 = tpu.memref_slice %arg6[%dma_wait3A_2089, %add3A_1839, %dma_wait3A_2094] : memref<2x80x128xi32, #tpu.memory_space<vmem>> -> memref<1x1x128xi32, #tpu.memory_space<vmem>>
      %dma_wait3A_2096 = tpu.memref_squeeze %dma_wait3A_2095 : memref<1x1x128xi32, #tpu.memory_space<vmem>> -> memref<128xi32, #tpu.memory_space<vmem>>
      %dma_wait3A_2097 = arith.constant 0 : i32
      %dma_wait3A_2098 = arith.constant 0 : i32
      %dma_wait3A_2099 = tpu.memref_slice %arg8[%dma_wait3A_2097, %dma_wait3A_2098] : memref<10240x16xf32, #tpu.memory_space<vmem_shared>> -> memref<10240x16xf32, #tpu.memory_space<vmem_shared>>
      tpu.wait_indirect_dma semaphore(%arg11 : memref<!tpu.dma_semaphore, #tpu.memory_space<semaphore_mem>>) src(%dma_wait3A_2093 : memref<128x16xf32, #tpu.memory_space<vmem>>) dst(%dma_wait3A_2099 : memref<10240x16xf32, #tpu.memory_space<vmem_shared>>)
      %dma_wait3A_2100 = arith.constant 12 : i32
      %dma_wait3A_2101 = arith.constant 1 : i32
      %dma_wait3A_2102 = arith.constant 0 : i32
      %dma_wait3A_2103 = arith.constant 0 : i32
      %dma_wait3A_2104 = tpu.memref_slice %arg7[%dma_wait3A_2100, %dma_wait3A_2102, %dma_wait3A_2103] : memref<16x128x16xf32, #tpu.memory_space<vmem>> -> memref<1x128x16xf32, #tpu.memory_space<vmem>>
      %dma_wait3A_2105 = tpu.memref_squeeze %dma_wait3A_2104 : memref<1x128x16xf32, #tpu.memory_space<vmem>> -> memref<128x16xf32, #tpu.memory_space<vmem>>
      %dma_wait3A_2106 = arith.constant 0 : i32
      %dma_wait3A_2107 = tpu.memref_slice %arg6[%dma_wait3A_2101, %add3A_1865, %dma_wait3A_2106] : memref<2x80x128xi32, #tpu.memory_space<vmem>> -> memref<1x1x128xi32, #tpu.memory_space<vmem>>
      %dma_wait3A_2108 = tpu.memref_squeeze %dma_wait3A_2107 : memref<1x1x128xi32, #tpu.memory_space<vmem>> -> memref<128xi32, #tpu.memory_space<vmem>>
      %dma_wait3A_2109 = arith.constant 0 : i32
      %dma_wait3A_2110 = arith.constant 0 : i32
      %dma_wait3A_2111 = tpu.memref_slice %arg8[%dma_wait3A_2109, %dma_wait3A_2110] : memref<10240x16xf32, #tpu.memory_space<vmem_shared>> -> memref<10240x16xf32, #tpu.memory_space<vmem_shared>>
      tpu.wait_indirect_dma semaphore(%arg11 : memref<!tpu.dma_semaphore, #tpu.memory_space<semaphore_mem>>) src(%dma_wait3A_2105 : memref<128x16xf32, #tpu.memory_space<vmem>>) dst(%dma_wait3A_2111 : memref<10240x16xf32, #tpu.memory_space<vmem_shared>>)
      %dma_wait3A_2112 = arith.constant 13 : i32
      %dma_wait3A_2113 = arith.constant 1 : i32
      %dma_wait3A_2114 = arith.constant 0 : i32
      %dma_wait3A_2115 = arith.constant 0 : i32
      %dma_wait3A_2116 = tpu.memref_slice %arg7[%dma_wait3A_2112, %dma_wait3A_2114, %dma_wait3A_2115] : memref<16x128x16xf32, #tpu.memory_space<vmem>> -> memref<1x128x16xf32, #tpu.memory_space<vmem>>
      %dma_wait3A_2117 = tpu.memref_squeeze %dma_wait3A_2116 : memref<1x128x16xf32, #tpu.memory_space<vmem>> -> memref<128x16xf32, #tpu.memory_space<vmem>>
      %dma_wait3A_2118 = arith.constant 0 : i32
      %dma_wait3A_2119 = tpu.memref_slice %arg6[%dma_wait3A_2113, %add3A_1891, %dma_wait3A_2118] : memref<2x80x128xi32, #tpu.memory_space<vmem>> -> memref<1x1x128xi32, #tpu.memory_space<vmem>>
      %dma_wait3A_2120 = tpu.memref_squeeze %dma_wait3A_2119 : memref<1x1x128xi32, #tpu.memory_space<vmem>> -> memref<128xi32, #tpu.memory_space<vmem>>
      %dma_wait3A_2121 = arith.constant 0 : i32
      %dma_wait3A_2122 = arith.constant 0 : i32
      %dma_wait3A_2123 = tpu.memref_slice %arg8[%dma_wait3A_2121, %dma_wait3A_2122] : memref<10240x16xf32, #tpu.memory_space<vmem_shared>> -> memref<10240x16xf32, #tpu.memory_space<vmem_shared>>
      tpu.wait_indirect_dma semaphore(%arg11 : memref<!tpu.dma_semaphore, #tpu.memory_space<semaphore_mem>>) src(%dma_wait3A_2117 : memref<128x16xf32, #tpu.memory_space<vmem>>) dst(%dma_wait3A_2123 : memref<10240x16xf32, #tpu.memory_space<vmem_shared>>)
      %dma_wait3A_2124 = arith.constant 14 : i32
      %dma_wait3A_2125 = arith.constant 1 : i32
      %dma_wait3A_2126 = arith.constant 0 : i32
      %dma_wait3A_2127 = arith.constant 0 : i32
      %dma_wait3A_2128 = tpu.memref_slice %arg7[%dma_wait3A_2124, %dma_wait3A_2126, %dma_wait3A_2127] : memref<16x128x16xf32, #tpu.memory_space<vmem>> -> memref<1x128x16xf32, #tpu.memory_space<vmem>>
      %dma_wait3A_2129 = tpu.memref_squeeze %dma_wait3A_2128 : memref<1x128x16xf32, #tpu.memory_space<vmem>> -> memref<128x16xf32, #tpu.memory_space<vmem>>
      %dma_wait3A_2130 = arith.constant 0 : i32
      %dma_wait3A_2131 = tpu.memref_slice %arg6[%dma_wait3A_2125, %add3A_1917, %dma_wait3A_2130] : memref<2x80x128xi32, #tpu.memory_space<vmem>> -> memref<1x1x128xi32, #tpu.memory_space<vmem>>
      %dma_wait3A_2132 = tpu.memref_squeeze %dma_wait3A_2131 : memref<1x1x128xi32, #tpu.memory_space<vmem>> -> memref<128xi32, #tpu.memory_space<vmem>>
      %dma_wait3A_2133 = arith.constant 0 : i32
      %dma_wait3A_2134 = arith.constant 0 : i32
      %dma_wait3A_2135 = tpu.memref_slice %arg8[%dma_wait3A_2133, %dma_wait3A_2134] : memref<10240x16xf32, #tpu.memory_space<vmem_shared>> -> memref<10240x16xf32, #tpu.memory_space<vmem_shared>>
      tpu.wait_indirect_dma semaphore(%arg11 : memref<!tpu.dma_semaphore, #tpu.memory_space<semaphore_mem>>) src(%dma_wait3A_2129 : memref<128x16xf32, #tpu.memory_space<vmem>>) dst(%dma_wait3A_2135 : memref<10240x16xf32, #tpu.memory_space<vmem_shared>>)
      %dma_wait3A_2136 = arith.constant 15 : i32
      %dma_wait3A_2137 = arith.constant 1 : i32
      %dma_wait3A_2138 = arith.constant 0 : i32
      %dma_wait3A_2139 = arith.constant 0 : i32
      %dma_wait3A_2140 = tpu.memref_slice %arg7[%dma_wait3A_2136, %dma_wait3A_2138, %dma_wait3A_2139] : memref<16x128x16xf32, #tpu.memory_space<vmem>> -> memref<1x128x16xf32, #tpu.memory_space<vmem>>
      %dma_wait3A_2141 = tpu.memref_squeeze %dma_wait3A_2140 : memref<1x128x16xf32, #tpu.memory_space<vmem>> -> memref<128x16xf32, #tpu.memory_space<vmem>>
      %dma_wait3A_2142 = arith.constant 0 : i32
      %dma_wait3A_2143 = tpu.memref_slice %arg6[%dma_wait3A_2137, %add3A_1943, %dma_wait3A_2142] : memref<2x80x128xi32, #tpu.memory_space<vmem>> -> memref<1x1x128xi32, #tpu.memory_space<vmem>>
      %dma_wait3A_2144 = tpu.memref_squeeze %dma_wait3A_2143 : memref<1x1x128xi32, #tpu.memory_space<vmem>> -> memref<128xi32, #tpu.memory_space<vmem>>
      %dma_wait3A_2145 = arith.constant 0 : i32
      %dma_wait3A_2146 = arith.constant 0 : i32
      %dma_wait3A_2147 = tpu.memref_slice %arg8[%dma_wait3A_2145, %dma_wait3A_2146] : memref<10240x16xf32, #tpu.memory_space<vmem_shared>> -> memref<10240x16xf32, #tpu.memory_space<vmem_shared>>
      tpu.wait_indirect_dma semaphore(%arg11 : memref<!tpu.dma_semaphore, #tpu.memory_space<semaphore_mem>>) src(%dma_wait3A_2141 : memref<128x16xf32, #tpu.memory_space<vmem>>) dst(%dma_wait3A_2147 : memref<10240x16xf32, #tpu.memory_space<vmem_shared>>)
    }
    %scan3A_1311 = arith.constant 5 : i32
    %barrier3A_1312 = arith.constant 0 : index
    tpu.barrier barrier_id(%barrier3A_1312)
    %mul3A_1313 = arith.constant 640 : i32
    %mul3A_1314 = arith.muli %arg1, %mul3A_1313 : i32
    "tpu.region"() ({
      %run_scoped3A_1315 = tpu.sem_alloc : memref<!tpu.dma_semaphore, #tpu.memory_space<semaphore_mem>>
      %dma_start3A = arith.constant 0 : i32
      %dma_start3A_1316 = tpu.memref_slice %arg5[%arg0, %mul3A_1314, %dma_start3A] : memref<2x10240x16xf32, #tpu.memory_space<hbm>> -> memref<1x640x16xf32, #tpu.memory_space<hbm>>
      %dma_start3A_1317 = tpu.memref_squeeze %dma_start3A_1316 : memref<1x640x16xf32, #tpu.memory_space<hbm>> -> memref<640x16xf32, #tpu.memory_space<hbm>>
      %dma_start3A_1318 = arith.constant 0 : i32
      %dma_start3A_1319 = tpu.memref_slice %arg8[%mul3A_1314, %dma_start3A_1318] : memref<10240x16xf32, #tpu.memory_space<vmem_shared>> -> memref<640x16xf32, #tpu.memory_space<vmem_shared>>
      tpu.enqueue_dma source(%dma_start3A_1319 : memref<640x16xf32, #tpu.memory_space<vmem_shared>>) target(%dma_start3A_1317 : memref<640x16xf32, #tpu.memory_space<hbm>>) target_semaphore(%run_scoped3A_1315 : memref<!tpu.dma_semaphore, #tpu.memory_space<semaphore_mem>>)
      %dma_wait3A = arith.constant 0 : i32
      %dma_wait3A_1320 = tpu.memref_slice %arg5[%arg0, %mul3A_1314, %dma_wait3A] : memref<2x10240x16xf32, #tpu.memory_space<hbm>> -> memref<1x640x16xf32, #tpu.memory_space<hbm>>
      %dma_wait3A_1321 = tpu.memref_squeeze %dma_wait3A_1320 : memref<1x640x16xf32, #tpu.memory_space<hbm>> -> memref<640x16xf32, #tpu.memory_space<hbm>>
      %dma_wait3A_1322 = arith.constant 0 : i32
      %dma_wait3A_1323 = tpu.memref_slice %arg8[%mul3A_1314, %dma_wait3A_1322] : memref<10240x16xf32, #tpu.memory_space<vmem_shared>> -> memref<640x16xf32, #tpu.memory_space<vmem_shared>>
      tpu.wait_dma2 semaphore(%run_scoped3A_1315 : memref<!tpu.dma_semaphore, #tpu.memory_space<semaphore_mem>>) src(%dma_wait3A_1323 : memref<640x16xf32, #tpu.memory_space<vmem_shared>>) dst(%dma_wait3A_1321 : memref<640x16xf32, #tpu.memory_space<hbm>>)
      tpu.yield
    }) : () -> ()
    return
  }
}

module attributes {stable_mosaic.version = 14 : i64} {
  func.func @_mm1_body(%arg0: memref<1250x1024xf32, #tpu.memory_space<vmem>>, %arg1: memref<128x16xf32, #tpu.memory_space<vmem>>, %arg2: memref<1250x128xf32, #tpu.memory_space<vmem>>) attributes {dimension_semantics = [], scalar_prefetch = 0 : i64, scratch_operands = 0 : i64, tpu.core_type = #tpu.core_type<tc>} {
    %get3A = arith.constant 0 : index
    %get3A_0 = arith.constant 0 : index
    %get3A_1 = vector.load %arg0[%get3A, %get3A_0] : memref<1250x1024xf32, #tpu.memory_space<vmem>>, vector<1250x128xf32>
    %get3A_2 = arith.constant 0 : index
    %get3A_3 = arith.constant 0 : index
    %get3A_4 = vector.load %arg1[%get3A_2, %get3A_3] : memref<128x16xf32, #tpu.memory_space<vmem>>, vector<128x16xf32>
    %dot_general3A = arith.constant dense<0.000000e+00> : vector<1250x16xf32>
    %dot_general3A_5 = tpu.matmul %get3A_1, %get3A_4, %dot_general3A {dimension_numbers = #tpu.dot_dimension_numbers<[1], [0], [0], [1], [0, 0, 1, 1], [], []>, transpose_lhs_hint = false} : vector<1250x128xf32>, vector<128x16xf32>, vector<1250x16xf32> -> vector<1250x16xf32>
    %swap3A = arith.constant 0 : index
    %swap3A_6 = arith.constant 0 : index
    %swap3A_7 = vector.load %arg2[%swap3A, %swap3A_6] : memref<1250x128xf32, #tpu.memory_space<vmem>>, vector<1250x16xf32>
    tpu.vector_store %arg2[%swap3A, %swap3A_6], %dot_general3A_5 {strides = array<i32>} : memref<1250x128xf32, #tpu.memory_space<vmem>>, vector<1250x16xf32>,
    %get3A_8 = arith.constant 0 : index
    %get3A_9 = arith.constant 128 : index
    %get3A_10 = vector.load %arg0[%get3A_8, %get3A_9] : memref<1250x1024xf32, #tpu.memory_space<vmem>>, vector<1250x128xf32>
    %get3A_11 = arith.constant 0 : index
    %get3A_12 = arith.constant 0 : index
    %get3A_13 = vector.load %arg1[%get3A_11, %get3A_12] : memref<128x16xf32, #tpu.memory_space<vmem>>, vector<128x16xf32>
    %dot_general3A_14 = arith.constant dense<0.000000e+00> : vector<1250x16xf32>
    %dot_general3A_15 = tpu.matmul %get3A_10, %get3A_13, %dot_general3A_14 {dimension_numbers = #tpu.dot_dimension_numbers<[1], [0], [0], [1], [0, 0, 1, 1], [], []>, transpose_lhs_hint = false} : vector<1250x128xf32>, vector<128x16xf32>, vector<1250x16xf32> -> vector<1250x16xf32>
    %swap3A_16 = arith.constant 0 : index
    %swap3A_17 = arith.constant 16 : index
    %swap3A_18 = vector.load %arg2[%swap3A_16, %swap3A_17] : memref<1250x128xf32, #tpu.memory_space<vmem>>, vector<1250x16xf32>
    tpu.vector_store %arg2[%swap3A_16, %swap3A_17], %dot_general3A_15 {strides = array<i32>} : memref<1250x128xf32, #tpu.memory_space<vmem>>, vector<1250x16xf32>,
    %get3A_19 = arith.constant 0 : index
    %get3A_20 = arith.constant 256 : index
    %get3A_21 = vector.load %arg0[%get3A_19, %get3A_20] : memref<1250x1024xf32, #tpu.memory_space<vmem>>, vector<1250x128xf32>
    %get3A_22 = arith.constant 0 : index
    %get3A_23 = arith.constant 0 : index
    %get3A_24 = vector.load %arg1[%get3A_22, %get3A_23] : memref<128x16xf32, #tpu.memory_space<vmem>>, vector<128x16xf32>
    %dot_general3A_25 = arith.constant dense<0.000000e+00> : vector<1250x16xf32>
    %dot_general3A_26 = tpu.matmul %get3A_21, %get3A_24, %dot_general3A_25 {dimension_numbers = #tpu.dot_dimension_numbers<[1], [0], [0], [1], [0, 0, 1, 1], [], []>, transpose_lhs_hint = false} : vector<1250x128xf32>, vector<128x16xf32>, vector<1250x16xf32> -> vector<1250x16xf32>
    %swap3A_27 = arith.constant 0 : index
    %swap3A_28 = arith.constant 32 : index
    %swap3A_29 = vector.load %arg2[%swap3A_27, %swap3A_28] : memref<1250x128xf32, #tpu.memory_space<vmem>>, vector<1250x16xf32>
    tpu.vector_store %arg2[%swap3A_27, %swap3A_28], %dot_general3A_26 {strides = array<i32>} : memref<1250x128xf32, #tpu.memory_space<vmem>>, vector<1250x16xf32>,
    %get3A_30 = arith.constant 0 : index
    %get3A_31 = arith.constant 384 : index
    %get3A_32 = vector.load %arg0[%get3A_30, %get3A_31] : memref<1250x1024xf32, #tpu.memory_space<vmem>>, vector<1250x128xf32>
    %get3A_33 = arith.constant 0 : index
    %get3A_34 = arith.constant 0 : index
    %get3A_35 = vector.load %arg1[%get3A_33, %get3A_34] : memref<128x16xf32, #tpu.memory_space<vmem>>, vector<128x16xf32>
    %dot_general3A_36 = arith.constant dense<0.000000e+00> : vector<1250x16xf32>
    %dot_general3A_37 = tpu.matmul %get3A_32, %get3A_35, %dot_general3A_36 {dimension_numbers = #tpu.dot_dimension_numbers<[1], [0], [0], [1], [0, 0, 1, 1], [], []>, transpose_lhs_hint = false} : vector<1250x128xf32>, vector<128x16xf32>, vector<1250x16xf32> -> vector<1250x16xf32>
    %swap3A_38 = arith.constant 0 : index
    %swap3A_39 = arith.constant 48 : index
    %swap3A_40 = vector.load %arg2[%swap3A_38, %swap3A_39] : memref<1250x128xf32, #tpu.memory_space<vmem>>, vector<1250x16xf32>
    tpu.vector_store %arg2[%swap3A_38, %swap3A_39], %dot_general3A_37 {strides = array<i32>} : memref<1250x128xf32, #tpu.memory_space<vmem>>, vector<1250x16xf32>,
    %get3A_41 = arith.constant 0 : index
    %get3A_42 = arith.constant 512 : index
    %get3A_43 = vector.load %arg0[%get3A_41, %get3A_42] : memref<1250x1024xf32, #tpu.memory_space<vmem>>, vector<1250x128xf32>
    %get3A_44 = arith.constant 0 : index
    %get3A_45 = arith.constant 0 : index
    %get3A_46 = vector.load %arg1[%get3A_44, %get3A_45] : memref<128x16xf32, #tpu.memory_space<vmem>>, vector<128x16xf32>
    %dot_general3A_47 = arith.constant dense<0.000000e+00> : vector<1250x16xf32>
    %dot_general3A_48 = tpu.matmul %get3A_43, %get3A_46, %dot_general3A_47 {dimension_numbers = #tpu.dot_dimension_numbers<[1], [0], [0], [1], [0, 0, 1, 1], [], []>, transpose_lhs_hint = false} : vector<1250x128xf32>, vector<128x16xf32>, vector<1250x16xf32> -> vector<1250x16xf32>
    %swap3A_49 = arith.constant 0 : index
    %swap3A_50 = arith.constant 64 : index
    %swap3A_51 = vector.load %arg2[%swap3A_49, %swap3A_50] : memref<1250x128xf32, #tpu.memory_space<vmem>>, vector<1250x16xf32>
    tpu.vector_store %arg2[%swap3A_49, %swap3A_50], %dot_general3A_48 {strides = array<i32>} : memref<1250x128xf32, #tpu.memory_space<vmem>>, vector<1250x16xf32>,
    %get3A_52 = arith.constant 0 : index
    %get3A_53 = arith.constant 640 : index
    %get3A_54 = vector.load %arg0[%get3A_52, %get3A_53] : memref<1250x1024xf32, #tpu.memory_space<vmem>>, vector<1250x128xf32>
    %get3A_55 = arith.constant 0 : index
    %get3A_56 = arith.constant 0 : index
    %get3A_57 = vector.load %arg1[%get3A_55, %get3A_56] : memref<128x16xf32, #tpu.memory_space<vmem>>, vector<128x16xf32>
    %dot_general3A_58 = arith.constant dense<0.000000e+00> : vector<1250x16xf32>
    %dot_general3A_59 = tpu.matmul %get3A_54, %get3A_57, %dot_general3A_58 {dimension_numbers = #tpu.dot_dimension_numbers<[1], [0], [0], [1], [0, 0, 1, 1], [], []>, transpose_lhs_hint = false} : vector<1250x128xf32>, vector<128x16xf32>, vector<1250x16xf32> -> vector<1250x16xf32>
    %swap3A_60 = arith.constant 0 : index
    %swap3A_61 = arith.constant 80 : index
    %swap3A_62 = vector.load %arg2[%swap3A_60, %swap3A_61] : memref<1250x128xf32, #tpu.memory_space<vmem>>, vector<1250x16xf32>
    tpu.vector_store %arg2[%swap3A_60, %swap3A_61], %dot_general3A_59 {strides = array<i32>} : memref<1250x128xf32, #tpu.memory_space<vmem>>, vector<1250x16xf32>,
    %get3A_63 = arith.constant 0 : index
    %get3A_64 = arith.constant 768 : index
    %get3A_65 = vector.load %arg0[%get3A_63, %get3A_64] : memref<1250x1024xf32, #tpu.memory_space<vmem>>, vector<1250x128xf32>
    %get3A_66 = arith.constant 0 : index
    %get3A_67 = arith.constant 0 : index
    %get3A_68 = vector.load %arg1[%get3A_66, %get3A_67] : memref<128x16xf32, #tpu.memory_space<vmem>>, vector<128x16xf32>
    %dot_general3A_69 = arith.constant dense<0.000000e+00> : vector<1250x16xf32>
    %dot_general3A_70 = tpu.matmul %get3A_65, %get3A_68, %dot_general3A_69 {dimension_numbers = #tpu.dot_dimension_numbers<[1], [0], [0], [1], [0, 0, 1, 1], [], []>, transpose_lhs_hint = false} : vector<1250x128xf32>, vector<128x16xf32>, vector<1250x16xf32> -> vector<1250x16xf32>
    %swap3A_71 = arith.constant 0 : index
    %swap3A_72 = arith.constant 96 : index
    %swap3A_73 = vector.load %arg2[%swap3A_71, %swap3A_72] : memref<1250x128xf32, #tpu.memory_space<vmem>>, vector<1250x16xf32>
    tpu.vector_store %arg2[%swap3A_71, %swap3A_72], %dot_general3A_70 {strides = array<i32>} : memref<1250x128xf32, #tpu.memory_space<vmem>>, vector<1250x16xf32>,
    %get3A_74 = arith.constant 0 : index
    %get3A_75 = arith.constant 896 : index
    %get3A_76 = vector.load %arg0[%get3A_74, %get3A_75] : memref<1250x1024xf32, #tpu.memory_space<vmem>>, vector<1250x128xf32>
    %get3A_77 = arith.constant 0 : index
    %get3A_78 = arith.constant 0 : index
    %get3A_79 = vector.load %arg1[%get3A_77, %get3A_78] : memref<128x16xf32, #tpu.memory_space<vmem>>, vector<128x16xf32>
    %dot_general3A_80 = arith.constant dense<0.000000e+00> : vector<1250x16xf32>
    %dot_general3A_81 = tpu.matmul %get3A_76, %get3A_79, %dot_general3A_80 {dimension_numbers = #tpu.dot_dimension_numbers<[1], [0], [0], [1], [0, 0, 1, 1], [], []>, transpose_lhs_hint = false} : vector<1250x128xf32>, vector<128x16xf32>, vector<1250x16xf32> -> vector<1250x16xf32>
    %swap3A_82 = arith.constant 0 : index
    %swap3A_83 = arith.constant 112 : index
    %swap3A_84 = vector.load %arg2[%swap3A_82, %swap3A_83] : memref<1250x128xf32, #tpu.memory_space<vmem>>, vector<1250x16xf32>
    tpu.vector_store %arg2[%swap3A_82, %swap3A_83], %dot_general3A_81 {strides = array<i32>} : memref<1250x128xf32, #tpu.memory_space<vmem>>, vector<1250x16xf32>,
    return
  }
}

module attributes {stable_mosaic.version = 14 : i64} {
  func.func @_final_body(%arg0: memref<2x1280x128xf32, #tpu.memory_space<vmem>>, %arg1: memref<1250x128xf32, #tpu.memory_space<vmem>>, %arg2: memref<1x16xf32, #tpu.memory_space<vmem>>, %arg3: memref<16x16xf32, #tpu.memory_space<vmem>>, %arg4: memref<1x16xf32, #tpu.memory_space<vmem>>, %arg5: memref<8x1250xi32, #tpu.memory_space<vmem>>, %arg6: memref<16x2xf32, #tpu.memory_space<vmem>>, %arg7: memref<1x2xf32, #tpu.memory_space<vmem>>, %arg8: memref<64x2xf32, #tpu.memory_space<vmem>>) attributes {dimension_semantics = [], scalar_prefetch = 0 : i64, scratch_operands = 0 : i64, tpu.core_type = #tpu.core_type<tc>} {
    %iota3A = tpu.iota {dimensions = array<i32: 0>} : vector<64x1250xi32>
    %broadcast_in_dim3A = arith.constant 0.000000e+00 : f32
    %broadcast_in_dim3A_0 = vector.broadcast %broadcast_in_dim3A : f32 to vector<64x16xf32>
    %broadcast_in_dim3A_1 = arith.constant 0.000000e+00 : f32
    %broadcast_in_dim3A_2 = vector.broadcast %broadcast_in_dim3A_1 : f32 to vector<64x1xf32>
    %get3A = arith.constant 0 : index
    %get3A_3 = arith.constant 0 : index
    %get3A_4 = arith.constant 0 : index
    %get3A_5 = vector.load %arg0[%get3A, %get3A_3, %get3A_4] : memref<2x1280x128xf32, #tpu.memory_space<vmem>>, vector<1x1250x16xf32>
    %get3A_6 = vector.shape_cast %get3A_5 : vector<1x1250x16xf32> to vector<1250x16xf32>
    %get3A_7 = arith.constant 1 : index
    %get3A_8 = arith.constant 0 : index
    %get3A_9 = arith.constant 0 : index
    %get3A_10 = vector.load %arg0[%get3A_7, %get3A_8, %get3A_9] : memref<2x1280x128xf32, #tpu.memory_space<vmem>>, vector<1x1250x16xf32>
    %get3A_11 = vector.shape_cast %get3A_10 : vector<1x1250x16xf32> to vector<1250x16xf32>
    %add3A = arith.addf %get3A_6, %get3A_11 : vector<1250x16xf32>
    %get3A_12 = arith.constant 0 : index
    %get3A_13 = arith.constant 0 : index
    %get3A_14 = vector.load %arg1[%get3A_12, %get3A_13] : memref<1250x128xf32, #tpu.memory_space<vmem>>, vector<1250x16xf32>
    %add3A_15 = arith.addf %add3A, %get3A_14 : vector<1250x16xf32>
    %get3A_16 = arith.constant 0 : index
    %get3A_17 = arith.constant 0 : index
    %get3A_18 = vector.load %arg2[%get3A_16, %get3A_17] : memref<1x16xf32, #tpu.memory_space<vmem>>, vector<1x16xf32>
    %add3A_19 = vector.broadcast %get3A_18 : vector<1x16xf32> to vector<1250x16xf32>
    %add3A_20 = arith.addf %add3A_15, %add3A_19 : vector<1250x16xf32>
    %max3A = arith.constant 0.000000e+00 : f32
    %max3A_21 = vector.broadcast %max3A : f32 to vector<1250x16xf32>
    %max3A_22 = arith.maximumf %add3A_20, %max3A_21 : vector<1250x16xf32>
    %get3A_23 = arith.constant 0 : index
    %get3A_24 = arith.constant 0 : index
    %get3A_25 = vector.load %arg3[%get3A_23, %get3A_24] : memref<16x16xf32, #tpu.memory_space<vmem>>, vector<16x16xf32>
    %dot_general3A = arith.constant dense<0.000000e+00> : vector<1250x16xf32>
    %dot_general3A_26 = tpu.matmul %max3A_22, %get3A_25, %dot_general3A {dimension_numbers = #tpu.dot_dimension_numbers<[1], [0], [0], [1], [0, 0, 1, 1], [], []>, transpose_lhs_hint = false} : vector<1250x16xf32>, vector<16x16xf32>, vector<1250x16xf32> -> vector<1250x16xf32>
    %get3A_27 = arith.constant 0 : index
    %get3A_28 = arith.constant 0 : index
    %get3A_29 = vector.load %arg4[%get3A_27, %get3A_28] : memref<1x16xf32, #tpu.memory_space<vmem>>, vector<1x16xf32>
    %add3A_30 = vector.broadcast %get3A_29 : vector<1x16xf32> to vector<1250x16xf32>
    %add3A_31 = arith.addf %dot_general3A_26, %add3A_30 : vector<1250x16xf32>
    %max3A_32 = arith.constant 0.000000e+00 : f32
    %max3A_33 = vector.broadcast %max3A_32 : f32 to vector<1250x16xf32>
    %max3A_34 = arith.maximumf %add3A_31, %max3A_33 : vector<1250x16xf32>
    %get3A_35 = arith.constant 0 : index
    %get3A_36 = arith.constant 0 : index
    %get3A_37 = vector.load %arg5[%get3A_35, %get3A_36] : memref<8x1250xi32, #tpu.memory_space<vmem>>, vector<1x1250xi32>
    %get3A_38 = vector.shape_cast %get3A_37 : vector<1x1250xi32> to vector<1250xi32>
    %broadcast_in_dim3A_39 = vector.shape_cast %get3A_38 : vector<1250xi32> to vector<1x1250xi32>
    %eq3A = vector.broadcast %broadcast_in_dim3A_39 : vector<1x1250xi32> to vector<64x1250xi32>
    %eq3A_40 = arith.cmpi eq, %iota3A, %eq3A : vector<64x1250xi32>
    %convert_element_type3A = arith.extui %eq3A_40 : vector<64x1250xi1> to vector<64x1250xi32>
    %convert_element_type3A_41 = arith.sitofp %convert_element_type3A : vector<64x1250xi32> to vector<64x1250xf32>
    %dot_general3A_42 = arith.constant dense<0.000000e+00> : vector<64x16xf32>
    %dot_general3A_43 = tpu.matmul %convert_element_type3A_41, %max3A_34, %dot_general3A_42 {dimension_numbers = #tpu.dot_dimension_numbers<[1], [0], [0], [1], [0, 0, 1, 1], [], []>, transpose_lhs_hint = false} : vector<64x1250xf32>, vector<1250x16xf32>, vector<64x16xf32> -> vector<64x16xf32>
    %add3A_44 = arith.addf %broadcast_in_dim3A_0, %dot_general3A_43 : vector<64x16xf32>
    %reduce_sum3A = arith.constant dense<0.000000e+00> : vector<64xf32>
    %reduce_sum3A_45 = vector.multi_reduction <add>, %convert_element_type3A_41, %reduce_sum3A [1] : vector<64x1250xf32> to vector<64xf32>
    %broadcast_in_dim3A_46 = vector.shape_cast %reduce_sum3A_45 : vector<64xf32> to vector<64x1xf32>
    %add3A_47 = arith.addf %broadcast_in_dim3A_2, %broadcast_in_dim3A_46 : vector<64x1xf32>
    %get3A_48 = arith.constant 0 : index
    %get3A_49 = arith.constant 0 : index
    %get3A_50 = arith.constant 16 : index
    %get3A_51 = vector.load %arg0[%get3A_48, %get3A_49, %get3A_50] : memref<2x1280x128xf32, #tpu.memory_space<vmem>>, vector<1x1250x16xf32>
    %get3A_52 = vector.shape_cast %get3A_51 : vector<1x1250x16xf32> to vector<1250x16xf32>
    %get3A_53 = arith.constant 1 : index
    %get3A_54 = arith.constant 0 : index
    %get3A_55 = arith.constant 16 : index
    %get3A_56 = vector.load %arg0[%get3A_53, %get3A_54, %get3A_55] : memref<2x1280x128xf32, #tpu.memory_space<vmem>>, vector<1x1250x16xf32>
    %get3A_57 = vector.shape_cast %get3A_56 : vector<1x1250x16xf32> to vector<1250x16xf32>
    %add3A_58 = arith.addf %get3A_52, %get3A_57 : vector<1250x16xf32>
    %get3A_59 = arith.constant 0 : index
    %get3A_60 = arith.constant 16 : index
    %get3A_61 = vector.load %arg1[%get3A_59, %get3A_60] : memref<1250x128xf32, #tpu.memory_space<vmem>>, vector<1250x16xf32>
    %add3A_62 = arith.addf %add3A_58, %get3A_61 : vector<1250x16xf32>
    %get3A_63 = arith.constant 0 : index
    %get3A_64 = arith.constant 0 : index
    %get3A_65 = vector.load %arg2[%get3A_63, %get3A_64] : memref<1x16xf32, #tpu.memory_space<vmem>>, vector<1x16xf32>
    %add3A_66 = vector.broadcast %get3A_65 : vector<1x16xf32> to vector<1250x16xf32>
    %add3A_67 = arith.addf %add3A_62, %add3A_66 : vector<1250x16xf32>
    %max3A_68 = arith.constant 0.000000e+00 : f32
    %max3A_69 = vector.broadcast %max3A_68 : f32 to vector<1250x16xf32>
    %max3A_70 = arith.maximumf %add3A_67, %max3A_69 : vector<1250x16xf32>
    %get3A_71 = arith.constant 0 : index
    %get3A_72 = arith.constant 0 : index
    %get3A_73 = vector.load %arg3[%get3A_71, %get3A_72] : memref<16x16xf32, #tpu.memory_space<vmem>>, vector<16x16xf32>
    %dot_general3A_74 = arith.constant dense<0.000000e+00> : vector<1250x16xf32>
    %dot_general3A_75 = tpu.matmul %max3A_70, %get3A_73, %dot_general3A_74 {dimension_numbers = #tpu.dot_dimension_numbers<[1], [0], [0], [1], [0, 0, 1, 1], [], []>, transpose_lhs_hint = false} : vector<1250x16xf32>, vector<16x16xf32>, vector<1250x16xf32> -> vector<1250x16xf32>
    %get3A_76 = arith.constant 0 : index
    %get3A_77 = arith.constant 0 : index
    %get3A_78 = vector.load %arg4[%get3A_76, %get3A_77] : memref<1x16xf32, #tpu.memory_space<vmem>>, vector<1x16xf32>
    %add3A_79 = vector.broadcast %get3A_78 : vector<1x16xf32> to vector<1250x16xf32>
    %add3A_80 = arith.addf %dot_general3A_75, %add3A_79 : vector<1250x16xf32>
    %max3A_81 = arith.constant 0.000000e+00 : f32
    %max3A_82 = vector.broadcast %max3A_81 : f32 to vector<1250x16xf32>
    %max3A_83 = arith.maximumf %add3A_80, %max3A_82 : vector<1250x16xf32>
    %get3A_84 = arith.constant 1 : index
    %get3A_85 = arith.constant 0 : index
    %get3A_86 = vector.load %arg5[%get3A_84, %get3A_85] : memref<8x1250xi32, #tpu.memory_space<vmem>>, vector<1x1250xi32>
    %get3A_87 = vector.shape_cast %get3A_86 : vector<1x1250xi32> to vector<1250xi32>
    %broadcast_in_dim3A_88 = vector.shape_cast %get3A_87 : vector<1250xi32> to vector<1x1250xi32>
    %eq3A_89 = vector.broadcast %broadcast_in_dim3A_88 : vector<1x1250xi32> to vector<64x1250xi32>
    %eq3A_90 = arith.cmpi eq, %iota3A, %eq3A_89 : vector<64x1250xi32>
    %convert_element_type3A_91 = arith.extui %eq3A_90 : vector<64x1250xi1> to vector<64x1250xi32>
    %convert_element_type3A_92 = arith.sitofp %convert_element_type3A_91 : vector<64x1250xi32> to vector<64x1250xf32>
    %dot_general3A_93 = arith.constant dense<0.000000e+00> : vector<64x16xf32>
    %dot_general3A_94 = tpu.matmul %convert_element_type3A_92, %max3A_83, %dot_general3A_93 {dimension_numbers = #tpu.dot_dimension_numbers<[1], [0], [0], [1], [0, 0, 1, 1], [], []>, transpose_lhs_hint = false} : vector<64x1250xf32>, vector<1250x16xf32>, vector<64x16xf32> -> vector<64x16xf32>
    %add3A_95 = arith.addf %add3A_44, %dot_general3A_94 : vector<64x16xf32>
    %reduce_sum3A_96 = arith.constant dense<0.000000e+00> : vector<64xf32>
    %reduce_sum3A_97 = vector.multi_reduction <add>, %convert_element_type3A_92, %reduce_sum3A_96 [1] : vector<64x1250xf32> to vector<64xf32>
    %broadcast_in_dim3A_98 = vector.shape_cast %reduce_sum3A_97 : vector<64xf32> to vector<64x1xf32>
    %add3A_99 = arith.addf %add3A_47, %broadcast_in_dim3A_98 : vector<64x1xf32>
    %get3A_100 = arith.constant 0 : index
    %get3A_101 = arith.constant 0 : index
    %get3A_102 = arith.constant 32 : index
    %get3A_103 = vector.load %arg0[%get3A_100, %get3A_101, %get3A_102] : memref<2x1280x128xf32, #tpu.memory_space<vmem>>, vector<1x1250x16xf32>
    %get3A_104 = vector.shape_cast %get3A_103 : vector<1x1250x16xf32> to vector<1250x16xf32>
    %get3A_105 = arith.constant 1 : index
    %get3A_106 = arith.constant 0 : index
    %get3A_107 = arith.constant 32 : index
    %get3A_108 = vector.load %arg0[%get3A_105, %get3A_106, %get3A_107] : memref<2x1280x128xf32, #tpu.memory_space<vmem>>, vector<1x1250x16xf32>
    %get3A_109 = vector.shape_cast %get3A_108 : vector<1x1250x16xf32> to vector<1250x16xf32>
    %add3A_110 = arith.addf %get3A_104, %get3A_109 : vector<1250x16xf32>
    %get3A_111 = arith.constant 0 : index
    %get3A_112 = arith.constant 32 : index
    %get3A_113 = vector.load %arg1[%get3A_111, %get3A_112] : memref<1250x128xf32, #tpu.memory_space<vmem>>, vector<1250x16xf32>
    %add3A_114 = arith.addf %add3A_110, %get3A_113 : vector<1250x16xf32>
    %get3A_115 = arith.constant 0 : index
    %get3A_116 = arith.constant 0 : index
    %get3A_117 = vector.load %arg2[%get3A_115, %get3A_116] : memref<1x16xf32, #tpu.memory_space<vmem>>, vector<1x16xf32>
    %add3A_118 = vector.broadcast %get3A_117 : vector<1x16xf32> to vector<1250x16xf32>
    %add3A_119 = arith.addf %add3A_114, %add3A_118 : vector<1250x16xf32>
    %max3A_120 = arith.constant 0.000000e+00 : f32
    %max3A_121 = vector.broadcast %max3A_120 : f32 to vector<1250x16xf32>
    %max3A_122 = arith.maximumf %add3A_119, %max3A_121 : vector<1250x16xf32>
    %get3A_123 = arith.constant 0 : index
    %get3A_124 = arith.constant 0 : index
    %get3A_125 = vector.load %arg3[%get3A_123, %get3A_124] : memref<16x16xf32, #tpu.memory_space<vmem>>, vector<16x16xf32>
    %dot_general3A_126 = arith.constant dense<0.000000e+00> : vector<1250x16xf32>
    %dot_general3A_127 = tpu.matmul %max3A_122, %get3A_125, %dot_general3A_126 {dimension_numbers = #tpu.dot_dimension_numbers<[1], [0], [0], [1], [0, 0, 1, 1], [], []>, transpose_lhs_hint = false} : vector<1250x16xf32>, vector<16x16xf32>, vector<1250x16xf32> -> vector<1250x16xf32>
    %get3A_128 = arith.constant 0 : index
    %get3A_129 = arith.constant 0 : index
    %get3A_130 = vector.load %arg4[%get3A_128, %get3A_129] : memref<1x16xf32, #tpu.memory_space<vmem>>, vector<1x16xf32>
    %add3A_131 = vector.broadcast %get3A_130 : vector<1x16xf32> to vector<1250x16xf32>
    %add3A_132 = arith.addf %dot_general3A_127, %add3A_131 : vector<1250x16xf32>
    %max3A_133 = arith.constant 0.000000e+00 : f32
    %max3A_134 = vector.broadcast %max3A_133 : f32 to vector<1250x16xf32>
    %max3A_135 = arith.maximumf %add3A_132, %max3A_134 : vector<1250x16xf32>
    %get3A_136 = arith.constant 2 : index
    %get3A_137 = arith.constant 0 : index
    %get3A_138 = vector.load %arg5[%get3A_136, %get3A_137] : memref<8x1250xi32, #tpu.memory_space<vmem>>, vector<1x1250xi32>
    %get3A_139 = vector.shape_cast %get3A_138 : vector<1x1250xi32> to vector<1250xi32>
    %broadcast_in_dim3A_140 = vector.shape_cast %get3A_139 : vector<1250xi32> to vector<1x1250xi32>
    %eq3A_141 = vector.broadcast %broadcast_in_dim3A_140 : vector<1x1250xi32> to vector<64x1250xi32>
    %eq3A_142 = arith.cmpi eq, %iota3A, %eq3A_141 : vector<64x1250xi32>
    %convert_element_type3A_143 = arith.extui %eq3A_142 : vector<64x1250xi1> to vector<64x1250xi32>
    %convert_element_type3A_144 = arith.sitofp %convert_element_type3A_143 : vector<64x1250xi32> to vector<64x1250xf32>
    %dot_general3A_145 = arith.constant dense<0.000000e+00> : vector<64x16xf32>
    %dot_general3A_146 = tpu.matmul %convert_element_type3A_144, %max3A_135, %dot_general3A_145 {dimension_numbers = #tpu.dot_dimension_numbers<[1], [0], [0], [1], [0, 0, 1, 1], [], []>, transpose_lhs_hint = false} : vector<64x1250xf32>, vector<1250x16xf32>, vector<64x16xf32> -> vector<64x16xf32>
    %add3A_147 = arith.addf %add3A_95, %dot_general3A_146 : vector<64x16xf32>
    %reduce_sum3A_148 = arith.constant dense<0.000000e+00> : vector<64xf32>
    %reduce_sum3A_149 = vector.multi_reduction <add>, %convert_element_type3A_144, %reduce_sum3A_148 [1] : vector<64x1250xf32> to vector<64xf32>
    %broadcast_in_dim3A_150 = vector.shape_cast %reduce_sum3A_149 : vector<64xf32> to vector<64x1xf32>
    %add3A_151 = arith.addf %add3A_99, %broadcast_in_dim3A_150 : vector<64x1xf32>
    %get3A_152 = arith.constant 0 : index
    %get3A_153 = arith.constant 0 : index
    %get3A_154 = arith.constant 48 : index
    %get3A_155 = vector.load %arg0[%get3A_152, %get3A_153, %get3A_154] : memref<2x1280x128xf32, #tpu.memory_space<vmem>>, vector<1x1250x16xf32>
    %get3A_156 = vector.shape_cast %get3A_155 : vector<1x1250x16xf32> to vector<1250x16xf32>
    %get3A_157 = arith.constant 1 : index
    %get3A_158 = arith.constant 0 : index
    %get3A_159 = arith.constant 48 : index
    %get3A_160 = vector.load %arg0[%get3A_157, %get3A_158, %get3A_159] : memref<2x1280x128xf32, #tpu.memory_space<vmem>>, vector<1x1250x16xf32>
    %get3A_161 = vector.shape_cast %get3A_160 : vector<1x1250x16xf32> to vector<1250x16xf32>
    %add3A_162 = arith.addf %get3A_156, %get3A_161 : vector<1250x16xf32>
    %get3A_163 = arith.constant 0 : index
    %get3A_164 = arith.constant 48 : index
    %get3A_165 = vector.load %arg1[%get3A_163, %get3A_164] : memref<1250x128xf32, #tpu.memory_space<vmem>>, vector<1250x16xf32>
    %add3A_166 = arith.addf %add3A_162, %get3A_165 : vector<1250x16xf32>
    %get3A_167 = arith.constant 0 : index
    %get3A_168 = arith.constant 0 : index
    %get3A_169 = vector.load %arg2[%get3A_167, %get3A_168] : memref<1x16xf32, #tpu.memory_space<vmem>>, vector<1x16xf32>
    %add3A_170 = vector.broadcast %get3A_169 : vector<1x16xf32> to vector<1250x16xf32>
    %add3A_171 = arith.addf %add3A_166, %add3A_170 : vector<1250x16xf32>
    %max3A_172 = arith.constant 0.000000e+00 : f32
    %max3A_173 = vector.broadcast %max3A_172 : f32 to vector<1250x16xf32>
    %max3A_174 = arith.maximumf %add3A_171, %max3A_173 : vector<1250x16xf32>
    %get3A_175 = arith.constant 0 : index
    %get3A_176 = arith.constant 0 : index
    %get3A_177 = vector.load %arg3[%get3A_175, %get3A_176] : memref<16x16xf32, #tpu.memory_space<vmem>>, vector<16x16xf32>
    %dot_general3A_178 = arith.constant dense<0.000000e+00> : vector<1250x16xf32>
    %dot_general3A_179 = tpu.matmul %max3A_174, %get3A_177, %dot_general3A_178 {dimension_numbers = #tpu.dot_dimension_numbers<[1], [0], [0], [1], [0, 0, 1, 1], [], []>, transpose_lhs_hint = false} : vector<1250x16xf32>, vector<16x16xf32>, vector<1250x16xf32> -> vector<1250x16xf32>
    %get3A_180 = arith.constant 0 : index
    %get3A_181 = arith.constant 0 : index
    %get3A_182 = vector.load %arg4[%get3A_180, %get3A_181] : memref<1x16xf32, #tpu.memory_space<vmem>>, vector<1x16xf32>
    %add3A_183 = vector.broadcast %get3A_182 : vector<1x16xf32> to vector<1250x16xf32>
    %add3A_184 = arith.addf %dot_general3A_179, %add3A_183 : vector<1250x16xf32>
    %max3A_185 = arith.constant 0.000000e+00 : f32
    %max3A_186 = vector.broadcast %max3A_185 : f32 to vector<1250x16xf32>
    %max3A_187 = arith.maximumf %add3A_184, %max3A_186 : vector<1250x16xf32>
    %get3A_188 = arith.constant 3 : index
    %get3A_189 = arith.constant 0 : index
    %get3A_190 = vector.load %arg5[%get3A_188, %get3A_189] : memref<8x1250xi32, #tpu.memory_space<vmem>>, vector<1x1250xi32>
    %get3A_191 = vector.shape_cast %get3A_190 : vector<1x1250xi32> to vector<1250xi32>
    %broadcast_in_dim3A_192 = vector.shape_cast %get3A_191 : vector<1250xi32> to vector<1x1250xi32>
    %eq3A_193 = vector.broadcast %broadcast_in_dim3A_192 : vector<1x1250xi32> to vector<64x1250xi32>
    %eq3A_194 = arith.cmpi eq, %iota3A, %eq3A_193 : vector<64x1250xi32>
    %convert_element_type3A_195 = arith.extui %eq3A_194 : vector<64x1250xi1> to vector<64x1250xi32>
    %convert_element_type3A_196 = arith.sitofp %convert_element_type3A_195 : vector<64x1250xi32> to vector<64x1250xf32>
    %dot_general3A_197 = arith.constant dense<0.000000e+00> : vector<64x16xf32>
    %dot_general3A_198 = tpu.matmul %convert_element_type3A_196, %max3A_187, %dot_general3A_197 {dimension_numbers = #tpu.dot_dimension_numbers<[1], [0], [0], [1], [0, 0, 1, 1], [], []>, transpose_lhs_hint = false} : vector<64x1250xf32>, vector<1250x16xf32>, vector<64x16xf32> -> vector<64x16xf32>
    %add3A_199 = arith.addf %add3A_147, %dot_general3A_198 : vector<64x16xf32>
    %reduce_sum3A_200 = arith.constant dense<0.000000e+00> : vector<64xf32>
    %reduce_sum3A_201 = vector.multi_reduction <add>, %convert_element_type3A_196, %reduce_sum3A_200 [1] : vector<64x1250xf32> to vector<64xf32>
    %broadcast_in_dim3A_202 = vector.shape_cast %reduce_sum3A_201 : vector<64xf32> to vector<64x1xf32>
    %add3A_203 = arith.addf %add3A_151, %broadcast_in_dim3A_202 : vector<64x1xf32>
    %get3A_204 = arith.constant 0 : index
    %get3A_205 = arith.constant 0 : index
    %get3A_206 = arith.constant 64 : index
    %get3A_207 = vector.load %arg0[%get3A_204, %get3A_205, %get3A_206] : memref<2x1280x128xf32, #tpu.memory_space<vmem>>, vector<1x1250x16xf32>
    %get3A_208 = vector.shape_cast %get3A_207 : vector<1x1250x16xf32> to vector<1250x16xf32>
    %get3A_209 = arith.constant 1 : index
    %get3A_210 = arith.constant 0 : index
    %get3A_211 = arith.constant 64 : index
    %get3A_212 = vector.load %arg0[%get3A_209, %get3A_210, %get3A_211] : memref<2x1280x128xf32, #tpu.memory_space<vmem>>, vector<1x1250x16xf32>
    %get3A_213 = vector.shape_cast %get3A_212 : vector<1x1250x16xf32> to vector<1250x16xf32>
    %add3A_214 = arith.addf %get3A_208, %get3A_213 : vector<1250x16xf32>
    %get3A_215 = arith.constant 0 : index
    %get3A_216 = arith.constant 64 : index
    %get3A_217 = vector.load %arg1[%get3A_215, %get3A_216] : memref<1250x128xf32, #tpu.memory_space<vmem>>, vector<1250x16xf32>
    %add3A_218 = arith.addf %add3A_214, %get3A_217 : vector<1250x16xf32>
    %get3A_219 = arith.constant 0 : index
    %get3A_220 = arith.constant 0 : index
    %get3A_221 = vector.load %arg2[%get3A_219, %get3A_220] : memref<1x16xf32, #tpu.memory_space<vmem>>, vector<1x16xf32>
    %add3A_222 = vector.broadcast %get3A_221 : vector<1x16xf32> to vector<1250x16xf32>
    %add3A_223 = arith.addf %add3A_218, %add3A_222 : vector<1250x16xf32>
    %max3A_224 = arith.constant 0.000000e+00 : f32
    %max3A_225 = vector.broadcast %max3A_224 : f32 to vector<1250x16xf32>
    %max3A_226 = arith.maximumf %add3A_223, %max3A_225 : vector<1250x16xf32>
    %get3A_227 = arith.constant 0 : index
    %get3A_228 = arith.constant 0 : index
    %get3A_229 = vector.load %arg3[%get3A_227, %get3A_228] : memref<16x16xf32, #tpu.memory_space<vmem>>, vector<16x16xf32>
    %dot_general3A_230 = arith.constant dense<0.000000e+00> : vector<1250x16xf32>
    %dot_general3A_231 = tpu.matmul %max3A_226, %get3A_229, %dot_general3A_230 {dimension_numbers = #tpu.dot_dimension_numbers<[1], [0], [0], [1], [0, 0, 1, 1], [], []>, transpose_lhs_hint = false} : vector<1250x16xf32>, vector<16x16xf32>, vector<1250x16xf32> -> vector<1250x16xf32>
    %get3A_232 = arith.constant 0 : index
    %get3A_233 = arith.constant 0 : index
    %get3A_234 = vector.load %arg4[%get3A_232, %get3A_233] : memref<1x16xf32, #tpu.memory_space<vmem>>, vector<1x16xf32>
    %add3A_235 = vector.broadcast %get3A_234 : vector<1x16xf32> to vector<1250x16xf32>
    %add3A_236 = arith.addf %dot_general3A_231, %add3A_235 : vector<1250x16xf32>
    %max3A_237 = arith.constant 0.000000e+00 : f32
    %max3A_238 = vector.broadcast %max3A_237 : f32 to vector<1250x16xf32>
    %max3A_239 = arith.maximumf %add3A_236, %max3A_238 : vector<1250x16xf32>
    %get3A_240 = arith.constant 4 : index
    %get3A_241 = arith.constant 0 : index
    %get3A_242 = vector.load %arg5[%get3A_240, %get3A_241] : memref<8x1250xi32, #tpu.memory_space<vmem>>, vector<1x1250xi32>
    %get3A_243 = vector.shape_cast %get3A_242 : vector<1x1250xi32> to vector<1250xi32>
    %broadcast_in_dim3A_244 = vector.shape_cast %get3A_243 : vector<1250xi32> to vector<1x1250xi32>
    %eq3A_245 = vector.broadcast %broadcast_in_dim3A_244 : vector<1x1250xi32> to vector<64x1250xi32>
    %eq3A_246 = arith.cmpi eq, %iota3A, %eq3A_245 : vector<64x1250xi32>
    %convert_element_type3A_247 = arith.extui %eq3A_246 : vector<64x1250xi1> to vector<64x1250xi32>
    %convert_element_type3A_248 = arith.sitofp %convert_element_type3A_247 : vector<64x1250xi32> to vector<64x1250xf32>
    %dot_general3A_249 = arith.constant dense<0.000000e+00> : vector<64x16xf32>
    %dot_general3A_250 = tpu.matmul %convert_element_type3A_248, %max3A_239, %dot_general3A_249 {dimension_numbers = #tpu.dot_dimension_numbers<[1], [0], [0], [1], [0, 0, 1, 1], [], []>, transpose_lhs_hint = false} : vector<64x1250xf32>, vector<1250x16xf32>, vector<64x16xf32> -> vector<64x16xf32>
    %add3A_251 = arith.addf %add3A_199, %dot_general3A_250 : vector<64x16xf32>
    %reduce_sum3A_252 = arith.constant dense<0.000000e+00> : vector<64xf32>
    %reduce_sum3A_253 = vector.multi_reduction <add>, %convert_element_type3A_248, %reduce_sum3A_252 [1] : vector<64x1250xf32> to vector<64xf32>
    %broadcast_in_dim3A_254 = vector.shape_cast %reduce_sum3A_253 : vector<64xf32> to vector<64x1xf32>
    %add3A_255 = arith.addf %add3A_203, %broadcast_in_dim3A_254 : vector<64x1xf32>
    %get3A_256 = arith.constant 0 : index
    %get3A_257 = arith.constant 0 : index
    %get3A_258 = arith.constant 80 : index
    %get3A_259 = vector.load %arg0[%get3A_256, %get3A_257, %get3A_258] : memref<2x1280x128xf32, #tpu.memory_space<vmem>>, vector<1x1250x16xf32>
    %get3A_260 = vector.shape_cast %get3A_259 : vector<1x1250x16xf32> to vector<1250x16xf32>
    %get3A_261 = arith.constant 1 : index
    %get3A_262 = arith.constant 0 : index
    %get3A_263 = arith.constant 80 : index
    %get3A_264 = vector.load %arg0[%get3A_261, %get3A_262, %get3A_263] : memref<2x1280x128xf32, #tpu.memory_space<vmem>>, vector<1x1250x16xf32>
    %get3A_265 = vector.shape_cast %get3A_264 : vector<1x1250x16xf32> to vector<1250x16xf32>
    %add3A_266 = arith.addf %get3A_260, %get3A_265 : vector<1250x16xf32>
    %get3A_267 = arith.constant 0 : index
    %get3A_268 = arith.constant 80 : index
    %get3A_269 = vector.load %arg1[%get3A_267, %get3A_268] : memref<1250x128xf32, #tpu.memory_space<vmem>>, vector<1250x16xf32>
    %add3A_270 = arith.addf %add3A_266, %get3A_269 : vector<1250x16xf32>
    %get3A_271 = arith.constant 0 : index
    %get3A_272 = arith.constant 0 : index
    %get3A_273 = vector.load %arg2[%get3A_271, %get3A_272] : memref<1x16xf32, #tpu.memory_space<vmem>>, vector<1x16xf32>
    %add3A_274 = vector.broadcast %get3A_273 : vector<1x16xf32> to vector<1250x16xf32>
    %add3A_275 = arith.addf %add3A_270, %add3A_274 : vector<1250x16xf32>
    %max3A_276 = arith.constant 0.000000e+00 : f32
    %max3A_277 = vector.broadcast %max3A_276 : f32 to vector<1250x16xf32>
    %max3A_278 = arith.maximumf %add3A_275, %max3A_277 : vector<1250x16xf32>
    %get3A_279 = arith.constant 0 : index
    %get3A_280 = arith.constant 0 : index
    %get3A_281 = vector.load %arg3[%get3A_279, %get3A_280] : memref<16x16xf32, #tpu.memory_space<vmem>>, vector<16x16xf32>
    %dot_general3A_282 = arith.constant dense<0.000000e+00> : vector<1250x16xf32>
    %dot_general3A_283 = tpu.matmul %max3A_278, %get3A_281, %dot_general3A_282 {dimension_numbers = #tpu.dot_dimension_numbers<[1], [0], [0], [1], [0, 0, 1, 1], [], []>, transpose_lhs_hint = false} : vector<1250x16xf32>, vector<16x16xf32>, vector<1250x16xf32> -> vector<1250x16xf32>
    %get3A_284 = arith.constant 0 : index
    %get3A_285 = arith.constant 0 : index
    %get3A_286 = vector.load %arg4[%get3A_284, %get3A_285] : memref<1x16xf32, #tpu.memory_space<vmem>>, vector<1x16xf32>
    %add3A_287 = vector.broadcast %get3A_286 : vector<1x16xf32> to vector<1250x16xf32>
    %add3A_288 = arith.addf %dot_general3A_283, %add3A_287 : vector<1250x16xf32>
    %max3A_289 = arith.constant 0.000000e+00 : f32
    %max3A_290 = vector.broadcast %max3A_289 : f32 to vector<1250x16xf32>
    %max3A_291 = arith.maximumf %add3A_288, %max3A_290 : vector<1250x16xf32>
    %get3A_292 = arith.constant 5 : index
    %get3A_293 = arith.constant 0 : index
    %get3A_294 = vector.load %arg5[%get3A_292, %get3A_293] : memref<8x1250xi32, #tpu.memory_space<vmem>>, vector<1x1250xi32>
    %get3A_295 = vector.shape_cast %get3A_294 : vector<1x1250xi32> to vector<1250xi32>
    %broadcast_in_dim3A_296 = vector.shape_cast %get3A_295 : vector<1250xi32> to vector<1x1250xi32>
    %eq3A_297 = vector.broadcast %broadcast_in_dim3A_296 : vector<1x1250xi32> to vector<64x1250xi32>
    %eq3A_298 = arith.cmpi eq, %iota3A, %eq3A_297 : vector<64x1250xi32>
    %convert_element_type3A_299 = arith.extui %eq3A_298 : vector<64x1250xi1> to vector<64x1250xi32>
    %convert_element_type3A_300 = arith.sitofp %convert_element_type3A_299 : vector<64x1250xi32> to vector<64x1250xf32>
    %dot_general3A_301 = arith.constant dense<0.000000e+00> : vector<64x16xf32>
    %dot_general3A_302 = tpu.matmul %convert_element_type3A_300, %max3A_291, %dot_general3A_301 {dimension_numbers = #tpu.dot_dimension_numbers<[1], [0], [0], [1], [0, 0, 1, 1], [], []>, transpose_lhs_hint = false} : vector<64x1250xf32>, vector<1250x16xf32>, vector<64x16xf32> -> vector<64x16xf32>
    %add3A_303 = arith.addf %add3A_251, %dot_general3A_302 : vector<64x16xf32>
    %reduce_sum3A_304 = arith.constant dense<0.000000e+00> : vector<64xf32>
    %reduce_sum3A_305 = vector.multi_reduction <add>, %convert_element_type3A_300, %reduce_sum3A_304 [1] : vector<64x1250xf32> to vector<64xf32>
    %broadcast_in_dim3A_306 = vector.shape_cast %reduce_sum3A_305 : vector<64xf32> to vector<64x1xf32>
    %add3A_307 = arith.addf %add3A_255, %broadcast_in_dim3A_306 : vector<64x1xf32>
    %get3A_308 = arith.constant 0 : index
    %get3A_309 = arith.constant 0 : index
    %get3A_310 = arith.constant 96 : index
    %get3A_311 = vector.load %arg0[%get3A_308, %get3A_309, %get3A_310] : memref<2x1280x128xf32, #tpu.memory_space<vmem>>, vector<1x1250x16xf32>
    %get3A_312 = vector.shape_cast %get3A_311 : vector<1x1250x16xf32> to vector<1250x16xf32>
    %get3A_313 = arith.constant 1 : index
    %get3A_314 = arith.constant 0 : index
    %get3A_315 = arith.constant 96 : index
    %get3A_316 = vector.load %arg0[%get3A_313, %get3A_314, %get3A_315] : memref<2x1280x128xf32, #tpu.memory_space<vmem>>, vector<1x1250x16xf32>
    %get3A_317 = vector.shape_cast %get3A_316 : vector<1x1250x16xf32> to vector<1250x16xf32>
    %add3A_318 = arith.addf %get3A_312, %get3A_317 : vector<1250x16xf32>
    %get3A_319 = arith.constant 0 : index
    %get3A_320 = arith.constant 96 : index
    %get3A_321 = vector.load %arg1[%get3A_319, %get3A_320] : memref<1250x128xf32, #tpu.memory_space<vmem>>, vector<1250x16xf32>
    %add3A_322 = arith.addf %add3A_318, %get3A_321 : vector<1250x16xf32>
    %get3A_323 = arith.constant 0 : index
    %get3A_324 = arith.constant 0 : index
    %get3A_325 = vector.load %arg2[%get3A_323, %get3A_324] : memref<1x16xf32, #tpu.memory_space<vmem>>, vector<1x16xf32>
    %add3A_326 = vector.broadcast %get3A_325 : vector<1x16xf32> to vector<1250x16xf32>
    %add3A_327 = arith.addf %add3A_322, %add3A_326 : vector<1250x16xf32>
    %max3A_328 = arith.constant 0.000000e+00 : f32
    %max3A_329 = vector.broadcast %max3A_328 : f32 to vector<1250x16xf32>
    %max3A_330 = arith.maximumf %add3A_327, %max3A_329 : vector<1250x16xf32>
    %get3A_331 = arith.constant 0 : index
    %get3A_332 = arith.constant 0 : index
    %get3A_333 = vector.load %arg3[%get3A_331, %get3A_332] : memref<16x16xf32, #tpu.memory_space<vmem>>, vector<16x16xf32>
    %dot_general3A_334 = arith.constant dense<0.000000e+00> : vector<1250x16xf32>
    %dot_general3A_335 = tpu.matmul %max3A_330, %get3A_333, %dot_general3A_334 {dimension_numbers = #tpu.dot_dimension_numbers<[1], [0], [0], [1], [0, 0, 1, 1], [], []>, transpose_lhs_hint = false} : vector<1250x16xf32>, vector<16x16xf32>, vector<1250x16xf32> -> vector<1250x16xf32>
    %get3A_336 = arith.constant 0 : index
    %get3A_337 = arith.constant 0 : index
    %get3A_338 = vector.load %arg4[%get3A_336, %get3A_337] : memref<1x16xf32, #tpu.memory_space<vmem>>, vector<1x16xf32>
    %add3A_339 = vector.broadcast %get3A_338 : vector<1x16xf32> to vector<1250x16xf32>
    %add3A_340 = arith.addf %dot_general3A_335, %add3A_339 : vector<1250x16xf32>
    %max3A_341 = arith.constant 0.000000e+00 : f32
    %max3A_342 = vector.broadcast %max3A_341 : f32 to vector<1250x16xf32>
    %max3A_343 = arith.maximumf %add3A_340, %max3A_342 : vector<1250x16xf32>
    %get3A_344 = arith.constant 6 : index
    %get3A_345 = arith.constant 0 : index
    %get3A_346 = vector.load %arg5[%get3A_344, %get3A_345] : memref<8x1250xi32, #tpu.memory_space<vmem>>, vector<1x1250xi32>
    %get3A_347 = vector.shape_cast %get3A_346 : vector<1x1250xi32> to vector<1250xi32>
    %broadcast_in_dim3A_348 = vector.shape_cast %get3A_347 : vector<1250xi32> to vector<1x1250xi32>
    %eq3A_349 = vector.broadcast %broadcast_in_dim3A_348 : vector<1x1250xi32> to vector<64x1250xi32>
    %eq3A_350 = arith.cmpi eq, %iota3A, %eq3A_349 : vector<64x1250xi32>
    %convert_element_type3A_351 = arith.extui %eq3A_350 : vector<64x1250xi1> to vector<64x1250xi32>
    %convert_element_type3A_352 = arith.sitofp %convert_element_type3A_351 : vector<64x1250xi32> to vector<64x1250xf32>
    %dot_general3A_353 = arith.constant dense<0.000000e+00> : vector<64x16xf32>
    %dot_general3A_354 = tpu.matmul %convert_element_type3A_352, %max3A_343, %dot_general3A_353 {dimension_numbers = #tpu.dot_dimension_numbers<[1], [0], [0], [1], [0, 0, 1, 1], [], []>, transpose_lhs_hint = false} : vector<64x1250xf32>, vector<1250x16xf32>, vector<64x16xf32> -> vector<64x16xf32>
    %add3A_355 = arith.addf %add3A_303, %dot_general3A_354 : vector<64x16xf32>
    %reduce_sum3A_356 = arith.constant dense<0.000000e+00> : vector<64xf32>
    %reduce_sum3A_357 = vector.multi_reduction <add>, %convert_element_type3A_352, %reduce_sum3A_356 [1] : vector<64x1250xf32> to vector<64xf32>
    %broadcast_in_dim3A_358 = vector.shape_cast %reduce_sum3A_357 : vector<64xf32> to vector<64x1xf32>
    %add3A_359 = arith.addf %add3A_307, %broadcast_in_dim3A_358 : vector<64x1xf32>
    %get3A_360 = arith.constant 0 : index
    %get3A_361 = arith.constant 0 : index
    %get3A_362 = arith.constant 112 : index
    %get3A_363 = vector.load %arg0[%get3A_360, %get3A_361, %get3A_362] : memref<2x1280x128xf32, #tpu.memory_space<vmem>>, vector<1x1250x16xf32>
    %get3A_364 = vector.shape_cast %get3A_363 : vector<1x1250x16xf32> to vector<1250x16xf32>
    %get3A_365 = arith.constant 1 : index
    %get3A_366 = arith.constant 0 : index
    %get3A_367 = arith.constant 112 : index
    %get3A_368 = vector.load %arg0[%get3A_365, %get3A_366, %get3A_367] : memref<2x1280x128xf32, #tpu.memory_space<vmem>>, vector<1x1250x16xf32>
    %get3A_369 = vector.shape_cast %get3A_368 : vector<1x1250x16xf32> to vector<1250x16xf32>
    %add3A_370 = arith.addf %get3A_364, %get3A_369 : vector<1250x16xf32>
    %get3A_371 = arith.constant 0 : index
    %get3A_372 = arith.constant 112 : index
    %get3A_373 = vector.load %arg1[%get3A_371, %get3A_372] : memref<1250x128xf32, #tpu.memory_space<vmem>>, vector<1250x16xf32>
    %add3A_374 = arith.addf %add3A_370, %get3A_373 : vector<1250x16xf32>
    %get3A_375 = arith.constant 0 : index
    %get3A_376 = arith.constant 0 : index
    %get3A_377 = vector.load %arg2[%get3A_375, %get3A_376] : memref<1x16xf32, #tpu.memory_space<vmem>>, vector<1x16xf32>
    %add3A_378 = vector.broadcast %get3A_377 : vector<1x16xf32> to vector<1250x16xf32>
    %add3A_379 = arith.addf %add3A_374, %add3A_378 : vector<1250x16xf32>
    %max3A_380 = arith.constant 0.000000e+00 : f32
    %max3A_381 = vector.broadcast %max3A_380 : f32 to vector<1250x16xf32>
    %max3A_382 = arith.maximumf %add3A_379, %max3A_381 : vector<1250x16xf32>
    %get3A_383 = arith.constant 0 : index
    %get3A_384 = arith.constant 0 : index
    %get3A_385 = vector.load %arg3[%get3A_383, %get3A_384] : memref<16x16xf32, #tpu.memory_space<vmem>>, vector<16x16xf32>
    %dot_general3A_386 = arith.constant dense<0.000000e+00> : vector<1250x16xf32>
    %dot_general3A_387 = tpu.matmul %max3A_382, %get3A_385, %dot_general3A_386 {dimension_numbers = #tpu.dot_dimension_numbers<[1], [0], [0], [1], [0, 0, 1, 1], [], []>, transpose_lhs_hint = false} : vector<1250x16xf32>, vector<16x16xf32>, vector<1250x16xf32> -> vector<1250x16xf32>
    %get3A_388 = arith.constant 0 : index
    %get3A_389 = arith.constant 0 : index
    %get3A_390 = vector.load %arg4[%get3A_388, %get3A_389] : memref<1x16xf32, #tpu.memory_space<vmem>>, vector<1x16xf32>
    %add3A_391 = vector.broadcast %get3A_390 : vector<1x16xf32> to vector<1250x16xf32>
    %add3A_392 = arith.addf %dot_general3A_387, %add3A_391 : vector<1250x16xf32>
    %max3A_393 = arith.constant 0.000000e+00 : f32
    %max3A_394 = vector.broadcast %max3A_393 : f32 to vector<1250x16xf32>
    %max3A_395 = arith.maximumf %add3A_392, %max3A_394 : vector<1250x16xf32>
    %get3A_396 = arith.constant 7 : index
    %get3A_397 = arith.constant 0 : index
    %get3A_398 = vector.load %arg5[%get3A_396, %get3A_397] : memref<8x1250xi32, #tpu.memory_space<vmem>>, vector<1x1250xi32>
    %get3A_399 = vector.shape_cast %get3A_398 : vector<1x1250xi32> to vector<1250xi32>
    %broadcast_in_dim3A_400 = vector.shape_cast %get3A_399 : vector<1250xi32> to vector<1x1250xi32>
    %eq3A_401 = vector.broadcast %broadcast_in_dim3A_400 : vector<1x1250xi32> to vector<64x1250xi32>
    %eq3A_402 = arith.cmpi eq, %iota3A, %eq3A_401 : vector<64x1250xi32>
    %convert_element_type3A_403 = arith.extui %eq3A_402 : vector<64x1250xi1> to vector<64x1250xi32>
    %convert_element_type3A_404 = arith.sitofp %convert_element_type3A_403 : vector<64x1250xi32> to vector<64x1250xf32>
    %dot_general3A_405 = arith.constant dense<0.000000e+00> : vector<64x16xf32>
    %dot_general3A_406 = tpu.matmul %convert_element_type3A_404, %max3A_395, %dot_general3A_405 {dimension_numbers = #tpu.dot_dimension_numbers<[1], [0], [0], [1], [0, 0, 1, 1], [], []>, transpose_lhs_hint = false} : vector<64x1250xf32>, vector<1250x16xf32>, vector<64x16xf32> -> vector<64x16xf32>
    %add3A_407 = arith.addf %add3A_355, %dot_general3A_406 : vector<64x16xf32>
    %reduce_sum3A_408 = arith.constant dense<0.000000e+00> : vector<64xf32>
    %reduce_sum3A_409 = vector.multi_reduction <add>, %convert_element_type3A_404, %reduce_sum3A_408 [1] : vector<64x1250xf32> to vector<64xf32>
    %broadcast_in_dim3A_410 = vector.shape_cast %reduce_sum3A_409 : vector<64xf32> to vector<64x1xf32>
    %add3A_411 = arith.addf %add3A_359, %broadcast_in_dim3A_410 : vector<64x1xf32>
    %max3A_412 = arith.constant 1.000000e+00 : f32
    %max3A_413 = vector.broadcast %max3A_412 : f32 to vector<64x1xf32>
    %max3A_414 = arith.maximumf %add3A_411, %max3A_413 : vector<64x1xf32>
    %div3A = vector.broadcast %max3A_414 : vector<64x1xf32> to vector<64x16xf32>
    %div3A_415 = arith.divf %add3A_407, %div3A : vector<64x16xf32>
    %get3A_416 = arith.constant 0 : index
    %get3A_417 = arith.constant 0 : index
    %get3A_418 = vector.load %arg6[%get3A_416, %get3A_417] : memref<16x2xf32, #tpu.memory_space<vmem>>, vector<16x2xf32>
    %dot_general3A_419 = arith.constant dense<0.000000e+00> : vector<64x2xf32>
    %dot_general3A_420 = tpu.matmul %div3A_415, %get3A_418, %dot_general3A_419 {dimension_numbers = #tpu.dot_dimension_numbers<[1], [0], [0], [1], [0, 0, 1, 1], [], []>, transpose_lhs_hint = false} : vector<64x16xf32>, vector<16x2xf32>, vector<64x2xf32> -> vector<64x2xf32>
    %get3A_421 = arith.constant 0 : index
    %get3A_422 = arith.constant 0 : index
    %get3A_423 = vector.load %arg7[%get3A_421, %get3A_422] : memref<1x2xf32, #tpu.memory_space<vmem>>, vector<1x2xf32>
    %add3A_424 = vector.broadcast %get3A_423 : vector<1x2xf32> to vector<64x2xf32>
    %add3A_425 = arith.addf %dot_general3A_420, %add3A_424 : vector<64x2xf32>
    %swap3A = arith.constant 0 : index
    %swap3A_426 = arith.constant 0 : index
    %swap3A_427 = vector.load %arg8[%swap3A, %swap3A_426] : memref<64x2xf32, #tpu.memory_space<vmem>>, vector<64x2xf32>
    tpu.vector_store %arg8[%swap3A, %swap3A_426], %add3A_425 {strides = array<i32>} : memref<64x2xf32, #tpu.memory_space<vmem>>, vector<64x2xf32>,
    return
  }
}

</mosaic_0001>

<sc_bundles>
// kernel: kernel.5.cloned.1.call-start
scs
__scs_entry_jumppad:
0x0: {  	(pc) =	sbr.rel $0x88, $3  }
0x1: {  	(tag) =	ssettag $0x0;
	lr =	simm.s32 $0x1  }
0x2: {  	[smem:$0x3F98] =	sst lr;
	_ =	strace $0xD0000000  }
0x3: {  	_ = 	snop  }
0x4: {  	_ = 	snop  }
0x5: {  	_ = 	snop  }
0x6: {  	_ = 	snop  }
0x7: {  	_ = 	snop  }
__scs_overlays_trampoline_lowered:
0x8: {  	[smem:$0x3FA7] =	sst s0  }
0x9: {  	[smem:$0x3FA8] =	sst s1  }
0xa: {  	[smem:$0x3FA9] =	sst s2  }
0xb: {  	[smem:$0x3FAA] =	sst s3  }
0xc: {  	[smem:$0x3FAB] =	sst s4  }
0xd: {  	[smem:$0x3FAC] =	sst s5  }
0xe: {  	[smem:$0x3FAD] =	sst s6  }
0xf: {  	[smem:$0x3FAE] =	sst s7  }
0x10: {  	[smem:$0x3FAF] =	sst s8  }
0x11: {  	[smem:$0x3FB0] =	sst s9;
	s0 =	simm.s32 @!p0 $0x0  }
0x12: {  	s1 =	sld [smem:$0x3F96];
	s0 =	simm.s32 @p0 $0x1  }
0x13: {  	[smem:$0x3FB1] =	sst s0;
	s0 =	simm.s32 @!p1 $0x0  }
0x14: {  	s2 =	sld [smem:$0x3F95];
	s0 =	simm.s32 @p1 $0x1  }
0x15: {  	[smem:$0x3FB2] =	sst s0;
	s0 =	simm.s32 @!p2 $0x0  }
0x16: {  	s3 =	sld [smem:$0x3FDB];
	s0 =	simm.s32 @p2 $0x1  }
0x17: {  	s4 =	simm.s32 $0x1BF5;
	[smem:$0x3FB4] =	sst s0  }
0x18: {  	s0 =	sld [smem:$0x3F97];
	_ =	swait.ge [sflag:s4], $0x0  }
0x19: {  	s7 =	sld [smem:$0x3F98]  }
0x1a: {  	s8 =	sadd.s32 $0xFFFFE003, lr  }
0x1b: {  	s9 =	sadd.s32 $0xFFFFFEF7, lr;
	s5 =	simm.s32 $0xFFFFFFFF;
	p2 =	slt.u32 s8, $0xFFFFF086  }
0x1c: {  	p1 =	slt.u32 s9, $0xF7A;
	s5 =	simm.s32 @!p2 $0x0  }
0x1d: {  	s5 =	simm.s32 @p1 $0x1;
	p0 =	seq.s32 s7, s2  }
0x1e: {  	s7 =	smul.u32 @!p0 $0xF7A, s2;
	p2 =	seq.s32 @!p0 s5, $0x0  }
0x1f: {  	s9 =	smul.u32 $0xF7A, s1;
	s8 =	simm.s32 @!p0 $0x1BF5;
	p2 =	por !p2, p0  }
0x20: {  	[sflag:s8] =	ssyncset.s32 @!p0 $0xFFFFF086;
	s6 =	sadd.s32 @!p0 s3, s7;
	s7 =	simm.s32 @!p0 $0x108  }
0x21: {  	s3 =	sadd.s32 s3, s9;
	s6 =	sadd.s32 @!p0 $0x88, s6;
	s7 =	simm.s32 @p2 $0x1082  }
0x22: {  	[simem:s7], [sflag:s8] =	dma.local @!p0 [hbm:s6], $0xF7A  }
0x23: {  	s9 =	sor.u32 $0xD0000000, s2;
	s6 =	simm.s32 $0x108;
	_ =	swait.ge @!p0 [sflag:s8], $0x0  }
0x24: {  	s3 =	sadd.s32 $0x88, s3;
	s6 =	simm.s32 @!p1 $0x1082;
	[sflag:s4] =	ssyncset.s32 $0xFFFFF086  }
0x25: {  	[simem:s6], [sflag:s4] =	dma.local [hbm:s3], $0xF7A  }
0x26: {  	[smem:$0x3F98] =	sst s1;
	(tag) =	ssettag s2;
	_ =	strace s9  }
0x27: {  	s1 =	sld [smem:$0x3FA8]  }
0x28: {  	s2 =	sld [smem:$0x3FA9]  }
0x29: {  	s4 =	sld [smem:$0x3FAB]  }
0x2a: {  	p0 =	seq.s32 s5, $0x0;
	s5 =	sld [smem:$0x3FAC]  }
0x2b: {  	s6 =	sld [smem:$0x3FAD]  }
0x2c: {  	s7 =	sld [smem:$0x3FAE]  }
0x2d: {  	s3 =	simm.s32 $0x108;
	s8 =	sld [smem:$0x3FAF]  }
0x2e: {  	s3 =	simm.s32 @!p0 $0x1082;
	s9 =	sld [smem:$0x3FB0]  }
0x2f: {  	lr =	sadd.s32 s0, s3;
	s0 =	sld [smem:$0x3FA7]  }
0x30: {  	s3 =	sld [smem:$0x3FAA]  }
0x31: {  	[smem:$0x3FB3] =	sst s10  }
0x32: {  	s10 =	sld [smem:$0x3FB1];
	_ =	sdelay $0x3  }
0x33: {  	p0 =	seq.s32 s10, $0x1;
	s10 =	sld [smem:$0x3FB3];
	_ =	sdelay $0x3  }
0x34: {  	[smem:$0x3FB3] =	sst s10  }
0x35: {  	s10 =	sld [smem:$0x3FB2];
	_ =	sdelay $0x3  }
0x36: {  	p1 =	seq.s32 s10, $0x1;
	s10 =	sld [smem:$0x3FB3];
	_ =	sdelay $0x3  }
0x37: {  	[smem:$0x3FB3] =	sst s10  }
0x38: {  	s10 =	sld [smem:$0x3FB4]  }
0x39: {  	_ = 	snop;
	(pc) =	sbr.ind lr, $3  }
0x3a: {  	_ = 	snop  }
0x3b: {  	_ = 	snop  }
0x3c: {  	p2 =	seq.s32 s10, $0x1;
	s10 =	sld [smem:$0x3FB3]  }
0x3d: {  	_ =	shalt  }
0x3e: {  	_ =	shalt  }
0x3f: {  	_ =	shalt  }
0x40: {  	_ =	shalt  }
0x41: {  	_ =	shalt  }
0x42: {  	_ =	shalt  }
0x43: {  	_ =	shalt  }
0x44: {  	_ =	shalt  }
0x45: {  	_ =	shalt  }
0x46: {  	_ =	shalt  }
0x47: {  	_ =	shalt  }
0x48: {  	_ =	shalt  }
0x49: {  	_ =	shalt  }
0x4a: {  	_ =	shalt  }
0x4b: {  	_ =	shalt  }
0x4c: {  	_ =	shalt  }
0x4d: {  	_ =	shalt  }
0x4e: {  	_ =	shalt  }
0x4f: {  	_ =	shalt  }
0x50: {  	_ =	shalt  }
0x51: {  	_ =	shalt  }
0x52: {  	_ =	shalt  }
0x53: {  	_ =	shalt  }
0x54: {  	_ =	shalt  }
0x55: {  	_ =	shalt  }
0x56: {  	_ =	shalt  }
0x57: {  	_ =	shalt  }
0x58: {  	_ =	shalt  }
0x59: {  	_ =	shalt  }
0x5a: {  	_ =	shalt  }
0x5b: {  	_ =	shalt  }
0x5c: {  	_ =	shalt  }
0x5d: {  	_ =	shalt  }
0x5e: {  	_ =	shalt  }
0x5f: {  	_ =	shalt  }
0x60: {  	_ =	shalt  }
0x61: {  	_ =	shalt  }
0x62: {  	_ =	shalt  }
0x63: {  	_ =	shalt  }
0x64: {  	_ =	shalt  }
0x65: {  	_ =	shalt  }
0x66: {  	_ =	shalt  }
0x67: {  	_ =	shalt  }
0x68: {  	_ =	shalt  }
0x69: {  	_ =	shalt  }
0x6a: {  	_ =	shalt  }
0x6b: {  	_ =	shalt  }
0x6c: {  	_ =	shalt  }
0x6d: {  	_ =	shalt  }
0x6e: {  	_ =	shalt  }
0x6f: {  	_ =	shalt  }
0x70: {  	_ =	shalt  }
0x71: {  	_ =	shalt  }
0x72: {  	_ =	shalt  }
0x73: {  	_ =	shalt  }
0x74: {  	_ =	shalt  }
0x75: {  	_ =	shalt  }
0x76: {  	_ =	shalt  }
0x77: {  	_ =	shalt  }
0x78: {  	_ =	shalt  }
0x79: {  	_ =	shalt  }
0x7a: {  	_ =	shalt  }
0x7b: {  	_ =	shalt  }
0x7c: {  	_ =	shalt  }
0x7d: {  	_ =	shalt  }
0x7e: {  	_ =	shalt  }
0x7f: {  	_ =	shalt  }
0x80: {  	_ =	shalt  }
0x81: {  	_ =	shalt  }
0x82: {  	_ =	shalt  }
0x83: {  	_ =	shalt  }
0x84: {  	_ =	shalt  }
0x85: {  	_ =	shalt  }
0x86: {  	_ =	shalt  }
0x87: {  	_ =	shalt  }
.Lfunc_end0:
.L_simem_size_0:
called_computation_lowered:
.L_overlay_start_0:
0x88: {  	s2 =	sld [smem:$0x3FD9]  }
0x89: {  	s3 =	sld [smem:$0x3FFE];
	_ =	sdelay $0x1  }
0x8a: {  	s1 =	srdreg.scid  }
0x8b: {  	s0 =	sand.u32 $0x1, s1  }
0x8c: {  	s16 =	sshll.u32 s0, $0xA;
	s2 =	sadd.s32 s3, s2  }
0x8d: {  	s2 =	sadd.s32 s2, s16  }
0x8e: {  	[smem:$0x3FBF] =	sst s2  }
0x8f: {  	_ = 	snop  }
0x90: {  	(tm) =	ssettm $0x1  }
0x91: {  	s17 =	sld [smem:$0x3FFB];
	_ =	sdelay $0x3  }
0x92: {  	_ =	strace s17  }
0x93: {  	s2 =	sld [smem:$0x3FFC];
	_ =	sdelay $0x3  }
0x94: {  	_ =	strace s2  }
0x95: {  	s2 =	sld [smem:$0x3FFD];
	_ =	sdelay $0x3  }
0x96: {  	_ =	strace s2  }
0x97: {  	_ =	strace $0x8FFFFFFF  }
0x98: {  	s18 =	sld [smem:$0x3FDB];
	_ =	sdelay $0x1  }
0x99: {  	s19 =	simm.s32 $_scs_section_size  }
0x9a: {  	s4 =	simm.s32 $_size__tile_overlayer_lowered;
	s5 =	simm.s32 $_tile_overlayer_lowered  }
0x9b: {  	s22 =	simm.s32 $0x1BFF;
	s21 =	sshll.u32 s5, $0x1;
	s2 =	sadd.s32 s19, s18  }
0x9c: {  	s6 =	simm.s32 $0x0;
	s20 =	sshll.u32 s4, $0x1;
	s4 =	sadd.s32 s21, s2  }
0x9d: {  	[timem:s6], [sflag:s22] =	dma.local [hbm:s4], s20  }
0x9e: {  	_ =	swait.ge [sflag:s22], s20  }
0x9f: {  	s3 =	ssub.s32 $0x0, s20;
	[sflag:s22] =	ssyncset.done $0x0  }
0xa0: {  	[sflag:s22] =	ssyncadd.s32 s3;
	_ =	sdelay $0x1  }
0xa1: {  	s23 =	simm.s32 $0x1B8B  }
0xa2: {  	_ =	swait.ge [sflag:s23], $0x1  }
0xa3: {  	[sflag:s23] =	ssyncset.done $0x0  }
0xa4: {  	s25 =	simm.s32 $0x1B8E;
	s24 =	sld [smem:$0x3FFE];
	[sflag:s23] =	ssyncadd.s32 $0xFFFFFFFF  }
0xa5: {  	s26 =	simm.s32 $execute0_lowered;
	[smem:$0x3FD2] =	sst s25  }
0xa6: {  	s4 =	sshll.u32 s26, $0x1;
	_ =	strace $0x80000046;
	[dreg:$0x1] =	wrdreg $0xFFFFFFFF  }
0xa7: {  	s28 =	simm.s32 $_size_execute0_lowered;
	s2 =	sadd.s32 s2, s4;
	[dreg:$0x0] =	wrdreg $0x0  }
0xa8: {  	s4 =	sshll.u32 s28, $0x1;
	[dreg:$0x2] =	wrdreg s2  }
0xa9: {  	[dreg:$0x3] =	wrdreg s4  }
0xaa: {  	[dreg:$0x4] =	wrdreg $0xC0  }
0xab: {  	_ =	task [dreg:s6], $0x5FFFF  }
0xac: {  	[dreg:$0x1] =	wrdreg $0xFFFFFFFF  }
0xad: {  	[dreg:$0x0] =	wrdreg $0x60  }
0xae: {  	[dreg:$0x2] =	wrdreg s24  }
0xaf: {  	[dreg:$0x3] =	wrdreg $0xD0000  }
0xb0: {  	[dreg:$0x4] =	wrdreg $0xF8000  }
0xb1: {  	[dreg:$0x5] =	wrdreg $0x9  }
0xb2: {  	_ =	task.clear_ibuf [dreg:s6], $0x6FFFF;
	_ =	strace $0x90000046  }
0xb3: {  	s29 =	simm.s32 $0x9;
	_ =	strace $0x80000048  }
0xb4: {  	_ =	swait.ge [sflag:s29], $0x1  }
0xb5: {  	[sflag:s29] =	ssyncadd.s32 $0xFFFFFFFF  }
0xb6: {  	_ =	strace $0x90000048  }
0xb7: {  	_ =	sfence  }
0xb8: {  	s30 =	sld [smem:$0x0];
	_ =	sdelay $0x2  }
0xb9: {  	s31 =	sshll.u32 s1, $0xD;
	s1 =	sshrl.u32 s1, $0x2  }
0xba: {  	s3 =	sand.u32 $0x4000, s31;
	s1 =	sadd.s32 s1, s30  }
0xbb: {  	s0 =	sor.u32 s3, s0;
	s1 =	sshll.u32 s1, $0x11  }
0xbc: {  	s0 =	sor.u32 s1, s0  }
0xbd: {  	s0 =	sadd.s32 $0x8F2B, s0  }
0xbe: {  	[sflag:s0] =	ssyncadd.remote.s32 $0x1  }
0xbf: {  	_ =	sfence.sel $0xFFFF  }
0xc0: {  	[dreg:$0x0] =	wrdreg $0xFFFFFFFF;
	(pc) =	sbr.abs _section_cstart, $3  }
0xc1: {  	[dreg:$0x1] =	wrdreg $0xFFFFFFFF  }
0xc2: {  	_ =	task.clear_ibuf [dreg:s6], $0x2FFFF;
	_ =	strace $0x9FFFFFFF  }
0xc3: {  	(tm) =	ssettm $0x7FFFFFFF  }
tec
execute0_lowered:
.L_overlay_start_1:
0x0: {  	(tag) =	ssettag $0x1  }
0x1: {  	s0 =	rddreg [dreg:$0x0]  }
0x2: {  	s2 =	rddreg [dreg:$0x1]  }
0x3: {  	s3 =	rddreg [dreg:$0x2];
	s10 =	stileid.u32  }
0x4: {  	s4 =	srdreg.scid;
	s6 =	simm.s32 $0x0;
	s15 =	simm.s32 $0x3  }
0x5: {  	s17 =	simm.s32 $0x5000;
	s28 =	simm.s32 $0x8800;
	s29 =	simm.s32 $0x9000  }
0x6: {  	s30 =	simm.s32 $0x9800;
	s31 =	simm.s32 $0xA000;
	s1 =	smul.u32 $0x2710, s10  }
0x7: {  	s16 =	simm.s32 $0xB800;
	s4 =	sand.u32 $0x1, s4;
	s5 =	smul.u32 $0x2800, s10  }
0x8: {  	[smem:$0x7FF] =	sst s6;
	s18 =	sshll.u32 s10, $0x1;
	s9 =	smul.u32 $0xA000, s10  }
0x9: {  	s26 =	sshll.u32 s10, $0x6;
	s7 =	smul.u32 $0x28000, s4;
	_ =	strace $0x80000047  }
0xa: {  	s6 =	sor.u32 s4, s18;
	s4 =	ssub.s32 $0x2, s4;
	s18 =	sor.u32 $0x1C03, s26  }
0xb: {  	s26 =	simm.s32 $0x8000;
	s8 =	sshrl.u32 s1, $0x3;
	s6 =	smul.u32 $0x500, s6  }
0xc: {  	s19 =	sshrl.u32 s4, $0x1;
	s9 =	sshrl.u32 s9, $0x2;
	s1 =	sadd.s32 s1, s3  }
0xd: {  	s8 =	sadd.s32 s8, s0;
	s7 =	sadd.s32 s5, s7;
	s4 =	ssub.s32 s4, s19  }
0xe: {  	s21 =	sadd.s32 s9, s2;
	s19 =	sshrl.u32 s1, $0x3;
	s1 =	simm.s32 $0xB000  }
0xf: {  	s9 =	simm.s32 $0x0;
	s7 =	sshrl.u32 s7, $0x3;
	s6 =	sadd.s32 s6, s0  }
0x10: {  	s22 =	sadd.s32 $0x800, s21;
	s23 =	sadd.s32 $0x1000, s21;
	s24 =	sadd.s32 $0x1800, s21  }
0x11: {  	s25 =	sadd.s32 $0x15200, s8;
	s14 =	smax.u32 s4, $0x1;
	[dreg:$0x6] =	wrdreg s22  }
0x12: {  	s4 =	simm.s32 $0xC000;
	s8 =	simm.s32 $0x2;
	[dreg:$0x7] =	wrdreg s23  }
0x13: {  	s0 =	sadd.s32 s7, s0;
	s20 =	sadd.s32 $0xB200, s6;
	[dreg:$0x8] =	wrdreg s24  }
0x14: {  	s6 =	sadd.s32 $0x1200, s6;
	s7 =	sadd.s32 s5, s2;
	[dreg:$0xa] =	wrdreg s25  }
0x15: {  	s5 =	sadd.s32 $0x2000, s21;
	s21 =	simm.s32 $0x5800;
	[dreg:$0x4] =	wrdreg s20  }
0x16: {  	s22 =	simm.s32 $0x6000;
	s23 =	simm.s32 $0x6800;
	[dreg:$0x5] =	wrdreg s6  }
0x17: {  	s24 =	simm.s32 $0x7000;
	s25 =	simm.s32 $0x7800;
	[dreg:$0x9] =	wrdreg s5  }
0x18: {  	s0 =	sadd.s32 $0x1A200, s0;
	s20 =	simm.s32 $0x80;
	s5 =	simm.s32 $0xC800  }
0x19: {  	v0 =	vimm.f32 $0.0e+00;
	s6 =	simm.s32 $0x1;
	[dreg:$0xb] =	wrdreg s0;
	s0 =	simm.s32 $0xA800  }
.LBB2_1:
0x1a: {  	s10 =	simm.s32 $0x0;
	s11 =	rddreg [dreg:$0x4]  }
0x1b: {  	[tilespmem:s10], [sflag:$0x3] =	stream.linear.gather [hbm4b:s11+s10], $0x2800, $0x38;
	[tilespmem:$0x12000] =	vst v63  }
0x1c: {  	_ =	swait.ge [sflag:s15], $0x2800  }
0x1d: {  	[sflag:s15] =	ssyncset.done $0x0  }
0x1e: {  	s12 =	simm.s32 $0x2800;
	s13 =	rddreg [dreg:$0x5];
	[sflag:s15] =	ssyncadd.s32 $0xFFFFD800  }
0x1f: {  	[tilespmem:s12], [sflag:$0x3] =	stream.linear.gather [hbm4b:s13+s10], $0x2800, $0x38;
	[tilespmem:$0x12000] =	vst v63  }
0x20: {  	_ =	swait.ge [sflag:s15], $0x2800  }
0x21: {  	[sflag:s15] =	ssyncset.done $0x0  }
0x22: {  	[sflag:s15] =	ssyncadd.s32 $0xFFFFD800  }
0x23: {  	[tilespmem:$0x5000] =	vst v0  }
0x24: {  	[tilespmem:$0x5010] =	vst v0  }
0x25: {  	[tilespmem:$0x5020] =	vst v0  }
0x26: {  	[tilespmem:$0x5030] =	vst v0  }
0x27: {  	[tilespmem:$0x5040] =	vst v0  }
0x28: {  	[tilespmem:$0x5050] =	vst v0  }
0x29: {  	[tilespmem:$0x5060] =	vst v0  }
0x2a: {  	[tilespmem:$0x5070] =	vst v0  }
0x2b: {  	[tilespmem:$0x5080] =	vst v0  }
0x2c: {  	[tilespmem:$0x5090] =	vst v0  }
0x2d: {  	[tilespmem:$0x50A0] =	vst v0  }
0x2e: {  	[tilespmem:$0x50B0] =	vst v0  }
0x2f: {  	[tilespmem:$0x50C0] =	vst v0  }
0x30: {  	[tilespmem:$0x50D0] =	vst v0  }
0x31: {  	[tilespmem:$0x50E0] =	vst v0  }
0x32: {  	[tilespmem:$0x50F0] =	vst v0  }
0x33: {  	[tilespmem:$0x5100] =	vst v0  }
0x34: {  	[tilespmem:$0x5110] =	vst v0  }
0x35: {  	[tilespmem:$0x5120] =	vst v0  }
0x36: {  	[tilespmem:$0x5130] =	vst v0  }
0x37: {  	[tilespmem:$0x5140] =	vst v0  }
0x38: {  	[tilespmem:$0x5150] =	vst v0  }
0x39: {  	[tilespmem:$0x5160] =	vst v0  }
0x3a: {  	[tilespmem:$0x5170] =	vst v0  }
0x3b: {  	[tilespmem:$0x5180] =	vst v0  }
0x3c: {  	[tilespmem:$0x5190] =	vst v0  }
0x3d: {  	[tilespmem:$0x51A0] =	vst v0  }
0x3e: {  	[tilespmem:$0x51B0] =	vst v0  }
0x3f: {  	[tilespmem:$0x51C0] =	vst v0  }
0x40: {  	[tilespmem:$0x51D0] =	vst v0  }
0x41: {  	[tilespmem:$0x51E0] =	vst v0  }
0x42: {  	[tilespmem:$0x51F0] =	vst v0  }
0x43: {  	[tilespmem:$0x5200] =	vst v0  }
0x44: {  	[tilespmem:$0x5210] =	vst v0  }
0x45: {  	[tilespmem:$0x5220] =	vst v0  }
0x46: {  	[tilespmem:$0x5230] =	vst v0  }
0x47: {  	[tilespmem:$0x5240] =	vst v0  }
0x48: {  	[tilespmem:$0x5250] =	vst v0  }
0x49: {  	[tilespmem:$0x5260] =	vst v0  }
0x4a: {  	[tilespmem:$0x5270] =	vst v0  }
0x4b: {  	[tilespmem:$0x5280] =	vst v0  }
0x4c: {  	[tilespmem:$0x5290] =	vst v0  }
0x4d: {  	[tilespmem:$0x52A0] =	vst v0  }
0x4e: {  	[tilespmem:$0x52B0] =	vst v0  }
0x4f: {  	[tilespmem:$0x52C0] =	vst v0  }
0x50: {  	[tilespmem:$0x52D0] =	vst v0  }
0x51: {  	[tilespmem:$0x52E0] =	vst v0  }
0x52: {  	[tilespmem:$0x52F0] =	vst v0  }
0x53: {  	[tilespmem:$0x5300] =	vst v0  }
0x54: {  	[tilespmem:$0x5310] =	vst v0  }
0x55: {  	[tilespmem:$0x5320] =	vst v0  }
0x56: {  	[tilespmem:$0x5330] =	vst v0  }
0x57: {  	[tilespmem:$0x5340] =	vst v0  }
0x58: {  	[tilespmem:$0x5350] =	vst v0  }
0x59: {  	[tilespmem:$0x5360] =	vst v0  }
0x5a: {  	[tilespmem:$0x5370] =	vst v0  }
0x5b: {  	[tilespmem:$0x5380] =	vst v0  }
0x5c: {  	[tilespmem:$0x5390] =	vst v0  }
0x5d: {  	[tilespmem:$0x53A0] =	vst v0  }
0x5e: {  	[tilespmem:$0x53B0] =	vst v0  }
0x5f: {  	[tilespmem:$0x53C0] =	vst v0  }
0x60: {  	[tilespmem:$0x53D0] =	vst v0  }
0x61: {  	[tilespmem:$0x53E0] =	vst v0  }
0x62: {  	[tilespmem:$0x53F0] =	vst v0  }
0x63: {  	[tilespmem:$0x5400] =	vst v0  }
0x64: {  	[tilespmem:$0x5410] =	vst v0  }
0x65: {  	[tilespmem:$0x5420] =	vst v0  }
0x66: {  	[tilespmem:$0x5430] =	vst v0  }
0x67: {  	[tilespmem:$0x5440] =	vst v0  }
0x68: {  	[tilespmem:$0x5450] =	vst v0  }
0x69: {  	[tilespmem:$0x5460] =	vst v0  }
0x6a: {  	[tilespmem:$0x5470] =	vst v0  }
0x6b: {  	[tilespmem:$0x5480] =	vst v0  }
0x6c: {  	[tilespmem:$0x5490] =	vst v0  }
0x6d: {  	[tilespmem:$0x54A0] =	vst v0  }
0x6e: {  	[tilespmem:$0x54B0] =	vst v0  }
0x6f: {  	[tilespmem:$0x54C0] =	vst v0  }
0x70: {  	[tilespmem:$0x54D0] =	vst v0  }
0x71: {  	[tilespmem:$0x54E0] =	vst v0  }
0x72: {  	[tilespmem:$0x54F0] =	vst v0  }
0x73: {  	[tilespmem:$0x5500] =	vst v0  }
0x74: {  	[tilespmem:$0x5510] =	vst v0  }
0x75: {  	[tilespmem:$0x5520] =	vst v0  }
0x76: {  	[tilespmem:$0x5530] =	vst v0  }
0x77: {  	[tilespmem:$0x5540] =	vst v0  }
0x78: {  	[tilespmem:$0x5550] =	vst v0  }
0x79: {  	[tilespmem:$0x5560] =	vst v0  }
0x7a: {  	[tilespmem:$0x5570] =	vst v0  }
0x7b: {  	[tilespmem:$0x5580] =	vst v0  }
0x7c: {  	[tilespmem:$0x5590] =	vst v0  }
0x7d: {  	[tilespmem:$0x55A0] =	vst v0  }
0x7e: {  	[tilespmem:$0x55B0] =	vst v0  }
0x7f: {  	[tilespmem:$0x55C0] =	vst v0  }
0x80: {  	[tilespmem:$0x55D0] =	vst v0  }
0x81: {  	[tilespmem:$0x55E0] =	vst v0  }
0x82: {  	[tilespmem:$0x55F0] =	vst v0  }
0x83: {  	[tilespmem:$0x5600] =	vst v0  }
0x84: {  	[tilespmem:$0x5610] =	vst v0  }
0x85: {  	[tilespmem:$0x5620] =	vst v0  }
0x86: {  	[tilespmem:$0x5630] =	vst v0  }
0x87: {  	[tilespmem:$0x5640] =	vst v0  }
0x88: {  	[tilespmem:$0x5650] =	vst v0  }
0x89: {  	[tilespmem:$0x5660] =	vst v0  }
0x8a: {  	[tilespmem:$0x5670] =	vst v0  }
0x8b: {  	[tilespmem:$0x5680] =	vst v0  }
0x8c: {  	[tilespmem:$0x5690] =	vst v0  }
0x8d: {  	[tilespmem:$0x56A0] =	vst v0  }
0x8e: {  	[tilespmem:$0x56B0] =	vst v0  }
0x8f: {  	[tilespmem:$0x56C0] =	vst v0  }
0x90: {  	[tilespmem:$0x56D0] =	vst v0  }
0x91: {  	[tilespmem:$0x56E0] =	vst v0  }
0x92: {  	[tilespmem:$0x56F0] =	vst v0  }
0x93: {  	[tilespmem:$0x5700] =	vst v0  }
0x94: {  	[tilespmem:$0x5710] =	vst v0  }
0x95: {  	[tilespmem:$0x5720] =	vst v0  }
0x96: {  	[tilespmem:$0x5730] =	vst v0  }
0x97: {  	[tilespmem:$0x5740] =	vst v0  }
0x98: {  	[tilespmem:$0x5750] =	vst v0  }
0x99: {  	[tilespmem:$0x5760] =	vst v0  }
0x9a: {  	[tilespmem:$0x5770] =	vst v0  }
0x9b: {  	[tilespmem:$0x5780] =	vst v0  }
0x9c: {  	[tilespmem:$0x5790] =	vst v0  }
0x9d: {  	[tilespmem:$0x57A0] =	vst v0  }
0x9e: {  	[tilespmem:$0x57B0] =	vst v0  }
0x9f: {  	[tilespmem:$0x57C0] =	vst v0  }
0xa0: {  	[tilespmem:$0x57D0] =	vst v0  }
0xa1: {  	[tilespmem:$0x57E0] =	vst v0  }
0xa2: {  	[tilespmem:$0x57F0] =	vst v0  }
0xa3: {  	[spmem:s7] =	stream.linear.scatter [tilespmem:s17], [sflag:$0x3], $0x800, $0x38;
	[tilespmem:$0x12000] =	vst v63  }
0xa4: {  	_ =	swait.ge [sflag:s15], $0x800  }
0xa5: {  	[sflag:s15] =	ssyncset.done $0x0  }
0xa6: {  	s13 =	rddreg [dreg:$0x6];
	[sflag:s15] =	ssyncadd.s32 $0xFFFFF800  }
0xa7: {  	[spmem:s13] =	stream.linear.scatter [tilespmem:s17], [sflag:$0x3], $0x800, $0x38;
	[tilespmem:$0x12000] =	vst v63  }
0xa8: {  	_ =	swait.ge [sflag:s15], $0x800  }
0xa9: {  	[sflag:s15] =	ssyncset.done $0x0  }
0xaa: {  	s11 =	rddreg [dreg:$0x7];
	[sflag:s15] =	ssyncadd.s32 $0xFFFFF800  }
0xab: {  	[spmem:s11] =	stream.linear.scatter [tilespmem:s17], [sflag:$0x3], $0x800, $0x38;
	[tilespmem:$0x12000] =	vst v63  }
0xac: {  	_ =	swait.ge [sflag:s15], $0x800  }
0xad: {  	[sflag:s15] =	ssyncset.done $0x0  }
0xae: {  	s12 =	rddreg [dreg:$0x8];
	[sflag:s15] =	ssyncadd.s32 $0xFFFFF800  }
0xaf: {  	[spmem:s12] =	stream.linear.scatter [tilespmem:s17], [sflag:$0x3], $0x800, $0x38;
	[tilespmem:$0x12000] =	vst v63  }
0xb0: {  	_ =	swait.ge [sflag:s15], $0x800  }
0xb1: {  	[sflag:s15] =	ssyncset.done $0x0  }
0xb2: {  	s13 =	rddreg [dreg:$0x9];
	[sflag:s15] =	ssyncadd.s32 $0xFFFFF800  }
0xb3: {  	[spmem:s13] =	stream.linear.scatter [tilespmem:s17], [sflag:$0x3], $0x800, $0x38;
	[tilespmem:$0x12000] =	vst v63  }
0xb4: {  	_ =	swait.ge [sflag:s15], $0x800  }
0xb5: {  	[sflag:s15] =	ssyncset.done $0x0  }
0xb6: {  	s11 =	rddreg [dreg:$0xa];
	[sflag:s15] =	ssyncadd.s32 $0xFFFFF800  }
0xb7: {  	[spmem:s19], [sflag:s18] =	dma.local [hbm:s11], $0x4E2  }
0xb8: {  	_ =	swait.ge [sflag:s15], $0x4E2  }
0xb9: {  	[sflag:s15] =	ssyncset.done $0x0  }
0xba: {  	[sflag:s15] =	ssyncadd.s32 $0xFFFFFB1E  }
0xbb: {  	s12 =	simm.s32 $0x0;
	[bflag:$0x0] =	sbarrier.arrive $0xFFFF  }
0xbc: {  	[tilespmem:s17], [sflag:$0x1] =	stream.indirect.gather [spmem:s3], $0x10, s12, s20, $0xb8;
	[tilespmem:$0x12000] =	vst v63  }
0xbd: {  	s13 =	simm.s32 $0x80  }
0xbe: {  	[tilespmem:s21], [sflag:$0x1] =	stream.indirect.gather [spmem:s3], $0x10, s13, s20, $0xb8;
	[tilespmem:$0x12000] =	vst v63  }
0xbf: {  	s11 =	simm.s32 $0x100  }
0xc0: {  	[tilespmem:s22], [sflag:$0x1] =	stream.indirect.gather [spmem:s3], $0x10, s11, s20, $0xb8;
	[tilespmem:$0x12000] =	vst v63  }
0xc1: {  	s12 =	simm.s32 $0x180  }
0xc2: {  	[tilespmem:s23], [sflag:$0x1] =	stream.indirect.gather [spmem:s3], $0x10, s12, s20, $0xb8;
	[tilespmem:$0x12000] =	vst v63  }
0xc3: {  	s13 =	simm.s32 $0x200  }
0xc4: {  	[tilespmem:s24], [sflag:$0x1] =	stream.indirect.gather [spmem:s3], $0x10, s13, s20, $0xb8;
	[tilespmem:$0x12000] =	vst v63  }
0xc5: {  	s11 =	simm.s32 $0x280  }
0xc6: {  	[tilespmem:s25], [sflag:$0x1] =	stream.indirect.gather [spmem:s3], $0x10, s11, s20, $0xb8;
	[tilespmem:$0x12000] =	vst v63  }
0xc7: {  	s12 =	simm.s32 $0x300  }
0xc8: {  	[tilespmem:s26], [sflag:$0x1] =	stream.indirect.gather [spmem:s3], $0x10, s12, s20, $0xb8;
	[tilespmem:$0x12000] =	vst v63  }
0xc9: {  	s13 =	simm.s32 $0x380  }
0xca: {  	[tilespmem:s28], [sflag:$0x1] =	stream.indirect.gather [spmem:s3], $0x10, s13, s20, $0xb8;
	[tilespmem:$0x12000] =	vst v63  }
0xcb: {  	s11 =	simm.s32 $0x400  }
0xcc: {  	[tilespmem:s29], [sflag:$0x1] =	stream.indirect.gather [spmem:s3], $0x10, s11, s20, $0xb8;
	[tilespmem:$0x12000] =	vst v63  }
0xcd: {  	s12 =	simm.s32 $0x480  }
0xce: {  	[tilespmem:s30], [sflag:$0x1] =	stream.indirect.gather [spmem:s3], $0x10, s12, s20, $0xb8;
	[tilespmem:$0x12000] =	vst v63  }
0xcf: {  	s13 =	simm.s32 $0x500  }
0xd0: {  	[tilespmem:s31], [sflag:$0x1] =	stream.indirect.gather [spmem:s3], $0x10, s13, s20, $0xb8;
	[tilespmem:$0x12000] =	vst v63  }
0xd1: {  	s11 =	simm.s32 $0x580  }
0xd2: {  	[tilespmem:s0], [sflag:$0x1] =	stream.indirect.gather [spmem:s3], $0x10, s11, s20, $0xb8;
	[tilespmem:$0x12000] =	vst v63  }
0xd3: {  	s12 =	simm.s32 $0x600  }
0xd4: {  	[tilespmem:s1], [sflag:$0x1] =	stream.indirect.gather [spmem:s3], $0x10, s12, s20, $0xb8;
	[tilespmem:$0x12000] =	vst v63  }
0xd5: {  	s13 =	simm.s32 $0x680  }
0xd6: {  	[tilespmem:s16], [sflag:$0x1] =	stream.indirect.gather [spmem:s3], $0x10, s13, s20, $0xb8;
	[tilespmem:$0x12000] =	vst v63  }
0xd7: {  	s11 =	simm.s32 $0x700  }
0xd8: {  	[tilespmem:s4], [sflag:$0x1] =	stream.indirect.gather [spmem:s3], $0x10, s11, s20, $0xb8;
	[tilespmem:$0x12000] =	vst v63  }
0xd9: {  	s12 =	simm.s32 $0x780  }
0xda: {  	[tilespmem:s5], [sflag:$0x1] =	stream.indirect.gather [spmem:s3], $0x10, s12, s20, $0xb8;
	[tilespmem:$0x12000] =	vst v63  }
0xdb: {  	_ =	swait.ge [sflag:s6], $0x800  }
0xdc: {  	[sflag:s6] =	ssyncset.done $0x0  }
0xdd: {  	s13 =	simm.s32 $0x2800;
	[sflag:s6] =	ssyncadd.s32 $0xFFFFF800  }
0xde: {  	[spmem:s2] =	stream.indirect.scatter.add.f32 [tilespmem:s17], [sflag:$0x2], $0x10, s13, s20, $0xb8;
	[tilespmem:$0x12000] =	vst v63  }
0xdf: {  	_ =	swait.ge [sflag:s6], $0x800  }
0xe0: {  	[sflag:s6] =	ssyncset.done $0x0  }
0xe1: {  	s11 =	simm.s32 $0x2880;
	[sflag:s6] =	ssyncadd.s32 $0xFFFFF800  }
0xe2: {  	[spmem:s2] =	stream.indirect.scatter.add.f32 [tilespmem:s21], [sflag:$0x2], $0x10, s11, s20, $0xb8;
	[tilespmem:$0x12000] =	vst v63  }
0xe3: {  	_ =	swait.ge [sflag:s6], $0x800  }
0xe4: {  	[sflag:s6] =	ssyncset.done $0x0  }
0xe5: {  	s12 =	simm.s32 $0x2900;
	[sflag:s6] =	ssyncadd.s32 $0xFFFFF800  }
0xe6: {  	[spmem:s2] =	stream.indirect.scatter.add.f32 [tilespmem:s22], [sflag:$0x2], $0x10, s12, s20, $0xb8;
	[tilespmem:$0x12000] =	vst v63  }
0xe7: {  	_ =	swait.ge [sflag:s6], $0x800  }
0xe8: {  	[sflag:s6] =	ssyncset.done $0x0  }
0xe9: {  	s13 =	simm.s32 $0x2980;
	[sflag:s6] =	ssyncadd.s32 $0xFFFFF800  }
0xea: {  	[spmem:s2] =	stream.indirect.scatter.add.f32 [tilespmem:s23], [sflag:$0x2], $0x10, s13, s20, $0xb8;
	[tilespmem:$0x12000] =	vst v63  }
0xeb: {  	_ =	swait.ge [sflag:s6], $0x800  }
0xec: {  	[sflag:s6] =	ssyncset.done $0x0  }
0xed: {  	s11 =	simm.s32 $0x2A00;
	[sflag:s6] =	ssyncadd.s32 $0xFFFFF800  }
0xee: {  	[spmem:s2] =	stream.indirect.scatter.add.f32 [tilespmem:s24], [sflag:$0x2], $0x10, s11, s20, $0xb8;
	[tilespmem:$0x12000] =	vst v63  }
0xef: {  	_ =	swait.ge [sflag:s6], $0x800  }
0xf0: {  	[sflag:s6] =	ssyncset.done $0x0  }
0xf1: {  	s12 =	simm.s32 $0x2A80;
	[sflag:s6] =	ssyncadd.s32 $0xFFFFF800  }
0xf2: {  	[spmem:s2] =	stream.indirect.scatter.add.f32 [tilespmem:s25], [sflag:$0x2], $0x10, s12, s20, $0xb8;
	[tilespmem:$0x12000] =	vst v63  }
0xf3: {  	_ =	swait.ge [sflag:s6], $0x800  }
0xf4: {  	[sflag:s6] =	ssyncset.done $0x0  }
0xf5: {  	s13 =	simm.s32 $0x2B00;
	[sflag:s6] =	ssyncadd.s32 $0xFFFFF800  }
0xf6: {  	[spmem:s2] =	stream.indirect.scatter.add.f32 [tilespmem:s26], [sflag:$0x2], $0x10, s13, s20, $0xb8;
	[tilespmem:$0x12000] =	vst v63  }
0xf7: {  	_ =	swait.ge [sflag:s6], $0x800  }
0xf8: {  	[sflag:s6] =	ssyncset.done $0x0  }
0xf9: {  	s11 =	simm.s32 $0x2B80;
	[sflag:s6] =	ssyncadd.s32 $0xFFFFF800  }
0xfa: {  	[spmem:s2] =	stream.indirect.scatter.add.f32 [tilespmem:s28], [sflag:$0x2], $0x10, s11, s20, $0xb8;
	[tilespmem:$0x12000] =	vst v63  }
0xfb: {  	_ =	swait.ge [sflag:s6], $0x800  }
0xfc: {  	[sflag:s6] =	ssyncset.done $0x0  }
0xfd: {  	s12 =	simm.s32 $0x2C00;
	[sflag:s6] =	ssyncadd.s32 $0xFFFFF800  }
0xfe: {  	[spmem:s2] =	stream.indirect.scatter.add.f32 [tilespmem:s29], [sflag:$0x2], $0x10, s12, s20, $0xb8;
	[tilespmem:$0x12000] =	vst v63  }
0xff: {  	_ =	swait.ge [sflag:s6], $0x800  }
0x100: {  	[sflag:s6] =	ssyncset.done $0x0  }
0x101: {  	s13 =	simm.s32 $0x2C80;
	[sflag:s6] =	ssyncadd.s32 $0xFFFFF800  }
0x102: {  	[spmem:s2] =	stream.indirect.scatter.add.f32 [tilespmem:s30], [sflag:$0x2], $0x10, s13, s20, $0xb8;
	[tilespmem:$0x12000] =	vst v63  }
0x103: {  	_ =	swait.ge [sflag:s6], $0x800  }
0x104: {  	[sflag:s6] =	ssyncset.done $0x0  }
0x105: {  	s11 =	simm.s32 $0x2D00;
	[sflag:s6] =	ssyncadd.s32 $0xFFFFF800  }
0x106: {  	[spmem:s2] =	stream.indirect.scatter.add.f32 [tilespmem:s31], [sflag:$0x2], $0x10, s11, s20, $0xb8;
	[tilespmem:$0x12000] =	vst v63  }
0x107: {  	_ =	swait.ge [sflag:s6], $0x800  }
0x108: {  	[sflag:s6] =	ssyncset.done $0x0  }
0x109: {  	s12 =	simm.s32 $0x2D80;
	[sflag:s6] =	ssyncadd.s32 $0xFFFFF800  }
0x10a: {  	[spmem:s2] =	stream.indirect.scatter.add.f32 [tilespmem:s0], [sflag:$0x2], $0x10, s12, s20, $0xb8;
	[tilespmem:$0x12000] =	vst v63  }
0x10b: {  	_ =	swait.ge [sflag:s6], $0x800  }
0x10c: {  	[sflag:s6] =	ssyncset.done $0x0  }
0x10d: {  	s13 =	simm.s32 $0x2E00;
	[sflag:s6] =	ssyncadd.s32 $0xFFFFF800  }
0x10e: {  	[spmem:s2] =	stream.indirect.scatter.add.f32 [tilespmem:s1], [sflag:$0x2], $0x10, s13, s20, $0xb8;
	[tilespmem:$0x12000] =	vst v63  }
0x10f: {  	_ =	swait.ge [sflag:s6], $0x800  }
0x110: {  	[sflag:s6] =	ssyncset.done $0x0  }
0x111: {  	s11 =	simm.s32 $0x2E80;
	[sflag:s6] =	ssyncadd.s32 $0xFFFFF800  }
0x112: {  	[spmem:s2] =	stream.indirect.scatter.add.f32 [tilespmem:s16], [sflag:$0x2], $0x10, s11, s20, $0xb8;
	[tilespmem:$0x12000] =	vst v63  }
0x113: {  	_ =	swait.ge [sflag:s6], $0x800  }
0x114: {  	[sflag:s6] =	ssyncset.done $0x0  }
0x115: {  	s12 =	simm.s32 $0x2F00;
	[sflag:s6] =	ssyncadd.s32 $0xFFFFF800  }
0x116: {  	[spmem:s2] =	stream.indirect.scatter.add.f32 [tilespmem:s4], [sflag:$0x2], $0x10, s12, s20, $0xb8;
	[tilespmem:$0x12000] =	vst v63  }
0x117: {  	_ =	swait.ge [sflag:s6], $0x800  }
0x118: {  	[sflag:s6] =	ssyncset.done $0x0  }
0x119: {  	s13 =	simm.s32 $0x2F80;
	[sflag:s6] =	ssyncadd.s32 $0xFFFFF800  }
0x11a: {  	[spmem:s2] =	stream.indirect.scatter.add.f32 [tilespmem:s5], [sflag:$0x2], $0x10, s13, s20, $0xb8;
	[tilespmem:$0x12000] =	vst v63  }
0x11b: {  	_ =	swait.ge [sflag:s8], $0x800  }
0x11c: {  	[sflag:s8] =	ssyncset.done $0x0  }
0x11d: {  	[sflag:s8] =	ssyncadd.s32 $0xFFFFF800  }
0x11e: {  	_ =	swait.ge [sflag:s8], $0x800  }
0x11f: {  	[sflag:s8] =	ssyncset.done $0x0  }
0x120: {  	[sflag:s8] =	ssyncadd.s32 $0xFFFFF800  }
0x121: {  	_ =	swait.ge [sflag:s8], $0x800  }
0x122: {  	[sflag:s8] =	ssyncset.done $0x0  }
0x123: {  	[sflag:s8] =	ssyncadd.s32 $0xFFFFF800  }
0x124: {  	_ =	swait.ge [sflag:s8], $0x800  }
0x125: {  	[sflag:s8] =	ssyncset.done $0x0  }
0x126: {  	[sflag:s8] =	ssyncadd.s32 $0xFFFFF800  }
0x127: {  	_ =	swait.ge [sflag:s8], $0x800  }
0x128: {  	[sflag:s8] =	ssyncset.done $0x0  }
0x129: {  	[sflag:s8] =	ssyncadd.s32 $0xFFFFF800  }
0x12a: {  	_ =	swait.ge [sflag:s8], $0x800  }
0x12b: {  	[sflag:s8] =	ssyncset.done $0x0  }
0x12c: {  	[sflag:s8] =	ssyncadd.s32 $0xFFFFF800  }
0x12d: {  	_ =	swait.ge [sflag:s8], $0x800  }
0x12e: {  	[sflag:s8] =	ssyncset.done $0x0  }
0x12f: {  	[sflag:s8] =	ssyncadd.s32 $0xFFFFF800  }
0x130: {  	_ =	swait.ge [sflag:s8], $0x800  }
0x131: {  	[sflag:s8] =	ssyncset.done $0x0  }
0x132: {  	[sflag:s8] =	ssyncadd.s32 $0xFFFFF800  }
0x133: {  	_ =	swait.ge [sflag:s8], $0x800  }
0x134: {  	[sflag:s8] =	ssyncset.done $0x0  }
0x135: {  	[sflag:s8] =	ssyncadd.s32 $0xFFFFF800  }
0x136: {  	_ =	swait.ge [sflag:s8], $0x800  }
0x137: {  	[sflag:s8] =	ssyncset.done $0x0  }
0x138: {  	[sflag:s8] =	ssyncadd.s32 $0xFFFFF800  }
0x139: {  	_ =	swait.ge [sflag:s8], $0x800  }
0x13a: {  	[sflag:s8] =	ssyncset.done $0x0  }
0x13b: {  	[sflag:s8] =	ssyncadd.s32 $0xFFFFF800  }
0x13c: {  	_ =	swait.ge [sflag:s8], $0x800  }
0x13d: {  	[sflag:s8] =	ssyncset.done $0x0  }
0x13e: {  	[sflag:s8] =	ssyncadd.s32 $0xFFFFF800  }
0x13f: {  	_ =	swait.ge [sflag:s8], $0x800  }
0x140: {  	[sflag:s8] =	ssyncset.done $0x0  }
0x141: {  	[sflag:s8] =	ssyncadd.s32 $0xFFFFF800  }
0x142: {  	_ =	swait.ge [sflag:s8], $0x800  }
0x143: {  	[sflag:s8] =	ssyncset.done $0x0  }
0x144: {  	[sflag:s8] =	ssyncadd.s32 $0xFFFFF800  }
0x145: {  	_ =	swait.ge [sflag:s8], $0x800  }
0x146: {  	[sflag:s8] =	ssyncset.done $0x0  }
0x147: {  	[sflag:s8] =	ssyncadd.s32 $0xFFFFF800  }
0x148: {  	_ =	swait.ge [sflag:s8], $0x800  }
0x149: {  	s10 =	simm.s32 $0x2000;
	s11 =	simm.s32 $0x4000;
	[sflag:s8] =	ssyncset.done $0x0  }
.LBB2_2:
0x14a: {  	s12 =	sshra.s32 s10, $0x2  }
0x14b: {  	[sflag:s8] =	ssyncadd.s32 $0xFFFFF800;
	s10 =	smov.u32 s11;
	s13 =	sadd.s32 $0x2000, s11  }
0x14c: {  	[tilespmem:s17], [sflag:$0x1] =	stream.indirect.gather [spmem:s3], $0x10, s12, s20, $0xb8;
	[tilespmem:$0x12000] =	vst v63  }
0x14d: {  	p0 =	sne.s32 s11, $0x8000;
	s11 =	sadd.s32 $0x80, s12  }
0x14e: {  	[tilespmem:s21], [sflag:$0x1] =	stream.indirect.gather [spmem:s3], $0x10, s11, s20, $0xb8;
	[tilespmem:$0x12000] =	vst v63  }
0x14f: {  	s11 =	sadd.s32 $0x100, s12  }
0x150: {  	[tilespmem:s22], [sflag:$0x1] =	stream.indirect.gather [spmem:s3], $0x10, s11, s20, $0xb8;
	[tilespmem:$0x12000] =	vst v63  }
0x151: {  	s11 =	sadd.s32 $0x180, s12  }
0x152: {  	[tilespmem:s23], [sflag:$0x1] =	stream.indirect.gather [spmem:s3], $0x10, s11, s20, $0xb8;
	[tilespmem:$0x12000] =	vst v63  }
0x153: {  	s11 =	sadd.s32 $0x200, s12  }
0x154: {  	[tilespmem:s24], [sflag:$0x1] =	stream.indirect.gather [spmem:s3], $0x10, s11, s20, $0xb8;
	[tilespmem:$0x12000] =	vst v63  }
0x155: {  	s11 =	sadd.s32 $0x280, s12  }
0x156: {  	[tilespmem:s25], [sflag:$0x1] =	stream.indirect.gather [spmem:s3], $0x10, s11, s20, $0xb8;
	[tilespmem:$0x12000] =	vst v63  }
0x157: {  	s11 =	sadd.s32 $0x300, s12  }
0x158: {  	[tilespmem:s26], [sflag:$0x1] =	stream.indirect.gather [spmem:s3], $0x10, s11, s20, $0xb8;
	[tilespmem:$0x12000] =	vst v63  }
0x159: {  	s11 =	sadd.s32 $0x380, s12  }
0x15a: {  	[tilespmem:s28], [sflag:$0x1] =	stream.indirect.gather [spmem:s3], $0x10, s11, s20, $0xb8;
	[tilespmem:$0x12000] =	vst v63  }
0x15b: {  	s11 =	sadd.s32 $0x400, s12  }
0x15c: {  	[tilespmem:s29], [sflag:$0x1] =	stream.indirect.gather [spmem:s3], $0x10, s11, s20, $0xb8;
	[tilespmem:$0x12000] =	vst v63  }
0x15d: {  	s11 =	sadd.s32 $0x480, s12  }
0x15e: {  	[tilespmem:s30], [sflag:$0x1] =	stream.indirect.gather [spmem:s3], $0x10, s11, s20, $0xb8;
	[tilespmem:$0x12000] =	vst v63  }
0x15f: {  	s11 =	sadd.s32 $0x500, s12  }
0x160: {  	[tilespmem:s31], [sflag:$0x1] =	stream.indirect.gather [spmem:s3], $0x10, s11, s20, $0xb8;
	[tilespmem:$0x12000] =	vst v63  }
0x161: {  	s11 =	sadd.s32 $0x580, s12  }
0x162: {  	[tilespmem:s0], [sflag:$0x1] =	stream.indirect.gather [spmem:s3], $0x10, s11, s20, $0xb8;
	[tilespmem:$0x12000] =	vst v63  }
0x163: {  	s11 =	sadd.s32 $0x600, s12  }
0x164: {  	[tilespmem:s1], [sflag:$0x1] =	stream.indirect.gather [spmem:s3], $0x10, s11, s20, $0xb8;
	[tilespmem:$0x12000] =	vst v63  }
0x165: {  	s11 =	sadd.s32 $0x680, s12  }
0x166: {  	[tilespmem:s16], [sflag:$0x1] =	stream.indirect.gather [spmem:s3], $0x10, s11, s20, $0xb8;
	[tilespmem:$0x12000] =	vst v63  }
0x167: {  	s11 =	sadd.s32 $0x700, s12  }
0x168: {  	[tilespmem:s4], [sflag:$0x1] =	stream.indirect.gather [spmem:s3], $0x10, s11, s20, $0xb8;
	[tilespmem:$0x12000] =	vst v63  }
0x169: {  	s11 =	sadd.s32 $0x780, s12  }
0x16a: {  	[tilespmem:s5], [sflag:$0x1] =	stream.indirect.gather [spmem:s3], $0x10, s11, s20, $0xb8;
	[tilespmem:$0x12000] =	vst v63  }
0x16b: {  	_ =	swait.ge [sflag:s6], $0x800  }
0x16c: {  	[sflag:s6] =	ssyncset.done $0x0  }
0x16d: {  	s11 =	sadd.s32 $0x2800, s12;
	[sflag:s6] =	ssyncadd.s32 $0xFFFFF800  }
0x16e: {  	[spmem:s2] =	stream.indirect.scatter.add.f32 [tilespmem:s17], [sflag:$0x2], $0x10, s11, s20, $0xb8;
	[tilespmem:$0x12000] =	vst v63  }
0x16f: {  	_ =	swait.ge [sflag:s6], $0x800  }
0x170: {  	[sflag:s6] =	ssyncset.done $0x0  }
0x171: {  	s11 =	sadd.s32 $0x2880, s12;
	[sflag:s6] =	ssyncadd.s32 $0xFFFFF800  }
0x172: {  	[spmem:s2] =	stream.indirect.scatter.add.f32 [tilespmem:s21], [sflag:$0x2], $0x10, s11, s20, $0xb8;
	[tilespmem:$0x12000] =	vst v63  }
0x173: {  	_ =	swait.ge [sflag:s6], $0x800  }
0x174: {  	[sflag:s6] =	ssyncset.done $0x0  }
0x175: {  	s11 =	sadd.s32 $0x2900, s12;
	[sflag:s6] =	ssyncadd.s32 $0xFFFFF800  }
0x176: {  	[spmem:s2] =	stream.indirect.scatter.add.f32 [tilespmem:s22], [sflag:$0x2], $0x10, s11, s20, $0xb8;
	[tilespmem:$0x12000] =	vst v63  }
0x177: {  	_ =	swait.ge [sflag:s6], $0x800  }
0x178: {  	[sflag:s6] =	ssyncset.done $0x0  }
0x179: {  	s11 =	sadd.s32 $0x2980, s12;
	[sflag:s6] =	ssyncadd.s32 $0xFFFFF800  }
0x17a: {  	[spmem:s2] =	stream.indirect.scatter.add.f32 [tilespmem:s23], [sflag:$0x2], $0x10, s11, s20, $0xb8;
	[tilespmem:$0x12000] =	vst v63  }
0x17b: {  	_ =	swait.ge [sflag:s6], $0x800  }
0x17c: {  	[sflag:s6] =	ssyncset.done $0x0  }
0x17d: {  	s11 =	sadd.s32 $0x2A00, s12;
	[sflag:s6] =	ssyncadd.s32 $0xFFFFF800  }
0x17e: {  	[spmem:s2] =	stream.indirect.scatter.add.f32 [tilespmem:s24], [sflag:$0x2], $0x10, s11, s20, $0xb8;
	[tilespmem:$0x12000] =	vst v63  }
0x17f: {  	_ =	swait.ge [sflag:s6], $0x800  }
0x180: {  	[sflag:s6] =	ssyncset.done $0x0  }
0x181: {  	s11 =	sadd.s32 $0x2A80, s12;
	[sflag:s6] =	ssyncadd.s32 $0xFFFFF800  }
0x182: {  	[spmem:s2] =	stream.indirect.scatter.add.f32 [tilespmem:s25], [sflag:$0x2], $0x10, s11, s20, $0xb8;
	[tilespmem:$0x12000] =	vst v63  }
0x183: {  	_ =	swait.ge [sflag:s6], $0x800  }
0x184: {  	[sflag:s6] =	ssyncset.done $0x0  }
0x185: {  	s11 =	sadd.s32 $0x2B00, s12;
	[sflag:s6] =	ssyncadd.s32 $0xFFFFF800  }
0x186: {  	[spmem:s2] =	stream.indirect.scatter.add.f32 [tilespmem:s26], [sflag:$0x2], $0x10, s11, s20, $0xb8;
	[tilespmem:$0x12000] =	vst v63  }
0x187: {  	_ =	swait.ge [sflag:s6], $0x800  }
0x188: {  	[sflag:s6] =	ssyncset.done $0x0  }
0x189: {  	s11 =	sadd.s32 $0x2B80, s12;
	[sflag:s6] =	ssyncadd.s32 $0xFFFFF800  }
0x18a: {  	[spmem:s2] =	stream.indirect.scatter.add.f32 [tilespmem:s28], [sflag:$0x2], $0x10, s11, s20, $0xb8;
	[tilespmem:$0x12000] =	vst v63  }
0x18b: {  	_ =	swait.ge [sflag:s6], $0x800  }
0x18c: {  	[sflag:s6] =	ssyncset.done $0x0  }
0x18d: {  	s11 =	sadd.s32 $0x2C00, s12;
	[sflag:s6] =	ssyncadd.s32 $0xFFFFF800  }
0x18e: {  	[spmem:s2] =	stream.indirect.scatter.add.f32 [tilespmem:s29], [sflag:$0x2], $0x10, s11, s20, $0xb8;
	[tilespmem:$0x12000] =	vst v63  }
0x18f: {  	_ =	swait.ge [sflag:s6], $0x800  }
0x190: {  	[sflag:s6] =	ssyncset.done $0x0  }
0x191: {  	s11 =	sadd.s32 $0x2C80, s12;
	[sflag:s6] =	ssyncadd.s32 $0xFFFFF800  }
0x192: {  	[spmem:s2] =	stream.indirect.scatter.add.f32 [tilespmem:s30], [sflag:$0x2], $0x10, s11, s20, $0xb8;
	[tilespmem:$0x12000] =	vst v63  }
0x193: {  	_ =	swait.ge [sflag:s6], $0x800  }
0x194: {  	[sflag:s6] =	ssyncset.done $0x0  }
0x195: {  	s11 =	sadd.s32 $0x2D00, s12;
	[sflag:s6] =	ssyncadd.s32 $0xFFFFF800  }
0x196: {  	[spmem:s2] =	stream.indirect.scatter.add.f32 [tilespmem:s31], [sflag:$0x2], $0x10, s11, s20, $0xb8;
	[tilespmem:$0x12000] =	vst v63  }
0x197: {  	_ =	swait.ge [sflag:s6], $0x800  }
0x198: {  	[sflag:s6] =	ssyncset.done $0x0  }
0x199: {  	s11 =	sadd.s32 $0x2D80, s12;
	[sflag:s6] =	ssyncadd.s32 $0xFFFFF800  }
0x19a: {  	[spmem:s2] =	stream.indirect.scatter.add.f32 [tilespmem:s0], [sflag:$0x2], $0x10, s11, s20, $0xb8;
	[tilespmem:$0x12000] =	vst v63  }
0x19b: {  	_ =	swait.ge [sflag:s6], $0x800  }
0x19c: {  	[sflag:s6] =	ssyncset.done $0x0  }
0x19d: {  	s11 =	sadd.s32 $0x2E00, s12;
	[sflag:s6] =	ssyncadd.s32 $0xFFFFF800  }
0x19e: {  	[spmem:s2] =	stream.indirect.scatter.add.f32 [tilespmem:s1], [sflag:$0x2], $0x10, s11, s20, $0xb8;
	[tilespmem:$0x12000] =	vst v63  }
0x19f: {  	_ =	swait.ge [sflag:s6], $0x800  }
0x1a0: {  	[sflag:s6] =	ssyncset.done $0x0  }
0x1a1: {  	s11 =	sadd.s32 $0x2E80, s12;
	[sflag:s6] =	ssyncadd.s32 $0xFFFFF800  }
0x1a2: {  	[spmem:s2] =	stream.indirect.scatter.add.f32 [tilespmem:s16], [sflag:$0x2], $0x10, s11, s20, $0xb8;
	[tilespmem:$0x12000] =	vst v63  }
0x1a3: {  	_ =	swait.ge [sflag:s6], $0x800  }
0x1a4: {  	[sflag:s6] =	ssyncset.done $0x0  }
0x1a5: {  	s11 =	sadd.s32 $0x2F00, s12;
	[sflag:s6] =	ssyncadd.s32 $0xFFFFF800  }
0x1a6: {  	[spmem:s2] =	stream.indirect.scatter.add.f32 [tilespmem:s4], [sflag:$0x2], $0x10, s11, s20, $0xb8;
	[tilespmem:$0x12000] =	vst v63  }
0x1a7: {  	_ =	swait.ge [sflag:s6], $0x800  }
0x1a8: {  	[sflag:s6] =	ssyncset.done $0x0  }
0x1a9: {  	s11 =	sadd.s32 $0x2F80, s12;
	[sflag:s6] =	ssyncadd.s32 $0xFFFFF800  }
0x1aa: {  	[spmem:s2] =	stream.indirect.scatter.add.f32 [tilespmem:s5], [sflag:$0x2], $0x10, s11, s20, $0xb8;
	[tilespmem:$0x12000] =	vst v63  }
0x1ab: {  	_ =	swait.ge [sflag:s8], $0x800  }
0x1ac: {  	[sflag:s8] =	ssyncset.done $0x0  }
0x1ad: {  	[sflag:s8] =	ssyncadd.s32 $0xFFFFF800  }
0x1ae: {  	_ =	swait.ge [sflag:s8], $0x800  }
0x1af: {  	[sflag:s8] =	ssyncset.done $0x0  }
0x1b0: {  	[sflag:s8] =	ssyncadd.s32 $0xFFFFF800  }
0x1b1: {  	_ =	swait.ge [sflag:s8], $0x800  }
0x1b2: {  	[sflag:s8] =	ssyncset.done $0x0  }
0x1b3: {  	[sflag:s8] =	ssyncadd.s32 $0xFFFFF800  }
0x1b4: {  	_ =	swait.ge [sflag:s8], $0x800  }
0x1b5: {  	[sflag:s8] =	ssyncset.done $0x0  }
0x1b6: {  	[sflag:s8] =	ssyncadd.s32 $0xFFFFF800  }
0x1b7: {  	_ =	swait.ge [sflag:s8], $0x800  }
0x1b8: {  	[sflag:s8] =	ssyncset.done $0x0  }
0x1b9: {  	[sflag:s8] =	ssyncadd.s32 $0xFFFFF800  }
0x1ba: {  	_ =	swait.ge [sflag:s8], $0x800  }
0x1bb: {  	[sflag:s8] =	ssyncset.done $0x0  }
0x1bc: {  	[sflag:s8] =	ssyncadd.s32 $0xFFFFF800  }
0x1bd: {  	_ =	swait.ge [sflag:s8], $0x800  }
0x1be: {  	[sflag:s8] =	ssyncset.done $0x0  }
0x1bf: {  	[sflag:s8] =	ssyncadd.s32 $0xFFFFF800  }
0x1c0: {  	_ =	swait.ge [sflag:s8], $0x800  }
0x1c1: {  	[sflag:s8] =	ssyncset.done $0x0  }
0x1c2: {  	[sflag:s8] =	ssyncadd.s32 $0xFFFFF800  }
0x1c3: {  	_ =	swait.ge [sflag:s8], $0x800  }
0x1c4: {  	[sflag:s8] =	ssyncset.done $0x0  }
0x1c5: {  	[sflag:s8] =	ssyncadd.s32 $0xFFFFF800  }
0x1c6: {  	_ =	swait.ge [sflag:s8], $0x800  }
0x1c7: {  	[sflag:s8] =	ssyncset.done $0x0  }
0x1c8: {  	[sflag:s8] =	ssyncadd.s32 $0xFFFFF800  }
0x1c9: {  	_ =	swait.ge [sflag:s8], $0x800  }
0x1ca: {  	[sflag:s8] =	ssyncset.done $0x0  }
0x1cb: {  	[sflag:s8] =	ssyncadd.s32 $0xFFFFF800  }
0x1cc: {  	_ =	swait.ge [sflag:s8], $0x800  }
0x1cd: {  	[sflag:s8] =	ssyncset.done $0x0  }
0x1ce: {  	[sflag:s8] =	ssyncadd.s32 $0xFFFFF800  }
0x1cf: {  	_ =	swait.ge [sflag:s8], $0x800  }
0x1d0: {  	[sflag:s8] =	ssyncset.done $0x0  }
0x1d1: {  	[sflag:s8] =	ssyncadd.s32 $0xFFFFF800  }
0x1d2: {  	_ =	swait.ge [sflag:s8], $0x800  }
0x1d3: {  	[sflag:s8] =	ssyncset.done $0x0  }
0x1d4: {  	[sflag:s8] =	ssyncadd.s32 $0xFFFFF800  }
.Ltmp0:
0x1d5: {  	_ =	swait.ge [sflag:s8], $0x800;
	(pc) =	sbr.rel @p0 .LBB2_2-.Ltmp0, $4  }
0x1d6: {  	[sflag:s8] =	ssyncset.done $0x0  }
0x1d7: {  	[sflag:s8] =	ssyncadd.s32 $0xFFFFF800  }
0x1d8: {  	_ =	swait.ge [sflag:s8], $0x800  }
0x1d9: {  	s11 =	smov.u32 s13;
	[sflag:s8] =	ssyncset.done $0x0  }
0x1da: {  	s10 =	sshra.s32 s10, $0x2;
	[sflag:s8] =	ssyncadd.s32 $0xFFFFF800  }
0x1db: {  	[tilespmem:s17], [sflag:$0x1] =	stream.indirect.gather [spmem:s3], $0x10, s10, s20, $0xb8;
	[tilespmem:$0x12000] =	vst v63  }
0x1dc: {  	s11 =	sadd.s32 $0x80, s10  }
0x1dd: {  	[tilespmem:s21], [sflag:$0x1] =	stream.indirect.gather [spmem:s3], $0x10, s11, s20, $0xb8;
	[tilespmem:$0x12000] =	vst v63  }
0x1de: {  	s13 =	sadd.s32 $0x100, s10  }
0x1df: {  	[tilespmem:s22], [sflag:$0x1] =	stream.indirect.gather [spmem:s3], $0x10, s13, s20, $0xb8;
	[tilespmem:$0x12000] =	vst v63  }
0x1e0: {  	s12 =	sadd.s32 $0x180, s10  }
0x1e1: {  	[tilespmem:s23], [sflag:$0x1] =	stream.indirect.gather [spmem:s3], $0x10, s12, s20, $0xb8;
	[tilespmem:$0x12000] =	vst v63  }
0x1e2: {  	s13 =	sadd.s32 $0x200, s10  }
0x1e3: {  	[tilespmem:s24], [sflag:$0x1] =	stream.indirect.gather [spmem:s3], $0x10, s13, s20, $0xb8;
	[tilespmem:$0x12000] =	vst v63  }
0x1e4: {  	s12 =	sadd.s32 $0x280, s10  }
0x1e5: {  	[tilespmem:s25], [sflag:$0x1] =	stream.indirect.gather [spmem:s3], $0x10, s12, s20, $0xb8;
	[tilespmem:$0x12000] =	vst v63  }
0x1e6: {  	s13 =	sadd.s32 $0x300, s10  }
0x1e7: {  	[tilespmem:s26], [sflag:$0x1] =	stream.indirect.gather [spmem:s3], $0x10, s13, s20, $0xb8;
	[tilespmem:$0x12000] =	vst v63  }
0x1e8: {  	s12 =	sadd.s32 $0x380, s10  }
0x1e9: {  	[tilespmem:s28], [sflag:$0x1] =	stream.indirect.gather [spmem:s3], $0x10, s12, s20, $0xb8;
	[tilespmem:$0x12000] =	vst v63  }
0x1ea: {  	s13 =	sadd.s32 $0x400, s10  }
0x1eb: {  	[tilespmem:s29], [sflag:$0x1] =	stream.indirect.gather [spmem:s3], $0x10, s13, s20, $0xb8;
	[tilespmem:$0x12000] =	vst v63  }
0x1ec: {  	s12 =	sadd.s32 $0x480, s10  }
0x1ed: {  	[tilespmem:s30], [sflag:$0x1] =	stream.indirect.gather [spmem:s3], $0x10, s12, s20, $0xb8;
	[tilespmem:$0x12000] =	vst v63  }
0x1ee: {  	s13 =	sadd.s32 $0x500, s10  }
0x1ef: {  	[tilespmem:s31], [sflag:$0x1] =	stream.indirect.gather [spmem:s3], $0x10, s13, s20, $0xb8;
	[tilespmem:$0x12000] =	vst v63  }
0x1f0: {  	s12 =	sadd.s32 $0x580, s10  }
0x1f1: {  	[tilespmem:s0], [sflag:$0x1] =	stream.indirect.gather [spmem:s3], $0x10, s12, s20, $0xb8;
	[tilespmem:$0x12000] =	vst v63  }
0x1f2: {  	s13 =	sadd.s32 $0x600, s10  }
0x1f3: {  	[tilespmem:s1], [sflag:$0x1] =	stream.indirect.gather [spmem:s3], $0x10, s13, s20, $0xb8;
	[tilespmem:$0x12000] =	vst v63  }
0x1f4: {  	s12 =	sadd.s32 $0x680, s10  }
0x1f5: {  	[tilespmem:s16], [sflag:$0x1] =	stream.indirect.gather [spmem:s3], $0x10, s12, s20, $0xb8;
	[tilespmem:$0x12000] =	vst v63  }
0x1f6: {  	s13 =	sadd.s32 $0x700, s10  }
0x1f7: {  	[tilespmem:s4], [sflag:$0x1] =	stream.indirect.gather [spmem:s3], $0x10, s13, s20, $0xb8;
	[tilespmem:$0x12000] =	vst v63  }
0x1f8: {  	s12 =	sadd.s32 $0x780, s10  }
0x1f9: {  	[tilespmem:s5], [sflag:$0x1] =	stream.indirect.gather [spmem:s3], $0x10, s12, s20, $0xb8;
	[tilespmem:$0x12000] =	vst v63  }
0x1fa: {  	_ =	swait.ge [sflag:s6], $0x800  }
0x1fb: {  	[sflag:s6] =	ssyncset.done $0x0  }
0x1fc: {  	s13 =	sadd.s32 $0x2800, s10;
	[sflag:s6] =	ssyncadd.s32 $0xFFFFF800  }
0x1fd: {  	[spmem:s2] =	stream.indirect.scatter.add.f32 [tilespmem:s17], [sflag:$0x2], $0x10, s13, s20, $0xb8;
	[tilespmem:$0x12000] =	vst v63  }
0x1fe: {  	_ =	swait.ge [sflag:s6], $0x800  }
0x1ff: {  	[sflag:s6] =	ssyncset.done $0x0  }
0x200: {  	s12 =	sadd.s32 $0x2880, s10;
	[sflag:s6] =	ssyncadd.s32 $0xFFFFF800  }
0x201: {  	[spmem:s2] =	stream.indirect.scatter.add.f32 [tilespmem:s21], [sflag:$0x2], $0x10, s12, s20, $0xb8;
	[tilespmem:$0x12000] =	vst v63  }
0x202: {  	_ =	swait.ge [sflag:s6], $0x800  }
0x203: {  	[sflag:s6] =	ssyncset.done $0x0  }
0x204: {  	s13 =	sadd.s32 $0x2900, s10;
	[sflag:s6] =	ssyncadd.s32 $0xFFFFF800  }
0x205: {  	[spmem:s2] =	stream.indirect.scatter.add.f32 [tilespmem:s22], [sflag:$0x2], $0x10, s13, s20, $0xb8;
	[tilespmem:$0x12000] =	vst v63  }
0x206: {  	_ =	swait.ge [sflag:s6], $0x800  }
0x207: {  	[sflag:s6] =	ssyncset.done $0x0  }
0x208: {  	s12 =	sadd.s32 $0x2980, s10;
	[sflag:s6] =	ssyncadd.s32 $0xFFFFF800  }
0x209: {  	[spmem:s2] =	stream.indirect.scatter.add.f32 [tilespmem:s23], [sflag:$0x2], $0x10, s12, s20, $0xb8;
	[tilespmem:$0x12000] =	vst v63  }
0x20a: {  	_ =	swait.ge [sflag:s6], $0x800  }
0x20b: {  	[sflag:s6] =	ssyncset.done $0x0  }
0x20c: {  	s13 =	sadd.s32 $0x2A00, s10;
	[sflag:s6] =	ssyncadd.s32 $0xFFFFF800  }
0x20d: {  	[spmem:s2] =	stream.indirect.scatter.add.f32 [tilespmem:s24], [sflag:$0x2], $0x10, s13, s20, $0xb8;
	[tilespmem:$0x12000] =	vst v63  }
0x20e: {  	_ =	swait.ge [sflag:s6], $0x800  }
0x20f: {  	[sflag:s6] =	ssyncset.done $0x0  }
0x210: {  	s12 =	sadd.s32 $0x2A80, s10;
	[sflag:s6] =	ssyncadd.s32 $0xFFFFF800  }
0x211: {  	[spmem:s2] =	stream.indirect.scatter.add.f32 [tilespmem:s25], [sflag:$0x2], $0x10, s12, s20, $0xb8;
	[tilespmem:$0x12000] =	vst v63  }
0x212: {  	_ =	swait.ge [sflag:s6], $0x800  }
0x213: {  	[sflag:s6] =	ssyncset.done $0x0  }
0x214: {  	s13 =	sadd.s32 $0x2B00, s10;
	[sflag:s6] =	ssyncadd.s32 $0xFFFFF800  }
0x215: {  	[spmem:s2] =	stream.indirect.scatter.add.f32 [tilespmem:s26], [sflag:$0x2], $0x10, s13, s20, $0xb8;
	[tilespmem:$0x12000] =	vst v63  }
0x216: {  	_ =	swait.ge [sflag:s6], $0x800  }
0x217: {  	[sflag:s6] =	ssyncset.done $0x0  }
0x218: {  	s12 =	sadd.s32 $0x2B80, s10;
	[sflag:s6] =	ssyncadd.s32 $0xFFFFF800  }
0x219: {  	[spmem:s2] =	stream.indirect.scatter.add.f32 [tilespmem:s28], [sflag:$0x2], $0x10, s12, s20, $0xb8;
	[tilespmem:$0x12000] =	vst v63  }
0x21a: {  	_ =	swait.ge [sflag:s6], $0x800  }
0x21b: {  	[sflag:s6] =	ssyncset.done $0x0  }
0x21c: {  	s13 =	sadd.s32 $0x2C00, s10;
	[sflag:s6] =	ssyncadd.s32 $0xFFFFF800  }
0x21d: {  	[spmem:s2] =	stream.indirect.scatter.add.f32 [tilespmem:s29], [sflag:$0x2], $0x10, s13, s20, $0xb8;
	[tilespmem:$0x12000] =	vst v63  }
0x21e: {  	_ =	swait.ge [sflag:s6], $0x800  }
0x21f: {  	[sflag:s6] =	ssyncset.done $0x0  }
0x220: {  	s12 =	sadd.s32 $0x2C80, s10;
	[sflag:s6] =	ssyncadd.s32 $0xFFFFF800  }
0x221: {  	[spmem:s2] =	stream.indirect.scatter.add.f32 [tilespmem:s30], [sflag:$0x2], $0x10, s12, s20, $0xb8;
	[tilespmem:$0x12000] =	vst v63  }
0x222: {  	_ =	swait.ge [sflag:s6], $0x800  }
0x223: {  	[sflag:s6] =	ssyncset.done $0x0  }
0x224: {  	s13 =	sadd.s32 $0x2D00, s10;
	[sflag:s6] =	ssyncadd.s32 $0xFFFFF800  }
0x225: {  	[spmem:s2] =	stream.indirect.scatter.add.f32 [tilespmem:s31], [sflag:$0x2], $0x10, s13, s20, $0xb8;
	[tilespmem:$0x12000] =	vst v63  }
0x226: {  	_ =	swait.ge [sflag:s6], $0x800  }
0x227: {  	[sflag:s6] =	ssyncset.done $0x0  }
0x228: {  	s12 =	sadd.s32 $0x2D80, s10;
	[sflag:s6] =	ssyncadd.s32 $0xFFFFF800  }
0x229: {  	[spmem:s2] =	stream.indirect.scatter.add.f32 [tilespmem:s0], [sflag:$0x2], $0x10, s12, s20, $0xb8;
	[tilespmem:$0x12000] =	vst v63  }
0x22a: {  	_ =	swait.ge [sflag:s6], $0x800  }
0x22b: {  	[sflag:s6] =	ssyncset.done $0x0  }
0x22c: {  	s13 =	sadd.s32 $0x2E00, s10;
	[sflag:s6] =	ssyncadd.s32 $0xFFFFF800  }
0x22d: {  	[spmem:s2] =	stream.indirect.scatter.add.f32 [tilespmem:s1], [sflag:$0x2], $0x10, s13, s20, $0xb8;
	[tilespmem:$0x12000] =	vst v63  }
0x22e: {  	_ =	swait.ge [sflag:s6], $0x800  }
0x22f: {  	[sflag:s6] =	ssyncset.done $0x0  }
0x230: {  	s12 =	sadd.s32 $0x2E80, s10;
	[sflag:s6] =	ssyncadd.s32 $0xFFFFF800  }
0x231: {  	[spmem:s2] =	stream.indirect.scatter.add.f32 [tilespmem:s16], [sflag:$0x2], $0x10, s12, s20, $0xb8;
	[tilespmem:$0x12000] =	vst v63  }
0x232: {  	_ =	swait.ge [sflag:s6], $0x800  }
0x233: {  	[sflag:s6] =	ssyncset.done $0x0  }
0x234: {  	s13 =	sadd.s32 $0x2F00, s10;
	[sflag:s6] =	ssyncadd.s32 $0xFFFFF800  }
0x235: {  	[spmem:s2] =	stream.indirect.scatter.add.f32 [tilespmem:s4], [sflag:$0x2], $0x10, s13, s20, $0xb8;
	[tilespmem:$0x12000] =	vst v63  }
0x236: {  	_ =	swait.ge [sflag:s6], $0x800  }
0x237: {  	[sflag:s6] =	ssyncset.done $0x0  }
0x238: {  	s10 =	sadd.s32 $0x2F80, s10;
	[sflag:s6] =	ssyncadd.s32 $0xFFFFF800  }
0x239: {  	[spmem:s2] =	stream.indirect.scatter.add.f32 [tilespmem:s5], [sflag:$0x2], $0x10, s10, s20, $0xb8;
	[tilespmem:$0x12000] =	vst v63  }
0x23a: {  	_ =	swait.ge [sflag:s8], $0x800  }
0x23b: {  	[sflag:s8] =	ssyncset.done $0x0  }
0x23c: {  	[sflag:s8] =	ssyncadd.s32 $0xFFFFF800  }
0x23d: {  	_ =	swait.ge [sflag:s8], $0x800  }
0x23e: {  	[sflag:s8] =	ssyncset.done $0x0  }
0x23f: {  	[sflag:s8] =	ssyncadd.s32 $0xFFFFF800  }
0x240: {  	_ =	swait.ge [sflag:s8], $0x800  }
0x241: {  	[sflag:s8] =	ssyncset.done $0x0  }
0x242: {  	[sflag:s8] =	ssyncadd.s32 $0xFFFFF800  }
0x243: {  	_ =	swait.ge [sflag:s8], $0x800  }
0x244: {  	[sflag:s8] =	ssyncset.done $0x0  }
0x245: {  	[sflag:s8] =	ssyncadd.s32 $0xFFFFF800  }
0x246: {  	_ =	swait.ge [sflag:s8], $0x800  }
0x247: {  	[sflag:s8] =	ssyncset.done $0x0  }
0x248: {  	[sflag:s8] =	ssyncadd.s32 $0xFFFFF800  }
0x249: {  	_ =	swait.ge [sflag:s8], $0x800  }
0x24a: {  	[sflag:s8] =	ssyncset.done $0x0  }
0x24b: {  	[sflag:s8] =	ssyncadd.s32 $0xFFFFF800  }
0x24c: {  	_ =	swait.ge [sflag:s8], $0x800  }
0x24d: {  	[sflag:s8] =	ssyncset.done $0x0  }
0x24e: {  	[sflag:s8] =	ssyncadd.s32 $0xFFFFF800  }
0x24f: {  	_ =	swait.ge [sflag:s8], $0x800  }
0x250: {  	[sflag:s8] =	ssyncset.done $0x0  }
0x251: {  	[sflag:s8] =	ssyncadd.s32 $0xFFFFF800  }
0x252: {  	_ =	swait.ge [sflag:s8], $0x800  }
0x253: {  	[sflag:s8] =	ssyncset.done $0x0  }
0x254: {  	[sflag:s8] =	ssyncadd.s32 $0xFFFFF800  }
0x255: {  	_ =	swait.ge [sflag:s8], $0x800  }
0x256: {  	[sflag:s8] =	ssyncset.done $0x0  }
0x257: {  	[sflag:s8] =	ssyncadd.s32 $0xFFFFF800  }
0x258: {  	_ =	swait.ge [sflag:s8], $0x800  }
0x259: {  	[sflag:s8] =	ssyncset.done $0x0  }
0x25a: {  	[sflag:s8] =	ssyncadd.s32 $0xFFFFF800  }
0x25b: {  	_ =	swait.ge [sflag:s8], $0x800  }
0x25c: {  	[sflag:s8] =	ssyncset.done $0x0  }
0x25d: {  	[sflag:s8] =	ssyncadd.s32 $0xFFFFF800  }
0x25e: {  	_ =	swait.ge [sflag:s8], $0x800  }
0x25f: {  	[sflag:s8] =	ssyncset.done $0x0  }
0x260: {  	[sflag:s8] =	ssyncadd.s32 $0xFFFFF800  }
0x261: {  	_ =	swait.ge [sflag:s8], $0x800  }
0x262: {  	[sflag:s8] =	ssyncset.done $0x0  }
0x263: {  	[sflag:s8] =	ssyncadd.s32 $0xFFFFF800  }
0x264: {  	_ =	swait.ge [sflag:s8], $0x800  }
0x265: {  	[sflag:s8] =	ssyncset.done $0x0  }
0x266: {  	[sflag:s8] =	ssyncadd.s32 $0xFFFFF800  }
0x267: {  	_ =	swait.ge [sflag:s8], $0x800  }
0x268: {  	[sflag:s8] =	ssyncset.done $0x0  }
0x269: {  	s9 =	sadd.s32 $0x1, s9;
	[sflag:s8] =	ssyncadd.s32 $0xFFFFF800  }
0x26a: {  	p0 =	sne.s32 s9, s14;
	[bflag:$0x0] =	sbarrier.arrive $0xFFFF  }
.Ltmp1:
0x26b: {  	s12 =	sshrl.u32 s7, $0x3;
	s13 =	rddreg [dreg:$0xb];
	(pc) =	sbr.rel @p0 .LBB2_1-.Ltmp1, $4  }
0x26c: {  	[hbm:s13], [sflag:s18] =	dma.local [spmem:s12], $0x500  }
0x26d: {  	_ =	swait.ge [sflag:s15], $0x500  }
0x26e: {  	[sflag:s15] =	ssyncset.done $0x0  }
0x26f: {  	[sflag:s15] =	ssyncadd.s32 $0xFFFFFB00  }
0x270: {  	_ =	sfence.sel $0x180000  }
0x271: {  	[bflag:$0x0] =	sbarrier.arrive $0xFFFF  }
0x272: {  	_ =	strace $0x90000047  }
0x273: {  	s0 =	stileid.u32;
	[bflag:$0x2] =	sbarrier.arrive $0xFFFF  }
0x274: {  	p0 =	sne.s32 s0, $0x0;
	s0 =	rddreg [dreg:$0x3]  }
0x275: {  	s0 =	sadd.s32 @!p0 $0x100000, s0  }
0x276: {  	[sflag:s0] =	ssyncadd.tile.s32 @!p0 $0x1;
	_ =	shalt  }
.Lfunc_end2:
_tile_overlayer_lowered:
.L_overlay_start_2:
0x277: {  	(tag) =	ssettag $0x2  }
0x278: {  	s0 =	rddreg [dreg:$0x0];
	s2 =	stileid.u32  }
0x279: {  	s1 =	rddreg [dreg:$0x1];
	p0 =	sne.s32 s2, $0x0  }
0x27a: {  	s3 =	rddreg [dreg:$0x2];
	[bflag:$0x3] =	sbarrier.arrive $0xFFFF;
	s2 =	simm.s32 @!p0 $0x1C03  }
0x27b: {  	[timem:s3], [sflag:s2] =	dma.local @!p0 [hbm:s0], s1  }
0x27c: {  	s0 =	simm.s32 @!p0 $0x3  }
0x27d: {  	_ =	swait.ge @!p0 [sflag:s0], s1  }
0x27e: {  	s1 =	ssub.s32 @!p0 $0x0, s1;
	[sflag:s0] =	ssyncset.done @!p0 $0x0  }
0x27f: {  	[sflag:s0] =	ssyncadd.s32 @!p0 s1  }
0x280: {  	[bflag:$0x3] =	sbarrier.arrive $0xFFFF  }
0x281: {  	_ =	shalt  }

</sc_bundles>
